<compile_context>
chip_gen: v7x
topology: tpu7x:2x2x1
jax: 0.10.2.dev20260603
libtpu: 0.0.44.dev20260713+nightly
codegen_flags: <defaults>
</compile_context>

<pallas_src>
import functools

import jax
import jax.numpy as jnp
from jax import lax
from jax.experimental import pallas as pl
from jax.experimental.pallas import tpu as pltpu
from jax.experimental.pallas import tpu_sc as plsc

B = 4096
L = 2048
D = 32
V = 5
VP = 8

NC = 2
NS = 16
NW = NC * NS
RPW = B // NW

QR = 4
NQ = RPW // QR

LANES = 16
SEG = 128
NSEG = L // SEG
DT = D // 8

_mesh = plsc.VectorSubcoreMesh(core_axis_name="c", subcore_axis_name="s")


@functools.partial(
    pl.kernel,
    out_type=jax.ShapeDtypeStruct((B, DT, NSEG, 8, SEG), jnp.float32),
    mesh=_mesh,
    scratch_types=[
        pltpu.VMEM((QR, L), jnp.int32),
        pltpu.VMEM((D, VP), jnp.float32),
        pltpu.VMEM((DT, 8, L), jnp.float32),
        pltpu.VMEM((QR, DT, 8, SEG), jnp.float32),
        pltpu.VMEM((QR, DT, 8, SEG), jnp.float32),
        pltpu.SemaphoreType.DMA,
        pltpu.SemaphoreType.DMA,
    ],
    compiler_params=pltpu.CompilerParams(
        use_tc_tiling_on_sc=False, needs_layout_passes=False),
)
def _sc_lookup(semT_hbm, posT_hbm, x_hbm, out_hbm, xv, semT, posT, tb0, tb1,
               osem0, osem1):
    c = lax.axis_index("c")
    s = lax.axis_index("s")
    wid = s * NC + c
    base = wid * RPW

    pltpu.sync_copy(semT_hbm, semT)
    pltpu.sync_copy(posT_hbm, posT)

    def build_seg(seg, tb):
        def group(g, carry):
            off = seg * SEG + g * LANES
            xs = [xv[rr, pl.ds(off, LANES)] for rr in range(QR)]
            for d0 in range(0, D, 4):
                block = []
                for d in range(d0, d0 + 4):
                    pv = posT[d // 8, d % 8, pl.ds(off, LANES)]
                    for rr in range(QR):
                        sv = plsc.load_gather(
                            semT, [jnp.full((LANES,), d, jnp.int32), xs[rr]])
                        block.append((rr, d, sv + pv))
                for rr, d, val in block:
                    tb[rr, d // 8, d % 8, pl.ds(g * LANES, LANES)] = val
            return carry

        lax.fori_loop(0, SEG // LANES, group, 0, unroll=False)

    def quad_body(q, carry):
        row0 = base + q * QR
        pltpu.sync_copy(x_hbm.at[pl.ds(row0, QR)], xv)

        def seg_pair(p, carry2):
            for par, tb, osem in ((0, tb0, osem0), (1, tb1, osem1)):
                seg = 2 * p + par

                @pl.when(jnp.logical_or(q > 0, p > 0))
                def _drain_out():
                    pltpu.make_async_copy(
                        tb, out_hbm.at[pl.ds(row0, QR), :, seg], osem).wait()

                build_seg(seg, tb)
                pltpu.async_copy(
                    tb, out_hbm.at[pl.ds(row0, QR), :, seg], osem)
            return carry2

        lax.fori_loop(0, NSEG // 2, seg_pair, 0, unroll=False)
        return carry

    lax.fori_loop(0, NQ, quad_body, 0, unroll=False)
    pltpu.make_async_copy(tb0, out_hbm.at[pl.ds(base, QR), :, 0], osem0).wait()
    pltpu.make_async_copy(tb1, out_hbm.at[pl.ds(base, QR), :, 1], osem1).wait()


def kernel(x, semantic_table, positional_table):
    semT = jnp.pad(semantic_table.T, ((0, 0), (0, VP - V)))
    posT = positional_table.T.reshape(DT, 8, L)
    out5 = _sc_lookup(semT, posT, x.astype(jnp.int32))
    return out5.transpose(0, 2, 4, 1, 3).reshape(B, L, D)

# --- scband reference (transcript-rebuilt; emitter-appended) ---
"""Pipeline reference for scband-get-semantic-and-learned-positional-encodings-23794118820500 (READ-ONLY COPY).

The authoritative reference and input builder live on the scoring server;
editing this copy changes nothing except your own understanding.
"""

import jax, jax.numpy as jnp
import numpy as np

GENOMIC_CONTEXT_SIZE = 2048
NUM_UNIQUE_BASES = 5
BASE_EMBEDDING_DIM = 32
BATCH = 4096


def setup_inputs(seed: int = 0) -> dict:
    key = jax.random.key(seed)
    k1, k2, k3 = jax.random.split(key, 3)
    x = jax.random.randint(k1, (BATCH, GENOMIC_CONTEXT_SIZE), 0, NUM_UNIQUE_BASES, dtype=jnp.int64 if jax.config.jax_enable_x64 else jnp.int32)
    semantic_table = jax.random.normal(k2, (NUM_UNIQUE_BASES, BASE_EMBEDDING_DIM), dtype=jnp.float32) * 0.05
    positional_table = jax.random.normal(k3, (GENOMIC_CONTEXT_SIZE, BASE_EMBEDDING_DIM), dtype=jnp.float32) * 0.05
    return {"x": x, "semantic_table": semantic_table, "positional_table": positional_table}


def reference(x, semantic_table, positional_table):
    # positions = range over the last axis of x, expanded to a leading batch dim of 1
    positions = jnp.arange(x.shape[-1])[None, :]                       # [1, L]
    base_semantic_embeddings = jnp.take(semantic_table, x, axis=0)     # [B, L, D] gather
    positional_encodings = jnp.take(positional_table, positions, axis=0)  # [1, L, D] gather
    return base_semantic_embeddings + positional_encodings             # broadcast add -> [B, L, D]

if __name__ == "__main__":
    import jax
    _d = setup_inputs()
    print(jax.jit(kernel)(*tuple(_d.values())))

</pallas_src>

<mosaic_0001>
#map = affine_map<(d0, d1) -> (0, 0)>
#map1 = affine_map<(d0, d1) -> (0, 0, 0)>
#map2 = affine_map<(d0, d1) -> (0, 0, 0, 0, 0)>
module attributes {stable_mosaic.version = 14 : i64} {
  func.func @_sc_lookup(%arg0: i32, %arg1: i32, %arg2: memref<32x8xf32, #tpu.memory_space<hbm>>, %arg3: memref<4x8x2048xf32, #tpu.memory_space<hbm>>, %arg4: memref<4096x2048xi32, #tpu.memory_space<hbm>>, %arg5: memref<4096x4x16x8x128xf32, #tpu.memory_space<hbm>>, %arg6: memref<4x2048xi32, #tpu.memory_space<vmem>>, %arg7: memref<32x8xf32, #tpu.memory_space<vmem>>, %arg8: memref<4x8x2048xf32, #tpu.memory_space<vmem>>, %arg9: memref<4x4x8x128xf32, #tpu.memory_space<vmem>>, %arg10: memref<4x4x8x128xf32, #tpu.memory_space<vmem>>, %arg11: memref<!tpu.dma_semaphore, #tpu.memory_space<semaphore_mem>>, %arg12: memref<!tpu.dma_semaphore, #tpu.memory_space<semaphore_mem>>) attributes {dimension_semantics = [#tpu.dimension_semantics<core_parallel>, #tpu.dimension_semantics<subcore_parallel>], iteration_bounds = array<i64: 2, 16>, scalar_prefetch = 0 : i64, scratch_operands = 7 : i64, tpu.core_type = #tpu.core_type<sc_vector_subcore>, window_params = [{transform_indices = #map}, {transform_indices = #map1}, {transform_indices = #map}, {transform_indices = #map2}]} {
    %mul3A = arith.constant 2 : i32
    %mul3A_0 = arith.muli %arg1, %mul3A : i32
    %add3A = arith.addi %mul3A_0, %arg0 : i32
    %mul3A_1 = arith.constant 128 : i32
    %mul3A_2 = arith.muli %add3A, %mul3A_1 : i32
    "tpu.region"() ({
      %run_scoped3A = tpu.sem_alloc : memref<!tpu.dma_semaphore, #tpu.memory_space<semaphore_mem>>
      tpu.enqueue_dma source(%arg2 : memref<32x8xf32, #tpu.memory_space<hbm>>) target(%arg7 : memref<32x8xf32, #tpu.memory_space<vmem>>) target_semaphore(%run_scoped3A : memref<!tpu.dma_semaphore, #tpu.memory_space<semaphore_mem>>)
      tpu.wait_dma2 semaphore(%run_scoped3A : memref<!tpu.dma_semaphore, #tpu.memory_space<semaphore_mem>>) src(%arg2 : memref<32x8xf32, #tpu.memory_space<hbm>>) dst(%arg7 : memref<32x8xf32, #tpu.memory_space<vmem>>)
      tpu.yield
    }) : () -> ()
    "tpu.region"() ({
      %run_scoped3A = tpu.sem_alloc : memref<!tpu.dma_semaphore, #tpu.memory_space<semaphore_mem>>
      tpu.enqueue_dma source(%arg3 : memref<4x8x2048xf32, #tpu.memory_space<hbm>>) target(%arg8 : memref<4x8x2048xf32, #tpu.memory_space<vmem>>) target_semaphore(%run_scoped3A : memref<!tpu.dma_semaphore, #tpu.memory_space<semaphore_mem>>)
      tpu.wait_dma2 semaphore(%run_scoped3A : memref<!tpu.dma_semaphore, #tpu.memory_space<semaphore_mem>>) src(%arg3 : memref<4x8x2048xf32, #tpu.memory_space<hbm>>) dst(%arg8 : memref<4x8x2048xf32, #tpu.memory_space<vmem>>)
      tpu.yield
    }) : () -> ()
    %scan3A = arith.constant 0 : i32
    %scan3A_3 = arith.constant 0 : i32
    %scan3A_4 = arith.constant 32 : i32
    %scan3A_5 = arith.addi %scan3A_3, %scan3A_4 : i32
    %scan3A_6 = arith.constant 1 : i32
    scf.for %scan3A_29 = %scan3A_3 to %scan3A_5 step %scan3A_6  : i32 {
      %mul3A_30 = arith.constant 4 : i32
      %mul3A_31 = arith.muli %scan3A_29, %mul3A_30 : i32
      %add3A_32 = arith.addi %mul3A_2, %mul3A_31 : i32
      "tpu.region"() ({
        %run_scoped3A = tpu.sem_alloc : memref<!tpu.dma_semaphore, #tpu.memory_space<semaphore_mem>>
        %dma_start3A = arith.constant 0 : i32
        %dma_start3A_39 = tpu.memref_slice %arg4[%add3A_32, %dma_start3A] : memref<4096x2048xi32, #tpu.memory_space<hbm>> -> memref<4x2048xi32, #tpu.memory_space<hbm>>
        %dma_start3A_40 = arith.constant 0 : i32
        %dma_start3A_41 = tpu.memref_slice %arg4[%add3A_32, %dma_start3A_40] : memref<4096x2048xi32, #tpu.memory_space<hbm>> -> memref<4x2048xi32, #tpu.memory_space<hbm>>
        tpu.enqueue_dma source(%dma_start3A_41 : memref<4x2048xi32, #tpu.memory_space<hbm>>) target(%arg6 : memref<4x2048xi32, #tpu.memory_space<vmem>>) target_semaphore(%run_scoped3A : memref<!tpu.dma_semaphore, #tpu.memory_space<semaphore_mem>>)
        %dma_wait3A_42 = arith.constant 0 : i32
        %dma_wait3A_43 = tpu.memref_slice %arg4[%add3A_32, %dma_wait3A_42] : memref<4096x2048xi32, #tpu.memory_space<hbm>> -> memref<4x2048xi32, #tpu.memory_space<hbm>>
        %dma_wait3A_44 = arith.constant 0 : i32
        %dma_wait3A_45 = tpu.memref_slice %arg4[%add3A_32, %dma_wait3A_44] : memref<4096x2048xi32, #tpu.memory_space<hbm>> -> memref<4x2048xi32, #tpu.memory_space<hbm>>
        tpu.wait_dma2 semaphore(%run_scoped3A : memref<!tpu.dma_semaphore, #tpu.memory_space<semaphore_mem>>) src(%dma_wait3A_45 : memref<4x2048xi32, #tpu.memory_space<hbm>>) dst(%arg6 : memref<4x2048xi32, #tpu.memory_space<vmem>>)
        tpu.yield
      }) : () -> ()
      %scan3A_33 = arith.constant 0 : i32
      %scan3A_34 = arith.constant 0 : i32
      %scan3A_35 = arith.constant 8 : i32
      %scan3A_36 = arith.addi %scan3A_34, %scan3A_35 : i32
      %scan3A_37 = arith.constant 1 : i32
      scf.for %scan3A_39 = %scan3A_34 to %scan3A_36 step %scan3A_37  : i32 {
        %mul3A_40 = arith.constant 2 : i32
        %mul3A_41 = arith.muli %mul3A_40, %scan3A_39 : i32
        %add3A_42 = arith.constant 0 : i32
        %add3A_43 = arith.addi %mul3A_41, %add3A_42 : i32
        %gt3A = arith.constant 0 : i32
        %gt3A_44 = arith.cmpi sgt, %scan3A_29, %gt3A : i32
        %gt3A_45 = arith.constant 0 : i32
        %gt3A_46 = arith.cmpi sgt, %scan3A_39, %gt3A_45 : i32
        %or3A = arith.ori %gt3A_44, %gt3A_46 : i1
        %convert_element_type3A = arith.extui %or3A : i1 to i32
        %cond3A = arith.constant 0 : i32
        %cond3A_47 = arith.cmpi ne, %convert_element_type3A, %cond3A : i32
        scf.if %cond3A_47 {
          %dma_wait3A_91 = arith.constant 0 : i32
          %dma_wait3A_92 = arith.constant 0 : i32
          %dma_wait3A_93 = arith.constant 0 : i32
          %dma_wait3A_94 = tpu.memref_slice %arg5[%add3A_32, %dma_wait3A_91, %add3A_43, %dma_wait3A_92, %dma_wait3A_93] : memref<4096x4x16x8x128xf32, #tpu.memory_space<hbm>> -> memref<4x4x1x8x128xf32, #tpu.memory_space<hbm>>
          %dma_wait3A_95 = tpu.memref_squeeze %dma_wait3A_94 : memref<4x4x1x8x128xf32, #tpu.memory_space<hbm>> -> memref<4x4x8x128xf32, #tpu.memory_space<hbm>>
          %dma_wait3A_96 = arith.constant 0 : i32
          %dma_wait3A_97 = arith.constant 0 : i32
          %dma_wait3A_98 = arith.constant 0 : i32
          %dma_wait3A_99 = tpu.memref_slice %arg5[%add3A_32, %dma_wait3A_96, %add3A_43, %dma_wait3A_97, %dma_wait3A_98] : memref<4096x4x16x8x128xf32, #tpu.memory_space<hbm>> -> memref<4x4x1x8x128xf32, #tpu.memory_space<hbm>>
          %dma_wait3A_100 = tpu.memref_squeeze %dma_wait3A_99 : memref<4x4x1x8x128xf32, #tpu.memory_space<hbm>> -> memref<4x4x8x128xf32, #tpu.memory_space<hbm>>
          tpu.wait_dma2 semaphore(%arg11 : memref<!tpu.dma_semaphore, #tpu.memory_space<semaphore_mem>>) src(%arg9 : memref<4x4x8x128xf32, #tpu.memory_space<vmem>>) dst(%dma_wait3A_100 : memref<4x4x8x128xf32, #tpu.memory_space<hbm>>)
        } else {
        }
        %scan3A_48 = arith.constant 0 : i32
        %scan3A_49 = arith.constant 0 : i32
        %scan3A_50 = arith.constant 8 : i32
        %scan3A_51 = arith.addi %scan3A_49, %scan3A_50 : i32
        %scan3A_52 = arith.constant 1 : i32
        scf.for %scan3A_91 = %scan3A_49 to %scan3A_51 step %scan3A_52  : i32 {
          %mul3A_92 = arith.constant 128 : i32
          %mul3A_93 = arith.muli %add3A_43, %mul3A_92 : i32
          %mul3A_94 = arith.constant 16 : i32
          %mul3A_95 = arith.muli %scan3A_91, %mul3A_94 : i32
          %add3A_96 = arith.addi %mul3A_93, %mul3A_95 : i32
          %get3A = arith.constant 0 : i32
          %get3A_97 = arith.index_cast %get3A : i32 to index
          %get3A_98 = arith.index_cast %add3A_96 : i32 to index
          %get3A_99 = tpu.vector_load %arg6[%get3A_97, %get3A_98] {strides = array<i32>} : memref<4x2048xi32, #tpu.memory_space<vmem>>, vector<16xi32>,
          %get3A_100 = arith.constant 1 : i32
          %get3A_101 = arith.index_cast %get3A_100 : i32 to index
          %get3A_102 = arith.index_cast %add3A_96 : i32 to index
          %get3A_103 = tpu.vector_load %arg6[%get3A_101, %get3A_102] {strides = array<i32>} : memref<4x2048xi32, #tpu.memory_space<vmem>>, vector<16xi32>,
          %get3A_104 = arith.constant 2 : i32
          %get3A_105 = arith.index_cast %get3A_104 : i32 to index
          %get3A_106 = arith.index_cast %add3A_96 : i32 to index
          %get3A_107 = tpu.vector_load %arg6[%get3A_105, %get3A_106] {strides = array<i32>} : memref<4x2048xi32, #tpu.memory_space<vmem>>, vector<16xi32>,
          %get3A_108 = arith.constant 3 : i32
          %get3A_109 = arith.index_cast %get3A_108 : i32 to index
          %get3A_110 = arith.index_cast %add3A_96 : i32 to index
          %get3A_111 = tpu.vector_load %arg6[%get3A_109, %get3A_110] {strides = array<i32>} : memref<4x2048xi32, #tpu.memory_space<vmem>>, vector<16xi32>,
          %get3A_112 = arith.constant 0 : i32
          %get3A_113 = arith.constant 0 : i32
          %get3A_114 = arith.index_cast %get3A_112 : i32 to index
          %get3A_115 = arith.index_cast %get3A_113 : i32 to index
          %get3A_116 = arith.index_cast %add3A_96 : i32 to index
          %get3A_117 = tpu.vector_load %arg8[%get3A_114, %get3A_115, %get3A_116] {strides = array<i32>} : memref<4x8x2048xf32, #tpu.memory_space<vmem>>, vector<16xf32>,
          %broadcast_in_dim3A = arith.constant 0 : i32
          %broadcast_in_dim3A_118 = vector.broadcast %broadcast_in_dim3A : i32 to vector<16xi32>
          %gather3A = tpu.vector_load_idx %arg7[%broadcast_in_dim3A_118, %get3A_99] : memref<32x8xf32, #tpu.memory_space<vmem>>[vector<16xi32>, vector<16xi32>], vector<16xf32>,
          %add3A_119 = arith.addf %gather3A, %get3A_117 : vector<16xf32>
          %broadcast_in_dim3A_120 = arith.constant 0 : i32
          %broadcast_in_dim3A_121 = vector.broadcast %broadcast_in_dim3A_120 : i32 to vector<16xi32>
          %gather3A_122 = tpu.vector_load_idx %arg7[%broadcast_in_dim3A_121, %get3A_103] : memref<32x8xf32, #tpu.memory_space<vmem>>[vector<16xi32>, vector<16xi32>], vector<16xf32>,
          %add3A_123 = arith.addf %gather3A_122, %get3A_117 : vector<16xf32>
          %broadcast_in_dim3A_124 = arith.constant 0 : i32
          %broadcast_in_dim3A_125 = vector.broadcast %broadcast_in_dim3A_124 : i32 to vector<16xi32>
          %gather3A_126 = tpu.vector_load_idx %arg7[%broadcast_in_dim3A_125, %get3A_107] : memref<32x8xf32, #tpu.memory_space<vmem>>[vector<16xi32>, vector<16xi32>], vector<16xf32>,
          %add3A_127 = arith.addf %gather3A_126, %get3A_117 : vector<16xf32>
          %broadcast_in_dim3A_128 = arith.constant 0 : i32
          %broadcast_in_dim3A_129 = vector.broadcast %broadcast_in_dim3A_128 : i32 to vector<16xi32>
          %gather3A_130 = tpu.vector_load_idx %arg7[%broadcast_in_dim3A_129, %get3A_111] : memref<32x8xf32, #tpu.memory_space<vmem>>[vector<16xi32>, vector<16xi32>], vector<16xf32>,
          %add3A_131 = arith.addf %gather3A_130, %get3A_117 : vector<16xf32>
          %get3A_132 = arith.constant 0 : i32
          %get3A_133 = arith.constant 1 : i32
          %get3A_134 = arith.index_cast %get3A_132 : i32 to index
          %get3A_135 = arith.index_cast %get3A_133 : i32 to index
          %get3A_136 = arith.index_cast %add3A_96 : i32 to index
          %get3A_137 = tpu.vector_load %arg8[%get3A_134, %get3A_135, %get3A_136] {strides = array<i32>} : memref<4x8x2048xf32, #tpu.memory_space<vmem>>, vector<16xf32>,
          %broadcast_in_dim3A_138 = arith.constant 1 : i32
          %broadcast_in_dim3A_139 = vector.broadcast %broadcast_in_dim3A_138 : i32 to vector<16xi32>
          %gather3A_140 = tpu.vector_load_idx %arg7[%broadcast_in_dim3A_139, %get3A_99] : memref<32x8xf32, #tpu.memory_space<vmem>>[vector<16xi32>, vector<16xi32>], vector<16xf32>,
          %add3A_141 = arith.addf %gather3A_140, %get3A_137 : vector<16xf32>
          %broadcast_in_dim3A_142 = arith.constant 1 : i32
          %broadcast_in_dim3A_143 = vector.broadcast %broadcast_in_dim3A_142 : i32 to vector<16xi32>
          %gather3A_144 = tpu.vector_load_idx %arg7[%broadcast_in_dim3A_143, %get3A_103] : memref<32x8xf32, #tpu.memory_space<vmem>>[vector<16xi32>, vector<16xi32>], vector<16xf32>,
          %add3A_145 = arith.addf %gather3A_144, %get3A_137 : vector<16xf32>
          %broadcast_in_dim3A_146 = arith.constant 1 : i32
          %broadcast_in_dim3A_147 = vector.broadcast %broadcast_in_dim3A_146 : i32 to vector<16xi32>
          %gather3A_148 = tpu.vector_load_idx %arg7[%broadcast_in_dim3A_147, %get3A_107] : memref<32x8xf32, #tpu.memory_space<vmem>>[vector<16xi32>, vector<16xi32>], vector<16xf32>,
          %add3A_149 = arith.addf %gather3A_148, %get3A_137 : vector<16xf32>
          %broadcast_in_dim3A_150 = arith.constant 1 : i32
          %broadcast_in_dim3A_151 = vector.broadcast %broadcast_in_dim3A_150 : i32 to vector<16xi32>
          %gather3A_152 = tpu.vector_load_idx %arg7[%broadcast_in_dim3A_151, %get3A_111] : memref<32x8xf32, #tpu.memory_space<vmem>>[vector<16xi32>, vector<16xi32>], vector<16xf32>,
          %add3A_153 = arith.addf %gather3A_152, %get3A_137 : vector<16xf32>
          %get3A_154 = arith.constant 0 : i32
          %get3A_155 = arith.constant 2 : i32
          %get3A_156 = arith.index_cast %get3A_154 : i32 to index
          %get3A_157 = arith.index_cast %get3A_155 : i32 to index
          %get3A_158 = arith.index_cast %add3A_96 : i32 to index
          %get3A_159 = tpu.vector_load %arg8[%get3A_156, %get3A_157, %get3A_158] {strides = array<i32>} : memref<4x8x2048xf32, #tpu.memory_space<vmem>>, vector<16xf32>,
          %broadcast_in_dim3A_160 = arith.constant 2 : i32
          %broadcast_in_dim3A_161 = vector.broadcast %broadcast_in_dim3A_160 : i32 to vector<16xi32>
          %gather3A_162 = tpu.vector_load_idx %arg7[%broadcast_in_dim3A_161, %get3A_99] : memref<32x8xf32, #tpu.memory_space<vmem>>[vector<16xi32>, vector<16xi32>], vector<16xf32>,
          %add3A_163 = arith.addf %gather3A_162, %get3A_159 : vector<16xf32>
          %broadcast_in_dim3A_164 = arith.constant 2 : i32
          %broadcast_in_dim3A_165 = vector.broadcast %broadcast_in_dim3A_164 : i32 to vector<16xi32>
          %gather3A_166 = tpu.vector_load_idx %arg7[%broadcast_in_dim3A_165, %get3A_103] : memref<32x8xf32, #tpu.memory_space<vmem>>[vector<16xi32>, vector<16xi32>], vector<16xf32>,
          %add3A_167 = arith.addf %gather3A_166, %get3A_159 : vector<16xf32>
          %broadcast_in_dim3A_168 = arith.constant 2 : i32
          %broadcast_in_dim3A_169 = vector.broadcast %broadcast_in_dim3A_168 : i32 to vector<16xi32>
          %gather3A_170 = tpu.vector_load_idx %arg7[%broadcast_in_dim3A_169, %get3A_107] : memref<32x8xf32, #tpu.memory_space<vmem>>[vector<16xi32>, vector<16xi32>], vector<16xf32>,
          %add3A_171 = arith.addf %gather3A_170, %get3A_159 : vector<16xf32>
          %broadcast_in_dim3A_172 = arith.constant 2 : i32
          %broadcast_in_dim3A_173 = vector.broadcast %broadcast_in_dim3A_172 : i32 to vector<16xi32>
          %gather3A_174 = tpu.vector_load_idx %arg7[%broadcast_in_dim3A_173, %get3A_111] : memref<32x8xf32, #tpu.memory_space<vmem>>[vector<16xi32>, vector<16xi32>], vector<16xf32>,
          %add3A_175 = arith.addf %gather3A_174, %get3A_159 : vector<16xf32>
          %get3A_176 = arith.constant 0 : i32
          %get3A_177 = arith.constant 3 : i32
          %get3A_178 = arith.index_cast %get3A_176 : i32 to index
          %get3A_179 = arith.index_cast %get3A_177 : i32 to index
          %get3A_180 = arith.index_cast %add3A_96 : i32 to index
          %get3A_181 = tpu.vector_load %arg8[%get3A_178, %get3A_179, %get3A_180] {strides = array<i32>} : memref<4x8x2048xf32, #tpu.memory_space<vmem>>, vector<16xf32>,
          %broadcast_in_dim3A_182 = arith.constant 3 : i32
          %broadcast_in_dim3A_183 = vector.broadcast %broadcast_in_dim3A_182 : i32 to vector<16xi32>
          %gather3A_184 = tpu.vector_load_idx %arg7[%broadcast_in_dim3A_183, %get3A_99] : memref<32x8xf32, #tpu.memory_space<vmem>>[vector<16xi32>, vector<16xi32>], vector<16xf32>,
          %add3A_185 = arith.addf %gather3A_184, %get3A_181 : vector<16xf32>
          %broadcast_in_dim3A_186 = arith.constant 3 : i32
          %broadcast_in_dim3A_187 = vector.broadcast %broadcast_in_dim3A_186 : i32 to vector<16xi32>
          %gather3A_188 = tpu.vector_load_idx %arg7[%broadcast_in_dim3A_187, %get3A_103] : memref<32x8xf32, #tpu.memory_space<vmem>>[vector<16xi32>, vector<16xi32>], vector<16xf32>,
          %add3A_189 = arith.addf %gather3A_188, %get3A_181 : vector<16xf32>
          %broadcast_in_dim3A_190 = arith.constant 3 : i32
          %broadcast_in_dim3A_191 = vector.broadcast %broadcast_in_dim3A_190 : i32 to vector<16xi32>
          %gather3A_192 = tpu.vector_load_idx %arg7[%broadcast_in_dim3A_191, %get3A_107] : memref<32x8xf32, #tpu.memory_space<vmem>>[vector<16xi32>, vector<16xi32>], vector<16xf32>,
          %add3A_193 = arith.addf %gather3A_192, %get3A_181 : vector<16xf32>
          %broadcast_in_dim3A_194 = arith.constant 3 : i32
          %broadcast_in_dim3A_195 = vector.broadcast %broadcast_in_dim3A_194 : i32 to vector<16xi32>
          %gather3A_196 = tpu.vector_load_idx %arg7[%broadcast_in_dim3A_195, %get3A_111] : memref<32x8xf32, #tpu.memory_space<vmem>>[vector<16xi32>, vector<16xi32>], vector<16xf32>,
          %add3A_197 = arith.addf %gather3A_196, %get3A_181 : vector<16xf32>
          %mul3A_198 = arith.constant 16 : i32
          %mul3A_199 = arith.muli %scan3A_91, %mul3A_198 : i32
          %swap3A = arith.constant 0 : i32
          %swap3A_200 = arith.constant 0 : i32
          %swap3A_201 = arith.constant 0 : i32
          %swap3A_202 = arith.index_cast %swap3A : i32 to index
          %swap3A_203 = arith.index_cast %swap3A_200 : i32 to index
          %swap3A_204 = arith.index_cast %swap3A_201 : i32 to index
          %swap3A_205 = arith.index_cast %mul3A_199 : i32 to index
          %swap3A_206 = tpu.vector_load %arg9[%swap3A_202, %swap3A_203, %swap3A_204, %swap3A_205] {strides = array<i32>} : memref<4x4x8x128xf32, #tpu.memory_space<vmem>>, vector<16xf32>,
          tpu.vector_store %arg9[%swap3A_202, %swap3A_203, %swap3A_204, %swap3A_205], %add3A_119 {strides = array<i32>} : memref<4x4x8x128xf32, #tpu.memory_space<vmem>>, vector<16xf32>,
          %mul3A_207 = arith.constant 16 : i32
          %mul3A_208 = arith.muli %scan3A_91, %mul3A_207 : i32
          %swap3A_209 = arith.constant 1 : i32
          %swap3A_210 = arith.constant 0 : i32
          %swap3A_211 = arith.constant 0 : i32
          %swap3A_212 = arith.index_cast %swap3A_209 : i32 to index
          %swap3A_213 = arith.index_cast %swap3A_210 : i32 to index
          %swap3A_214 = arith.index_cast %swap3A_211 : i32 to index
          %swap3A_215 = arith.index_cast %mul3A_208 : i32 to index
          %swap3A_216 = tpu.vector_load %arg9[%swap3A_212, %swap3A_213, %swap3A_214, %swap3A_215] {strides = array<i32>} : memref<4x4x8x128xf32, #tpu.memory_space<vmem>>, vector<16xf32>,
          tpu.vector_store %arg9[%swap3A_212, %swap3A_213, %swap3A_214, %swap3A_215], %add3A_123 {strides = array<i32>} : memref<4x4x8x128xf32, #tpu.memory_space<vmem>>, vector<16xf32>,
          %mul3A_217 = arith.constant 16 : i32
          %mul3A_218 = arith.muli %scan3A_91, %mul3A_217 : i32
          %swap3A_219 = arith.constant 2 : i32
          %swap3A_220 = arith.constant 0 : i32
          %swap3A_221 = arith.constant 0 : i32
          %swap3A_222 = arith.index_cast %swap3A_219 : i32 to index
          %swap3A_223 = arith.index_cast %swap3A_220 : i32 to index
          %swap3A_224 = arith.index_cast %swap3A_221 : i32 to index
          %swap3A_225 = arith.index_cast %mul3A_218 : i32 to index
          %swap3A_226 = tpu.vector_load %arg9[%swap3A_222, %swap3A_223, %swap3A_224, %swap3A_225] {strides = array<i32>} : memref<4x4x8x128xf32, #tpu.memory_space<vmem>>, vector<16xf32>,
          tpu.vector_store %arg9[%swap3A_222, %swap3A_223, %swap3A_224, %swap3A_225], %add3A_127 {strides = array<i32>} : memref<4x4x8x128xf32, #tpu.memory_space<vmem>>, vector<16xf32>,
          %mul3A_227 = arith.constant 16 : i32
          %mul3A_228 = arith.muli %scan3A_91, %mul3A_227 : i32
          %swap3A_229 = arith.constant 3 : i32
          %swap3A_230 = arith.constant 0 : i32
          %swap3A_231 = arith.constant 0 : i32
          %swap3A_232 = arith.index_cast %swap3A_229 : i32 to index
          %swap3A_233 = arith.index_cast %swap3A_230 : i32 to index
          %swap3A_234 = arith.index_cast %swap3A_231 : i32 to index
          %swap3A_235 = arith.index_cast %mul3A_228 : i32 to index
          %swap3A_236 = tpu.vector_load %arg9[%swap3A_232, %swap3A_233, %swap3A_234, %swap3A_235] {strides = array<i32>} : memref<4x4x8x128xf32, #tpu.memory_space<vmem>>, vector<16xf32>,
          tpu.vector_store %arg9[%swap3A_232, %swap3A_233, %swap3A_234, %swap3A_235], %add3A_131 {strides = array<i32>} : memref<4x4x8x128xf32, #tpu.memory_space<vmem>>, vector<16xf32>,
          %mul3A_237 = arith.constant 16 : i32
          %mul3A_238 = arith.muli %scan3A_91, %mul3A_237 : i32
          %swap3A_239 = arith.constant 0 : i32
          %swap3A_240 = arith.constant 0 : i32
          %swap3A_241 = arith.constant 1 : i32
          %swap3A_242 = arith.index_cast %swap3A_239 : i32 to index
          %swap3A_243 = arith.index_cast %swap3A_240 : i32 to index
          %swap3A_244 = arith.index_cast %swap3A_241 : i32 to index
          %swap3A_245 = arith.index_cast %mul3A_238 : i32 to index
          %swap3A_246 = tpu.vector_load %arg9[%swap3A_242, %swap3A_243, %swap3A_244, %swap3A_245] {strides = array<i32>} : memref<4x4x8x128xf32, #tpu.memory_space<vmem>>, vector<16xf32>,
          tpu.vector_store %arg9[%swap3A_242, %swap3A_243, %swap3A_244, %swap3A_245], %add3A_141 {strides = array<i32>} : memref<4x4x8x128xf32, #tpu.memory_space<vmem>>, vector<16xf32>,
          %mul3A_247 = arith.constant 16 : i32
          %mul3A_248 = arith.muli %scan3A_91, %mul3A_247 : i32
          %swap3A_249 = arith.constant 1 : i32
          %swap3A_250 = arith.constant 0 : i32
          %swap3A_251 = arith.constant 1 : i32
          %swap3A_252 = arith.index_cast %swap3A_249 : i32 to index
          %swap3A_253 = arith.index_cast %swap3A_250 : i32 to index
          %swap3A_254 = arith.index_cast %swap3A_251 : i32 to index
          %swap3A_255 = arith.index_cast %mul3A_248 : i32 to index
          %swap3A_256 = tpu.vector_load %arg9[%swap3A_252, %swap3A_253, %swap3A_254, %swap3A_255] {strides = array<i32>} : memref<4x4x8x128xf32, #tpu.memory_space<vmem>>, vector<16xf32>,
          tpu.vector_store %arg9[%swap3A_252, %swap3A_253, %swap3A_254, %swap3A_255], %add3A_145 {strides = array<i32>} : memref<4x4x8x128xf32, #tpu.memory_space<vmem>>, vector<16xf32>,
          %mul3A_257 = arith.constant 16 : i32
          %mul3A_258 = arith.muli %scan3A_91, %mul3A_257 : i32
          %swap3A_259 = arith.constant 2 : i32
          %swap3A_260 = arith.constant 0 : i32
          %swap3A_261 = arith.constant 1 : i32
          %swap3A_262 = arith.index_cast %swap3A_259 : i32 to index
          %swap3A_263 = arith.index_cast %swap3A_260 : i32 to index
          %swap3A_264 = arith.index_cast %swap3A_261 : i32 to index
          %swap3A_265 = arith.index_cast %mul3A_258 : i32 to index
          %swap3A_266 = tpu.vector_load %arg9[%swap3A_262, %swap3A_263, %swap3A_264, %swap3A_265] {strides = array<i32>} : memref<4x4x8x128xf32, #tpu.memory_space<vmem>>, vector<16xf32>,
          tpu.vector_store %arg9[%swap3A_262, %swap3A_263, %swap3A_264, %swap3A_265], %add3A_149 {strides = array<i32>} : memref<4x4x8x128xf32, #tpu.memory_space<vmem>>, vector<16xf32>,
          %mul3A_267 = arith.constant 16 : i32
          %mul3A_268 = arith.muli %scan3A_91, %mul3A_267 : i32
          %swap3A_269 = arith.constant 3 : i32
          %swap3A_270 = arith.constant 0 : i32
          %swap3A_271 = arith.constant 1 : i32
          %swap3A_272 = arith.index_cast %swap3A_269 : i32 to index
          %swap3A_273 = arith.index_cast %swap3A_270 : i32 to index
          %swap3A_274 = arith.index_cast %swap3A_271 : i32 to index
          %swap3A_275 = arith.index_cast %mul3A_268 : i32 to index
          %swap3A_276 = tpu.vector_load %arg9[%swap3A_272, %swap3A_273, %swap3A_274, %swap3A_275] {strides = array<i32>} : memref<4x4x8x128xf32, #tpu.memory_space<vmem>>, vector<16xf32>,
          tpu.vector_store %arg9[%swap3A_272, %swap3A_273, %swap3A_274, %swap3A_275], %add3A_153 {strides = array<i32>} : memref<4x4x8x128xf32, #tpu.memory_space<vmem>>, vector<16xf32>,
          %mul3A_277 = arith.constant 16 : i32
          %mul3A_278 = arith.muli %scan3A_91, %mul3A_277 : i32
          %swap3A_279 = arith.constant 0 : i32
          %swap3A_280 = arith.constant 0 : i32
          %swap3A_281 = arith.constant 2 : i32
          %swap3A_282 = arith.index_cast %swap3A_279 : i32 to index
          %swap3A_283 = arith.index_cast %swap3A_280 : i32 to index
          %swap3A_284 = arith.index_cast %swap3A_281 : i32 to index
          %swap3A_285 = arith.index_cast %mul3A_278 : i32 to index
          %swap3A_286 = tpu.vector_load %arg9[%swap3A_282, %swap3A_283, %swap3A_284, %swap3A_285] {strides = array<i32>} : memref<4x4x8x128xf32, #tpu.memory_space<vmem>>, vector<16xf32>,
          tpu.vector_store %arg9[%swap3A_282, %swap3A_283, %swap3A_284, %swap3A_285], %add3A_163 {strides = array<i32>} : memref<4x4x8x128xf32, #tpu.memory_space<vmem>>, vector<16xf32>,
          %mul3A_287 = arith.constant 16 : i32
          %mul3A_288 = arith.muli %scan3A_91, %mul3A_287 : i32
          %swap3A_289 = arith.constant 1 : i32
          %swap3A_290 = arith.constant 0 : i32
          %swap3A_291 = arith.constant 2 : i32
          %swap3A_292 = arith.index_cast %swap3A_289 : i32 to index
          %swap3A_293 = arith.index_cast %swap3A_290 : i32 to index
          %swap3A_294 = arith.index_cast %swap3A_291 : i32 to index
          %swap3A_295 = arith.index_cast %mul3A_288 : i32 to index
          %swap3A_296 = tpu.vector_load %arg9[%swap3A_292, %swap3A_293, %swap3A_294, %swap3A_295] {strides = array<i32>} : memref<4x4x8x128xf32, #tpu.memory_space<vmem>>, vector<16xf32>,
          tpu.vector_store %arg9[%swap3A_292, %swap3A_293, %swap3A_294, %swap3A_295], %add3A_167 {strides = array<i32>} : memref<4x4x8x128xf32, #tpu.memory_space<vmem>>, vector<16xf32>,
          %mul3A_297 = arith.constant 16 : i32
          %mul3A_298 = arith.muli %scan3A_91, %mul3A_297 : i32
          %swap3A_299 = arith.constant 2 : i32
          %swap3A_300 = arith.constant 0 : i32
          %swap3A_301 = arith.constant 2 : i32
          %swap3A_302 = arith.index_cast %swap3A_299 : i32 to index
          %swap3A_303 = arith.index_cast %swap3A_300 : i32 to index
          %swap3A_304 = arith.index_cast %swap3A_301 : i32 to index
          %swap3A_305 = arith.index_cast %mul3A_298 : i32 to index
          %swap3A_306 = tpu.vector_load %arg9[%swap3A_302, %swap3A_303, %swap3A_304, %swap3A_305] {strides = array<i32>} : memref<4x4x8x128xf32, #tpu.memory_space<vmem>>, vector<16xf32>,
          tpu.vector_store %arg9[%swap3A_302, %swap3A_303, %swap3A_304, %swap3A_305], %add3A_171 {strides = array<i32>} : memref<4x4x8x128xf32, #tpu.memory_space<vmem>>, vector<16xf32>,
          %mul3A_307 = arith.constant 16 : i32
          %mul3A_308 = arith.muli %scan3A_91, %mul3A_307 : i32
          %swap3A_309 = arith.constant 3 : i32
          %swap3A_310 = arith.constant 0 : i32
          %swap3A_311 = arith.constant 2 : i32
          %swap3A_312 = arith.index_cast %swap3A_309 : i32 to index
          %swap3A_313 = arith.index_cast %swap3A_310 : i32 to index
          %swap3A_314 = arith.index_cast %swap3A_311 : i32 to index
          %swap3A_315 = arith.index_cast %mul3A_308 : i32 to index
          %swap3A_316 = tpu.vector_load %arg9[%swap3A_312, %swap3A_313, %swap3A_314, %swap3A_315] {strides = array<i32>} : memref<4x4x8x128xf32, #tpu.memory_space<vmem>>, vector<16xf32>,
          tpu.vector_store %arg9[%swap3A_312, %swap3A_313, %swap3A_314, %swap3A_315], %add3A_175 {strides = array<i32>} : memref<4x4x8x128xf32, #tpu.memory_space<vmem>>, vector<16xf32>,
          %mul3A_317 = arith.constant 16 : i32
          %mul3A_318 = arith.muli %scan3A_91, %mul3A_317 : i32
          %swap3A_319 = arith.constant 0 : i32
          %swap3A_320 = arith.constant 0 : i32
          %swap3A_321 = arith.constant 3 : i32
          %swap3A_322 = arith.index_cast %swap3A_319 : i32 to index
          %swap3A_323 = arith.index_cast %swap3A_320 : i32 to index
          %swap3A_324 = arith.index_cast %swap3A_321 : i32 to index
          %swap3A_325 = arith.index_cast %mul3A_318 : i32 to index
          %swap3A_326 = tpu.vector_load %arg9[%swap3A_322, %swap3A_323, %swap3A_324, %swap3A_325] {strides = array<i32>} : memref<4x4x8x128xf32, #tpu.memory_space<vmem>>, vector<16xf32>,
          tpu.vector_store %arg9[%swap3A_322, %swap3A_323, %swap3A_324, %swap3A_325], %add3A_185 {strides = array<i32>} : memref<4x4x8x128xf32, #tpu.memory_space<vmem>>, vector<16xf32>,
          %mul3A_327 = arith.constant 16 : i32
          %mul3A_328 = arith.muli %scan3A_91, %mul3A_327 : i32
          %swap3A_329 = arith.constant 1 : i32
          %swap3A_330 = arith.constant 0 : i32
          %swap3A_331 = arith.constant 3 : i32
          %swap3A_332 = arith.index_cast %swap3A_329 : i32 to index
          %swap3A_333 = arith.index_cast %swap3A_330 : i32 to index
          %swap3A_334 = arith.index_cast %swap3A_331 : i32 to index
          %swap3A_335 = arith.index_cast %mul3A_328 : i32 to index
          %swap3A_336 = tpu.vector_load %arg9[%swap3A_332, %swap3A_333, %swap3A_334, %swap3A_335] {strides = array<i32>} : memref<4x4x8x128xf32, #tpu.memory_space<vmem>>, vector<16xf32>,
          tpu.vector_store %arg9[%swap3A_332, %swap3A_333, %swap3A_334, %swap3A_335], %add3A_189 {strides = array<i32>} : memref<4x4x8x128xf32, #tpu.memory_space<vmem>>, vector<16xf32>,
          %mul3A_337 = arith.constant 16 : i32
          %mul3A_338 = arith.muli %scan3A_91, %mul3A_337 : i32
          %swap3A_339 = arith.constant 2 : i32
          %swap3A_340 = arith.constant 0 : i32
          %swap3A_341 = arith.constant 3 : i32
          %swap3A_342 = arith.index_cast %swap3A_339 : i32 to index
          %swap3A_343 = arith.index_cast %swap3A_340 : i32 to index
          %swap3A_344 = arith.index_cast %swap3A_341 : i32 to index
          %swap3A_345 = arith.index_cast %mul3A_338 : i32 to index
          %swap3A_346 = tpu.vector_load %arg9[%swap3A_342, %swap3A_343, %swap3A_344, %swap3A_345] {strides = array<i32>} : memref<4x4x8x128xf32, #tpu.memory_space<vmem>>, vector<16xf32>,
          tpu.vector_store %arg9[%swap3A_342, %swap3A_343, %swap3A_344, %swap3A_345], %add3A_193 {strides = array<i32>} : memref<4x4x8x128xf32, #tpu.memory_space<vmem>>, vector<16xf32>,
          %mul3A_347 = arith.constant 16 : i32
          %mul3A_348 = arith.muli %scan3A_91, %mul3A_347 : i32
          %swap3A_349 = arith.constant 3 : i32
          %swap3A_350 = arith.constant 0 : i32
          %swap3A_351 = arith.constant 3 : i32
          %swap3A_352 = arith.index_cast %swap3A_349 : i32 to index
          %swap3A_353 = arith.index_cast %swap3A_350 : i32 to index
          %swap3A_354 = arith.index_cast %swap3A_351 : i32 to index
          %swap3A_355 = arith.index_cast %mul3A_348 : i32 to index
          %swap3A_356 = tpu.vector_load %arg9[%swap3A_352, %swap3A_353, %swap3A_354, %swap3A_355] {strides = array<i32>} : memref<4x4x8x128xf32, #tpu.memory_space<vmem>>, vector<16xf32>,
          tpu.vector_store %arg9[%swap3A_352, %swap3A_353, %swap3A_354, %swap3A_355], %add3A_197 {strides = array<i32>} : memref<4x4x8x128xf32, #tpu.memory_space<vmem>>, vector<16xf32>,
          %get3A_357 = arith.constant 0 : i32
          %get3A_358 = arith.constant 4 : i32
          %get3A_359 = arith.index_cast %get3A_357 : i32 to index
          %get3A_360 = arith.index_cast %get3A_358 : i32 to index
          %get3A_361 = arith.index_cast %add3A_96 : i32 to index
          %get3A_362 = tpu.vector_load %arg8[%get3A_359, %get3A_360, %get3A_361] {strides = array<i32>} : memref<4x8x2048xf32, #tpu.memory_space<vmem>>, vector<16xf32>,
          %broadcast_in_dim3A_363 = arith.constant 4 : i32
          %broadcast_in_dim3A_364 = vector.broadcast %broadcast_in_dim3A_363 : i32 to vector<16xi32>
          %gather3A_365 = tpu.vector_load_idx %arg7[%broadcast_in_dim3A_364, %get3A_99] : memref<32x8xf32, #tpu.memory_space<vmem>>[vector<16xi32>, vector<16xi32>], vector<16xf32>,
          %add3A_366 = arith.addf %gather3A_365, %get3A_362 : vector<16xf32>
          %broadcast_in_dim3A_367 = arith.constant 4 : i32
          %broadcast_in_dim3A_368 = vector.broadcast %broadcast_in_dim3A_367 : i32 to vector<16xi32>
          %gather3A_369 = tpu.vector_load_idx %arg7[%broadcast_in_dim3A_368, %get3A_103] : memref<32x8xf32, #tpu.memory_space<vmem>>[vector<16xi32>, vector<16xi32>], vector<16xf32>,
          %add3A_370 = arith.addf %gather3A_369, %get3A_362 : vector<16xf32>
          %broadcast_in_dim3A_371 = arith.constant 4 : i32
          %broadcast_in_dim3A_372 = vector.broadcast %broadcast_in_dim3A_371 : i32 to vector<16xi32>
          %gather3A_373 = tpu.vector_load_idx %arg7[%broadcast_in_dim3A_372, %get3A_107] : memref<32x8xf32, #tpu.memory_space<vmem>>[vector<16xi32>, vector<16xi32>], vector<16xf32>,
          %add3A_374 = arith.addf %gather3A_373, %get3A_362 : vector<16xf32>
          %broadcast_in_dim3A_375 = arith.constant 4 : i32
          %broadcast_in_dim3A_376 = vector.broadcast %broadcast_in_dim3A_375 : i32 to vector<16xi32>
          %gather3A_377 = tpu.vector_load_idx %arg7[%broadcast_in_dim3A_376, %get3A_111] : memref<32x8xf32, #tpu.memory_space<vmem>>[vector<16xi32>, vector<16xi32>], vector<16xf32>,
          %add3A_378 = arith.addf %gather3A_377, %get3A_362 : vector<16xf32>
          %get3A_379 = arith.constant 0 : i32
          %get3A_380 = arith.constant 5 : i32
          %get3A_381 = arith.index_cast %get3A_379 : i32 to index
          %get3A_382 = arith.index_cast %get3A_380 : i32 to index
          %get3A_383 = arith.index_cast %add3A_96 : i32 to index
          %get3A_384 = tpu.vector_load %arg8[%get3A_381, %get3A_382, %get3A_383] {strides = array<i32>} : memref<4x8x2048xf32, #tpu.memory_space<vmem>>, vector<16xf32>,
          %broadcast_in_dim3A_385 = arith.constant 5 : i32
          %broadcast_in_dim3A_386 = vector.broadcast %broadcast_in_dim3A_385 : i32 to vector<16xi32>
          %gather3A_387 = tpu.vector_load_idx %arg7[%broadcast_in_dim3A_386, %get3A_99] : memref<32x8xf32, #tpu.memory_space<vmem>>[vector<16xi32>, vector<16xi32>], vector<16xf32>,
          %add3A_388 = arith.addf %gather3A_387, %get3A_384 : vector<16xf32>
          %broadcast_in_dim3A_389 = arith.constant 5 : i32
          %broadcast_in_dim3A_390 = vector.broadcast %broadcast_in_dim3A_389 : i32 to vector<16xi32>
          %gather3A_391 = tpu.vector_load_idx %arg7[%broadcast_in_dim3A_390, %get3A_103] : memref<32x8xf32, #tpu.memory_space<vmem>>[vector<16xi32>, vector<16xi32>], vector<16xf32>,
          %add3A_392 = arith.addf %gather3A_391, %get3A_384 : vector<16xf32>
          %broadcast_in_dim3A_393 = arith.constant 5 : i32
          %broadcast_in_dim3A_394 = vector.broadcast %broadcast_in_dim3A_393 : i32 to vector<16xi32>
          %gather3A_395 = tpu.vector_load_idx %arg7[%broadcast_in_dim3A_394, %get3A_107] : memref<32x8xf32, #tpu.memory_space<vmem>>[vector<16xi32>, vector<16xi32>], vector<16xf32>,
          %add3A_396 = arith.addf %gather3A_395, %get3A_384 : vector<16xf32>
          %broadcast_in_dim3A_397 = arith.constant 5 : i32
          %broadcast_in_dim3A_398 = vector.broadcast %broadcast_in_dim3A_397 : i32 to vector<16xi32>
          %gather3A_399 = tpu.vector_load_idx %arg7[%broadcast_in_dim3A_398, %get3A_111] : memref<32x8xf32, #tpu.memory_space<vmem>>[vector<16xi32>, vector<16xi32>], vector<16xf32>,
          %add3A_400 = arith.addf %gather3A_399, %get3A_384 : vector<16xf32>
          %get3A_401 = arith.constant 0 : i32
          %get3A_402 = arith.constant 6 : i32
          %get3A_403 = arith.index_cast %get3A_401 : i32 to index
          %get3A_404 = arith.index_cast %get3A_402 : i32 to index
          %get3A_405 = arith.index_cast %add3A_96 : i32 to index
          %get3A_406 = tpu.vector_load %arg8[%get3A_403, %get3A_404, %get3A_405] {strides = array<i32>} : memref<4x8x2048xf32, #tpu.memory_space<vmem>>, vector<16xf32>,
          %broadcast_in_dim3A_407 = arith.constant 6 : i32
          %broadcast_in_dim3A_408 = vector.broadcast %broadcast_in_dim3A_407 : i32 to vector<16xi32>
          %gather3A_409 = tpu.vector_load_idx %arg7[%broadcast_in_dim3A_408, %get3A_99] : memref<32x8xf32, #tpu.memory_space<vmem>>[vector<16xi32>, vector<16xi32>], vector<16xf32>,
          %add3A_410 = arith.addf %gather3A_409, %get3A_406 : vector<16xf32>
          %broadcast_in_dim3A_411 = arith.constant 6 : i32
          %broadcast_in_dim3A_412 = vector.broadcast %broadcast_in_dim3A_411 : i32 to vector<16xi32>
          %gather3A_413 = tpu.vector_load_idx %arg7[%broadcast_in_dim3A_412, %get3A_103] : memref<32x8xf32, #tpu.memory_space<vmem>>[vector<16xi32>, vector<16xi32>], vector<16xf32>,
          %add3A_414 = arith.addf %gather3A_413, %get3A_406 : vector<16xf32>
          %broadcast_in_dim3A_415 = arith.constant 6 : i32
          %broadcast_in_dim3A_416 = vector.broadcast %broadcast_in_dim3A_415 : i32 to vector<16xi32>
          %gather3A_417 = tpu.vector_load_idx %arg7[%broadcast_in_dim3A_416, %get3A_107] : memref<32x8xf32, #tpu.memory_space<vmem>>[vector<16xi32>, vector<16xi32>], vector<16xf32>,
          %add3A_418 = arith.addf %gather3A_417, %get3A_406 : vector<16xf32>
          %broadcast_in_dim3A_419 = arith.constant 6 : i32
          %broadcast_in_dim3A_420 = vector.broadcast %broadcast_in_dim3A_419 : i32 to vector<16xi32>
          %gather3A_421 = tpu.vector_load_idx %arg7[%broadcast_in_dim3A_420, %get3A_111] : memref<32x8xf32, #tpu.memory_space<vmem>>[vector<16xi32>, vector<16xi32>], vector<16xf32>,
          %add3A_422 = arith.addf %gather3A_421, %get3A_406 : vector<16xf32>
          %get3A_423 = arith.constant 0 : i32
          %get3A_424 = arith.constant 7 : i32
          %get3A_425 = arith.index_cast %get3A_423 : i32 to index
          %get3A_426 = arith.index_cast %get3A_424 : i32 to index
          %get3A_427 = arith.index_cast %add3A_96 : i32 to index
          %get3A_428 = tpu.vector_load %arg8[%get3A_425, %get3A_426, %get3A_427] {strides = array<i32>} : memref<4x8x2048xf32, #tpu.memory_space<vmem>>, vector<16xf32>,
          %broadcast_in_dim3A_429 = arith.constant 7 : i32
          %broadcast_in_dim3A_430 = vector.broadcast %broadcast_in_dim3A_429 : i32 to vector<16xi32>
          %gather3A_431 = tpu.vector_load_idx %arg7[%broadcast_in_dim3A_430, %get3A_99] : memref<32x8xf32, #tpu.memory_space<vmem>>[vector<16xi32>, vector<16xi32>], vector<16xf32>,
          %add3A_432 = arith.addf %gather3A_431, %get3A_428 : vector<16xf32>
          %broadcast_in_dim3A_433 = arith.constant 7 : i32
          %broadcast_in_dim3A_434 = vector.broadcast %broadcast_in_dim3A_433 : i32 to vector<16xi32>
          %gather3A_435 = tpu.vector_load_idx %arg7[%broadcast_in_dim3A_434, %get3A_103] : memref<32x8xf32, #tpu.memory_space<vmem>>[vector<16xi32>, vector<16xi32>], vector<16xf32>,
          %add3A_436 = arith.addf %gather3A_435, %get3A_428 : vector<16xf32>
          %broadcast_in_dim3A_437 = arith.constant 7 : i32
          %broadcast_in_dim3A_438 = vector.broadcast %broadcast_in_dim3A_437 : i32 to vector<16xi32>
          %gather3A_439 = tpu.vector_load_idx %arg7[%broadcast_in_dim3A_438, %get3A_107] : memref<32x8xf32, #tpu.memory_space<vmem>>[vector<16xi32>, vector<16xi32>], vector<16xf32>,
          %add3A_440 = arith.addf %gather3A_439, %get3A_428 : vector<16xf32>
          %broadcast_in_dim3A_441 = arith.constant 7 : i32
          %broadcast_in_dim3A_442 = vector.broadcast %broadcast_in_dim3A_441 : i32 to vector<16xi32>
          %gather3A_443 = tpu.vector_load_idx %arg7[%broadcast_in_dim3A_442, %get3A_111] : memref<32x8xf32, #tpu.memory_space<vmem>>[vector<16xi32>, vector<16xi32>], vector<16xf32>,
          %add3A_444 = arith.addf %gather3A_443, %get3A_428 : vector<16xf32>
          %mul3A_445 = arith.constant 16 : i32
          %mul3A_446 = arith.muli %scan3A_91, %mul3A_445 : i32
          %swap3A_447 = arith.constant 0 : i32
          %swap3A_448 = arith.constant 0 : i32
          %swap3A_449 = arith.constant 4 : i32
          %swap3A_450 = arith.index_cast %swap3A_447 : i32 to index
          %swap3A_451 = arith.index_cast %swap3A_448 : i32 to index
          %swap3A_452 = arith.index_cast %swap3A_449 : i32 to index
          %swap3A_453 = arith.index_cast %mul3A_446 : i32 to index
          %swap3A_454 = tpu.vector_load %arg9[%swap3A_450, %swap3A_451, %swap3A_452, %swap3A_453] {strides = array<i32>} : memref<4x4x8x128xf32, #tpu.memory_space<vmem>>, vector<16xf32>,
          tpu.vector_store %arg9[%swap3A_450, %swap3A_451, %swap3A_452, %swap3A_453], %add3A_366 {strides = array<i32>} : memref<4x4x8x128xf32, #tpu.memory_space<vmem>>, vector<16xf32>,
          %mul3A_455 = arith.constant 16 : i32
          %mul3A_456 = arith.muli %scan3A_91, %mul3A_455 : i32
          %swap3A_457 = arith.constant 1 : i32
          %swap3A_458 = arith.constant 0 : i32
          %swap3A_459 = arith.constant 4 : i32
          %swap3A_460 = arith.index_cast %swap3A_457 : i32 to index
          %swap3A_461 = arith.index_cast %swap3A_458 : i32 to index
          %swap3A_462 = arith.index_cast %swap3A_459 : i32 to index
          %swap3A_463 = arith.index_cast %mul3A_456 : i32 to index
          %swap3A_464 = tpu.vector_load %arg9[%swap3A_460, %swap3A_461, %swap3A_462, %swap3A_463] {strides = array<i32>} : memref<4x4x8x128xf32, #tpu.memory_space<vmem>>, vector<16xf32>,
          tpu.vector_store %arg9[%swap3A_460, %swap3A_461, %swap3A_462, %swap3A_463], %add3A_370 {strides = array<i32>} : memref<4x4x8x128xf32, #tpu.memory_space<vmem>>, vector<16xf32>,
          %mul3A_465 = arith.constant 16 : i32
          %mul3A_466 = arith.muli %scan3A_91, %mul3A_465 : i32
          %swap3A_467 = arith.constant 2 : i32
          %swap3A_468 = arith.constant 0 : i32
          %swap3A_469 = arith.constant 4 : i32
          %swap3A_470 = arith.index_cast %swap3A_467 : i32 to index
          %swap3A_471 = arith.index_cast %swap3A_468 : i32 to index
          %swap3A_472 = arith.index_cast %swap3A_469 : i32 to index
          %swap3A_473 = arith.index_cast %mul3A_466 : i32 to index
          %swap3A_474 = tpu.vector_load %arg9[%swap3A_470, %swap3A_471, %swap3A_472, %swap3A_473] {strides = array<i32>} : memref<4x4x8x128xf32, #tpu.memory_space<vmem>>, vector<16xf32>,
          tpu.vector_store %arg9[%swap3A_470, %swap3A_471, %swap3A_472, %swap3A_473], %add3A_374 {strides = array<i32>} : memref<4x4x8x128xf32, #tpu.memory_space<vmem>>, vector<16xf32>,
          %mul3A_475 = arith.constant 16 : i32
          %mul3A_476 = arith.muli %scan3A_91, %mul3A_475 : i32
          %swap3A_477 = arith.constant 3 : i32
          %swap3A_478 = arith.constant 0 : i32
          %swap3A_479 = arith.constant 4 : i32
          %swap3A_480 = arith.index_cast %swap3A_477 : i32 to index
          %swap3A_481 = arith.index_cast %swap3A_478 : i32 to index
          %swap3A_482 = arith.index_cast %swap3A_479 : i32 to index
          %swap3A_483 = arith.index_cast %mul3A_476 : i32 to index
          %swap3A_484 = tpu.vector_load %arg9[%swap3A_480, %swap3A_481, %swap3A_482, %swap3A_483] {strides = array<i32>} : memref<4x4x8x128xf32, #tpu.memory_space<vmem>>, vector<16xf32>,
          tpu.vector_store %arg9[%swap3A_480, %swap3A_481, %swap3A_482, %swap3A_483], %add3A_378 {strides = array<i32>} : memref<4x4x8x128xf32, #tpu.memory_space<vmem>>, vector<16xf32>,
          %mul3A_485 = arith.constant 16 : i32
          %mul3A_486 = arith.muli %scan3A_91, %mul3A_485 : i32
          %swap3A_487 = arith.constant 0 : i32
          %swap3A_488 = arith.constant 0 : i32
          %swap3A_489 = arith.constant 5 : i32
          %swap3A_490 = arith.index_cast %swap3A_487 : i32 to index
          %swap3A_491 = arith.index_cast %swap3A_488 : i32 to index
          %swap3A_492 = arith.index_cast %swap3A_489 : i32 to index
          %swap3A_493 = arith.index_cast %mul3A_486 : i32 to index
          %swap3A_494 = tpu.vector_load %arg9[%swap3A_490, %swap3A_491, %swap3A_492, %swap3A_493] {strides = array<i32>} : memref<4x4x8x128xf32, #tpu.memory_space<vmem>>, vector<16xf32>,
          tpu.vector_store %arg9[%swap3A_490, %swap3A_491, %swap3A_492, %swap3A_493], %add3A_388 {strides = array<i32>} : memref<4x4x8x128xf32, #tpu.memory_space<vmem>>, vector<16xf32>,
          %mul3A_495 = arith.constant 16 : i32
          %mul3A_496 = arith.muli %scan3A_91, %mul3A_495 : i32
          %swap3A_497 = arith.constant 1 : i32
          %swap3A_498 = arith.constant 0 : i32
          %swap3A_499 = arith.constant 5 : i32
          %swap3A_500 = arith.index_cast %swap3A_497 : i32 to index
          %swap3A_501 = arith.index_cast %swap3A_498 : i32 to index
          %swap3A_502 = arith.index_cast %swap3A_499 : i32 to index
          %swap3A_503 = arith.index_cast %mul3A_496 : i32 to index
          %swap3A_504 = tpu.vector_load %arg9[%swap3A_500, %swap3A_501, %swap3A_502, %swap3A_503] {strides = array<i32>} : memref<4x4x8x128xf32, #tpu.memory_space<vmem>>, vector<16xf32>,
          tpu.vector_store %arg9[%swap3A_500, %swap3A_501, %swap3A_502, %swap3A_503], %add3A_392 {strides = array<i32>} : memref<4x4x8x128xf32, #tpu.memory_space<vmem>>, vector<16xf32>,
          %mul3A_505 = arith.constant 16 : i32
          %mul3A_506 = arith.muli %scan3A_91, %mul3A_505 : i32
          %swap3A_507 = arith.constant 2 : i32
          %swap3A_508 = arith.constant 0 : i32
          %swap3A_509 = arith.constant 5 : i32
          %swap3A_510 = arith.index_cast %swap3A_507 : i32 to index
          %swap3A_511 = arith.index_cast %swap3A_508 : i32 to index
          %swap3A_512 = arith.index_cast %swap3A_509 : i32 to index
          %swap3A_513 = arith.index_cast %mul3A_506 : i32 to index
          %swap3A_514 = tpu.vector_load %arg9[%swap3A_510, %swap3A_511, %swap3A_512, %swap3A_513] {strides = array<i32>} : memref<4x4x8x128xf32, #tpu.memory_space<vmem>>, vector<16xf32>,
          tpu.vector_store %arg9[%swap3A_510, %swap3A_511, %swap3A_512, %swap3A_513], %add3A_396 {strides = array<i32>} : memref<4x4x8x128xf32, #tpu.memory_space<vmem>>, vector<16xf32>,
          %mul3A_515 = arith.constant 16 : i32
          %mul3A_516 = arith.muli %scan3A_91, %mul3A_515 : i32
          %swap3A_517 = arith.constant 3 : i32
          %swap3A_518 = arith.constant 0 : i32
          %swap3A_519 = arith.constant 5 : i32
          %swap3A_520 = arith.index_cast %swap3A_517 : i32 to index
          %swap3A_521 = arith.index_cast %swap3A_518 : i32 to index
          %swap3A_522 = arith.index_cast %swap3A_519 : i32 to index
          %swap3A_523 = arith.index_cast %mul3A_516 : i32 to index
          %swap3A_524 = tpu.vector_load %arg9[%swap3A_520, %swap3A_521, %swap3A_522, %swap3A_523] {strides = array<i32>} : memref<4x4x8x128xf32, #tpu.memory_space<vmem>>, vector<16xf32>,
          tpu.vector_store %arg9[%swap3A_520, %swap3A_521, %swap3A_522, %swap3A_523], %add3A_400 {strides = array<i32>} : memref<4x4x8x128xf32, #tpu.memory_space<vmem>>, vector<16xf32>,
          %mul3A_525 = arith.constant 16 : i32
          %mul3A_526 = arith.muli %scan3A_91, %mul3A_525 : i32
          %swap3A_527 = arith.constant 0 : i32
          %swap3A_528 = arith.constant 0 : i32
          %swap3A_529 = arith.constant 6 : i32
          %swap3A_530 = arith.index_cast %swap3A_527 : i32 to index
          %swap3A_531 = arith.index_cast %swap3A_528 : i32 to index
          %swap3A_532 = arith.index_cast %swap3A_529 : i32 to index
          %swap3A_533 = arith.index_cast %mul3A_526 : i32 to index
          %swap3A_534 = tpu.vector_load %arg9[%swap3A_530, %swap3A_531, %swap3A_532, %swap3A_533] {strides = array<i32>} : memref<4x4x8x128xf32, #tpu.memory_space<vmem>>, vector<16xf32>,
          tpu.vector_store %arg9[%swap3A_530, %swap3A_531, %swap3A_532, %swap3A_533], %add3A_410 {strides = array<i32>} : memref<4x4x8x128xf32, #tpu.memory_space<vmem>>, vector<16xf32>,
          %mul3A_535 = arith.constant 16 : i32
          %mul3A_536 = arith.muli %scan3A_91, %mul3A_535 : i32
          %swap3A_537 = arith.constant 1 : i32
          %swap3A_538 = arith.constant 0 : i32
          %swap3A_539 = arith.constant 6 : i32
          %swap3A_540 = arith.index_cast %swap3A_537 : i32 to index
          %swap3A_541 = arith.index_cast %swap3A_538 : i32 to index
          %swap3A_542 = arith.index_cast %swap3A_539 : i32 to index
          %swap3A_543 = arith.index_cast %mul3A_536 : i32 to index
          %swap3A_544 = tpu.vector_load %arg9[%swap3A_540, %swap3A_541, %swap3A_542, %swap3A_543] {strides = array<i32>} : memref<4x4x8x128xf32, #tpu.memory_space<vmem>>, vector<16xf32>,
          tpu.vector_store %arg9[%swap3A_540, %swap3A_541, %swap3A_542, %swap3A_543], %add3A_414 {strides = array<i32>} : memref<4x4x8x128xf32, #tpu.memory_space<vmem>>, vector<16xf32>,
          %mul3A_545 = arith.constant 16 : i32
          %mul3A_546 = arith.muli %scan3A_91, %mul3A_545 : i32
          %swap3A_547 = arith.constant 2 : i32
          %swap3A_548 = arith.constant 0 : i32
          %swap3A_549 = arith.constant 6 : i32
          %swap3A_550 = arith.index_cast %swap3A_547 : i32 to index
          %swap3A_551 = arith.index_cast %swap3A_548 : i32 to index
          %swap3A_552 = arith.index_cast %swap3A_549 : i32 to index
          %swap3A_553 = arith.index_cast %mul3A_546 : i32 to index
          %swap3A_554 = tpu.vector_load %arg9[%swap3A_550, %swap3A_551, %swap3A_552, %swap3A_553] {strides = array<i32>} : memref<4x4x8x128xf32, #tpu.memory_space<vmem>>, vector<16xf32>,
          tpu.vector_store %arg9[%swap3A_550, %swap3A_551, %swap3A_552, %swap3A_553], %add3A_418 {strides = array<i32>} : memref<4x4x8x128xf32, #tpu.memory_space<vmem>>, vector<16xf32>,
          %mul3A_555 = arith.constant 16 : i32
          %mul3A_556 = arith.muli %scan3A_91, %mul3A_555 : i32
          %swap3A_557 = arith.constant 3 : i32
          %swap3A_558 = arith.constant 0 : i32
          %swap3A_559 = arith.constant 6 : i32
          %swap3A_560 = arith.index_cast %swap3A_557 : i32 to index
          %swap3A_561 = arith.index_cast %swap3A_558 : i32 to index
          %swap3A_562 = arith.index_cast %swap3A_559 : i32 to index
          %swap3A_563 = arith.index_cast %mul3A_556 : i32 to index
          %swap3A_564 = tpu.vector_load %arg9[%swap3A_560, %swap3A_561, %swap3A_562, %swap3A_563] {strides = array<i32>} : memref<4x4x8x128xf32, #tpu.memory_space<vmem>>, vector<16xf32>,
          tpu.vector_store %arg9[%swap3A_560, %swap3A_561, %swap3A_562, %swap3A_563], %add3A_422 {strides = array<i32>} : memref<4x4x8x128xf32, #tpu.memory_space<vmem>>, vector<16xf32>,
          %mul3A_565 = arith.constant 16 : i32
          %mul3A_566 = arith.muli %scan3A_91, %mul3A_565 : i32
          %swap3A_567 = arith.constant 0 : i32
          %swap3A_568 = arith.constant 0 : i32
          %swap3A_569 = arith.constant 7 : i32
          %swap3A_570 = arith.index_cast %swap3A_567 : i32 to index
          %swap3A_571 = arith.index_cast %swap3A_568 : i32 to index
          %swap3A_572 = arith.index_cast %swap3A_569 : i32 to index
          %swap3A_573 = arith.index_cast %mul3A_566 : i32 to index
          %swap3A_574 = tpu.vector_load %arg9[%swap3A_570, %swap3A_571, %swap3A_572, %swap3A_573] {strides = array<i32>} : memref<4x4x8x128xf32, #tpu.memory_space<vmem>>, vector<16xf32>,
          tpu.vector_store %arg9[%swap3A_570, %swap3A_571, %swap3A_572, %swap3A_573], %add3A_432 {strides = array<i32>} : memref<4x4x8x128xf32, #tpu.memory_space<vmem>>, vector<16xf32>,
          %mul3A_575 = arith.constant 16 : i32
          %mul3A_576 = arith.muli %scan3A_91, %mul3A_575 : i32
          %swap3A_577 = arith.constant 1 : i32
          %swap3A_578 = arith.constant 0 : i32
          %swap3A_579 = arith.constant 7 : i32
          %swap3A_580 = arith.index_cast %swap3A_577 : i32 to index
          %swap3A_581 = arith.index_cast %swap3A_578 : i32 to index
          %swap3A_582 = arith.index_cast %swap3A_579 : i32 to index
          %swap3A_583 = arith.index_cast %mul3A_576 : i32 to index
          %swap3A_584 = tpu.vector_load %arg9[%swap3A_580, %swap3A_581, %swap3A_582, %swap3A_583] {strides = array<i32>} : memref<4x4x8x128xf32, #tpu.memory_space<vmem>>, vector<16xf32>,
          tpu.vector_store %arg9[%swap3A_580, %swap3A_581, %swap3A_582, %swap3A_583], %add3A_436 {strides = array<i32>} : memref<4x4x8x128xf32, #tpu.memory_space<vmem>>, vector<16xf32>,
          %mul3A_585 = arith.constant 16 : i32
          %mul3A_586 = arith.muli %scan3A_91, %mul3A_585 : i32
          %swap3A_587 = arith.constant 2 : i32
          %swap3A_588 = arith.constant 0 : i32
          %swap3A_589 = arith.constant 7 : i32
          %swap3A_590 = arith.index_cast %swap3A_587 : i32 to index
          %swap3A_591 = arith.index_cast %swap3A_588 : i32 to index
          %swap3A_592 = arith.index_cast %swap3A_589 : i32 to index
          %swap3A_593 = arith.index_cast %mul3A_586 : i32 to index
          %swap3A_594 = tpu.vector_load %arg9[%swap3A_590, %swap3A_591, %swap3A_592, %swap3A_593] {strides = array<i32>} : memref<4x4x8x128xf32, #tpu.memory_space<vmem>>, vector<16xf32>,
          tpu.vector_store %arg9[%swap3A_590, %swap3A_591, %swap3A_592, %swap3A_593], %add3A_440 {strides = array<i32>} : memref<4x4x8x128xf32, #tpu.memory_space<vmem>>, vector<16xf32>,
          %mul3A_595 = arith.constant 16 : i32
          %mul3A_596 = arith.muli %scan3A_91, %mul3A_595 : i32
          %swap3A_597 = arith.constant 3 : i32
          %swap3A_598 = arith.constant 0 : i32
          %swap3A_599 = arith.constant 7 : i32
          %swap3A_600 = arith.index_cast %swap3A_597 : i32 to index
          %swap3A_601 = arith.index_cast %swap3A_598 : i32 to index
          %swap3A_602 = arith.index_cast %swap3A_599 : i32 to index
          %swap3A_603 = arith.index_cast %mul3A_596 : i32 to index
          %swap3A_604 = tpu.vector_load %arg9[%swap3A_600, %swap3A_601, %swap3A_602, %swap3A_603] {strides = array<i32>} : memref<4x4x8x128xf32, #tpu.memory_space<vmem>>, vector<16xf32>,
          tpu.vector_store %arg9[%swap3A_600, %swap3A_601, %swap3A_602, %swap3A_603], %add3A_444 {strides = array<i32>} : memref<4x4x8x128xf32, #tpu.memory_space<vmem>>, vector<16xf32>,
          %get3A_605 = arith.constant 1 : i32
          %get3A_606 = arith.constant 0 : i32
          %get3A_607 = arith.index_cast %get3A_605 : i32 to index
          %get3A_608 = arith.index_cast %get3A_606 : i32 to index
          %get3A_609 = arith.index_cast %add3A_96 : i32 to index
          %get3A_610 = tpu.vector_load %arg8[%get3A_607, %get3A_608, %get3A_609] {strides = array<i32>} : memref<4x8x2048xf32, #tpu.memory_space<vmem>>, vector<16xf32>,
          %broadcast_in_dim3A_611 = arith.constant 8 : i32
          %broadcast_in_dim3A_612 = vector.broadcast %broadcast_in_dim3A_611 : i32 to vector<16xi32>
          %gather3A_613 = tpu.vector_load_idx %arg7[%broadcast_in_dim3A_612, %get3A_99] : memref<32x8xf32, #tpu.memory_space<vmem>>[vector<16xi32>, vector<16xi32>], vector<16xf32>,
          %add3A_614 = arith.addf %gather3A_613, %get3A_610 : vector<16xf32>
          %broadcast_in_dim3A_615 = arith.constant 8 : i32
          %broadcast_in_dim3A_616 = vector.broadcast %broadcast_in_dim3A_615 : i32 to vector<16xi32>
          %gather3A_617 = tpu.vector_load_idx %arg7[%broadcast_in_dim3A_616, %get3A_103] : memref<32x8xf32, #tpu.memory_space<vmem>>[vector<16xi32>, vector<16xi32>], vector<16xf32>,
          %add3A_618 = arith.addf %gather3A_617, %get3A_610 : vector<16xf32>
          %broadcast_in_dim3A_619 = arith.constant 8 : i32
          %broadcast_in_dim3A_620 = vector.broadcast %broadcast_in_dim3A_619 : i32 to vector<16xi32>
          %gather3A_621 = tpu.vector_load_idx %arg7[%broadcast_in_dim3A_620, %get3A_107] : memref<32x8xf32, #tpu.memory_space<vmem>>[vector<16xi32>, vector<16xi32>], vector<16xf32>,
          %add3A_622 = arith.addf %gather3A_621, %get3A_610 : vector<16xf32>
          %broadcast_in_dim3A_623 = arith.constant 8 : i32
          %broadcast_in_dim3A_624 = vector.broadcast %broadcast_in_dim3A_623 : i32 to vector<16xi32>
          %gather3A_625 = tpu.vector_load_idx %arg7[%broadcast_in_dim3A_624, %get3A_111] : memref<32x8xf32, #tpu.memory_space<vmem>>[vector<16xi32>, vector<16xi32>], vector<16xf32>,
          %add3A_626 = arith.addf %gather3A_625, %get3A_610 : vector<16xf32>
          %get3A_627 = arith.constant 1 : i32
          %get3A_628 = arith.constant 1 : i32
          %get3A_629 = arith.index_cast %get3A_627 : i32 to index
          %get3A_630 = arith.index_cast %get3A_628 : i32 to index
          %get3A_631 = arith.index_cast %add3A_96 : i32 to index
          %get3A_632 = tpu.vector_load %arg8[%get3A_629, %get3A_630, %get3A_631] {strides = array<i32>} : memref<4x8x2048xf32, #tpu.memory_space<vmem>>, vector<16xf32>,
          %broadcast_in_dim3A_633 = arith.constant 9 : i32
          %broadcast_in_dim3A_634 = vector.broadcast %broadcast_in_dim3A_633 : i32 to vector<16xi32>
          %gather3A_635 = tpu.vector_load_idx %arg7[%broadcast_in_dim3A_634, %get3A_99] : memref<32x8xf32, #tpu.memory_space<vmem>>[vector<16xi32>, vector<16xi32>], vector<16xf32>,
          %add3A_636 = arith.addf %gather3A_635, %get3A_632 : vector<16xf32>
          %broadcast_in_dim3A_637 = arith.constant 9 : i32
          %broadcast_in_dim3A_638 = vector.broadcast %broadcast_in_dim3A_637 : i32 to vector<16xi32>
          %gather3A_639 = tpu.vector_load_idx %arg7[%broadcast_in_dim3A_638, %get3A_103] : memref<32x8xf32, #tpu.memory_space<vmem>>[vector<16xi32>, vector<16xi32>], vector<16xf32>,
          %add3A_640 = arith.addf %gather3A_639, %get3A_632 : vector<16xf32>
          %broadcast_in_dim3A_641 = arith.constant 9 : i32
          %broadcast_in_dim3A_642 = vector.broadcast %broadcast_in_dim3A_641 : i32 to vector<16xi32>
          %gather3A_643 = tpu.vector_load_idx %arg7[%broadcast_in_dim3A_642, %get3A_107] : memref<32x8xf32, #tpu.memory_space<vmem>>[vector<16xi32>, vector<16xi32>], vector<16xf32>,
          %add3A_644 = arith.addf %gather3A_643, %get3A_632 : vector<16xf32>
          %broadcast_in_dim3A_645 = arith.constant 9 : i32
          %broadcast_in_dim3A_646 = vector.broadcast %broadcast_in_dim3A_645 : i32 to vector<16xi32>
          %gather3A_647 = tpu.vector_load_idx %arg7[%broadcast_in_dim3A_646, %get3A_111] : memref<32x8xf32, #tpu.memory_space<vmem>>[vector<16xi32>, vector<16xi32>], vector<16xf32>,
          %add3A_648 = arith.addf %gather3A_647, %get3A_632 : vector<16xf32>
          %get3A_649 = arith.constant 1 : i32
          %get3A_650 = arith.constant 2 : i32
          %get3A_651 = arith.index_cast %get3A_649 : i32 to index
          %get3A_652 = arith.index_cast %get3A_650 : i32 to index
          %get3A_653 = arith.index_cast %add3A_96 : i32 to index
          %get3A_654 = tpu.vector_load %arg8[%get3A_651, %get3A_652, %get3A_653] {strides = array<i32>} : memref<4x8x2048xf32, #tpu.memory_space<vmem>>, vector<16xf32>,
          %broadcast_in_dim3A_655 = arith.constant 10 : i32
          %broadcast_in_dim3A_656 = vector.broadcast %broadcast_in_dim3A_655 : i32 to vector<16xi32>
          %gather3A_657 = tpu.vector_load_idx %arg7[%broadcast_in_dim3A_656, %get3A_99] : memref<32x8xf32, #tpu.memory_space<vmem>>[vector<16xi32>, vector<16xi32>], vector<16xf32>,
          %add3A_658 = arith.addf %gather3A_657, %get3A_654 : vector<16xf32>
          %broadcast_in_dim3A_659 = arith.constant 10 : i32
          %broadcast_in_dim3A_660 = vector.broadcast %broadcast_in_dim3A_659 : i32 to vector<16xi32>
          %gather3A_661 = tpu.vector_load_idx %arg7[%broadcast_in_dim3A_660, %get3A_103] : memref<32x8xf32, #tpu.memory_space<vmem>>[vector<16xi32>, vector<16xi32>], vector<16xf32>,
          %add3A_662 = arith.addf %gather3A_661, %get3A_654 : vector<16xf32>
          %broadcast_in_dim3A_663 = arith.constant 10 : i32
          %broadcast_in_dim3A_664 = vector.broadcast %broadcast_in_dim3A_663 : i32 to vector<16xi32>
          %gather3A_665 = tpu.vector_load_idx %arg7[%broadcast_in_dim3A_664, %get3A_107] : memref<32x8xf32, #tpu.memory_space<vmem>>[vector<16xi32>, vector<16xi32>], vector<16xf32>,
          %add3A_666 = arith.addf %gather3A_665, %get3A_654 : vector<16xf32>
          %broadcast_in_dim3A_667 = arith.constant 10 : i32
          %broadcast_in_dim3A_668 = vector.broadcast %broadcast_in_dim3A_667 : i32 to vector<16xi32>
          %gather3A_669 = tpu.vector_load_idx %arg7[%broadcast_in_dim3A_668, %get3A_111] : memref<32x8xf32, #tpu.memory_space<vmem>>[vector<16xi32>, vector<16xi32>], vector<16xf32>,
          %add3A_670 = arith.addf %gather3A_669, %get3A_654 : vector<16xf32>
          %get3A_671 = arith.constant 1 : i32
          %get3A_672 = arith.constant 3 : i32
          %get3A_673 = arith.index_cast %get3A_671 : i32 to index
          %get3A_674 = arith.index_cast %get3A_672 : i32 to index
          %get3A_675 = arith.index_cast %add3A_96 : i32 to index
          %get3A_676 = tpu.vector_load %arg8[%get3A_673, %get3A_674, %get3A_675] {strides = array<i32>} : memref<4x8x2048xf32, #tpu.memory_space<vmem>>, vector<16xf32>,
          %broadcast_in_dim3A_677 = arith.constant 11 : i32
          %broadcast_in_dim3A_678 = vector.broadcast %broadcast_in_dim3A_677 : i32 to vector<16xi32>
          %gather3A_679 = tpu.vector_load_idx %arg7[%broadcast_in_dim3A_678, %get3A_99] : memref<32x8xf32, #tpu.memory_space<vmem>>[vector<16xi32>, vector<16xi32>], vector<16xf32>,
          %add3A_680 = arith.addf %gather3A_679, %get3A_676 : vector<16xf32>
          %broadcast_in_dim3A_681 = arith.constant 11 : i32
          %broadcast_in_dim3A_682 = vector.broadcast %broadcast_in_dim3A_681 : i32 to vector<16xi32>
          %gather3A_683 = tpu.vector_load_idx %arg7[%broadcast_in_dim3A_682, %get3A_103] : memref<32x8xf32, #tpu.memory_space<vmem>>[vector<16xi32>, vector<16xi32>], vector<16xf32>,
          %add3A_684 = arith.addf %gather3A_683, %get3A_676 : vector<16xf32>
          %broadcast_in_dim3A_685 = arith.constant 11 : i32
          %broadcast_in_dim3A_686 = vector.broadcast %broadcast_in_dim3A_685 : i32 to vector<16xi32>
          %gather3A_687 = tpu.vector_load_idx %arg7[%broadcast_in_dim3A_686, %get3A_107] : memref<32x8xf32, #tpu.memory_space<vmem>>[vector<16xi32>, vector<16xi32>], vector<16xf32>,
          %add3A_688 = arith.addf %gather3A_687, %get3A_676 : vector<16xf32>
          %broadcast_in_dim3A_689 = arith.constant 11 : i32
          %broadcast_in_dim3A_690 = vector.broadcast %broadcast_in_dim3A_689 : i32 to vector<16xi32>
          %gather3A_691 = tpu.vector_load_idx %arg7[%broadcast_in_dim3A_690, %get3A_111] : memref<32x8xf32, #tpu.memory_space<vmem>>[vector<16xi32>, vector<16xi32>], vector<16xf32>,
          %add3A_692 = arith.addf %gather3A_691, %get3A_676 : vector<16xf32>
          %mul3A_693 = arith.constant 16 : i32
          %mul3A_694 = arith.muli %scan3A_91, %mul3A_693 : i32
          %swap3A_695 = arith.constant 0 : i32
          %swap3A_696 = arith.constant 1 : i32
          %swap3A_697 = arith.constant 0 : i32
          %swap3A_698 = arith.index_cast %swap3A_695 : i32 to index
          %swap3A_699 = arith.index_cast %swap3A_696 : i32 to index
          %swap3A_700 = arith.index_cast %swap3A_697 : i32 to index
          %swap3A_701 = arith.index_cast %mul3A_694 : i32 to index
          %swap3A_702 = tpu.vector_load %arg9[%swap3A_698, %swap3A_699, %swap3A_700, %swap3A_701] {strides = array<i32>} : memref<4x4x8x128xf32, #tpu.memory_space<vmem>>, vector<16xf32>,
          tpu.vector_store %arg9[%swap3A_698, %swap3A_699, %swap3A_700, %swap3A_701], %add3A_614 {strides = array<i32>} : memref<4x4x8x128xf32, #tpu.memory_space<vmem>>, vector<16xf32>,
          %mul3A_703 = arith.constant 16 : i32
          %mul3A_704 = arith.muli %scan3A_91, %mul3A_703 : i32
          %swap3A_705 = arith.constant 1 : i32
          %swap3A_706 = arith.constant 1 : i32
          %swap3A_707 = arith.constant 0 : i32
          %swap3A_708 = arith.index_cast %swap3A_705 : i32 to index
          %swap3A_709 = arith.index_cast %swap3A_706 : i32 to index
          %swap3A_710 = arith.index_cast %swap3A_707 : i32 to index
          %swap3A_711 = arith.index_cast %mul3A_704 : i32 to index
          %swap3A_712 = tpu.vector_load %arg9[%swap3A_708, %swap3A_709, %swap3A_710, %swap3A_711] {strides = array<i32>} : memref<4x4x8x128xf32, #tpu.memory_space<vmem>>, vector<16xf32>,
          tpu.vector_store %arg9[%swap3A_708, %swap3A_709, %swap3A_710, %swap3A_711], %add3A_618 {strides = array<i32>} : memref<4x4x8x128xf32, #tpu.memory_space<vmem>>, vector<16xf32>,
          %mul3A_713 = arith.constant 16 : i32
          %mul3A_714 = arith.muli %scan3A_91, %mul3A_713 : i32
          %swap3A_715 = arith.constant 2 : i32
          %swap3A_716 = arith.constant 1 : i32
          %swap3A_717 = arith.constant 0 : i32
          %swap3A_718 = arith.index_cast %swap3A_715 : i32 to index
          %swap3A_719 = arith.index_cast %swap3A_716 : i32 to index
          %swap3A_720 = arith.index_cast %swap3A_717 : i32 to index
          %swap3A_721 = arith.index_cast %mul3A_714 : i32 to index
          %swap3A_722 = tpu.vector_load %arg9[%swap3A_718, %swap3A_719, %swap3A_720, %swap3A_721] {strides = array<i32>} : memref<4x4x8x128xf32, #tpu.memory_space<vmem>>, vector<16xf32>,
          tpu.vector_store %arg9[%swap3A_718, %swap3A_719, %swap3A_720, %swap3A_721], %add3A_622 {strides = array<i32>} : memref<4x4x8x128xf32, #tpu.memory_space<vmem>>, vector<16xf32>,
          %mul3A_723 = arith.constant 16 : i32
          %mul3A_724 = arith.muli %scan3A_91, %mul3A_723 : i32
          %swap3A_725 = arith.constant 3 : i32
          %swap3A_726 = arith.constant 1 : i32
          %swap3A_727 = arith.constant 0 : i32
          %swap3A_728 = arith.index_cast %swap3A_725 : i32 to index
          %swap3A_729 = arith.index_cast %swap3A_726 : i32 to index
          %swap3A_730 = arith.index_cast %swap3A_727 : i32 to index
          %swap3A_731 = arith.index_cast %mul3A_724 : i32 to index
          %swap3A_732 = tpu.vector_load %arg9[%swap3A_728, %swap3A_729, %swap3A_730, %swap3A_731] {strides = array<i32>} : memref<4x4x8x128xf32, #tpu.memory_space<vmem>>, vector<16xf32>,
          tpu.vector_store %arg9[%swap3A_728, %swap3A_729, %swap3A_730, %swap3A_731], %add3A_626 {strides = array<i32>} : memref<4x4x8x128xf32, #tpu.memory_space<vmem>>, vector<16xf32>,
          %mul3A_733 = arith.constant 16 : i32
          %mul3A_734 = arith.muli %scan3A_91, %mul3A_733 : i32
          %swap3A_735 = arith.constant 0 : i32
          %swap3A_736 = arith.constant 1 : i32
          %swap3A_737 = arith.constant 1 : i32
          %swap3A_738 = arith.index_cast %swap3A_735 : i32 to index
          %swap3A_739 = arith.index_cast %swap3A_736 : i32 to index
          %swap3A_740 = arith.index_cast %swap3A_737 : i32 to index
          %swap3A_741 = arith.index_cast %mul3A_734 : i32 to index
          %swap3A_742 = tpu.vector_load %arg9[%swap3A_738, %swap3A_739, %swap3A_740, %swap3A_741] {strides = array<i32>} : memref<4x4x8x128xf32, #tpu.memory_space<vmem>>, vector<16xf32>,
          tpu.vector_store %arg9[%swap3A_738, %swap3A_739, %swap3A_740, %swap3A_741], %add3A_636 {strides = array<i32>} : memref<4x4x8x128xf32, #tpu.memory_space<vmem>>, vector<16xf32>,
          %mul3A_743 = arith.constant 16 : i32
          %mul3A_744 = arith.muli %scan3A_91, %mul3A_743 : i32
          %swap3A_745 = arith.constant 1 : i32
          %swap3A_746 = arith.constant 1 : i32
          %swap3A_747 = arith.constant 1 : i32
          %swap3A_748 = arith.index_cast %swap3A_745 : i32 to index
          %swap3A_749 = arith.index_cast %swap3A_746 : i32 to index
          %swap3A_750 = arith.index_cast %swap3A_747 : i32 to index
          %swap3A_751 = arith.index_cast %mul3A_744 : i32 to index
          %swap3A_752 = tpu.vector_load %arg9[%swap3A_748, %swap3A_749, %swap3A_750, %swap3A_751] {strides = array<i32>} : memref<4x4x8x128xf32, #tpu.memory_space<vmem>>, vector<16xf32>,
          tpu.vector_store %arg9[%swap3A_748, %swap3A_749, %swap3A_750, %swap3A_751], %add3A_640 {strides = array<i32>} : memref<4x4x8x128xf32, #tpu.memory_space<vmem>>, vector<16xf32>,
          %mul3A_753 = arith.constant 16 : i32
          %mul3A_754 = arith.muli %scan3A_91, %mul3A_753 : i32
          %swap3A_755 = arith.constant 2 : i32
          %swap3A_756 = arith.constant 1 : i32
          %swap3A_757 = arith.constant 1 : i32
          %swap3A_758 = arith.index_cast %swap3A_755 : i32 to index
          %swap3A_759 = arith.index_cast %swap3A_756 : i32 to index
          %swap3A_760 = arith.index_cast %swap3A_757 : i32 to index
          %swap3A_761 = arith.index_cast %mul3A_754 : i32 to index
          %swap3A_762 = tpu.vector_load %arg9[%swap3A_758, %swap3A_759, %swap3A_760, %swap3A_761] {strides = array<i32>} : memref<4x4x8x128xf32, #tpu.memory_space<vmem>>, vector<16xf32>,
          tpu.vector_store %arg9[%swap3A_758, %swap3A_759, %swap3A_760, %swap3A_761], %add3A_644 {strides = array<i32>} : memref<4x4x8x128xf32, #tpu.memory_space<vmem>>, vector<16xf32>,
          %mul3A_763 = arith.constant 16 : i32
          %mul3A_764 = arith.muli %scan3A_91, %mul3A_763 : i32
          %swap3A_765 = arith.constant 3 : i32
          %swap3A_766 = arith.constant 1 : i32
          %swap3A_767 = arith.constant 1 : i32
          %swap3A_768 = arith.index_cast %swap3A_765 : i32 to index
          %swap3A_769 = arith.index_cast %swap3A_766 : i32 to index
          %swap3A_770 = arith.index_cast %swap3A_767 : i32 to index
          %swap3A_771 = arith.index_cast %mul3A_764 : i32 to index
          %swap3A_772 = tpu.vector_load %arg9[%swap3A_768, %swap3A_769, %swap3A_770, %swap3A_771] {strides = array<i32>} : memref<4x4x8x128xf32, #tpu.memory_space<vmem>>, vector<16xf32>,
          tpu.vector_store %arg9[%swap3A_768, %swap3A_769, %swap3A_770, %swap3A_771], %add3A_648 {strides = array<i32>} : memref<4x4x8x128xf32, #tpu.memory_space<vmem>>, vector<16xf32>,
          %mul3A_773 = arith.constant 16 : i32
          %mul3A_774 = arith.muli %scan3A_91, %mul3A_773 : i32
          %swap3A_775 = arith.constant 0 : i32
          %swap3A_776 = arith.constant 1 : i32
          %swap3A_777 = arith.constant 2 : i32
          %swap3A_778 = arith.index_cast %swap3A_775 : i32 to index
          %swap3A_779 = arith.index_cast %swap3A_776 : i32 to index
          %swap3A_780 = arith.index_cast %swap3A_777 : i32 to index
          %swap3A_781 = arith.index_cast %mul3A_774 : i32 to index
          %swap3A_782 = tpu.vector_load %arg9[%swap3A_778, %swap3A_779, %swap3A_780, %swap3A_781] {strides = array<i32>} : memref<4x4x8x128xf32, #tpu.memory_space<vmem>>, vector<16xf32>,
          tpu.vector_store %arg9[%swap3A_778, %swap3A_779, %swap3A_780, %swap3A_781], %add3A_658 {strides = array<i32>} : memref<4x4x8x128xf32, #tpu.memory_space<vmem>>, vector<16xf32>,
          %mul3A_783 = arith.constant 16 : i32
          %mul3A_784 = arith.muli %scan3A_91, %mul3A_783 : i32
          %swap3A_785 = arith.constant 1 : i32
          %swap3A_786 = arith.constant 1 : i32
          %swap3A_787 = arith.constant 2 : i32
          %swap3A_788 = arith.index_cast %swap3A_785 : i32 to index
          %swap3A_789 = arith.index_cast %swap3A_786 : i32 to index
          %swap3A_790 = arith.index_cast %swap3A_787 : i32 to index
          %swap3A_791 = arith.index_cast %mul3A_784 : i32 to index
          %swap3A_792 = tpu.vector_load %arg9[%swap3A_788, %swap3A_789, %swap3A_790, %swap3A_791] {strides = array<i32>} : memref<4x4x8x128xf32, #tpu.memory_space<vmem>>, vector<16xf32>,
          tpu.vector_store %arg9[%swap3A_788, %swap3A_789, %swap3A_790, %swap3A_791], %add3A_662 {strides = array<i32>} : memref<4x4x8x128xf32, #tpu.memory_space<vmem>>, vector<16xf32>,
          %mul3A_793 = arith.constant 16 : i32
          %mul3A_794 = arith.muli %scan3A_91, %mul3A_793 : i32
          %swap3A_795 = arith.constant 2 : i32
          %swap3A_796 = arith.constant 1 : i32
          %swap3A_797 = arith.constant 2 : i32
          %swap3A_798 = arith.index_cast %swap3A_795 : i32 to index
          %swap3A_799 = arith.index_cast %swap3A_796 : i32 to index
          %swap3A_800 = arith.index_cast %swap3A_797 : i32 to index
          %swap3A_801 = arith.index_cast %mul3A_794 : i32 to index
          %swap3A_802 = tpu.vector_load %arg9[%swap3A_798, %swap3A_799, %swap3A_800, %swap3A_801] {strides = array<i32>} : memref<4x4x8x128xf32, #tpu.memory_space<vmem>>, vector<16xf32>,
          tpu.vector_store %arg9[%swap3A_798, %swap3A_799, %swap3A_800, %swap3A_801], %add3A_666 {strides = array<i32>} : memref<4x4x8x128xf32, #tpu.memory_space<vmem>>, vector<16xf32>,
          %mul3A_803 = arith.constant 16 : i32
          %mul3A_804 = arith.muli %scan3A_91, %mul3A_803 : i32
          %swap3A_805 = arith.constant 3 : i32
          %swap3A_806 = arith.constant 1 : i32
          %swap3A_807 = arith.constant 2 : i32
          %swap3A_808 = arith.index_cast %swap3A_805 : i32 to index
          %swap3A_809 = arith.index_cast %swap3A_806 : i32 to index
          %swap3A_810 = arith.index_cast %swap3A_807 : i32 to index
          %swap3A_811 = arith.index_cast %mul3A_804 : i32 to index
          %swap3A_812 = tpu.vector_load %arg9[%swap3A_808, %swap3A_809, %swap3A_810, %swap3A_811] {strides = array<i32>} : memref<4x4x8x128xf32, #tpu.memory_space<vmem>>, vector<16xf32>,
          tpu.vector_store %arg9[%swap3A_808, %swap3A_809, %swap3A_810, %swap3A_811], %add3A_670 {strides = array<i32>} : memref<4x4x8x128xf32, #tpu.memory_space<vmem>>, vector<16xf32>,
          %mul3A_813 = arith.constant 16 : i32
          %mul3A_814 = arith.muli %scan3A_91, %mul3A_813 : i32
          %swap3A_815 = arith.constant 0 : i32
          %swap3A_816 = arith.constant 1 : i32
          %swap3A_817 = arith.constant 3 : i32
          %swap3A_818 = arith.index_cast %swap3A_815 : i32 to index
          %swap3A_819 = arith.index_cast %swap3A_816 : i32 to index
          %swap3A_820 = arith.index_cast %swap3A_817 : i32 to index
          %swap3A_821 = arith.index_cast %mul3A_814 : i32 to index
          %swap3A_822 = tpu.vector_load %arg9[%swap3A_818, %swap3A_819, %swap3A_820, %swap3A_821] {strides = array<i32>} : memref<4x4x8x128xf32, #tpu.memory_space<vmem>>, vector<16xf32>,
          tpu.vector_store %arg9[%swap3A_818, %swap3A_819, %swap3A_820, %swap3A_821], %add3A_680 {strides = array<i32>} : memref<4x4x8x128xf32, #tpu.memory_space<vmem>>, vector<16xf32>,
          %mul3A_823 = arith.constant 16 : i32
          %mul3A_824 = arith.muli %scan3A_91, %mul3A_823 : i32
          %swap3A_825 = arith.constant 1 : i32
          %swap3A_826 = arith.constant 1 : i32
          %swap3A_827 = arith.constant 3 : i32
          %swap3A_828 = arith.index_cast %swap3A_825 : i32 to index
          %swap3A_829 = arith.index_cast %swap3A_826 : i32 to index
          %swap3A_830 = arith.index_cast %swap3A_827 : i32 to index
          %swap3A_831 = arith.index_cast %mul3A_824 : i32 to index
          %swap3A_832 = tpu.vector_load %arg9[%swap3A_828, %swap3A_829, %swap3A_830, %swap3A_831] {strides = array<i32>} : memref<4x4x8x128xf32, #tpu.memory_space<vmem>>, vector<16xf32>,
          tpu.vector_store %arg9[%swap3A_828, %swap3A_829, %swap3A_830, %swap3A_831], %add3A_684 {strides = array<i32>} : memref<4x4x8x128xf32, #tpu.memory_space<vmem>>, vector<16xf32>,
          %mul3A_833 = arith.constant 16 : i32
          %mul3A_834 = arith.muli %scan3A_91, %mul3A_833 : i32
          %swap3A_835 = arith.constant 2 : i32
          %swap3A_836 = arith.constant 1 : i32
          %swap3A_837 = arith.constant 3 : i32
          %swap3A_838 = arith.index_cast %swap3A_835 : i32 to index
          %swap3A_839 = arith.index_cast %swap3A_836 : i32 to index
          %swap3A_840 = arith.index_cast %swap3A_837 : i32 to index
          %swap3A_841 = arith.index_cast %mul3A_834 : i32 to index
          %swap3A_842 = tpu.vector_load %arg9[%swap3A_838, %swap3A_839, %swap3A_840, %swap3A_841] {strides = array<i32>} : memref<4x4x8x128xf32, #tpu.memory_space<vmem>>, vector<16xf32>,
          tpu.vector_store %arg9[%swap3A_838, %swap3A_839, %swap3A_840, %swap3A_841], %add3A_688 {strides = array<i32>} : memref<4x4x8x128xf32, #tpu.memory_space<vmem>>, vector<16xf32>,
          %mul3A_843 = arith.constant 16 : i32
          %mul3A_844 = arith.muli %scan3A_91, %mul3A_843 : i32
          %swap3A_845 = arith.constant 3 : i32
          %swap3A_846 = arith.constant 1 : i32
          %swap3A_847 = arith.constant 3 : i32
          %swap3A_848 = arith.index_cast %swap3A_845 : i32 to index
          %swap3A_849 = arith.index_cast %swap3A_846 : i32 to index
          %swap3A_850 = arith.index_cast %swap3A_847 : i32 to index
          %swap3A_851 = arith.index_cast %mul3A_844 : i32 to index
          %swap3A_852 = tpu.vector_load %arg9[%swap3A_848, %swap3A_849, %swap3A_850, %swap3A_851] {strides = array<i32>} : memref<4x4x8x128xf32, #tpu.memory_space<vmem>>, vector<16xf32>,
          tpu.vector_store %arg9[%swap3A_848, %swap3A_849, %swap3A_850, %swap3A_851], %add3A_692 {strides = array<i32>} : memref<4x4x8x128xf32, #tpu.memory_space<vmem>>, vector<16xf32>,
          %get3A_853 = arith.constant 1 : i32
          %get3A_854 = arith.constant 4 : i32
          %get3A_855 = arith.index_cast %get3A_853 : i32 to index
          %get3A_856 = arith.index_cast %get3A_854 : i32 to index
          %get3A_857 = arith.index_cast %add3A_96 : i32 to index
          %get3A_858 = tpu.vector_load %arg8[%get3A_855, %get3A_856, %get3A_857] {strides = array<i32>} : memref<4x8x2048xf32, #tpu.memory_space<vmem>>, vector<16xf32>,
          %broadcast_in_dim3A_859 = arith.constant 12 : i32
          %broadcast_in_dim3A_860 = vector.broadcast %broadcast_in_dim3A_859 : i32 to vector<16xi32>
          %gather3A_861 = tpu.vector_load_idx %arg7[%broadcast_in_dim3A_860, %get3A_99] : memref<32x8xf32, #tpu.memory_space<vmem>>[vector<16xi32>, vector<16xi32>], vector<16xf32>,
          %add3A_862 = arith.addf %gather3A_861, %get3A_858 : vector<16xf32>
          %broadcast_in_dim3A_863 = arith.constant 12 : i32
          %broadcast_in_dim3A_864 = vector.broadcast %broadcast_in_dim3A_863 : i32 to vector<16xi32>
          %gather3A_865 = tpu.vector_load_idx %arg7[%broadcast_in_dim3A_864, %get3A_103] : memref<32x8xf32, #tpu.memory_space<vmem>>[vector<16xi32>, vector<16xi32>], vector<16xf32>,
          %add3A_866 = arith.addf %gather3A_865, %get3A_858 : vector<16xf32>
          %broadcast_in_dim3A_867 = arith.constant 12 : i32
          %broadcast_in_dim3A_868 = vector.broadcast %broadcast_in_dim3A_867 : i32 to vector<16xi32>
          %gather3A_869 = tpu.vector_load_idx %arg7[%broadcast_in_dim3A_868, %get3A_107] : memref<32x8xf32, #tpu.memory_space<vmem>>[vector<16xi32>, vector<16xi32>], vector<16xf32>,
          %add3A_870 = arith.addf %gather3A_869, %get3A_858 : vector<16xf32>
          %broadcast_in_dim3A_871 = arith.constant 12 : i32
          %broadcast_in_dim3A_872 = vector.broadcast %broadcast_in_dim3A_871 : i32 to vector<16xi32>
          %gather3A_873 = tpu.vector_load_idx %arg7[%broadcast_in_dim3A_872, %get3A_111] : memref<32x8xf32, #tpu.memory_space<vmem>>[vector<16xi32>, vector<16xi32>], vector<16xf32>,
          %add3A_874 = arith.addf %gather3A_873, %get3A_858 : vector<16xf32>
          %get3A_875 = arith.constant 1 : i32
          %get3A_876 = arith.constant 5 : i32
          %get3A_877 = arith.index_cast %get3A_875 : i32 to index
          %get3A_878 = arith.index_cast %get3A_876 : i32 to index
          %get3A_879 = arith.index_cast %add3A_96 : i32 to index
          %get3A_880 = tpu.vector_load %arg8[%get3A_877, %get3A_878, %get3A_879] {strides = array<i32>} : memref<4x8x2048xf32, #tpu.memory_space<vmem>>, vector<16xf32>,
          %broadcast_in_dim3A_881 = arith.constant 13 : i32
          %broadcast_in_dim3A_882 = vector.broadcast %broadcast_in_dim3A_881 : i32 to vector<16xi32>
          %gather3A_883 = tpu.vector_load_idx %arg7[%broadcast_in_dim3A_882, %get3A_99] : memref<32x8xf32, #tpu.memory_space<vmem>>[vector<16xi32>, vector<16xi32>], vector<16xf32>,
          %add3A_884 = arith.addf %gather3A_883, %get3A_880 : vector<16xf32>
          %broadcast_in_dim3A_885 = arith.constant 13 : i32
          %broadcast_in_dim3A_886 = vector.broadcast %broadcast_in_dim3A_885 : i32 to vector<16xi32>
          %gather3A_887 = tpu.vector_load_idx %arg7[%broadcast_in_dim3A_886, %get3A_103] : memref<32x8xf32, #tpu.memory_space<vmem>>[vector<16xi32>, vector<16xi32>], vector<16xf32>,
          %add3A_888 = arith.addf %gather3A_887, %get3A_880 : vector<16xf32>
          %broadcast_in_dim3A_889 = arith.constant 13 : i32
          %broadcast_in_dim3A_890 = vector.broadcast %broadcast_in_dim3A_889 : i32 to vector<16xi32>
          %gather3A_891 = tpu.vector_load_idx %arg7[%broadcast_in_dim3A_890, %get3A_107] : memref<32x8xf32, #tpu.memory_space<vmem>>[vector<16xi32>, vector<16xi32>], vector<16xf32>,
          %add3A_892 = arith.addf %gather3A_891, %get3A_880 : vector<16xf32>
          %broadcast_in_dim3A_893 = arith.constant 13 : i32
          %broadcast_in_dim3A_894 = vector.broadcast %broadcast_in_dim3A_893 : i32 to vector<16xi32>
          %gather3A_895 = tpu.vector_load_idx %arg7[%broadcast_in_dim3A_894, %get3A_111] : memref<32x8xf32, #tpu.memory_space<vmem>>[vector<16xi32>, vector<16xi32>], vector<16xf32>,
          %add3A_896 = arith.addf %gather3A_895, %get3A_880 : vector<16xf32>
          %get3A_897 = arith.constant 1 : i32
          %get3A_898 = arith.constant 6 : i32
          %get3A_899 = arith.index_cast %get3A_897 : i32 to index
          %get3A_900 = arith.index_cast %get3A_898 : i32 to index
          %get3A_901 = arith.index_cast %add3A_96 : i32 to index
          %get3A_902 = tpu.vector_load %arg8[%get3A_899, %get3A_900, %get3A_901] {strides = array<i32>} : memref<4x8x2048xf32, #tpu.memory_space<vmem>>, vector<16xf32>,
          %broadcast_in_dim3A_903 = arith.constant 14 : i32
          %broadcast_in_dim3A_904 = vector.broadcast %broadcast_in_dim3A_903 : i32 to vector<16xi32>
          %gather3A_905 = tpu.vector_load_idx %arg7[%broadcast_in_dim3A_904, %get3A_99] : memref<32x8xf32, #tpu.memory_space<vmem>>[vector<16xi32>, vector<16xi32>], vector<16xf32>,
          %add3A_906 = arith.addf %gather3A_905, %get3A_902 : vector<16xf32>
          %broadcast_in_dim3A_907 = arith.constant 14 : i32
          %broadcast_in_dim3A_908 = vector.broadcast %broadcast_in_dim3A_907 : i32 to vector<16xi32>
          %gather3A_909 = tpu.vector_load_idx %arg7[%broadcast_in_dim3A_908, %get3A_103] : memref<32x8xf32, #tpu.memory_space<vmem>>[vector<16xi32>, vector<16xi32>], vector<16xf32>,
          %add3A_910 = arith.addf %gather3A_909, %get3A_902 : vector<16xf32>
          %broadcast_in_dim3A_911 = arith.constant 14 : i32
          %broadcast_in_dim3A_912 = vector.broadcast %broadcast_in_dim3A_911 : i32 to vector<16xi32>
          %gather3A_913 = tpu.vector_load_idx %arg7[%broadcast_in_dim3A_912, %get3A_107] : memref<32x8xf32, #tpu.memory_space<vmem>>[vector<16xi32>, vector<16xi32>], vector<16xf32>,
          %add3A_914 = arith.addf %gather3A_913, %get3A_902 : vector<16xf32>
          %broadcast_in_dim3A_915 = arith.constant 14 : i32
          %broadcast_in_dim3A_916 = vector.broadcast %broadcast_in_dim3A_915 : i32 to vector<16xi32>
          %gather3A_917 = tpu.vector_load_idx %arg7[%broadcast_in_dim3A_916, %get3A_111] : memref<32x8xf32, #tpu.memory_space<vmem>>[vector<16xi32>, vector<16xi32>], vector<16xf32>,
          %add3A_918 = arith.addf %gather3A_917, %get3A_902 : vector<16xf32>
          %get3A_919 = arith.constant 1 : i32
          %get3A_920 = arith.constant 7 : i32
          %get3A_921 = arith.index_cast %get3A_919 : i32 to index
          %get3A_922 = arith.index_cast %get3A_920 : i32 to index
          %get3A_923 = arith.index_cast %add3A_96 : i32 to index
          %get3A_924 = tpu.vector_load %arg8[%get3A_921, %get3A_922, %get3A_923] {strides = array<i32>} : memref<4x8x2048xf32, #tpu.memory_space<vmem>>, vector<16xf32>,
          %broadcast_in_dim3A_925 = arith.constant 15 : i32
          %broadcast_in_dim3A_926 = vector.broadcast %broadcast_in_dim3A_925 : i32 to vector<16xi32>
          %gather3A_927 = tpu.vector_load_idx %arg7[%broadcast_in_dim3A_926, %get3A_99] : memref<32x8xf32, #tpu.memory_space<vmem>>[vector<16xi32>, vector<16xi32>], vector<16xf32>,
          %add3A_928 = arith.addf %gather3A_927, %get3A_924 : vector<16xf32>
          %broadcast_in_dim3A_929 = arith.constant 15 : i32
          %broadcast_in_dim3A_930 = vector.broadcast %broadcast_in_dim3A_929 : i32 to vector<16xi32>
          %gather3A_931 = tpu.vector_load_idx %arg7[%broadcast_in_dim3A_930, %get3A_103] : memref<32x8xf32, #tpu.memory_space<vmem>>[vector<16xi32>, vector<16xi32>], vector<16xf32>,
          %add3A_932 = arith.addf %gather3A_931, %get3A_924 : vector<16xf32>
          %broadcast_in_dim3A_933 = arith.constant 15 : i32
          %broadcast_in_dim3A_934 = vector.broadcast %broadcast_in_dim3A_933 : i32 to vector<16xi32>
          %gather3A_935 = tpu.vector_load_idx %arg7[%broadcast_in_dim3A_934, %get3A_107] : memref<32x8xf32, #tpu.memory_space<vmem>>[vector<16xi32>, vector<16xi32>], vector<16xf32>,
          %add3A_936 = arith.addf %gather3A_935, %get3A_924 : vector<16xf32>
          %broadcast_in_dim3A_937 = arith.constant 15 : i32
          %broadcast_in_dim3A_938 = vector.broadcast %broadcast_in_dim3A_937 : i32 to vector<16xi32>
          %gather3A_939 = tpu.vector_load_idx %arg7[%broadcast_in_dim3A_938, %get3A_111] : memref<32x8xf32, #tpu.memory_space<vmem>>[vector<16xi32>, vector<16xi32>], vector<16xf32>,
          %add3A_940 = arith.addf %gather3A_939, %get3A_924 : vector<16xf32>
          %mul3A_941 = arith.constant 16 : i32
          %mul3A_942 = arith.muli %scan3A_91, %mul3A_941 : i32
          %swap3A_943 = arith.constant 0 : i32
          %swap3A_944 = arith.constant 1 : i32
          %swap3A_945 = arith.constant 4 : i32
          %swap3A_946 = arith.index_cast %swap3A_943 : i32 to index
          %swap3A_947 = arith.index_cast %swap3A_944 : i32 to index
          %swap3A_948 = arith.index_cast %swap3A_945 : i32 to index
          %swap3A_949 = arith.index_cast %mul3A_942 : i32 to index
          %swap3A_950 = tpu.vector_load %arg9[%swap3A_946, %swap3A_947, %swap3A_948, %swap3A_949] {strides = array<i32>} : memref<4x4x8x128xf32, #tpu.memory_space<vmem>>, vector<16xf32>,
          tpu.vector_store %arg9[%swap3A_946, %swap3A_947, %swap3A_948, %swap3A_949], %add3A_862 {strides = array<i32>} : memref<4x4x8x128xf32, #tpu.memory_space<vmem>>, vector<16xf32>,
          %mul3A_951 = arith.constant 16 : i32
          %mul3A_952 = arith.muli %scan3A_91, %mul3A_951 : i32
          %swap3A_953 = arith.constant 1 : i32
          %swap3A_954 = arith.constant 1 : i32
          %swap3A_955 = arith.constant 4 : i32
          %swap3A_956 = arith.index_cast %swap3A_953 : i32 to index
          %swap3A_957 = arith.index_cast %swap3A_954 : i32 to index
          %swap3A_958 = arith.index_cast %swap3A_955 : i32 to index
          %swap3A_959 = arith.index_cast %mul3A_952 : i32 to index
          %swap3A_960 = tpu.vector_load %arg9[%swap3A_956, %swap3A_957, %swap3A_958, %swap3A_959] {strides = array<i32>} : memref<4x4x8x128xf32, #tpu.memory_space<vmem>>, vector<16xf32>,
          tpu.vector_store %arg9[%swap3A_956, %swap3A_957, %swap3A_958, %swap3A_959], %add3A_866 {strides = array<i32>} : memref<4x4x8x128xf32, #tpu.memory_space<vmem>>, vector<16xf32>,
          %mul3A_961 = arith.constant 16 : i32
          %mul3A_962 = arith.muli %scan3A_91, %mul3A_961 : i32
          %swap3A_963 = arith.constant 2 : i32
          %swap3A_964 = arith.constant 1 : i32
          %swap3A_965 = arith.constant 4 : i32
          %swap3A_966 = arith.index_cast %swap3A_963 : i32 to index
          %swap3A_967 = arith.index_cast %swap3A_964 : i32 to index
          %swap3A_968 = arith.index_cast %swap3A_965 : i32 to index
          %swap3A_969 = arith.index_cast %mul3A_962 : i32 to index
          %swap3A_970 = tpu.vector_load %arg9[%swap3A_966, %swap3A_967, %swap3A_968, %swap3A_969] {strides = array<i32>} : memref<4x4x8x128xf32, #tpu.memory_space<vmem>>, vector<16xf32>,
          tpu.vector_store %arg9[%swap3A_966, %swap3A_967, %swap3A_968, %swap3A_969], %add3A_870 {strides = array<i32>} : memref<4x4x8x128xf32, #tpu.memory_space<vmem>>, vector<16xf32>,
          %mul3A_971 = arith.constant 16 : i32
          %mul3A_972 = arith.muli %scan3A_91, %mul3A_971 : i32
          %swap3A_973 = arith.constant 3 : i32
          %swap3A_974 = arith.constant 1 : i32
          %swap3A_975 = arith.constant 4 : i32
          %swap3A_976 = arith.index_cast %swap3A_973 : i32 to index
          %swap3A_977 = arith.index_cast %swap3A_974 : i32 to index
          %swap3A_978 = arith.index_cast %swap3A_975 : i32 to index
          %swap3A_979 = arith.index_cast %mul3A_972 : i32 to index
          %swap3A_980 = tpu.vector_load %arg9[%swap3A_976, %swap3A_977, %swap3A_978, %swap3A_979] {strides = array<i32>} : memref<4x4x8x128xf32, #tpu.memory_space<vmem>>, vector<16xf32>,
          tpu.vector_store %arg9[%swap3A_976, %swap3A_977, %swap3A_978, %swap3A_979], %add3A_874 {strides = array<i32>} : memref<4x4x8x128xf32, #tpu.memory_space<vmem>>, vector<16xf32>,
          %mul3A_981 = arith.constant 16 : i32
          %mul3A_982 = arith.muli %scan3A_91, %mul3A_981 : i32
          %swap3A_983 = arith.constant 0 : i32
          %swap3A_984 = arith.constant 1 : i32
          %swap3A_985 = arith.constant 5 : i32
          %swap3A_986 = arith.index_cast %swap3A_983 : i32 to index
          %swap3A_987 = arith.index_cast %swap3A_984 : i32 to index
          %swap3A_988 = arith.index_cast %swap3A_985 : i32 to index
          %swap3A_989 = arith.index_cast %mul3A_982 : i32 to index
          %swap3A_990 = tpu.vector_load %arg9[%swap3A_986, %swap3A_987, %swap3A_988, %swap3A_989] {strides = array<i32>} : memref<4x4x8x128xf32, #tpu.memory_space<vmem>>, vector<16xf32>,
          tpu.vector_store %arg9[%swap3A_986, %swap3A_987, %swap3A_988, %swap3A_989], %add3A_884 {strides = array<i32>} : memref<4x4x8x128xf32, #tpu.memory_space<vmem>>, vector<16xf32>,
          %mul3A_991 = arith.constant 16 : i32
          %mul3A_992 = arith.muli %scan3A_91, %mul3A_991 : i32
          %swap3A_993 = arith.constant 1 : i32
          %swap3A_994 = arith.constant 1 : i32
          %swap3A_995 = arith.constant 5 : i32
          %swap3A_996 = arith.index_cast %swap3A_993 : i32 to index
          %swap3A_997 = arith.index_cast %swap3A_994 : i32 to index
          %swap3A_998 = arith.index_cast %swap3A_995 : i32 to index
          %swap3A_999 = arith.index_cast %mul3A_992 : i32 to index
          %swap3A_1000 = tpu.vector_load %arg9[%swap3A_996, %swap3A_997, %swap3A_998, %swap3A_999] {strides = array<i32>} : memref<4x4x8x128xf32, #tpu.memory_space<vmem>>, vector<16xf32>,
          tpu.vector_store %arg9[%swap3A_996, %swap3A_997, %swap3A_998, %swap3A_999], %add3A_888 {strides = array<i32>} : memref<4x4x8x128xf32, #tpu.memory_space<vmem>>, vector<16xf32>,
          %mul3A_1001 = arith.constant 16 : i32
          %mul3A_1002 = arith.muli %scan3A_91, %mul3A_1001 : i32
          %swap3A_1003 = arith.constant 2 : i32
          %swap3A_1004 = arith.constant 1 : i32
          %swap3A_1005 = arith.constant 5 : i32
          %swap3A_1006 = arith.index_cast %swap3A_1003 : i32 to index
          %swap3A_1007 = arith.index_cast %swap3A_1004 : i32 to index
          %swap3A_1008 = arith.index_cast %swap3A_1005 : i32 to index
          %swap3A_1009 = arith.index_cast %mul3A_1002 : i32 to index
          %swap3A_1010 = tpu.vector_load %arg9[%swap3A_1006, %swap3A_1007, %swap3A_1008, %swap3A_1009] {strides = array<i32>} : memref<4x4x8x128xf32, #tpu.memory_space<vmem>>, vector<16xf32>,
          tpu.vector_store %arg9[%swap3A_1006, %swap3A_1007, %swap3A_1008, %swap3A_1009], %add3A_892 {strides = array<i32>} : memref<4x4x8x128xf32, #tpu.memory_space<vmem>>, vector<16xf32>,
          %mul3A_1011 = arith.constant 16 : i32
          %mul3A_1012 = arith.muli %scan3A_91, %mul3A_1011 : i32
          %swap3A_1013 = arith.constant 3 : i32
          %swap3A_1014 = arith.constant 1 : i32
          %swap3A_1015 = arith.constant 5 : i32
          %swap3A_1016 = arith.index_cast %swap3A_1013 : i32 to index
          %swap3A_1017 = arith.index_cast %swap3A_1014 : i32 to index
          %swap3A_1018 = arith.index_cast %swap3A_1015 : i32 to index
          %swap3A_1019 = arith.index_cast %mul3A_1012 : i32 to index
          %swap3A_1020 = tpu.vector_load %arg9[%swap3A_1016, %swap3A_1017, %swap3A_1018, %swap3A_1019] {strides = array<i32>} : memref<4x4x8x128xf32, #tpu.memory_space<vmem>>, vector<16xf32>,
          tpu.vector_store %arg9[%swap3A_1016, %swap3A_1017, %swap3A_1018, %swap3A_1019], %add3A_896 {strides = array<i32>} : memref<4x4x8x128xf32, #tpu.memory_space<vmem>>, vector<16xf32>,
          %mul3A_1021 = arith.constant 16 : i32
          %mul3A_1022 = arith.muli %scan3A_91, %mul3A_1021 : i32
          %swap3A_1023 = arith.constant 0 : i32
          %swap3A_1024 = arith.constant 1 : i32
          %swap3A_1025 = arith.constant 6 : i32
          %swap3A_1026 = arith.index_cast %swap3A_1023 : i32 to index
          %swap3A_1027 = arith.index_cast %swap3A_1024 : i32 to index
          %swap3A_1028 = arith.index_cast %swap3A_1025 : i32 to index
          %swap3A_1029 = arith.index_cast %mul3A_1022 : i32 to index
          %swap3A_1030 = tpu.vector_load %arg9[%swap3A_1026, %swap3A_1027, %swap3A_1028, %swap3A_1029] {strides = array<i32>} : memref<4x4x8x128xf32, #tpu.memory_space<vmem>>, vector<16xf32>,
          tpu.vector_store %arg9[%swap3A_1026, %swap3A_1027, %swap3A_1028, %swap3A_1029], %add3A_906 {strides = array<i32>} : memref<4x4x8x128xf32, #tpu.memory_space<vmem>>, vector<16xf32>,
          %mul3A_1031 = arith.constant 16 : i32
          %mul3A_1032 = arith.muli %scan3A_91, %mul3A_1031 : i32
          %swap3A_1033 = arith.constant 1 : i32
          %swap3A_1034 = arith.constant 1 : i32
          %swap3A_1035 = arith.constant 6 : i32
          %swap3A_1036 = arith.index_cast %swap3A_1033 : i32 to index
          %swap3A_1037 = arith.index_cast %swap3A_1034 : i32 to index
          %swap3A_1038 = arith.index_cast %swap3A_1035 : i32 to index
          %swap3A_1039 = arith.index_cast %mul3A_1032 : i32 to index
          %swap3A_1040 = tpu.vector_load %arg9[%swap3A_1036, %swap3A_1037, %swap3A_1038, %swap3A_1039] {strides = array<i32>} : memref<4x4x8x128xf32, #tpu.memory_space<vmem>>, vector<16xf32>,
          tpu.vector_store %arg9[%swap3A_1036, %swap3A_1037, %swap3A_1038, %swap3A_1039], %add3A_910 {strides = array<i32>} : memref<4x4x8x128xf32, #tpu.memory_space<vmem>>, vector<16xf32>,
          %mul3A_1041 = arith.constant 16 : i32
          %mul3A_1042 = arith.muli %scan3A_91, %mul3A_1041 : i32
          %swap3A_1043 = arith.constant 2 : i32
          %swap3A_1044 = arith.constant 1 : i32
          %swap3A_1045 = arith.constant 6 : i32
          %swap3A_1046 = arith.index_cast %swap3A_1043 : i32 to index
          %swap3A_1047 = arith.index_cast %swap3A_1044 : i32 to index
          %swap3A_1048 = arith.index_cast %swap3A_1045 : i32 to index
          %swap3A_1049 = arith.index_cast %mul3A_1042 : i32 to index
          %swap3A_1050 = tpu.vector_load %arg9[%swap3A_1046, %swap3A_1047, %swap3A_1048, %swap3A_1049] {strides = array<i32>} : memref<4x4x8x128xf32, #tpu.memory_space<vmem>>, vector<16xf32>,
          tpu.vector_store %arg9[%swap3A_1046, %swap3A_1047, %swap3A_1048, %swap3A_1049], %add3A_914 {strides = array<i32>} : memref<4x4x8x128xf32, #tpu.memory_space<vmem>>, vector<16xf32>,
          %mul3A_1051 = arith.constant 16 : i32
          %mul3A_1052 = arith.muli %scan3A_91, %mul3A_1051 : i32
          %swap3A_1053 = arith.constant 3 : i32
          %swap3A_1054 = arith.constant 1 : i32
          %swap3A_1055 = arith.constant 6 : i32
          %swap3A_1056 = arith.index_cast %swap3A_1053 : i32 to index
          %swap3A_1057 = arith.index_cast %swap3A_1054 : i32 to index
          %swap3A_1058 = arith.index_cast %swap3A_1055 : i32 to index
          %swap3A_1059 = arith.index_cast %mul3A_1052 : i32 to index
          %swap3A_1060 = tpu.vector_load %arg9[%swap3A_1056, %swap3A_1057, %swap3A_1058, %swap3A_1059] {strides = array<i32>} : memref<4x4x8x128xf32, #tpu.memory_space<vmem>>, vector<16xf32>,
          tpu.vector_store %arg9[%swap3A_1056, %swap3A_1057, %swap3A_1058, %swap3A_1059], %add3A_918 {strides = array<i32>} : memref<4x4x8x128xf32, #tpu.memory_space<vmem>>, vector<16xf32>,
          %mul3A_1061 = arith.constant 16 : i32
          %mul3A_1062 = arith.muli %scan3A_91, %mul3A_1061 : i32
          %swap3A_1063 = arith.constant 0 : i32
          %swap3A_1064 = arith.constant 1 : i32
          %swap3A_1065 = arith.constant 7 : i32
          %swap3A_1066 = arith.index_cast %swap3A_1063 : i32 to index
          %swap3A_1067 = arith.index_cast %swap3A_1064 : i32 to index
          %swap3A_1068 = arith.index_cast %swap3A_1065 : i32 to index
          %swap3A_1069 = arith.index_cast %mul3A_1062 : i32 to index
          %swap3A_1070 = tpu.vector_load %arg9[%swap3A_1066, %swap3A_1067, %swap3A_1068, %swap3A_1069] {strides = array<i32>} : memref<4x4x8x128xf32, #tpu.memory_space<vmem>>, vector<16xf32>,
          tpu.vector_store %arg9[%swap3A_1066, %swap3A_1067, %swap3A_1068, %swap3A_1069], %add3A_928 {strides = array<i32>} : memref<4x4x8x128xf32, #tpu.memory_space<vmem>>, vector<16xf32>,
          %mul3A_1071 = arith.constant 16 : i32
          %mul3A_1072 = arith.muli %scan3A_91, %mul3A_1071 : i32
          %swap3A_1073 = arith.constant 1 : i32
          %swap3A_1074 = arith.constant 1 : i32
          %swap3A_1075 = arith.constant 7 : i32
          %swap3A_1076 = arith.index_cast %swap3A_1073 : i32 to index
          %swap3A_1077 = arith.index_cast %swap3A_1074 : i32 to index
          %swap3A_1078 = arith.index_cast %swap3A_1075 : i32 to index
          %swap3A_1079 = arith.index_cast %mul3A_1072 : i32 to index
          %swap3A_1080 = tpu.vector_load %arg9[%swap3A_1076, %swap3A_1077, %swap3A_1078, %swap3A_1079] {strides = array<i32>} : memref<4x4x8x128xf32, #tpu.memory_space<vmem>>, vector<16xf32>,
          tpu.vector_store %arg9[%swap3A_1076, %swap3A_1077, %swap3A_1078, %swap3A_1079], %add3A_932 {strides = array<i32>} : memref<4x4x8x128xf32, #tpu.memory_space<vmem>>, vector<16xf32>,
          %mul3A_1081 = arith.constant 16 : i32
          %mul3A_1082 = arith.muli %scan3A_91, %mul3A_1081 : i32
          %swap3A_1083 = arith.constant 2 : i32
          %swap3A_1084 = arith.constant 1 : i32
          %swap3A_1085 = arith.constant 7 : i32
          %swap3A_1086 = arith.index_cast %swap3A_1083 : i32 to index
          %swap3A_1087 = arith.index_cast %swap3A_1084 : i32 to index
          %swap3A_1088 = arith.index_cast %swap3A_1085 : i32 to index
          %swap3A_1089 = arith.index_cast %mul3A_1082 : i32 to index
          %swap3A_1090 = tpu.vector_load %arg9[%swap3A_1086, %swap3A_1087, %swap3A_1088, %swap3A_1089] {strides = array<i32>} : memref<4x4x8x128xf32, #tpu.memory_space<vmem>>, vector<16xf32>,
          tpu.vector_store %arg9[%swap3A_1086, %swap3A_1087, %swap3A_1088, %swap3A_1089], %add3A_936 {strides = array<i32>} : memref<4x4x8x128xf32, #tpu.memory_space<vmem>>, vector<16xf32>,
          %mul3A_1091 = arith.constant 16 : i32
          %mul3A_1092 = arith.muli %scan3A_91, %mul3A_1091 : i32
          %swap3A_1093 = arith.constant 3 : i32
          %swap3A_1094 = arith.constant 1 : i32
          %swap3A_1095 = arith.constant 7 : i32
          %swap3A_1096 = arith.index_cast %swap3A_1093 : i32 to index
          %swap3A_1097 = arith.index_cast %swap3A_1094 : i32 to index
          %swap3A_1098 = arith.index_cast %swap3A_1095 : i32 to index
          %swap3A_1099 = arith.index_cast %mul3A_1092 : i32 to index
          %swap3A_1100 = tpu.vector_load %arg9[%swap3A_1096, %swap3A_1097, %swap3A_1098, %swap3A_1099] {strides = array<i32>} : memref<4x4x8x128xf32, #tpu.memory_space<vmem>>, vector<16xf32>,
          tpu.vector_store %arg9[%swap3A_1096, %swap3A_1097, %swap3A_1098, %swap3A_1099], %add3A_940 {strides = array<i32>} : memref<4x4x8x128xf32, #tpu.memory_space<vmem>>, vector<16xf32>,
          %get3A_1101 = arith.constant 2 : i32
          %get3A_1102 = arith.constant 0 : i32
          %get3A_1103 = arith.index_cast %get3A_1101 : i32 to index
          %get3A_1104 = arith.index_cast %get3A_1102 : i32 to index
          %get3A_1105 = arith.index_cast %add3A_96 : i32 to index
          %get3A_1106 = tpu.vector_load %arg8[%get3A_1103, %get3A_1104, %get3A_1105] {strides = array<i32>} : memref<4x8x2048xf32, #tpu.memory_space<vmem>>, vector<16xf32>,
          %broadcast_in_dim3A_1107 = arith.constant 16 : i32
          %broadcast_in_dim3A_1108 = vector.broadcast %broadcast_in_dim3A_1107 : i32 to vector<16xi32>
          %gather3A_1109 = tpu.vector_load_idx %arg7[%broadcast_in_dim3A_1108, %get3A_99] : memref<32x8xf32, #tpu.memory_space<vmem>>[vector<16xi32>, vector<16xi32>], vector<16xf32>,
          %add3A_1110 = arith.addf %gather3A_1109, %get3A_1106 : vector<16xf32>
          %broadcast_in_dim3A_1111 = arith.constant 16 : i32
          %broadcast_in_dim3A_1112 = vector.broadcast %broadcast_in_dim3A_1111 : i32 to vector<16xi32>
          %gather3A_1113 = tpu.vector_load_idx %arg7[%broadcast_in_dim3A_1112, %get3A_103] : memref<32x8xf32, #tpu.memory_space<vmem>>[vector<16xi32>, vector<16xi32>], vector<16xf32>,
          %add3A_1114 = arith.addf %gather3A_1113, %get3A_1106 : vector<16xf32>
          %broadcast_in_dim3A_1115 = arith.constant 16 : i32
          %broadcast_in_dim3A_1116 = vector.broadcast %broadcast_in_dim3A_1115 : i32 to vector<16xi32>
          %gather3A_1117 = tpu.vector_load_idx %arg7[%broadcast_in_dim3A_1116, %get3A_107] : memref<32x8xf32, #tpu.memory_space<vmem>>[vector<16xi32>, vector<16xi32>], vector<16xf32>,
          %add3A_1118 = arith.addf %gather3A_1117, %get3A_1106 : vector<16xf32>
          %broadcast_in_dim3A_1119 = arith.constant 16 : i32
          %broadcast_in_dim3A_1120 = vector.broadcast %broadcast_in_dim3A_1119 : i32 to vector<16xi32>
          %gather3A_1121 = tpu.vector_load_idx %arg7[%broadcast_in_dim3A_1120, %get3A_111] : memref<32x8xf32, #tpu.memory_space<vmem>>[vector<16xi32>, vector<16xi32>], vector<16xf32>,
          %add3A_1122 = arith.addf %gather3A_1121, %get3A_1106 : vector<16xf32>
          %get3A_1123 = arith.constant 2 : i32
          %get3A_1124 = arith.constant 1 : i32
          %get3A_1125 = arith.index_cast %get3A_1123 : i32 to index
          %get3A_1126 = arith.index_cast %get3A_1124 : i32 to index
          %get3A_1127 = arith.index_cast %add3A_96 : i32 to index
          %get3A_1128 = tpu.vector_load %arg8[%get3A_1125, %get3A_1126, %get3A_1127] {strides = array<i32>} : memref<4x8x2048xf32, #tpu.memory_space<vmem>>, vector<16xf32>,
          %broadcast_in_dim3A_1129 = arith.constant 17 : i32
          %broadcast_in_dim3A_1130 = vector.broadcast %broadcast_in_dim3A_1129 : i32 to vector<16xi32>
          %gather3A_1131 = tpu.vector_load_idx %arg7[%broadcast_in_dim3A_1130, %get3A_99] : memref<32x8xf32, #tpu.memory_space<vmem>>[vector<16xi32>, vector<16xi32>], vector<16xf32>,
          %add3A_1132 = arith.addf %gather3A_1131, %get3A_1128 : vector<16xf32>
          %broadcast_in_dim3A_1133 = arith.constant 17 : i32
          %broadcast_in_dim3A_1134 = vector.broadcast %broadcast_in_dim3A_1133 : i32 to vector<16xi32>
          %gather3A_1135 = tpu.vector_load_idx %arg7[%broadcast_in_dim3A_1134, %get3A_103] : memref<32x8xf32, #tpu.memory_space<vmem>>[vector<16xi32>, vector<16xi32>], vector<16xf32>,
          %add3A_1136 = arith.addf %gather3A_1135, %get3A_1128 : vector<16xf32>
          %broadcast_in_dim3A_1137 = arith.constant 17 : i32
          %broadcast_in_dim3A_1138 = vector.broadcast %broadcast_in_dim3A_1137 : i32 to vector<16xi32>
          %gather3A_1139 = tpu.vector_load_idx %arg7[%broadcast_in_dim3A_1138, %get3A_107] : memref<32x8xf32, #tpu.memory_space<vmem>>[vector<16xi32>, vector<16xi32>], vector<16xf32>,
          %add3A_1140 = arith.addf %gather3A_1139, %get3A_1128 : vector<16xf32>
          %broadcast_in_dim3A_1141 = arith.constant 17 : i32
          %broadcast_in_dim3A_1142 = vector.broadcast %broadcast_in_dim3A_1141 : i32 to vector<16xi32>
          %gather3A_1143 = tpu.vector_load_idx %arg7[%broadcast_in_dim3A_1142, %get3A_111] : memref<32x8xf32, #tpu.memory_space<vmem>>[vector<16xi32>, vector<16xi32>], vector<16xf32>,
          %add3A_1144 = arith.addf %gather3A_1143, %get3A_1128 : vector<16xf32>
          %get3A_1145 = arith.constant 2 : i32
          %get3A_1146 = arith.constant 2 : i32
          %get3A_1147 = arith.index_cast %get3A_1145 : i32 to index
          %get3A_1148 = arith.index_cast %get3A_1146 : i32 to index
          %get3A_1149 = arith.index_cast %add3A_96 : i32 to index
          %get3A_1150 = tpu.vector_load %arg8[%get3A_1147, %get3A_1148, %get3A_1149] {strides = array<i32>} : memref<4x8x2048xf32, #tpu.memory_space<vmem>>, vector<16xf32>,
          %broadcast_in_dim3A_1151 = arith.constant 18 : i32
          %broadcast_in_dim3A_1152 = vector.broadcast %broadcast_in_dim3A_1151 : i32 to vector<16xi32>
          %gather3A_1153 = tpu.vector_load_idx %arg7[%broadcast_in_dim3A_1152, %get3A_99] : memref<32x8xf32, #tpu.memory_space<vmem>>[vector<16xi32>, vector<16xi32>], vector<16xf32>,
          %add3A_1154 = arith.addf %gather3A_1153, %get3A_1150 : vector<16xf32>
          %broadcast_in_dim3A_1155 = arith.constant 18 : i32
          %broadcast_in_dim3A_1156 = vector.broadcast %broadcast_in_dim3A_1155 : i32 to vector<16xi32>
          %gather3A_1157 = tpu.vector_load_idx %arg7[%broadcast_in_dim3A_1156, %get3A_103] : memref<32x8xf32, #tpu.memory_space<vmem>>[vector<16xi32>, vector<16xi32>], vector<16xf32>,
          %add3A_1158 = arith.addf %gather3A_1157, %get3A_1150 : vector<16xf32>
          %broadcast_in_dim3A_1159 = arith.constant 18 : i32
          %broadcast_in_dim3A_1160 = vector.broadcast %broadcast_in_dim3A_1159 : i32 to vector<16xi32>
          %gather3A_1161 = tpu.vector_load_idx %arg7[%broadcast_in_dim3A_1160, %get3A_107] : memref<32x8xf32, #tpu.memory_space<vmem>>[vector<16xi32>, vector<16xi32>], vector<16xf32>,
          %add3A_1162 = arith.addf %gather3A_1161, %get3A_1150 : vector<16xf32>
          %broadcast_in_dim3A_1163 = arith.constant 18 : i32
          %broadcast_in_dim3A_1164 = vector.broadcast %broadcast_in_dim3A_1163 : i32 to vector<16xi32>
          %gather3A_1165 = tpu.vector_load_idx %arg7[%broadcast_in_dim3A_1164, %get3A_111] : memref<32x8xf32, #tpu.memory_space<vmem>>[vector<16xi32>, vector<16xi32>], vector<16xf32>,
          %add3A_1166 = arith.addf %gather3A_1165, %get3A_1150 : vector<16xf32>
          %get3A_1167 = arith.constant 2 : i32
          %get3A_1168 = arith.constant 3 : i32
          %get3A_1169 = arith.index_cast %get3A_1167 : i32 to index
          %get3A_1170 = arith.index_cast %get3A_1168 : i32 to index
          %get3A_1171 = arith.index_cast %add3A_96 : i32 to index
          %get3A_1172 = tpu.vector_load %arg8[%get3A_1169, %get3A_1170, %get3A_1171] {strides = array<i32>} : memref<4x8x2048xf32, #tpu.memory_space<vmem>>, vector<16xf32>,
          %broadcast_in_dim3A_1173 = arith.constant 19 : i32
          %broadcast_in_dim3A_1174 = vector.broadcast %broadcast_in_dim3A_1173 : i32 to vector<16xi32>
          %gather3A_1175 = tpu.vector_load_idx %arg7[%broadcast_in_dim3A_1174, %get3A_99] : memref<32x8xf32, #tpu.memory_space<vmem>>[vector<16xi32>, vector<16xi32>], vector<16xf32>,
          %add3A_1176 = arith.addf %gather3A_1175, %get3A_1172 : vector<16xf32>
          %broadcast_in_dim3A_1177 = arith.constant 19 : i32
          %broadcast_in_dim3A_1178 = vector.broadcast %broadcast_in_dim3A_1177 : i32 to vector<16xi32>
          %gather3A_1179 = tpu.vector_load_idx %arg7[%broadcast_in_dim3A_1178, %get3A_103] : memref<32x8xf32, #tpu.memory_space<vmem>>[vector<16xi32>, vector<16xi32>], vector<16xf32>,
          %add3A_1180 = arith.addf %gather3A_1179, %get3A_1172 : vector<16xf32>
          %broadcast_in_dim3A_1181 = arith.constant 19 : i32
          %broadcast_in_dim3A_1182 = vector.broadcast %broadcast_in_dim3A_1181 : i32 to vector<16xi32>
          %gather3A_1183 = tpu.vector_load_idx %arg7[%broadcast_in_dim3A_1182, %get3A_107] : memref<32x8xf32, #tpu.memory_space<vmem>>[vector<16xi32>, vector<16xi32>], vector<16xf32>,
          %add3A_1184 = arith.addf %gather3A_1183, %get3A_1172 : vector<16xf32>
          %broadcast_in_dim3A_1185 = arith.constant 19 : i32
          %broadcast_in_dim3A_1186 = vector.broadcast %broadcast_in_dim3A_1185 : i32 to vector<16xi32>
          %gather3A_1187 = tpu.vector_load_idx %arg7[%broadcast_in_dim3A_1186, %get3A_111] : memref<32x8xf32, #tpu.memory_space<vmem>>[vector<16xi32>, vector<16xi32>], vector<16xf32>,
          %add3A_1188 = arith.addf %gather3A_1187, %get3A_1172 : vector<16xf32>
          %mul3A_1189 = arith.constant 16 : i32
          %mul3A_1190 = arith.muli %scan3A_91, %mul3A_1189 : i32
          %swap3A_1191 = arith.constant 0 : i32
          %swap3A_1192 = arith.constant 2 : i32
          %swap3A_1193 = arith.constant 0 : i32
          %swap3A_1194 = arith.index_cast %swap3A_1191 : i32 to index
          %swap3A_1195 = arith.index_cast %swap3A_1192 : i32 to index
          %swap3A_1196 = arith.index_cast %swap3A_1193 : i32 to index
          %swap3A_1197 = arith.index_cast %mul3A_1190 : i32 to index
          %swap3A_1198 = tpu.vector_load %arg9[%swap3A_1194, %swap3A_1195, %swap3A_1196, %swap3A_1197] {strides = array<i32>} : memref<4x4x8x128xf32, #tpu.memory_space<vmem>>, vector<16xf32>,
          tpu.vector_store %arg9[%swap3A_1194, %swap3A_1195, %swap3A_1196, %swap3A_1197], %add3A_1110 {strides = array<i32>} : memref<4x4x8x128xf32, #tpu.memory_space<vmem>>, vector<16xf32>,
          %mul3A_1199 = arith.constant 16 : i32
          %mul3A_1200 = arith.muli %scan3A_91, %mul3A_1199 : i32
          %swap3A_1201 = arith.constant 1 : i32
          %swap3A_1202 = arith.constant 2 : i32
          %swap3A_1203 = arith.constant 0 : i32
          %swap3A_1204 = arith.index_cast %swap3A_1201 : i32 to index
          %swap3A_1205 = arith.index_cast %swap3A_1202 : i32 to index
          %swap3A_1206 = arith.index_cast %swap3A_1203 : i32 to index
          %swap3A_1207 = arith.index_cast %mul3A_1200 : i32 to index
          %swap3A_1208 = tpu.vector_load %arg9[%swap3A_1204, %swap3A_1205, %swap3A_1206, %swap3A_1207] {strides = array<i32>} : memref<4x4x8x128xf32, #tpu.memory_space<vmem>>, vector<16xf32>,
          tpu.vector_store %arg9[%swap3A_1204, %swap3A_1205, %swap3A_1206, %swap3A_1207], %add3A_1114 {strides = array<i32>} : memref<4x4x8x128xf32, #tpu.memory_space<vmem>>, vector<16xf32>,
          %mul3A_1209 = arith.constant 16 : i32
          %mul3A_1210 = arith.muli %scan3A_91, %mul3A_1209 : i32
          %swap3A_1211 = arith.constant 2 : i32
          %swap3A_1212 = arith.constant 2 : i32
          %swap3A_1213 = arith.constant 0 : i32
          %swap3A_1214 = arith.index_cast %swap3A_1211 : i32 to index
          %swap3A_1215 = arith.index_cast %swap3A_1212 : i32 to index
          %swap3A_1216 = arith.index_cast %swap3A_1213 : i32 to index
          %swap3A_1217 = arith.index_cast %mul3A_1210 : i32 to index
          %swap3A_1218 = tpu.vector_load %arg9[%swap3A_1214, %swap3A_1215, %swap3A_1216, %swap3A_1217] {strides = array<i32>} : memref<4x4x8x128xf32, #tpu.memory_space<vmem>>, vector<16xf32>,
          tpu.vector_store %arg9[%swap3A_1214, %swap3A_1215, %swap3A_1216, %swap3A_1217], %add3A_1118 {strides = array<i32>} : memref<4x4x8x128xf32, #tpu.memory_space<vmem>>, vector<16xf32>,
          %mul3A_1219 = arith.constant 16 : i32
          %mul3A_1220 = arith.muli %scan3A_91, %mul3A_1219 : i32
          %swap3A_1221 = arith.constant 3 : i32
          %swap3A_1222 = arith.constant 2 : i32
          %swap3A_1223 = arith.constant 0 : i32
          %swap3A_1224 = arith.index_cast %swap3A_1221 : i32 to index
          %swap3A_1225 = arith.index_cast %swap3A_1222 : i32 to index
          %swap3A_1226 = arith.index_cast %swap3A_1223 : i32 to index
          %swap3A_1227 = arith.index_cast %mul3A_1220 : i32 to index
          %swap3A_1228 = tpu.vector_load %arg9[%swap3A_1224, %swap3A_1225, %swap3A_1226, %swap3A_1227] {strides = array<i32>} : memref<4x4x8x128xf32, #tpu.memory_space<vmem>>, vector<16xf32>,
          tpu.vector_store %arg9[%swap3A_1224, %swap3A_1225, %swap3A_1226, %swap3A_1227], %add3A_1122 {strides = array<i32>} : memref<4x4x8x128xf32, #tpu.memory_space<vmem>>, vector<16xf32>,
          %mul3A_1229 = arith.constant 16 : i32
          %mul3A_1230 = arith.muli %scan3A_91, %mul3A_1229 : i32
          %swap3A_1231 = arith.constant 0 : i32
          %swap3A_1232 = arith.constant 2 : i32
          %swap3A_1233 = arith.constant 1 : i32
          %swap3A_1234 = arith.index_cast %swap3A_1231 : i32 to index
          %swap3A_1235 = arith.index_cast %swap3A_1232 : i32 to index
          %swap3A_1236 = arith.index_cast %swap3A_1233 : i32 to index
          %swap3A_1237 = arith.index_cast %mul3A_1230 : i32 to index
          %swap3A_1238 = tpu.vector_load %arg9[%swap3A_1234, %swap3A_1235, %swap3A_1236, %swap3A_1237] {strides = array<i32>} : memref<4x4x8x128xf32, #tpu.memory_space<vmem>>, vector<16xf32>,
          tpu.vector_store %arg9[%swap3A_1234, %swap3A_1235, %swap3A_1236, %swap3A_1237], %add3A_1132 {strides = array<i32>} : memref<4x4x8x128xf32, #tpu.memory_space<vmem>>, vector<16xf32>,
          %mul3A_1239 = arith.constant 16 : i32
          %mul3A_1240 = arith.muli %scan3A_91, %mul3A_1239 : i32
          %swap3A_1241 = arith.constant 1 : i32
          %swap3A_1242 = arith.constant 2 : i32
          %swap3A_1243 = arith.constant 1 : i32
          %swap3A_1244 = arith.index_cast %swap3A_1241 : i32 to index
          %swap3A_1245 = arith.index_cast %swap3A_1242 : i32 to index
          %swap3A_1246 = arith.index_cast %swap3A_1243 : i32 to index
          %swap3A_1247 = arith.index_cast %mul3A_1240 : i32 to index
          %swap3A_1248 = tpu.vector_load %arg9[%swap3A_1244, %swap3A_1245, %swap3A_1246, %swap3A_1247] {strides = array<i32>} : memref<4x4x8x128xf32, #tpu.memory_space<vmem>>, vector<16xf32>,
          tpu.vector_store %arg9[%swap3A_1244, %swap3A_1245, %swap3A_1246, %swap3A_1247], %add3A_1136 {strides = array<i32>} : memref<4x4x8x128xf32, #tpu.memory_space<vmem>>, vector<16xf32>,
          %mul3A_1249 = arith.constant 16 : i32
          %mul3A_1250 = arith.muli %scan3A_91, %mul3A_1249 : i32
          %swap3A_1251 = arith.constant 2 : i32
          %swap3A_1252 = arith.constant 2 : i32
          %swap3A_1253 = arith.constant 1 : i32
          %swap3A_1254 = arith.index_cast %swap3A_1251 : i32 to index
          %swap3A_1255 = arith.index_cast %swap3A_1252 : i32 to index
          %swap3A_1256 = arith.index_cast %swap3A_1253 : i32 to index
          %swap3A_1257 = arith.index_cast %mul3A_1250 : i32 to index
          %swap3A_1258 = tpu.vector_load %arg9[%swap3A_1254, %swap3A_1255, %swap3A_1256, %swap3A_1257] {strides = array<i32>} : memref<4x4x8x128xf32, #tpu.memory_space<vmem>>, vector<16xf32>,
          tpu.vector_store %arg9[%swap3A_1254, %swap3A_1255, %swap3A_1256, %swap3A_1257], %add3A_1140 {strides = array<i32>} : memref<4x4x8x128xf32, #tpu.memory_space<vmem>>, vector<16xf32>,
          %mul3A_1259 = arith.constant 16 : i32
          %mul3A_1260 = arith.muli %scan3A_91, %mul3A_1259 : i32
          %swap3A_1261 = arith.constant 3 : i32
          %swap3A_1262 = arith.constant 2 : i32
          %swap3A_1263 = arith.constant 1 : i32
          %swap3A_1264 = arith.index_cast %swap3A_1261 : i32 to index
          %swap3A_1265 = arith.index_cast %swap3A_1262 : i32 to index
          %swap3A_1266 = arith.index_cast %swap3A_1263 : i32 to index
          %swap3A_1267 = arith.index_cast %mul3A_1260 : i32 to index
          %swap3A_1268 = tpu.vector_load %arg9[%swap3A_1264, %swap3A_1265, %swap3A_1266, %swap3A_1267] {strides = array<i32>} : memref<4x4x8x128xf32, #tpu.memory_space<vmem>>, vector<16xf32>,
          tpu.vector_store %arg9[%swap3A_1264, %swap3A_1265, %swap3A_1266, %swap3A_1267], %add3A_1144 {strides = array<i32>} : memref<4x4x8x128xf32, #tpu.memory_space<vmem>>, vector<16xf32>,
          %mul3A_1269 = arith.constant 16 : i32
          %mul3A_1270 = arith.muli %scan3A_91, %mul3A_1269 : i32
          %swap3A_1271 = arith.constant 0 : i32
          %swap3A_1272 = arith.constant 2 : i32
          %swap3A_1273 = arith.constant 2 : i32
          %swap3A_1274 = arith.index_cast %swap3A_1271 : i32 to index
          %swap3A_1275 = arith.index_cast %swap3A_1272 : i32 to index
          %swap3A_1276 = arith.index_cast %swap3A_1273 : i32 to index
          %swap3A_1277 = arith.index_cast %mul3A_1270 : i32 to index
          %swap3A_1278 = tpu.vector_load %arg9[%swap3A_1274, %swap3A_1275, %swap3A_1276, %swap3A_1277] {strides = array<i32>} : memref<4x4x8x128xf32, #tpu.memory_space<vmem>>, vector<16xf32>,
          tpu.vector_store %arg9[%swap3A_1274, %swap3A_1275, %swap3A_1276, %swap3A_1277], %add3A_1154 {strides = array<i32>} : memref<4x4x8x128xf32, #tpu.memory_space<vmem>>, vector<16xf32>,
          %mul3A_1279 = arith.constant 16 : i32
          %mul3A_1280 = arith.muli %scan3A_91, %mul3A_1279 : i32
          %swap3A_1281 = arith.constant 1 : i32
          %swap3A_1282 = arith.constant 2 : i32
          %swap3A_1283 = arith.constant 2 : i32
          %swap3A_1284 = arith.index_cast %swap3A_1281 : i32 to index
          %swap3A_1285 = arith.index_cast %swap3A_1282 : i32 to index
          %swap3A_1286 = arith.index_cast %swap3A_1283 : i32 to index
          %swap3A_1287 = arith.index_cast %mul3A_1280 : i32 to index
          %swap3A_1288 = tpu.vector_load %arg9[%swap3A_1284, %swap3A_1285, %swap3A_1286, %swap3A_1287] {strides = array<i32>} : memref<4x4x8x128xf32, #tpu.memory_space<vmem>>, vector<16xf32>,
          tpu.vector_store %arg9[%swap3A_1284, %swap3A_1285, %swap3A_1286, %swap3A_1287], %add3A_1158 {strides = array<i32>} : memref<4x4x8x128xf32, #tpu.memory_space<vmem>>, vector<16xf32>,
          %mul3A_1289 = arith.constant 16 : i32
          %mul3A_1290 = arith.muli %scan3A_91, %mul3A_1289 : i32
          %swap3A_1291 = arith.constant 2 : i32
          %swap3A_1292 = arith.constant 2 : i32
          %swap3A_1293 = arith.constant 2 : i32
          %swap3A_1294 = arith.index_cast %swap3A_1291 : i32 to index
          %swap3A_1295 = arith.index_cast %swap3A_1292 : i32 to index
          %swap3A_1296 = arith.index_cast %swap3A_1293 : i32 to index
          %swap3A_1297 = arith.index_cast %mul3A_1290 : i32 to index
          %swap3A_1298 = tpu.vector_load %arg9[%swap3A_1294, %swap3A_1295, %swap3A_1296, %swap3A_1297] {strides = array<i32>} : memref<4x4x8x128xf32, #tpu.memory_space<vmem>>, vector<16xf32>,
          tpu.vector_store %arg9[%swap3A_1294, %swap3A_1295, %swap3A_1296, %swap3A_1297], %add3A_1162 {strides = array<i32>} : memref<4x4x8x128xf32, #tpu.memory_space<vmem>>, vector<16xf32>,
          %mul3A_1299 = arith.constant 16 : i32
          %mul3A_1300 = arith.muli %scan3A_91, %mul3A_1299 : i32
          %swap3A_1301 = arith.constant 3 : i32
          %swap3A_1302 = arith.constant 2 : i32
          %swap3A_1303 = arith.constant 2 : i32
          %swap3A_1304 = arith.index_cast %swap3A_1301 : i32 to index
          %swap3A_1305 = arith.index_cast %swap3A_1302 : i32 to index
          %swap3A_1306 = arith.index_cast %swap3A_1303 : i32 to index
          %swap3A_1307 = arith.index_cast %mul3A_1300 : i32 to index
          %swap3A_1308 = tpu.vector_load %arg9[%swap3A_1304, %swap3A_1305, %swap3A_1306, %swap3A_1307] {strides = array<i32>} : memref<4x4x8x128xf32, #tpu.memory_space<vmem>>, vector<16xf32>,
          tpu.vector_store %arg9[%swap3A_1304, %swap3A_1305, %swap3A_1306, %swap3A_1307], %add3A_1166 {strides = array<i32>} : memref<4x4x8x128xf32, #tpu.memory_space<vmem>>, vector<16xf32>,
          %mul3A_1309 = arith.constant 16 : i32
          %mul3A_1310 = arith.muli %scan3A_91, %mul3A_1309 : i32
          %swap3A_1311 = arith.constant 0 : i32
          %swap3A_1312 = arith.constant 2 : i32
          %swap3A_1313 = arith.constant 3 : i32
          %swap3A_1314 = arith.index_cast %swap3A_1311 : i32 to index
          %swap3A_1315 = arith.index_cast %swap3A_1312 : i32 to index
          %swap3A_1316 = arith.index_cast %swap3A_1313 : i32 to index
          %swap3A_1317 = arith.index_cast %mul3A_1310 : i32 to index
          %swap3A_1318 = tpu.vector_load %arg9[%swap3A_1314, %swap3A_1315, %swap3A_1316, %swap3A_1317] {strides = array<i32>} : memref<4x4x8x128xf32, #tpu.memory_space<vmem>>, vector<16xf32>,
          tpu.vector_store %arg9[%swap3A_1314, %swap3A_1315, %swap3A_1316, %swap3A_1317], %add3A_1176 {strides = array<i32>} : memref<4x4x8x128xf32, #tpu.memory_space<vmem>>, vector<16xf32>,
          %mul3A_1319 = arith.constant 16 : i32
          %mul3A_1320 = arith.muli %scan3A_91, %mul3A_1319 : i32
          %swap3A_1321 = arith.constant 1 : i32
          %swap3A_1322 = arith.constant 2 : i32
          %swap3A_1323 = arith.constant 3 : i32
          %swap3A_1324 = arith.index_cast %swap3A_1321 : i32 to index
          %swap3A_1325 = arith.index_cast %swap3A_1322 : i32 to index
          %swap3A_1326 = arith.index_cast %swap3A_1323 : i32 to index
          %swap3A_1327 = arith.index_cast %mul3A_1320 : i32 to index
          %swap3A_1328 = tpu.vector_load %arg9[%swap3A_1324, %swap3A_1325, %swap3A_1326, %swap3A_1327] {strides = array<i32>} : memref<4x4x8x128xf32, #tpu.memory_space<vmem>>, vector<16xf32>,
          tpu.vector_store %arg9[%swap3A_1324, %swap3A_1325, %swap3A_1326, %swap3A_1327], %add3A_1180 {strides = array<i32>} : memref<4x4x8x128xf32, #tpu.memory_space<vmem>>, vector<16xf32>,
          %mul3A_1329 = arith.constant 16 : i32
          %mul3A_1330 = arith.muli %scan3A_91, %mul3A_1329 : i32
          %swap3A_1331 = arith.constant 2 : i32
          %swap3A_1332 = arith.constant 2 : i32
          %swap3A_1333 = arith.constant 3 : i32
          %swap3A_1334 = arith.index_cast %swap3A_1331 : i32 to index
          %swap3A_1335 = arith.index_cast %swap3A_1332 : i32 to index
          %swap3A_1336 = arith.index_cast %swap3A_1333 : i32 to index
          %swap3A_1337 = arith.index_cast %mul3A_1330 : i32 to index
          %swap3A_1338 = tpu.vector_load %arg9[%swap3A_1334, %swap3A_1335, %swap3A_1336, %swap3A_1337] {strides = array<i32>} : memref<4x4x8x128xf32, #tpu.memory_space<vmem>>, vector<16xf32>,
          tpu.vector_store %arg9[%swap3A_1334, %swap3A_1335, %swap3A_1336, %swap3A_1337], %add3A_1184 {strides = array<i32>} : memref<4x4x8x128xf32, #tpu.memory_space<vmem>>, vector<16xf32>,
          %mul3A_1339 = arith.constant 16 : i32
          %mul3A_1340 = arith.muli %scan3A_91, %mul3A_1339 : i32
          %swap3A_1341 = arith.constant 3 : i32
          %swap3A_1342 = arith.constant 2 : i32
          %swap3A_1343 = arith.constant 3 : i32
          %swap3A_1344 = arith.index_cast %swap3A_1341 : i32 to index
          %swap3A_1345 = arith.index_cast %swap3A_1342 : i32 to index
          %swap3A_1346 = arith.index_cast %swap3A_1343 : i32 to index
          %swap3A_1347 = arith.index_cast %mul3A_1340 : i32 to index
          %swap3A_1348 = tpu.vector_load %arg9[%swap3A_1344, %swap3A_1345, %swap3A_1346, %swap3A_1347] {strides = array<i32>} : memref<4x4x8x128xf32, #tpu.memory_space<vmem>>, vector<16xf32>,
          tpu.vector_store %arg9[%swap3A_1344, %swap3A_1345, %swap3A_1346, %swap3A_1347], %add3A_1188 {strides = array<i32>} : memref<4x4x8x128xf32, #tpu.memory_space<vmem>>, vector<16xf32>,
          %get3A_1349 = arith.constant 2 : i32
          %get3A_1350 = arith.constant 4 : i32
          %get3A_1351 = arith.index_cast %get3A_1349 : i32 to index
          %get3A_1352 = arith.index_cast %get3A_1350 : i32 to index
          %get3A_1353 = arith.index_cast %add3A_96 : i32 to index
          %get3A_1354 = tpu.vector_load %arg8[%get3A_1351, %get3A_1352, %get3A_1353] {strides = array<i32>} : memref<4x8x2048xf32, #tpu.memory_space<vmem>>, vector<16xf32>,
          %broadcast_in_dim3A_1355 = arith.constant 20 : i32
          %broadcast_in_dim3A_1356 = vector.broadcast %broadcast_in_dim3A_1355 : i32 to vector<16xi32>
          %gather3A_1357 = tpu.vector_load_idx %arg7[%broadcast_in_dim3A_1356, %get3A_99] : memref<32x8xf32, #tpu.memory_space<vmem>>[vector<16xi32>, vector<16xi32>], vector<16xf32>,
          %add3A_1358 = arith.addf %gather3A_1357, %get3A_1354 : vector<16xf32>
          %broadcast_in_dim3A_1359 = arith.constant 20 : i32
          %broadcast_in_dim3A_1360 = vector.broadcast %broadcast_in_dim3A_1359 : i32 to vector<16xi32>
          %gather3A_1361 = tpu.vector_load_idx %arg7[%broadcast_in_dim3A_1360, %get3A_103] : memref<32x8xf32, #tpu.memory_space<vmem>>[vector<16xi32>, vector<16xi32>], vector<16xf32>,
          %add3A_1362 = arith.addf %gather3A_1361, %get3A_1354 : vector<16xf32>
          %broadcast_in_dim3A_1363 = arith.constant 20 : i32
          %broadcast_in_dim3A_1364 = vector.broadcast %broadcast_in_dim3A_1363 : i32 to vector<16xi32>
          %gather3A_1365 = tpu.vector_load_idx %arg7[%broadcast_in_dim3A_1364, %get3A_107] : memref<32x8xf32, #tpu.memory_space<vmem>>[vector<16xi32>, vector<16xi32>], vector<16xf32>,
          %add3A_1366 = arith.addf %gather3A_1365, %get3A_1354 : vector<16xf32>
          %broadcast_in_dim3A_1367 = arith.constant 20 : i32
          %broadcast_in_dim3A_1368 = vector.broadcast %broadcast_in_dim3A_1367 : i32 to vector<16xi32>
          %gather3A_1369 = tpu.vector_load_idx %arg7[%broadcast_in_dim3A_1368, %get3A_111] : memref<32x8xf32, #tpu.memory_space<vmem>>[vector<16xi32>, vector<16xi32>], vector<16xf32>,
          %add3A_1370 = arith.addf %gather3A_1369, %get3A_1354 : vector<16xf32>
          %get3A_1371 = arith.constant 2 : i32
          %get3A_1372 = arith.constant 5 : i32
          %get3A_1373 = arith.index_cast %get3A_1371 : i32 to index
          %get3A_1374 = arith.index_cast %get3A_1372 : i32 to index
          %get3A_1375 = arith.index_cast %add3A_96 : i32 to index
          %get3A_1376 = tpu.vector_load %arg8[%get3A_1373, %get3A_1374, %get3A_1375] {strides = array<i32>} : memref<4x8x2048xf32, #tpu.memory_space<vmem>>, vector<16xf32>,
          %broadcast_in_dim3A_1377 = arith.constant 21 : i32
          %broadcast_in_dim3A_1378 = vector.broadcast %broadcast_in_dim3A_1377 : i32 to vector<16xi32>
          %gather3A_1379 = tpu.vector_load_idx %arg7[%broadcast_in_dim3A_1378, %get3A_99] : memref<32x8xf32, #tpu.memory_space<vmem>>[vector<16xi32>, vector<16xi32>], vector<16xf32>,
          %add3A_1380 = arith.addf %gather3A_1379, %get3A_1376 : vector<16xf32>
          %broadcast_in_dim3A_1381 = arith.constant 21 : i32
          %broadcast_in_dim3A_1382 = vector.broadcast %broadcast_in_dim3A_1381 : i32 to vector<16xi32>
          %gather3A_1383 = tpu.vector_load_idx %arg7[%broadcast_in_dim3A_1382, %get3A_103] : memref<32x8xf32, #tpu.memory_space<vmem>>[vector<16xi32>, vector<16xi32>], vector<16xf32>,
          %add3A_1384 = arith.addf %gather3A_1383, %get3A_1376 : vector<16xf32>
          %broadcast_in_dim3A_1385 = arith.constant 21 : i32
          %broadcast_in_dim3A_1386 = vector.broadcast %broadcast_in_dim3A_1385 : i32 to vector<16xi32>
          %gather3A_1387 = tpu.vector_load_idx %arg7[%broadcast_in_dim3A_1386, %get3A_107] : memref<32x8xf32, #tpu.memory_space<vmem>>[vector<16xi32>, vector<16xi32>], vector<16xf32>,
          %add3A_1388 = arith.addf %gather3A_1387, %get3A_1376 : vector<16xf32>
          %broadcast_in_dim3A_1389 = arith.constant 21 : i32
          %broadcast_in_dim3A_1390 = vector.broadcast %broadcast_in_dim3A_1389 : i32 to vector<16xi32>
          %gather3A_1391 = tpu.vector_load_idx %arg7[%broadcast_in_dim3A_1390, %get3A_111] : memref<32x8xf32, #tpu.memory_space<vmem>>[vector<16xi32>, vector<16xi32>], vector<16xf32>,
          %add3A_1392 = arith.addf %gather3A_1391, %get3A_1376 : vector<16xf32>
          %get3A_1393 = arith.constant 2 : i32
          %get3A_1394 = arith.constant 6 : i32
          %get3A_1395 = arith.index_cast %get3A_1393 : i32 to index
          %get3A_1396 = arith.index_cast %get3A_1394 : i32 to index
          %get3A_1397 = arith.index_cast %add3A_96 : i32 to index
          %get3A_1398 = tpu.vector_load %arg8[%get3A_1395, %get3A_1396, %get3A_1397] {strides = array<i32>} : memref<4x8x2048xf32, #tpu.memory_space<vmem>>, vector<16xf32>,
          %broadcast_in_dim3A_1399 = arith.constant 22 : i32
          %broadcast_in_dim3A_1400 = vector.broadcast %broadcast_in_dim3A_1399 : i32 to vector<16xi32>
          %gather3A_1401 = tpu.vector_load_idx %arg7[%broadcast_in_dim3A_1400, %get3A_99] : memref<32x8xf32, #tpu.memory_space<vmem>>[vector<16xi32>, vector<16xi32>], vector<16xf32>,
          %add3A_1402 = arith.addf %gather3A_1401, %get3A_1398 : vector<16xf32>
          %broadcast_in_dim3A_1403 = arith.constant 22 : i32
          %broadcast_in_dim3A_1404 = vector.broadcast %broadcast_in_dim3A_1403 : i32 to vector<16xi32>
          %gather3A_1405 = tpu.vector_load_idx %arg7[%broadcast_in_dim3A_1404, %get3A_103] : memref<32x8xf32, #tpu.memory_space<vmem>>[vector<16xi32>, vector<16xi32>], vector<16xf32>,
          %add3A_1406 = arith.addf %gather3A_1405, %get3A_1398 : vector<16xf32>
          %broadcast_in_dim3A_1407 = arith.constant 22 : i32
          %broadcast_in_dim3A_1408 = vector.broadcast %broadcast_in_dim3A_1407 : i32 to vector<16xi32>
          %gather3A_1409 = tpu.vector_load_idx %arg7[%broadcast_in_dim3A_1408, %get3A_107] : memref<32x8xf32, #tpu.memory_space<vmem>>[vector<16xi32>, vector<16xi32>], vector<16xf32>,
          %add3A_1410 = arith.addf %gather3A_1409, %get3A_1398 : vector<16xf32>
          %broadcast_in_dim3A_1411 = arith.constant 22 : i32
          %broadcast_in_dim3A_1412 = vector.broadcast %broadcast_in_dim3A_1411 : i32 to vector<16xi32>
          %gather3A_1413 = tpu.vector_load_idx %arg7[%broadcast_in_dim3A_1412, %get3A_111] : memref<32x8xf32, #tpu.memory_space<vmem>>[vector<16xi32>, vector<16xi32>], vector<16xf32>,
          %add3A_1414 = arith.addf %gather3A_1413, %get3A_1398 : vector<16xf32>
          %get3A_1415 = arith.constant 2 : i32
          %get3A_1416 = arith.constant 7 : i32
          %get3A_1417 = arith.index_cast %get3A_1415 : i32 to index
          %get3A_1418 = arith.index_cast %get3A_1416 : i32 to index
          %get3A_1419 = arith.index_cast %add3A_96 : i32 to index
          %get3A_1420 = tpu.vector_load %arg8[%get3A_1417, %get3A_1418, %get3A_1419] {strides = array<i32>} : memref<4x8x2048xf32, #tpu.memory_space<vmem>>, vector<16xf32>,
          %broadcast_in_dim3A_1421 = arith.constant 23 : i32
          %broadcast_in_dim3A_1422 = vector.broadcast %broadcast_in_dim3A_1421 : i32 to vector<16xi32>
          %gather3A_1423 = tpu.vector_load_idx %arg7[%broadcast_in_dim3A_1422, %get3A_99] : memref<32x8xf32, #tpu.memory_space<vmem>>[vector<16xi32>, vector<16xi32>], vector<16xf32>,
          %add3A_1424 = arith.addf %gather3A_1423, %get3A_1420 : vector<16xf32>
          %broadcast_in_dim3A_1425 = arith.constant 23 : i32
          %broadcast_in_dim3A_1426 = vector.broadcast %broadcast_in_dim3A_1425 : i32 to vector<16xi32>
          %gather3A_1427 = tpu.vector_load_idx %arg7[%broadcast_in_dim3A_1426, %get3A_103] : memref<32x8xf32, #tpu.memory_space<vmem>>[vector<16xi32>, vector<16xi32>], vector<16xf32>,
          %add3A_1428 = arith.addf %gather3A_1427, %get3A_1420 : vector<16xf32>
          %broadcast_in_dim3A_1429 = arith.constant 23 : i32
          %broadcast_in_dim3A_1430 = vector.broadcast %broadcast_in_dim3A_1429 : i32 to vector<16xi32>
          %gather3A_1431 = tpu.vector_load_idx %arg7[%broadcast_in_dim3A_1430, %get3A_107] : memref<32x8xf32, #tpu.memory_space<vmem>>[vector<16xi32>, vector<16xi32>], vector<16xf32>,
          %add3A_1432 = arith.addf %gather3A_1431, %get3A_1420 : vector<16xf32>
          %broadcast_in_dim3A_1433 = arith.constant 23 : i32
          %broadcast_in_dim3A_1434 = vector.broadcast %broadcast_in_dim3A_1433 : i32 to vector<16xi32>
          %gather3A_1435 = tpu.vector_load_idx %arg7[%broadcast_in_dim3A_1434, %get3A_111] : memref<32x8xf32, #tpu.memory_space<vmem>>[vector<16xi32>, vector<16xi32>], vector<16xf32>,
          %add3A_1436 = arith.addf %gather3A_1435, %get3A_1420 : vector<16xf32>
          %mul3A_1437 = arith.constant 16 : i32
          %mul3A_1438 = arith.muli %scan3A_91, %mul3A_1437 : i32
          %swap3A_1439 = arith.constant 0 : i32
          %swap3A_1440 = arith.constant 2 : i32
          %swap3A_1441 = arith.constant 4 : i32
          %swap3A_1442 = arith.index_cast %swap3A_1439 : i32 to index
          %swap3A_1443 = arith.index_cast %swap3A_1440 : i32 to index
          %swap3A_1444 = arith.index_cast %swap3A_1441 : i32 to index
          %swap3A_1445 = arith.index_cast %mul3A_1438 : i32 to index
          %swap3A_1446 = tpu.vector_load %arg9[%swap3A_1442, %swap3A_1443, %swap3A_1444, %swap3A_1445] {strides = array<i32>} : memref<4x4x8x128xf32, #tpu.memory_space<vmem>>, vector<16xf32>,
          tpu.vector_store %arg9[%swap3A_1442, %swap3A_1443, %swap3A_1444, %swap3A_1445], %add3A_1358 {strides = array<i32>} : memref<4x4x8x128xf32, #tpu.memory_space<vmem>>, vector<16xf32>,
          %mul3A_1447 = arith.constant 16 : i32
          %mul3A_1448 = arith.muli %scan3A_91, %mul3A_1447 : i32
          %swap3A_1449 = arith.constant 1 : i32
          %swap3A_1450 = arith.constant 2 : i32
          %swap3A_1451 = arith.constant 4 : i32
          %swap3A_1452 = arith.index_cast %swap3A_1449 : i32 to index
          %swap3A_1453 = arith.index_cast %swap3A_1450 : i32 to index
          %swap3A_1454 = arith.index_cast %swap3A_1451 : i32 to index
          %swap3A_1455 = arith.index_cast %mul3A_1448 : i32 to index
          %swap3A_1456 = tpu.vector_load %arg9[%swap3A_1452, %swap3A_1453, %swap3A_1454, %swap3A_1455] {strides = array<i32>} : memref<4x4x8x128xf32, #tpu.memory_space<vmem>>, vector<16xf32>,
          tpu.vector_store %arg9[%swap3A_1452, %swap3A_1453, %swap3A_1454, %swap3A_1455], %add3A_1362 {strides = array<i32>} : memref<4x4x8x128xf32, #tpu.memory_space<vmem>>, vector<16xf32>,
          %mul3A_1457 = arith.constant 16 : i32
          %mul3A_1458 = arith.muli %scan3A_91, %mul3A_1457 : i32
          %swap3A_1459 = arith.constant 2 : i32
          %swap3A_1460 = arith.constant 2 : i32
          %swap3A_1461 = arith.constant 4 : i32
          %swap3A_1462 = arith.index_cast %swap3A_1459 : i32 to index
          %swap3A_1463 = arith.index_cast %swap3A_1460 : i32 to index
          %swap3A_1464 = arith.index_cast %swap3A_1461 : i32 to index
          %swap3A_1465 = arith.index_cast %mul3A_1458 : i32 to index
          %swap3A_1466 = tpu.vector_load %arg9[%swap3A_1462, %swap3A_1463, %swap3A_1464, %swap3A_1465] {strides = array<i32>} : memref<4x4x8x128xf32, #tpu.memory_space<vmem>>, vector<16xf32>,
          tpu.vector_store %arg9[%swap3A_1462, %swap3A_1463, %swap3A_1464, %swap3A_1465], %add3A_1366 {strides = array<i32>} : memref<4x4x8x128xf32, #tpu.memory_space<vmem>>, vector<16xf32>,
          %mul3A_1467 = arith.constant 16 : i32
          %mul3A_1468 = arith.muli %scan3A_91, %mul3A_1467 : i32
          %swap3A_1469 = arith.constant 3 : i32
          %swap3A_1470 = arith.constant 2 : i32
          %swap3A_1471 = arith.constant 4 : i32
          %swap3A_1472 = arith.index_cast %swap3A_1469 : i32 to index
          %swap3A_1473 = arith.index_cast %swap3A_1470 : i32 to index
          %swap3A_1474 = arith.index_cast %swap3A_1471 : i32 to index
          %swap3A_1475 = arith.index_cast %mul3A_1468 : i32 to index
          %swap3A_1476 = tpu.vector_load %arg9[%swap3A_1472, %swap3A_1473, %swap3A_1474, %swap3A_1475] {strides = array<i32>} : memref<4x4x8x128xf32, #tpu.memory_space<vmem>>, vector<16xf32>,
          tpu.vector_store %arg9[%swap3A_1472, %swap3A_1473, %swap3A_1474, %swap3A_1475], %add3A_1370 {strides = array<i32>} : memref<4x4x8x128xf32, #tpu.memory_space<vmem>>, vector<16xf32>,
          %mul3A_1477 = arith.constant 16 : i32
          %mul3A_1478 = arith.muli %scan3A_91, %mul3A_1477 : i32
          %swap3A_1479 = arith.constant 0 : i32
          %swap3A_1480 = arith.constant 2 : i32
          %swap3A_1481 = arith.constant 5 : i32
          %swap3A_1482 = arith.index_cast %swap3A_1479 : i32 to index
          %swap3A_1483 = arith.index_cast %swap3A_1480 : i32 to index
          %swap3A_1484 = arith.index_cast %swap3A_1481 : i32 to index
          %swap3A_1485 = arith.index_cast %mul3A_1478 : i32 to index
          %swap3A_1486 = tpu.vector_load %arg9[%swap3A_1482, %swap3A_1483, %swap3A_1484, %swap3A_1485] {strides = array<i32>} : memref<4x4x8x128xf32, #tpu.memory_space<vmem>>, vector<16xf32>,
          tpu.vector_store %arg9[%swap3A_1482, %swap3A_1483, %swap3A_1484, %swap3A_1485], %add3A_1380 {strides = array<i32>} : memref<4x4x8x128xf32, #tpu.memory_space<vmem>>, vector<16xf32>,
          %mul3A_1487 = arith.constant 16 : i32
          %mul3A_1488 = arith.muli %scan3A_91, %mul3A_1487 : i32
          %swap3A_1489 = arith.constant 1 : i32
          %swap3A_1490 = arith.constant 2 : i32
          %swap3A_1491 = arith.constant 5 : i32
          %swap3A_1492 = arith.index_cast %swap3A_1489 : i32 to index
          %swap3A_1493 = arith.index_cast %swap3A_1490 : i32 to index
          %swap3A_1494 = arith.index_cast %swap3A_1491 : i32 to index
          %swap3A_1495 = arith.index_cast %mul3A_1488 : i32 to index
          %swap3A_1496 = tpu.vector_load %arg9[%swap3A_1492, %swap3A_1493, %swap3A_1494, %swap3A_1495] {strides = array<i32>} : memref<4x4x8x128xf32, #tpu.memory_space<vmem>>, vector<16xf32>,
          tpu.vector_store %arg9[%swap3A_1492, %swap3A_1493, %swap3A_1494, %swap3A_1495], %add3A_1384 {strides = array<i32>} : memref<4x4x8x128xf32, #tpu.memory_space<vmem>>, vector<16xf32>,
          %mul3A_1497 = arith.constant 16 : i32
          %mul3A_1498 = arith.muli %scan3A_91, %mul3A_1497 : i32
          %swap3A_1499 = arith.constant 2 : i32
          %swap3A_1500 = arith.constant 2 : i32
          %swap3A_1501 = arith.constant 5 : i32
          %swap3A_1502 = arith.index_cast %swap3A_1499 : i32 to index
          %swap3A_1503 = arith.index_cast %swap3A_1500 : i32 to index
          %swap3A_1504 = arith.index_cast %swap3A_1501 : i32 to index
          %swap3A_1505 = arith.index_cast %mul3A_1498 : i32 to index
          %swap3A_1506 = tpu.vector_load %arg9[%swap3A_1502, %swap3A_1503, %swap3A_1504, %swap3A_1505] {strides = array<i32>} : memref<4x4x8x128xf32, #tpu.memory_space<vmem>>, vector<16xf32>,
          tpu.vector_store %arg9[%swap3A_1502, %swap3A_1503, %swap3A_1504, %swap3A_1505], %add3A_1388 {strides = array<i32>} : memref<4x4x8x128xf32, #tpu.memory_space<vmem>>, vector<16xf32>,
          %mul3A_1507 = arith.constant 16 : i32
          %mul3A_1508 = arith.muli %scan3A_91, %mul3A_1507 : i32
          %swap3A_1509 = arith.constant 3 : i32
          %swap3A_1510 = arith.constant 2 : i32
          %swap3A_1511 = arith.constant 5 : i32
          %swap3A_1512 = arith.index_cast %swap3A_1509 : i32 to index
          %swap3A_1513 = arith.index_cast %swap3A_1510 : i32 to index
          %swap3A_1514 = arith.index_cast %swap3A_1511 : i32 to index
          %swap3A_1515 = arith.index_cast %mul3A_1508 : i32 to index
          %swap3A_1516 = tpu.vector_load %arg9[%swap3A_1512, %swap3A_1513, %swap3A_1514, %swap3A_1515] {strides = array<i32>} : memref<4x4x8x128xf32, #tpu.memory_space<vmem>>, vector<16xf32>,
          tpu.vector_store %arg9[%swap3A_1512, %swap3A_1513, %swap3A_1514, %swap3A_1515], %add3A_1392 {strides = array<i32>} : memref<4x4x8x128xf32, #tpu.memory_space<vmem>>, vector<16xf32>,
          %mul3A_1517 = arith.constant 16 : i32
          %mul3A_1518 = arith.muli %scan3A_91, %mul3A_1517 : i32
          %swap3A_1519 = arith.constant 0 : i32
          %swap3A_1520 = arith.constant 2 : i32
          %swap3A_1521 = arith.constant 6 : i32
          %swap3A_1522 = arith.index_cast %swap3A_1519 : i32 to index
          %swap3A_1523 = arith.index_cast %swap3A_1520 : i32 to index
          %swap3A_1524 = arith.index_cast %swap3A_1521 : i32 to index
          %swap3A_1525 = arith.index_cast %mul3A_1518 : i32 to index
          %swap3A_1526 = tpu.vector_load %arg9[%swap3A_1522, %swap3A_1523, %swap3A_1524, %swap3A_1525] {strides = array<i32>} : memref<4x4x8x128xf32, #tpu.memory_space<vmem>>, vector<16xf32>,
          tpu.vector_store %arg9[%swap3A_1522, %swap3A_1523, %swap3A_1524, %swap3A_1525], %add3A_1402 {strides = array<i32>} : memref<4x4x8x128xf32, #tpu.memory_space<vmem>>, vector<16xf32>,
          %mul3A_1527 = arith.constant 16 : i32
          %mul3A_1528 = arith.muli %scan3A_91, %mul3A_1527 : i32
          %swap3A_1529 = arith.constant 1 : i32
          %swap3A_1530 = arith.constant 2 : i32
          %swap3A_1531 = arith.constant 6 : i32
          %swap3A_1532 = arith.index_cast %swap3A_1529 : i32 to index
          %swap3A_1533 = arith.index_cast %swap3A_1530 : i32 to index
          %swap3A_1534 = arith.index_cast %swap3A_1531 : i32 to index
          %swap3A_1535 = arith.index_cast %mul3A_1528 : i32 to index
          %swap3A_1536 = tpu.vector_load %arg9[%swap3A_1532, %swap3A_1533, %swap3A_1534, %swap3A_1535] {strides = array<i32>} : memref<4x4x8x128xf32, #tpu.memory_space<vmem>>, vector<16xf32>,
          tpu.vector_store %arg9[%swap3A_1532, %swap3A_1533, %swap3A_1534, %swap3A_1535], %add3A_1406 {strides = array<i32>} : memref<4x4x8x128xf32, #tpu.memory_space<vmem>>, vector<16xf32>,
          %mul3A_1537 = arith.constant 16 : i32
          %mul3A_1538 = arith.muli %scan3A_91, %mul3A_1537 : i32
          %swap3A_1539 = arith.constant 2 : i32
          %swap3A_1540 = arith.constant 2 : i32
          %swap3A_1541 = arith.constant 6 : i32
          %swap3A_1542 = arith.index_cast %swap3A_1539 : i32 to index
          %swap3A_1543 = arith.index_cast %swap3A_1540 : i32 to index
          %swap3A_1544 = arith.index_cast %swap3A_1541 : i32 to index
          %swap3A_1545 = arith.index_cast %mul3A_1538 : i32 to index
          %swap3A_1546 = tpu.vector_load %arg9[%swap3A_1542, %swap3A_1543, %swap3A_1544, %swap3A_1545] {strides = array<i32>} : memref<4x4x8x128xf32, #tpu.memory_space<vmem>>, vector<16xf32>,
          tpu.vector_store %arg9[%swap3A_1542, %swap3A_1543, %swap3A_1544, %swap3A_1545], %add3A_1410 {strides = array<i32>} : memref<4x4x8x128xf32, #tpu.memory_space<vmem>>, vector<16xf32>,
          %mul3A_1547 = arith.constant 16 : i32
          %mul3A_1548 = arith.muli %scan3A_91, %mul3A_1547 : i32
          %swap3A_1549 = arith.constant 3 : i32
          %swap3A_1550 = arith.constant 2 : i32
          %swap3A_1551 = arith.constant 6 : i32
          %swap3A_1552 = arith.index_cast %swap3A_1549 : i32 to index
          %swap3A_1553 = arith.index_cast %swap3A_1550 : i32 to index
          %swap3A_1554 = arith.index_cast %swap3A_1551 : i32 to index
          %swap3A_1555 = arith.index_cast %mul3A_1548 : i32 to index
          %swap3A_1556 = tpu.vector_load %arg9[%swap3A_1552, %swap3A_1553, %swap3A_1554, %swap3A_1555] {strides = array<i32>} : memref<4x4x8x128xf32, #tpu.memory_space<vmem>>, vector<16xf32>,
          tpu.vector_store %arg9[%swap3A_1552, %swap3A_1553, %swap3A_1554, %swap3A_1555], %add3A_1414 {strides = array<i32>} : memref<4x4x8x128xf32, #tpu.memory_space<vmem>>, vector<16xf32>,
          %mul3A_1557 = arith.constant 16 : i32
          %mul3A_1558 = arith.muli %scan3A_91, %mul3A_1557 : i32
          %swap3A_1559 = arith.constant 0 : i32
          %swap3A_1560 = arith.constant 2 : i32
          %swap3A_1561 = arith.constant 7 : i32
          %swap3A_1562 = arith.index_cast %swap3A_1559 : i32 to index
          %swap3A_1563 = arith.index_cast %swap3A_1560 : i32 to index
          %swap3A_1564 = arith.index_cast %swap3A_1561 : i32 to index
          %swap3A_1565 = arith.index_cast %mul3A_1558 : i32 to index
          %swap3A_1566 = tpu.vector_load %arg9[%swap3A_1562, %swap3A_1563, %swap3A_1564, %swap3A_1565] {strides = array<i32>} : memref<4x4x8x128xf32, #tpu.memory_space<vmem>>, vector<16xf32>,
          tpu.vector_store %arg9[%swap3A_1562, %swap3A_1563, %swap3A_1564, %swap3A_1565], %add3A_1424 {strides = array<i32>} : memref<4x4x8x128xf32, #tpu.memory_space<vmem>>, vector<16xf32>,
          %mul3A_1567 = arith.constant 16 : i32
          %mul3A_1568 = arith.muli %scan3A_91, %mul3A_1567 : i32
          %swap3A_1569 = arith.constant 1 : i32
          %swap3A_1570 = arith.constant 2 : i32
          %swap3A_1571 = arith.constant 7 : i32
          %swap3A_1572 = arith.index_cast %swap3A_1569 : i32 to index
          %swap3A_1573 = arith.index_cast %swap3A_1570 : i32 to index
          %swap3A_1574 = arith.index_cast %swap3A_1571 : i32 to index
          %swap3A_1575 = arith.index_cast %mul3A_1568 : i32 to index
          %swap3A_1576 = tpu.vector_load %arg9[%swap3A_1572, %swap3A_1573, %swap3A_1574, %swap3A_1575] {strides = array<i32>} : memref<4x4x8x128xf32, #tpu.memory_space<vmem>>, vector<16xf32>,
          tpu.vector_store %arg9[%swap3A_1572, %swap3A_1573, %swap3A_1574, %swap3A_1575], %add3A_1428 {strides = array<i32>} : memref<4x4x8x128xf32, #tpu.memory_space<vmem>>, vector<16xf32>,
          %mul3A_1577 = arith.constant 16 : i32
          %mul3A_1578 = arith.muli %scan3A_91, %mul3A_1577 : i32
          %swap3A_1579 = arith.constant 2 : i32
          %swap3A_1580 = arith.constant 2 : i32
          %swap3A_1581 = arith.constant 7 : i32
          %swap3A_1582 = arith.index_cast %swap3A_1579 : i32 to index
          %swap3A_1583 = arith.index_cast %swap3A_1580 : i32 to index
          %swap3A_1584 = arith.index_cast %swap3A_1581 : i32 to index
          %swap3A_1585 = arith.index_cast %mul3A_1578 : i32 to index
          %swap3A_1586 = tpu.vector_load %arg9[%swap3A_1582, %swap3A_1583, %swap3A_1584, %swap3A_1585] {strides = array<i32>} : memref<4x4x8x128xf32, #tpu.memory_space<vmem>>, vector<16xf32>,
          tpu.vector_store %arg9[%swap3A_1582, %swap3A_1583, %swap3A_1584, %swap3A_1585], %add3A_1432 {strides = array<i32>} : memref<4x4x8x128xf32, #tpu.memory_space<vmem>>, vector<16xf32>,
          %mul3A_1587 = arith.constant 16 : i32
          %mul3A_1588 = arith.muli %scan3A_91, %mul3A_1587 : i32
          %swap3A_1589 = arith.constant 3 : i32
          %swap3A_1590 = arith.constant 2 : i32
          %swap3A_1591 = arith.constant 7 : i32
          %swap3A_1592 = arith.index_cast %swap3A_1589 : i32 to index
          %swap3A_1593 = arith.index_cast %swap3A_1590 : i32 to index
          %swap3A_1594 = arith.index_cast %swap3A_1591 : i32 to index
          %swap3A_1595 = arith.index_cast %mul3A_1588 : i32 to index
          %swap3A_1596 = tpu.vector_load %arg9[%swap3A_1592, %swap3A_1593, %swap3A_1594, %swap3A_1595] {strides = array<i32>} : memref<4x4x8x128xf32, #tpu.memory_space<vmem>>, vector<16xf32>,
          tpu.vector_store %arg9[%swap3A_1592, %swap3A_1593, %swap3A_1594, %swap3A_1595], %add3A_1436 {strides = array<i32>} : memref<4x4x8x128xf32, #tpu.memory_space<vmem>>, vector<16xf32>,
          %get3A_1597 = arith.constant 3 : i32
          %get3A_1598 = arith.constant 0 : i32
          %get3A_1599 = arith.index_cast %get3A_1597 : i32 to index
          %get3A_1600 = arith.index_cast %get3A_1598 : i32 to index
          %get3A_1601 = arith.index_cast %add3A_96 : i32 to index
          %get3A_1602 = tpu.vector_load %arg8[%get3A_1599, %get3A_1600, %get3A_1601] {strides = array<i32>} : memref<4x8x2048xf32, #tpu.memory_space<vmem>>, vector<16xf32>,
          %broadcast_in_dim3A_1603 = arith.constant 24 : i32
          %broadcast_in_dim3A_1604 = vector.broadcast %broadcast_in_dim3A_1603 : i32 to vector<16xi32>
          %gather3A_1605 = tpu.vector_load_idx %arg7[%broadcast_in_dim3A_1604, %get3A_99] : memref<32x8xf32, #tpu.memory_space<vmem>>[vector<16xi32>, vector<16xi32>], vector<16xf32>,
          %add3A_1606 = arith.addf %gather3A_1605, %get3A_1602 : vector<16xf32>
          %broadcast_in_dim3A_1607 = arith.constant 24 : i32
          %broadcast_in_dim3A_1608 = vector.broadcast %broadcast_in_dim3A_1607 : i32 to vector<16xi32>
          %gather3A_1609 = tpu.vector_load_idx %arg7[%broadcast_in_dim3A_1608, %get3A_103] : memref<32x8xf32, #tpu.memory_space<vmem>>[vector<16xi32>, vector<16xi32>], vector<16xf32>,
          %add3A_1610 = arith.addf %gather3A_1609, %get3A_1602 : vector<16xf32>
          %broadcast_in_dim3A_1611 = arith.constant 24 : i32
          %broadcast_in_dim3A_1612 = vector.broadcast %broadcast_in_dim3A_1611 : i32 to vector<16xi32>
          %gather3A_1613 = tpu.vector_load_idx %arg7[%broadcast_in_dim3A_1612, %get3A_107] : memref<32x8xf32, #tpu.memory_space<vmem>>[vector<16xi32>, vector<16xi32>], vector<16xf32>,
          %add3A_1614 = arith.addf %gather3A_1613, %get3A_1602 : vector<16xf32>
          %broadcast_in_dim3A_1615 = arith.constant 24 : i32
          %broadcast_in_dim3A_1616 = vector.broadcast %broadcast_in_dim3A_1615 : i32 to vector<16xi32>
          %gather3A_1617 = tpu.vector_load_idx %arg7[%broadcast_in_dim3A_1616, %get3A_111] : memref<32x8xf32, #tpu.memory_space<vmem>>[vector<16xi32>, vector<16xi32>], vector<16xf32>,
          %add3A_1618 = arith.addf %gather3A_1617, %get3A_1602 : vector<16xf32>
          %get3A_1619 = arith.constant 3 : i32
          %get3A_1620 = arith.constant 1 : i32
          %get3A_1621 = arith.index_cast %get3A_1619 : i32 to index
          %get3A_1622 = arith.index_cast %get3A_1620 : i32 to index
          %get3A_1623 = arith.index_cast %add3A_96 : i32 to index
          %get3A_1624 = tpu.vector_load %arg8[%get3A_1621, %get3A_1622, %get3A_1623] {strides = array<i32>} : memref<4x8x2048xf32, #tpu.memory_space<vmem>>, vector<16xf32>,
          %broadcast_in_dim3A_1625 = arith.constant 25 : i32
          %broadcast_in_dim3A_1626 = vector.broadcast %broadcast_in_dim3A_1625 : i32 to vector<16xi32>
          %gather3A_1627 = tpu.vector_load_idx %arg7[%broadcast_in_dim3A_1626, %get3A_99] : memref<32x8xf32, #tpu.memory_space<vmem>>[vector<16xi32>, vector<16xi32>], vector<16xf32>,
          %add3A_1628 = arith.addf %gather3A_1627, %get3A_1624 : vector<16xf32>
          %broadcast_in_dim3A_1629 = arith.constant 25 : i32
          %broadcast_in_dim3A_1630 = vector.broadcast %broadcast_in_dim3A_1629 : i32 to vector<16xi32>
          %gather3A_1631 = tpu.vector_load_idx %arg7[%broadcast_in_dim3A_1630, %get3A_103] : memref<32x8xf32, #tpu.memory_space<vmem>>[vector<16xi32>, vector<16xi32>], vector<16xf32>,
          %add3A_1632 = arith.addf %gather3A_1631, %get3A_1624 : vector<16xf32>
          %broadcast_in_dim3A_1633 = arith.constant 25 : i32
          %broadcast_in_dim3A_1634 = vector.broadcast %broadcast_in_dim3A_1633 : i32 to vector<16xi32>
          %gather3A_1635 = tpu.vector_load_idx %arg7[%broadcast_in_dim3A_1634, %get3A_107] : memref<32x8xf32, #tpu.memory_space<vmem>>[vector<16xi32>, vector<16xi32>], vector<16xf32>,
          %add3A_1636 = arith.addf %gather3A_1635, %get3A_1624 : vector<16xf32>
          %broadcast_in_dim3A_1637 = arith.constant 25 : i32
          %broadcast_in_dim3A_1638 = vector.broadcast %broadcast_in_dim3A_1637 : i32 to vector<16xi32>
          %gather3A_1639 = tpu.vector_load_idx %arg7[%broadcast_in_dim3A_1638, %get3A_111] : memref<32x8xf32, #tpu.memory_space<vmem>>[vector<16xi32>, vector<16xi32>], vector<16xf32>,
          %add3A_1640 = arith.addf %gather3A_1639, %get3A_1624 : vector<16xf32>
          %get3A_1641 = arith.constant 3 : i32
          %get3A_1642 = arith.constant 2 : i32
          %get3A_1643 = arith.index_cast %get3A_1641 : i32 to index
          %get3A_1644 = arith.index_cast %get3A_1642 : i32 to index
          %get3A_1645 = arith.index_cast %add3A_96 : i32 to index
          %get3A_1646 = tpu.vector_load %arg8[%get3A_1643, %get3A_1644, %get3A_1645] {strides = array<i32>} : memref<4x8x2048xf32, #tpu.memory_space<vmem>>, vector<16xf32>,
          %broadcast_in_dim3A_1647 = arith.constant 26 : i32
          %broadcast_in_dim3A_1648 = vector.broadcast %broadcast_in_dim3A_1647 : i32 to vector<16xi32>
          %gather3A_1649 = tpu.vector_load_idx %arg7[%broadcast_in_dim3A_1648, %get3A_99] : memref<32x8xf32, #tpu.memory_space<vmem>>[vector<16xi32>, vector<16xi32>], vector<16xf32>,
          %add3A_1650 = arith.addf %gather3A_1649, %get3A_1646 : vector<16xf32>
          %broadcast_in_dim3A_1651 = arith.constant 26 : i32
          %broadcast_in_dim3A_1652 = vector.broadcast %broadcast_in_dim3A_1651 : i32 to vector<16xi32>
          %gather3A_1653 = tpu.vector_load_idx %arg7[%broadcast_in_dim3A_1652, %get3A_103] : memref<32x8xf32, #tpu.memory_space<vmem>>[vector<16xi32>, vector<16xi32>], vector<16xf32>,
          %add3A_1654 = arith.addf %gather3A_1653, %get3A_1646 : vector<16xf32>
          %broadcast_in_dim3A_1655 = arith.constant 26 : i32
          %broadcast_in_dim3A_1656 = vector.broadcast %broadcast_in_dim3A_1655 : i32 to vector<16xi32>
          %gather3A_1657 = tpu.vector_load_idx %arg7[%broadcast_in_dim3A_1656, %get3A_107] : memref<32x8xf32, #tpu.memory_space<vmem>>[vector<16xi32>, vector<16xi32>], vector<16xf32>,
          %add3A_1658 = arith.addf %gather3A_1657, %get3A_1646 : vector<16xf32>
          %broadcast_in_dim3A_1659 = arith.constant 26 : i32
          %broadcast_in_dim3A_1660 = vector.broadcast %broadcast_in_dim3A_1659 : i32 to vector<16xi32>
          %gather3A_1661 = tpu.vector_load_idx %arg7[%broadcast_in_dim3A_1660, %get3A_111] : memref<32x8xf32, #tpu.memory_space<vmem>>[vector<16xi32>, vector<16xi32>], vector<16xf32>,
          %add3A_1662 = arith.addf %gather3A_1661, %get3A_1646 : vector<16xf32>
          %get3A_1663 = arith.constant 3 : i32
          %get3A_1664 = arith.constant 3 : i32
          %get3A_1665 = arith.index_cast %get3A_1663 : i32 to index
          %get3A_1666 = arith.index_cast %get3A_1664 : i32 to index
          %get3A_1667 = arith.index_cast %add3A_96 : i32 to index
          %get3A_1668 = tpu.vector_load %arg8[%get3A_1665, %get3A_1666, %get3A_1667] {strides = array<i32>} : memref<4x8x2048xf32, #tpu.memory_space<vmem>>, vector<16xf32>,
          %broadcast_in_dim3A_1669 = arith.constant 27 : i32
          %broadcast_in_dim3A_1670 = vector.broadcast %broadcast_in_dim3A_1669 : i32 to vector<16xi32>
          %gather3A_1671 = tpu.vector_load_idx %arg7[%broadcast_in_dim3A_1670, %get3A_99] : memref<32x8xf32, #tpu.memory_space<vmem>>[vector<16xi32>, vector<16xi32>], vector<16xf32>,
          %add3A_1672 = arith.addf %gather3A_1671, %get3A_1668 : vector<16xf32>
          %broadcast_in_dim3A_1673 = arith.constant 27 : i32
          %broadcast_in_dim3A_1674 = vector.broadcast %broadcast_in_dim3A_1673 : i32 to vector<16xi32>
          %gather3A_1675 = tpu.vector_load_idx %arg7[%broadcast_in_dim3A_1674, %get3A_103] : memref<32x8xf32, #tpu.memory_space<vmem>>[vector<16xi32>, vector<16xi32>], vector<16xf32>,
          %add3A_1676 = arith.addf %gather3A_1675, %get3A_1668 : vector<16xf32>
          %broadcast_in_dim3A_1677 = arith.constant 27 : i32
          %broadcast_in_dim3A_1678 = vector.broadcast %broadcast_in_dim3A_1677 : i32 to vector<16xi32>
          %gather3A_1679 = tpu.vector_load_idx %arg7[%broadcast_in_dim3A_1678, %get3A_107] : memref<32x8xf32, #tpu.memory_space<vmem>>[vector<16xi32>, vector<16xi32>], vector<16xf32>,
          %add3A_1680 = arith.addf %gather3A_1679, %get3A_1668 : vector<16xf32>
          %broadcast_in_dim3A_1681 = arith.constant 27 : i32
          %broadcast_in_dim3A_1682 = vector.broadcast %broadcast_in_dim3A_1681 : i32 to vector<16xi32>
          %gather3A_1683 = tpu.vector_load_idx %arg7[%broadcast_in_dim3A_1682, %get3A_111] : memref<32x8xf32, #tpu.memory_space<vmem>>[vector<16xi32>, vector<16xi32>], vector<16xf32>,
          %add3A_1684 = arith.addf %gather3A_1683, %get3A_1668 : vector<16xf32>
          %mul3A_1685 = arith.constant 16 : i32
          %mul3A_1686 = arith.muli %scan3A_91, %mul3A_1685 : i32
          %swap3A_1687 = arith.constant 0 : i32
          %swap3A_1688 = arith.constant 3 : i32
          %swap3A_1689 = arith.constant 0 : i32
          %swap3A_1690 = arith.index_cast %swap3A_1687 : i32 to index
          %swap3A_1691 = arith.index_cast %swap3A_1688 : i32 to index
          %swap3A_1692 = arith.index_cast %swap3A_1689 : i32 to index
          %swap3A_1693 = arith.index_cast %mul3A_1686 : i32 to index
          %swap3A_1694 = tpu.vector_load %arg9[%swap3A_1690, %swap3A_1691, %swap3A_1692, %swap3A_1693] {strides = array<i32>} : memref<4x4x8x128xf32, #tpu.memory_space<vmem>>, vector<16xf32>,
          tpu.vector_store %arg9[%swap3A_1690, %swap3A_1691, %swap3A_1692, %swap3A_1693], %add3A_1606 {strides = array<i32>} : memref<4x4x8x128xf32, #tpu.memory_space<vmem>>, vector<16xf32>,
          %mul3A_1695 = arith.constant 16 : i32
          %mul3A_1696 = arith.muli %scan3A_91, %mul3A_1695 : i32
          %swap3A_1697 = arith.constant 1 : i32
          %swap3A_1698 = arith.constant 3 : i32
          %swap3A_1699 = arith.constant 0 : i32
          %swap3A_1700 = arith.index_cast %swap3A_1697 : i32 to index
          %swap3A_1701 = arith.index_cast %swap3A_1698 : i32 to index
          %swap3A_1702 = arith.index_cast %swap3A_1699 : i32 to index
          %swap3A_1703 = arith.index_cast %mul3A_1696 : i32 to index
          %swap3A_1704 = tpu.vector_load %arg9[%swap3A_1700, %swap3A_1701, %swap3A_1702, %swap3A_1703] {strides = array<i32>} : memref<4x4x8x128xf32, #tpu.memory_space<vmem>>, vector<16xf32>,
          tpu.vector_store %arg9[%swap3A_1700, %swap3A_1701, %swap3A_1702, %swap3A_1703], %add3A_1610 {strides = array<i32>} : memref<4x4x8x128xf32, #tpu.memory_space<vmem>>, vector<16xf32>,
          %mul3A_1705 = arith.constant 16 : i32
          %mul3A_1706 = arith.muli %scan3A_91, %mul3A_1705 : i32
          %swap3A_1707 = arith.constant 2 : i32
          %swap3A_1708 = arith.constant 3 : i32
          %swap3A_1709 = arith.constant 0 : i32
          %swap3A_1710 = arith.index_cast %swap3A_1707 : i32 to index
          %swap3A_1711 = arith.index_cast %swap3A_1708 : i32 to index
          %swap3A_1712 = arith.index_cast %swap3A_1709 : i32 to index
          %swap3A_1713 = arith.index_cast %mul3A_1706 : i32 to index
          %swap3A_1714 = tpu.vector_load %arg9[%swap3A_1710, %swap3A_1711, %swap3A_1712, %swap3A_1713] {strides = array<i32>} : memref<4x4x8x128xf32, #tpu.memory_space<vmem>>, vector<16xf32>,
          tpu.vector_store %arg9[%swap3A_1710, %swap3A_1711, %swap3A_1712, %swap3A_1713], %add3A_1614 {strides = array<i32>} : memref<4x4x8x128xf32, #tpu.memory_space<vmem>>, vector<16xf32>,
          %mul3A_1715 = arith.constant 16 : i32
          %mul3A_1716 = arith.muli %scan3A_91, %mul3A_1715 : i32
          %swap3A_1717 = arith.constant 3 : i32
          %swap3A_1718 = arith.constant 3 : i32
          %swap3A_1719 = arith.constant 0 : i32
          %swap3A_1720 = arith.index_cast %swap3A_1717 : i32 to index
          %swap3A_1721 = arith.index_cast %swap3A_1718 : i32 to index
          %swap3A_1722 = arith.index_cast %swap3A_1719 : i32 to index
          %swap3A_1723 = arith.index_cast %mul3A_1716 : i32 to index
          %swap3A_1724 = tpu.vector_load %arg9[%swap3A_1720, %swap3A_1721, %swap3A_1722, %swap3A_1723] {strides = array<i32>} : memref<4x4x8x128xf32, #tpu.memory_space<vmem>>, vector<16xf32>,
          tpu.vector_store %arg9[%swap3A_1720, %swap3A_1721, %swap3A_1722, %swap3A_1723], %add3A_1618 {strides = array<i32>} : memref<4x4x8x128xf32, #tpu.memory_space<vmem>>, vector<16xf32>,
          %mul3A_1725 = arith.constant 16 : i32
          %mul3A_1726 = arith.muli %scan3A_91, %mul3A_1725 : i32
          %swap3A_1727 = arith.constant 0 : i32
          %swap3A_1728 = arith.constant 3 : i32
          %swap3A_1729 = arith.constant 1 : i32
          %swap3A_1730 = arith.index_cast %swap3A_1727 : i32 to index
          %swap3A_1731 = arith.index_cast %swap3A_1728 : i32 to index
          %swap3A_1732 = arith.index_cast %swap3A_1729 : i32 to index
          %swap3A_1733 = arith.index_cast %mul3A_1726 : i32 to index
          %swap3A_1734 = tpu.vector_load %arg9[%swap3A_1730, %swap3A_1731, %swap3A_1732, %swap3A_1733] {strides = array<i32>} : memref<4x4x8x128xf32, #tpu.memory_space<vmem>>, vector<16xf32>,
          tpu.vector_store %arg9[%swap3A_1730, %swap3A_1731, %swap3A_1732, %swap3A_1733], %add3A_1628 {strides = array<i32>} : memref<4x4x8x128xf32, #tpu.memory_space<vmem>>, vector<16xf32>,
          %mul3A_1735 = arith.constant 16 : i32
          %mul3A_1736 = arith.muli %scan3A_91, %mul3A_1735 : i32
          %swap3A_1737 = arith.constant 1 : i32
          %swap3A_1738 = arith.constant 3 : i32
          %swap3A_1739 = arith.constant 1 : i32
          %swap3A_1740 = arith.index_cast %swap3A_1737 : i32 to index
          %swap3A_1741 = arith.index_cast %swap3A_1738 : i32 to index
          %swap3A_1742 = arith.index_cast %swap3A_1739 : i32 to index
          %swap3A_1743 = arith.index_cast %mul3A_1736 : i32 to index
          %swap3A_1744 = tpu.vector_load %arg9[%swap3A_1740, %swap3A_1741, %swap3A_1742, %swap3A_1743] {strides = array<i32>} : memref<4x4x8x128xf32, #tpu.memory_space<vmem>>, vector<16xf32>,
          tpu.vector_store %arg9[%swap3A_1740, %swap3A_1741, %swap3A_1742, %swap3A_1743], %add3A_1632 {strides = array<i32>} : memref<4x4x8x128xf32, #tpu.memory_space<vmem>>, vector<16xf32>,
          %mul3A_1745 = arith.constant 16 : i32
          %mul3A_1746 = arith.muli %scan3A_91, %mul3A_1745 : i32
          %swap3A_1747 = arith.constant 2 : i32
          %swap3A_1748 = arith.constant 3 : i32
          %swap3A_1749 = arith.constant 1 : i32
          %swap3A_1750 = arith.index_cast %swap3A_1747 : i32 to index
          %swap3A_1751 = arith.index_cast %swap3A_1748 : i32 to index
          %swap3A_1752 = arith.index_cast %swap3A_1749 : i32 to index
          %swap3A_1753 = arith.index_cast %mul3A_1746 : i32 to index
          %swap3A_1754 = tpu.vector_load %arg9[%swap3A_1750, %swap3A_1751, %swap3A_1752, %swap3A_1753] {strides = array<i32>} : memref<4x4x8x128xf32, #tpu.memory_space<vmem>>, vector<16xf32>,
          tpu.vector_store %arg9[%swap3A_1750, %swap3A_1751, %swap3A_1752, %swap3A_1753], %add3A_1636 {strides = array<i32>} : memref<4x4x8x128xf32, #tpu.memory_space<vmem>>, vector<16xf32>,
          %mul3A_1755 = arith.constant 16 : i32
          %mul3A_1756 = arith.muli %scan3A_91, %mul3A_1755 : i32
          %swap3A_1757 = arith.constant 3 : i32
          %swap3A_1758 = arith.constant 3 : i32
          %swap3A_1759 = arith.constant 1 : i32
          %swap3A_1760 = arith.index_cast %swap3A_1757 : i32 to index
          %swap3A_1761 = arith.index_cast %swap3A_1758 : i32 to index
          %swap3A_1762 = arith.index_cast %swap3A_1759 : i32 to index
          %swap3A_1763 = arith.index_cast %mul3A_1756 : i32 to index
          %swap3A_1764 = tpu.vector_load %arg9[%swap3A_1760, %swap3A_1761, %swap3A_1762, %swap3A_1763] {strides = array<i32>} : memref<4x4x8x128xf32, #tpu.memory_space<vmem>>, vector<16xf32>,
          tpu.vector_store %arg9[%swap3A_1760, %swap3A_1761, %swap3A_1762, %swap3A_1763], %add3A_1640 {strides = array<i32>} : memref<4x4x8x128xf32, #tpu.memory_space<vmem>>, vector<16xf32>,
          %mul3A_1765 = arith.constant 16 : i32
          %mul3A_1766 = arith.muli %scan3A_91, %mul3A_1765 : i32
          %swap3A_1767 = arith.constant 0 : i32
          %swap3A_1768 = arith.constant 3 : i32
          %swap3A_1769 = arith.constant 2 : i32
          %swap3A_1770 = arith.index_cast %swap3A_1767 : i32 to index
          %swap3A_1771 = arith.index_cast %swap3A_1768 : i32 to index
          %swap3A_1772 = arith.index_cast %swap3A_1769 : i32 to index
          %swap3A_1773 = arith.index_cast %mul3A_1766 : i32 to index
          %swap3A_1774 = tpu.vector_load %arg9[%swap3A_1770, %swap3A_1771, %swap3A_1772, %swap3A_1773] {strides = array<i32>} : memref<4x4x8x128xf32, #tpu.memory_space<vmem>>, vector<16xf32>,
          tpu.vector_store %arg9[%swap3A_1770, %swap3A_1771, %swap3A_1772, %swap3A_1773], %add3A_1650 {strides = array<i32>} : memref<4x4x8x128xf32, #tpu.memory_space<vmem>>, vector<16xf32>,
          %mul3A_1775 = arith.constant 16 : i32
          %mul3A_1776 = arith.muli %scan3A_91, %mul3A_1775 : i32
          %swap3A_1777 = arith.constant 1 : i32
          %swap3A_1778 = arith.constant 3 : i32
          %swap3A_1779 = arith.constant 2 : i32
          %swap3A_1780 = arith.index_cast %swap3A_1777 : i32 to index
          %swap3A_1781 = arith.index_cast %swap3A_1778 : i32 to index
          %swap3A_1782 = arith.index_cast %swap3A_1779 : i32 to index
          %swap3A_1783 = arith.index_cast %mul3A_1776 : i32 to index
          %swap3A_1784 = tpu.vector_load %arg9[%swap3A_1780, %swap3A_1781, %swap3A_1782, %swap3A_1783] {strides = array<i32>} : memref<4x4x8x128xf32, #tpu.memory_space<vmem>>, vector<16xf32>,
          tpu.vector_store %arg9[%swap3A_1780, %swap3A_1781, %swap3A_1782, %swap3A_1783], %add3A_1654 {strides = array<i32>} : memref<4x4x8x128xf32, #tpu.memory_space<vmem>>, vector<16xf32>,
          %mul3A_1785 = arith.constant 16 : i32
          %mul3A_1786 = arith.muli %scan3A_91, %mul3A_1785 : i32
          %swap3A_1787 = arith.constant 2 : i32
          %swap3A_1788 = arith.constant 3 : i32
          %swap3A_1789 = arith.constant 2 : i32
          %swap3A_1790 = arith.index_cast %swap3A_1787 : i32 to index
          %swap3A_1791 = arith.index_cast %swap3A_1788 : i32 to index
          %swap3A_1792 = arith.index_cast %swap3A_1789 : i32 to index
          %swap3A_1793 = arith.index_cast %mul3A_1786 : i32 to index
          %swap3A_1794 = tpu.vector_load %arg9[%swap3A_1790, %swap3A_1791, %swap3A_1792, %swap3A_1793] {strides = array<i32>} : memref<4x4x8x128xf32, #tpu.memory_space<vmem>>, vector<16xf32>,
          tpu.vector_store %arg9[%swap3A_1790, %swap3A_1791, %swap3A_1792, %swap3A_1793], %add3A_1658 {strides = array<i32>} : memref<4x4x8x128xf32, #tpu.memory_space<vmem>>, vector<16xf32>,
          %mul3A_1795 = arith.constant 16 : i32
          %mul3A_1796 = arith.muli %scan3A_91, %mul3A_1795 : i32
          %swap3A_1797 = arith.constant 3 : i32
          %swap3A_1798 = arith.constant 3 : i32
          %swap3A_1799 = arith.constant 2 : i32
          %swap3A_1800 = arith.index_cast %swap3A_1797 : i32 to index
          %swap3A_1801 = arith.index_cast %swap3A_1798 : i32 to index
          %swap3A_1802 = arith.index_cast %swap3A_1799 : i32 to index
          %swap3A_1803 = arith.index_cast %mul3A_1796 : i32 to index
          %swap3A_1804 = tpu.vector_load %arg9[%swap3A_1800, %swap3A_1801, %swap3A_1802, %swap3A_1803] {strides = array<i32>} : memref<4x4x8x128xf32, #tpu.memory_space<vmem>>, vector<16xf32>,
          tpu.vector_store %arg9[%swap3A_1800, %swap3A_1801, %swap3A_1802, %swap3A_1803], %add3A_1662 {strides = array<i32>} : memref<4x4x8x128xf32, #tpu.memory_space<vmem>>, vector<16xf32>,
          %mul3A_1805 = arith.constant 16 : i32
          %mul3A_1806 = arith.muli %scan3A_91, %mul3A_1805 : i32
          %swap3A_1807 = arith.constant 0 : i32
          %swap3A_1808 = arith.constant 3 : i32
          %swap3A_1809 = arith.constant 3 : i32
          %swap3A_1810 = arith.index_cast %swap3A_1807 : i32 to index
          %swap3A_1811 = arith.index_cast %swap3A_1808 : i32 to index
          %swap3A_1812 = arith.index_cast %swap3A_1809 : i32 to index
          %swap3A_1813 = arith.index_cast %mul3A_1806 : i32 to index
          %swap3A_1814 = tpu.vector_load %arg9[%swap3A_1810, %swap3A_1811, %swap3A_1812, %swap3A_1813] {strides = array<i32>} : memref<4x4x8x128xf32, #tpu.memory_space<vmem>>, vector<16xf32>,
          tpu.vector_store %arg9[%swap3A_1810, %swap3A_1811, %swap3A_1812, %swap3A_1813], %add3A_1672 {strides = array<i32>} : memref<4x4x8x128xf32, #tpu.memory_space<vmem>>, vector<16xf32>,
          %mul3A_1815 = arith.constant 16 : i32
          %mul3A_1816 = arith.muli %scan3A_91, %mul3A_1815 : i32
          %swap3A_1817 = arith.constant 1 : i32
          %swap3A_1818 = arith.constant 3 : i32
          %swap3A_1819 = arith.constant 3 : i32
          %swap3A_1820 = arith.index_cast %swap3A_1817 : i32 to index
          %swap3A_1821 = arith.index_cast %swap3A_1818 : i32 to index
          %swap3A_1822 = arith.index_cast %swap3A_1819 : i32 to index
          %swap3A_1823 = arith.index_cast %mul3A_1816 : i32 to index
          %swap3A_1824 = tpu.vector_load %arg9[%swap3A_1820, %swap3A_1821, %swap3A_1822, %swap3A_1823] {strides = array<i32>} : memref<4x4x8x128xf32, #tpu.memory_space<vmem>>, vector<16xf32>,
          tpu.vector_store %arg9[%swap3A_1820, %swap3A_1821, %swap3A_1822, %swap3A_1823], %add3A_1676 {strides = array<i32>} : memref<4x4x8x128xf32, #tpu.memory_space<vmem>>, vector<16xf32>,
          %mul3A_1825 = arith.constant 16 : i32
          %mul3A_1826 = arith.muli %scan3A_91, %mul3A_1825 : i32
          %swap3A_1827 = arith.constant 2 : i32
          %swap3A_1828 = arith.constant 3 : i32
          %swap3A_1829 = arith.constant 3 : i32
          %swap3A_1830 = arith.index_cast %swap3A_1827 : i32 to index
          %swap3A_1831 = arith.index_cast %swap3A_1828 : i32 to index
          %swap3A_1832 = arith.index_cast %swap3A_1829 : i32 to index
          %swap3A_1833 = arith.index_cast %mul3A_1826 : i32 to index
          %swap3A_1834 = tpu.vector_load %arg9[%swap3A_1830, %swap3A_1831, %swap3A_1832, %swap3A_1833] {strides = array<i32>} : memref<4x4x8x128xf32, #tpu.memory_space<vmem>>, vector<16xf32>,
          tpu.vector_store %arg9[%swap3A_1830, %swap3A_1831, %swap3A_1832, %swap3A_1833], %add3A_1680 {strides = array<i32>} : memref<4x4x8x128xf32, #tpu.memory_space<vmem>>, vector<16xf32>,
          %mul3A_1835 = arith.constant 16 : i32
          %mul3A_1836 = arith.muli %scan3A_91, %mul3A_1835 : i32
          %swap3A_1837 = arith.constant 3 : i32
          %swap3A_1838 = arith.constant 3 : i32
          %swap3A_1839 = arith.constant 3 : i32
          %swap3A_1840 = arith.index_cast %swap3A_1837 : i32 to index
          %swap3A_1841 = arith.index_cast %swap3A_1838 : i32 to index
          %swap3A_1842 = arith.index_cast %swap3A_1839 : i32 to index
          %swap3A_1843 = arith.index_cast %mul3A_1836 : i32 to index
          %swap3A_1844 = tpu.vector_load %arg9[%swap3A_1840, %swap3A_1841, %swap3A_1842, %swap3A_1843] {strides = array<i32>} : memref<4x4x8x128xf32, #tpu.memory_space<vmem>>, vector<16xf32>,
          tpu.vector_store %arg9[%swap3A_1840, %swap3A_1841, %swap3A_1842, %swap3A_1843], %add3A_1684 {strides = array<i32>} : memref<4x4x8x128xf32, #tpu.memory_space<vmem>>, vector<16xf32>,
          %get3A_1845 = arith.constant 3 : i32
          %get3A_1846 = arith.constant 4 : i32
          %get3A_1847 = arith.index_cast %get3A_1845 : i32 to index
          %get3A_1848 = arith.index_cast %get3A_1846 : i32 to index
          %get3A_1849 = arith.index_cast %add3A_96 : i32 to index
          %get3A_1850 = tpu.vector_load %arg8[%get3A_1847, %get3A_1848, %get3A_1849] {strides = array<i32>} : memref<4x8x2048xf32, #tpu.memory_space<vmem>>, vector<16xf32>,
          %broadcast_in_dim3A_1851 = arith.constant 28 : i32
          %broadcast_in_dim3A_1852 = vector.broadcast %broadcast_in_dim3A_1851 : i32 to vector<16xi32>
          %gather3A_1853 = tpu.vector_load_idx %arg7[%broadcast_in_dim3A_1852, %get3A_99] : memref<32x8xf32, #tpu.memory_space<vmem>>[vector<16xi32>, vector<16xi32>], vector<16xf32>,
          %add3A_1854 = arith.addf %gather3A_1853, %get3A_1850 : vector<16xf32>
          %broadcast_in_dim3A_1855 = arith.constant 28 : i32
          %broadcast_in_dim3A_1856 = vector.broadcast %broadcast_in_dim3A_1855 : i32 to vector<16xi32>
          %gather3A_1857 = tpu.vector_load_idx %arg7[%broadcast_in_dim3A_1856, %get3A_103] : memref<32x8xf32, #tpu.memory_space<vmem>>[vector<16xi32>, vector<16xi32>], vector<16xf32>,
          %add3A_1858 = arith.addf %gather3A_1857, %get3A_1850 : vector<16xf32>
          %broadcast_in_dim3A_1859 = arith.constant 28 : i32
          %broadcast_in_dim3A_1860 = vector.broadcast %broadcast_in_dim3A_1859 : i32 to vector<16xi32>
          %gather3A_1861 = tpu.vector_load_idx %arg7[%broadcast_in_dim3A_1860, %get3A_107] : memref<32x8xf32, #tpu.memory_space<vmem>>[vector<16xi32>, vector<16xi32>], vector<16xf32>,
          %add3A_1862 = arith.addf %gather3A_1861, %get3A_1850 : vector<16xf32>
          %broadcast_in_dim3A_1863 = arith.constant 28 : i32
          %broadcast_in_dim3A_1864 = vector.broadcast %broadcast_in_dim3A_1863 : i32 to vector<16xi32>
          %gather3A_1865 = tpu.vector_load_idx %arg7[%broadcast_in_dim3A_1864, %get3A_111] : memref<32x8xf32, #tpu.memory_space<vmem>>[vector<16xi32>, vector<16xi32>], vector<16xf32>,
          %add3A_1866 = arith.addf %gather3A_1865, %get3A_1850 : vector<16xf32>
          %get3A_1867 = arith.constant 3 : i32
          %get3A_1868 = arith.constant 5 : i32
          %get3A_1869 = arith.index_cast %get3A_1867 : i32 to index
          %get3A_1870 = arith.index_cast %get3A_1868 : i32 to index
          %get3A_1871 = arith.index_cast %add3A_96 : i32 to index
          %get3A_1872 = tpu.vector_load %arg8[%get3A_1869, %get3A_1870, %get3A_1871] {strides = array<i32>} : memref<4x8x2048xf32, #tpu.memory_space<vmem>>, vector<16xf32>,
          %broadcast_in_dim3A_1873 = arith.constant 29 : i32
          %broadcast_in_dim3A_1874 = vector.broadcast %broadcast_in_dim3A_1873 : i32 to vector<16xi32>
          %gather3A_1875 = tpu.vector_load_idx %arg7[%broadcast_in_dim3A_1874, %get3A_99] : memref<32x8xf32, #tpu.memory_space<vmem>>[vector<16xi32>, vector<16xi32>], vector<16xf32>,
          %add3A_1876 = arith.addf %gather3A_1875, %get3A_1872 : vector<16xf32>
          %broadcast_in_dim3A_1877 = arith.constant 29 : i32
          %broadcast_in_dim3A_1878 = vector.broadcast %broadcast_in_dim3A_1877 : i32 to vector<16xi32>
          %gather3A_1879 = tpu.vector_load_idx %arg7[%broadcast_in_dim3A_1878, %get3A_103] : memref<32x8xf32, #tpu.memory_space<vmem>>[vector<16xi32>, vector<16xi32>], vector<16xf32>,
          %add3A_1880 = arith.addf %gather3A_1879, %get3A_1872 : vector<16xf32>
          %broadcast_in_dim3A_1881 = arith.constant 29 : i32
          %broadcast_in_dim3A_1882 = vector.broadcast %broadcast_in_dim3A_1881 : i32 to vector<16xi32>
          %gather3A_1883 = tpu.vector_load_idx %arg7[%broadcast_in_dim3A_1882, %get3A_107] : memref<32x8xf32, #tpu.memory_space<vmem>>[vector<16xi32>, vector<16xi32>], vector<16xf32>,
          %add3A_1884 = arith.addf %gather3A_1883, %get3A_1872 : vector<16xf32>
          %broadcast_in_dim3A_1885 = arith.constant 29 : i32
          %broadcast_in_dim3A_1886 = vector.broadcast %broadcast_in_dim3A_1885 : i32 to vector<16xi32>
          %gather3A_1887 = tpu.vector_load_idx %arg7[%broadcast_in_dim3A_1886, %get3A_111] : memref<32x8xf32, #tpu.memory_space<vmem>>[vector<16xi32>, vector<16xi32>], vector<16xf32>,
          %add3A_1888 = arith.addf %gather3A_1887, %get3A_1872 : vector<16xf32>
          %get3A_1889 = arith.constant 3 : i32
          %get3A_1890 = arith.constant 6 : i32
          %get3A_1891 = arith.index_cast %get3A_1889 : i32 to index
          %get3A_1892 = arith.index_cast %get3A_1890 : i32 to index
          %get3A_1893 = arith.index_cast %add3A_96 : i32 to index
          %get3A_1894 = tpu.vector_load %arg8[%get3A_1891, %get3A_1892, %get3A_1893] {strides = array<i32>} : memref<4x8x2048xf32, #tpu.memory_space<vmem>>, vector<16xf32>,
          %broadcast_in_dim3A_1895 = arith.constant 30 : i32
          %broadcast_in_dim3A_1896 = vector.broadcast %broadcast_in_dim3A_1895 : i32 to vector<16xi32>
          %gather3A_1897 = tpu.vector_load_idx %arg7[%broadcast_in_dim3A_1896, %get3A_99] : memref<32x8xf32, #tpu.memory_space<vmem>>[vector<16xi32>, vector<16xi32>], vector<16xf32>,
          %add3A_1898 = arith.addf %gather3A_1897, %get3A_1894 : vector<16xf32>
          %broadcast_in_dim3A_1899 = arith.constant 30 : i32
          %broadcast_in_dim3A_1900 = vector.broadcast %broadcast_in_dim3A_1899 : i32 to vector<16xi32>
          %gather3A_1901 = tpu.vector_load_idx %arg7[%broadcast_in_dim3A_1900, %get3A_103] : memref<32x8xf32, #tpu.memory_space<vmem>>[vector<16xi32>, vector<16xi32>], vector<16xf32>,
          %add3A_1902 = arith.addf %gather3A_1901, %get3A_1894 : vector<16xf32>
          %broadcast_in_dim3A_1903 = arith.constant 30 : i32
          %broadcast_in_dim3A_1904 = vector.broadcast %broadcast_in_dim3A_1903 : i32 to vector<16xi32>
          %gather3A_1905 = tpu.vector_load_idx %arg7[%broadcast_in_dim3A_1904, %get3A_107] : memref<32x8xf32, #tpu.memory_space<vmem>>[vector<16xi32>, vector<16xi32>], vector<16xf32>,
          %add3A_1906 = arith.addf %gather3A_1905, %get3A_1894 : vector<16xf32>
          %broadcast_in_dim3A_1907 = arith.constant 30 : i32
          %broadcast_in_dim3A_1908 = vector.broadcast %broadcast_in_dim3A_1907 : i32 to vector<16xi32>
          %gather3A_1909 = tpu.vector_load_idx %arg7[%broadcast_in_dim3A_1908, %get3A_111] : memref<32x8xf32, #tpu.memory_space<vmem>>[vector<16xi32>, vector<16xi32>], vector<16xf32>,
          %add3A_1910 = arith.addf %gather3A_1909, %get3A_1894 : vector<16xf32>
          %get3A_1911 = arith.constant 3 : i32
          %get3A_1912 = arith.constant 7 : i32
          %get3A_1913 = arith.index_cast %get3A_1911 : i32 to index
          %get3A_1914 = arith.index_cast %get3A_1912 : i32 to index
          %get3A_1915 = arith.index_cast %add3A_96 : i32 to index
          %get3A_1916 = tpu.vector_load %arg8[%get3A_1913, %get3A_1914, %get3A_1915] {strides = array<i32>} : memref<4x8x2048xf32, #tpu.memory_space<vmem>>, vector<16xf32>,
          %broadcast_in_dim3A_1917 = arith.constant 31 : i32
          %broadcast_in_dim3A_1918 = vector.broadcast %broadcast_in_dim3A_1917 : i32 to vector<16xi32>
          %gather3A_1919 = tpu.vector_load_idx %arg7[%broadcast_in_dim3A_1918, %get3A_99] : memref<32x8xf32, #tpu.memory_space<vmem>>[vector<16xi32>, vector<16xi32>], vector<16xf32>,
          %add3A_1920 = arith.addf %gather3A_1919, %get3A_1916 : vector<16xf32>
          %broadcast_in_dim3A_1921 = arith.constant 31 : i32
          %broadcast_in_dim3A_1922 = vector.broadcast %broadcast_in_dim3A_1921 : i32 to vector<16xi32>
          %gather3A_1923 = tpu.vector_load_idx %arg7[%broadcast_in_dim3A_1922, %get3A_103] : memref<32x8xf32, #tpu.memory_space<vmem>>[vector<16xi32>, vector<16xi32>], vector<16xf32>,
          %add3A_1924 = arith.addf %gather3A_1923, %get3A_1916 : vector<16xf32>
          %broadcast_in_dim3A_1925 = arith.constant 31 : i32
          %broadcast_in_dim3A_1926 = vector.broadcast %broadcast_in_dim3A_1925 : i32 to vector<16xi32>
          %gather3A_1927 = tpu.vector_load_idx %arg7[%broadcast_in_dim3A_1926, %get3A_107] : memref<32x8xf32, #tpu.memory_space<vmem>>[vector<16xi32>, vector<16xi32>], vector<16xf32>,
          %add3A_1928 = arith.addf %gather3A_1927, %get3A_1916 : vector<16xf32>
          %broadcast_in_dim3A_1929 = arith.constant 31 : i32
          %broadcast_in_dim3A_1930 = vector.broadcast %broadcast_in_dim3A_1929 : i32 to vector<16xi32>
          %gather3A_1931 = tpu.vector_load_idx %arg7[%broadcast_in_dim3A_1930, %get3A_111] : memref<32x8xf32, #tpu.memory_space<vmem>>[vector<16xi32>, vector<16xi32>], vector<16xf32>,
          %add3A_1932 = arith.addf %gather3A_1931, %get3A_1916 : vector<16xf32>
          %mul3A_1933 = arith.constant 16 : i32
          %mul3A_1934 = arith.muli %scan3A_91, %mul3A_1933 : i32
          %swap3A_1935 = arith.constant 0 : i32
          %swap3A_1936 = arith.constant 3 : i32
          %swap3A_1937 = arith.constant 4 : i32
          %swap3A_1938 = arith.index_cast %swap3A_1935 : i32 to index
          %swap3A_1939 = arith.index_cast %swap3A_1936 : i32 to index
          %swap3A_1940 = arith.index_cast %swap3A_1937 : i32 to index
          %swap3A_1941 = arith.index_cast %mul3A_1934 : i32 to index
          %swap3A_1942 = tpu.vector_load %arg9[%swap3A_1938, %swap3A_1939, %swap3A_1940, %swap3A_1941] {strides = array<i32>} : memref<4x4x8x128xf32, #tpu.memory_space<vmem>>, vector<16xf32>,
          tpu.vector_store %arg9[%swap3A_1938, %swap3A_1939, %swap3A_1940, %swap3A_1941], %add3A_1854 {strides = array<i32>} : memref<4x4x8x128xf32, #tpu.memory_space<vmem>>, vector<16xf32>,
          %mul3A_1943 = arith.constant 16 : i32
          %mul3A_1944 = arith.muli %scan3A_91, %mul3A_1943 : i32
          %swap3A_1945 = arith.constant 1 : i32
          %swap3A_1946 = arith.constant 3 : i32
          %swap3A_1947 = arith.constant 4 : i32
          %swap3A_1948 = arith.index_cast %swap3A_1945 : i32 to index
          %swap3A_1949 = arith.index_cast %swap3A_1946 : i32 to index
          %swap3A_1950 = arith.index_cast %swap3A_1947 : i32 to index
          %swap3A_1951 = arith.index_cast %mul3A_1944 : i32 to index
          %swap3A_1952 = tpu.vector_load %arg9[%swap3A_1948, %swap3A_1949, %swap3A_1950, %swap3A_1951] {strides = array<i32>} : memref<4x4x8x128xf32, #tpu.memory_space<vmem>>, vector<16xf32>,
          tpu.vector_store %arg9[%swap3A_1948, %swap3A_1949, %swap3A_1950, %swap3A_1951], %add3A_1858 {strides = array<i32>} : memref<4x4x8x128xf32, #tpu.memory_space<vmem>>, vector<16xf32>,
          %mul3A_1953 = arith.constant 16 : i32
          %mul3A_1954 = arith.muli %scan3A_91, %mul3A_1953 : i32
          %swap3A_1955 = arith.constant 2 : i32
          %swap3A_1956 = arith.constant 3 : i32
          %swap3A_1957 = arith.constant 4 : i32
          %swap3A_1958 = arith.index_cast %swap3A_1955 : i32 to index
          %swap3A_1959 = arith.index_cast %swap3A_1956 : i32 to index
          %swap3A_1960 = arith.index_cast %swap3A_1957 : i32 to index
          %swap3A_1961 = arith.index_cast %mul3A_1954 : i32 to index
          %swap3A_1962 = tpu.vector_load %arg9[%swap3A_1958, %swap3A_1959, %swap3A_1960, %swap3A_1961] {strides = array<i32>} : memref<4x4x8x128xf32, #tpu.memory_space<vmem>>, vector<16xf32>,
          tpu.vector_store %arg9[%swap3A_1958, %swap3A_1959, %swap3A_1960, %swap3A_1961], %add3A_1862 {strides = array<i32>} : memref<4x4x8x128xf32, #tpu.memory_space<vmem>>, vector<16xf32>,
          %mul3A_1963 = arith.constant 16 : i32
          %mul3A_1964 = arith.muli %scan3A_91, %mul3A_1963 : i32
          %swap3A_1965 = arith.constant 3 : i32
          %swap3A_1966 = arith.constant 3 : i32
          %swap3A_1967 = arith.constant 4 : i32
          %swap3A_1968 = arith.index_cast %swap3A_1965 : i32 to index
          %swap3A_1969 = arith.index_cast %swap3A_1966 : i32 to index
          %swap3A_1970 = arith.index_cast %swap3A_1967 : i32 to index
          %swap3A_1971 = arith.index_cast %mul3A_1964 : i32 to index
          %swap3A_1972 = tpu.vector_load %arg9[%swap3A_1968, %swap3A_1969, %swap3A_1970, %swap3A_1971] {strides = array<i32>} : memref<4x4x8x128xf32, #tpu.memory_space<vmem>>, vector<16xf32>,
          tpu.vector_store %arg9[%swap3A_1968, %swap3A_1969, %swap3A_1970, %swap3A_1971], %add3A_1866 {strides = array<i32>} : memref<4x4x8x128xf32, #tpu.memory_space<vmem>>, vector<16xf32>,
          %mul3A_1973 = arith.constant 16 : i32
          %mul3A_1974 = arith.muli %scan3A_91, %mul3A_1973 : i32
          %swap3A_1975 = arith.constant 0 : i32
          %swap3A_1976 = arith.constant 3 : i32
          %swap3A_1977 = arith.constant 5 : i32
          %swap3A_1978 = arith.index_cast %swap3A_1975 : i32 to index
          %swap3A_1979 = arith.index_cast %swap3A_1976 : i32 to index
          %swap3A_1980 = arith.index_cast %swap3A_1977 : i32 to index
          %swap3A_1981 = arith.index_cast %mul3A_1974 : i32 to index
          %swap3A_1982 = tpu.vector_load %arg9[%swap3A_1978, %swap3A_1979, %swap3A_1980, %swap3A_1981] {strides = array<i32>} : memref<4x4x8x128xf32, #tpu.memory_space<vmem>>, vector<16xf32>,
          tpu.vector_store %arg9[%swap3A_1978, %swap3A_1979, %swap3A_1980, %swap3A_1981], %add3A_1876 {strides = array<i32>} : memref<4x4x8x128xf32, #tpu.memory_space<vmem>>, vector<16xf32>,
          %mul3A_1983 = arith.constant 16 : i32
          %mul3A_1984 = arith.muli %scan3A_91, %mul3A_1983 : i32
          %swap3A_1985 = arith.constant 1 : i32
          %swap3A_1986 = arith.constant 3 : i32
          %swap3A_1987 = arith.constant 5 : i32
          %swap3A_1988 = arith.index_cast %swap3A_1985 : i32 to index
          %swap3A_1989 = arith.index_cast %swap3A_1986 : i32 to index
          %swap3A_1990 = arith.index_cast %swap3A_1987 : i32 to index
          %swap3A_1991 = arith.index_cast %mul3A_1984 : i32 to index
          %swap3A_1992 = tpu.vector_load %arg9[%swap3A_1988, %swap3A_1989, %swap3A_1990, %swap3A_1991] {strides = array<i32>} : memref<4x4x8x128xf32, #tpu.memory_space<vmem>>, vector<16xf32>,
          tpu.vector_store %arg9[%swap3A_1988, %swap3A_1989, %swap3A_1990, %swap3A_1991], %add3A_1880 {strides = array<i32>} : memref<4x4x8x128xf32, #tpu.memory_space<vmem>>, vector<16xf32>,
          %mul3A_1993 = arith.constant 16 : i32
          %mul3A_1994 = arith.muli %scan3A_91, %mul3A_1993 : i32
          %swap3A_1995 = arith.constant 2 : i32
          %swap3A_1996 = arith.constant 3 : i32
          %swap3A_1997 = arith.constant 5 : i32
          %swap3A_1998 = arith.index_cast %swap3A_1995 : i32 to index
          %swap3A_1999 = arith.index_cast %swap3A_1996 : i32 to index
          %swap3A_2000 = arith.index_cast %swap3A_1997 : i32 to index
          %swap3A_2001 = arith.index_cast %mul3A_1994 : i32 to index
          %swap3A_2002 = tpu.vector_load %arg9[%swap3A_1998, %swap3A_1999, %swap3A_2000, %swap3A_2001] {strides = array<i32>} : memref<4x4x8x128xf32, #tpu.memory_space<vmem>>, vector<16xf32>,
          tpu.vector_store %arg9[%swap3A_1998, %swap3A_1999, %swap3A_2000, %swap3A_2001], %add3A_1884 {strides = array<i32>} : memref<4x4x8x128xf32, #tpu.memory_space<vmem>>, vector<16xf32>,
          %mul3A_2003 = arith.constant 16 : i32
          %mul3A_2004 = arith.muli %scan3A_91, %mul3A_2003 : i32
          %swap3A_2005 = arith.constant 3 : i32
          %swap3A_2006 = arith.constant 3 : i32
          %swap3A_2007 = arith.constant 5 : i32
          %swap3A_2008 = arith.index_cast %swap3A_2005 : i32 to index
          %swap3A_2009 = arith.index_cast %swap3A_2006 : i32 to index
          %swap3A_2010 = arith.index_cast %swap3A_2007 : i32 to index
          %swap3A_2011 = arith.index_cast %mul3A_2004 : i32 to index
          %swap3A_2012 = tpu.vector_load %arg9[%swap3A_2008, %swap3A_2009, %swap3A_2010, %swap3A_2011] {strides = array<i32>} : memref<4x4x8x128xf32, #tpu.memory_space<vmem>>, vector<16xf32>,
          tpu.vector_store %arg9[%swap3A_2008, %swap3A_2009, %swap3A_2010, %swap3A_2011], %add3A_1888 {strides = array<i32>} : memref<4x4x8x128xf32, #tpu.memory_space<vmem>>, vector<16xf32>,
          %mul3A_2013 = arith.constant 16 : i32
          %mul3A_2014 = arith.muli %scan3A_91, %mul3A_2013 : i32
          %swap3A_2015 = arith.constant 0 : i32
          %swap3A_2016 = arith.constant 3 : i32
          %swap3A_2017 = arith.constant 6 : i32
          %swap3A_2018 = arith.index_cast %swap3A_2015 : i32 to index
          %swap3A_2019 = arith.index_cast %swap3A_2016 : i32 to index
          %swap3A_2020 = arith.index_cast %swap3A_2017 : i32 to index
          %swap3A_2021 = arith.index_cast %mul3A_2014 : i32 to index
          %swap3A_2022 = tpu.vector_load %arg9[%swap3A_2018, %swap3A_2019, %swap3A_2020, %swap3A_2021] {strides = array<i32>} : memref<4x4x8x128xf32, #tpu.memory_space<vmem>>, vector<16xf32>,
          tpu.vector_store %arg9[%swap3A_2018, %swap3A_2019, %swap3A_2020, %swap3A_2021], %add3A_1898 {strides = array<i32>} : memref<4x4x8x128xf32, #tpu.memory_space<vmem>>, vector<16xf32>,
          %mul3A_2023 = arith.constant 16 : i32
          %mul3A_2024 = arith.muli %scan3A_91, %mul3A_2023 : i32
          %swap3A_2025 = arith.constant 1 : i32
          %swap3A_2026 = arith.constant 3 : i32
          %swap3A_2027 = arith.constant 6 : i32
          %swap3A_2028 = arith.index_cast %swap3A_2025 : i32 to index
          %swap3A_2029 = arith.index_cast %swap3A_2026 : i32 to index
          %swap3A_2030 = arith.index_cast %swap3A_2027 : i32 to index
          %swap3A_2031 = arith.index_cast %mul3A_2024 : i32 to index
          %swap3A_2032 = tpu.vector_load %arg9[%swap3A_2028, %swap3A_2029, %swap3A_2030, %swap3A_2031] {strides = array<i32>} : memref<4x4x8x128xf32, #tpu.memory_space<vmem>>, vector<16xf32>,
          tpu.vector_store %arg9[%swap3A_2028, %swap3A_2029, %swap3A_2030, %swap3A_2031], %add3A_1902 {strides = array<i32>} : memref<4x4x8x128xf32, #tpu.memory_space<vmem>>, vector<16xf32>,
          %mul3A_2033 = arith.constant 16 : i32
          %mul3A_2034 = arith.muli %scan3A_91, %mul3A_2033 : i32
          %swap3A_2035 = arith.constant 2 : i32
          %swap3A_2036 = arith.constant 3 : i32
          %swap3A_2037 = arith.constant 6 : i32
          %swap3A_2038 = arith.index_cast %swap3A_2035 : i32 to index
          %swap3A_2039 = arith.index_cast %swap3A_2036 : i32 to index
          %swap3A_2040 = arith.index_cast %swap3A_2037 : i32 to index
          %swap3A_2041 = arith.index_cast %mul3A_2034 : i32 to index
          %swap3A_2042 = tpu.vector_load %arg9[%swap3A_2038, %swap3A_2039, %swap3A_2040, %swap3A_2041] {strides = array<i32>} : memref<4x4x8x128xf32, #tpu.memory_space<vmem>>, vector<16xf32>,
          tpu.vector_store %arg9[%swap3A_2038, %swap3A_2039, %swap3A_2040, %swap3A_2041], %add3A_1906 {strides = array<i32>} : memref<4x4x8x128xf32, #tpu.memory_space<vmem>>, vector<16xf32>,
          %mul3A_2043 = arith.constant 16 : i32
          %mul3A_2044 = arith.muli %scan3A_91, %mul3A_2043 : i32
          %swap3A_2045 = arith.constant 3 : i32
          %swap3A_2046 = arith.constant 3 : i32
          %swap3A_2047 = arith.constant 6 : i32
          %swap3A_2048 = arith.index_cast %swap3A_2045 : i32 to index
          %swap3A_2049 = arith.index_cast %swap3A_2046 : i32 to index
          %swap3A_2050 = arith.index_cast %swap3A_2047 : i32 to index
          %swap3A_2051 = arith.index_cast %mul3A_2044 : i32 to index
          %swap3A_2052 = tpu.vector_load %arg9[%swap3A_2048, %swap3A_2049, %swap3A_2050, %swap3A_2051] {strides = array<i32>} : memref<4x4x8x128xf32, #tpu.memory_space<vmem>>, vector<16xf32>,
          tpu.vector_store %arg9[%swap3A_2048, %swap3A_2049, %swap3A_2050, %swap3A_2051], %add3A_1910 {strides = array<i32>} : memref<4x4x8x128xf32, #tpu.memory_space<vmem>>, vector<16xf32>,
          %mul3A_2053 = arith.constant 16 : i32
          %mul3A_2054 = arith.muli %scan3A_91, %mul3A_2053 : i32
          %swap3A_2055 = arith.constant 0 : i32
          %swap3A_2056 = arith.constant 3 : i32
          %swap3A_2057 = arith.constant 7 : i32
          %swap3A_2058 = arith.index_cast %swap3A_2055 : i32 to index
          %swap3A_2059 = arith.index_cast %swap3A_2056 : i32 to index
          %swap3A_2060 = arith.index_cast %swap3A_2057 : i32 to index
          %swap3A_2061 = arith.index_cast %mul3A_2054 : i32 to index
          %swap3A_2062 = tpu.vector_load %arg9[%swap3A_2058, %swap3A_2059, %swap3A_2060, %swap3A_2061] {strides = array<i32>} : memref<4x4x8x128xf32, #tpu.memory_space<vmem>>, vector<16xf32>,
          tpu.vector_store %arg9[%swap3A_2058, %swap3A_2059, %swap3A_2060, %swap3A_2061], %add3A_1920 {strides = array<i32>} : memref<4x4x8x128xf32, #tpu.memory_space<vmem>>, vector<16xf32>,
          %mul3A_2063 = arith.constant 16 : i32
          %mul3A_2064 = arith.muli %scan3A_91, %mul3A_2063 : i32
          %swap3A_2065 = arith.constant 1 : i32
          %swap3A_2066 = arith.constant 3 : i32
          %swap3A_2067 = arith.constant 7 : i32
          %swap3A_2068 = arith.index_cast %swap3A_2065 : i32 to index
          %swap3A_2069 = arith.index_cast %swap3A_2066 : i32 to index
          %swap3A_2070 = arith.index_cast %swap3A_2067 : i32 to index
          %swap3A_2071 = arith.index_cast %mul3A_2064 : i32 to index
          %swap3A_2072 = tpu.vector_load %arg9[%swap3A_2068, %swap3A_2069, %swap3A_2070, %swap3A_2071] {strides = array<i32>} : memref<4x4x8x128xf32, #tpu.memory_space<vmem>>, vector<16xf32>,
          tpu.vector_store %arg9[%swap3A_2068, %swap3A_2069, %swap3A_2070, %swap3A_2071], %add3A_1924 {strides = array<i32>} : memref<4x4x8x128xf32, #tpu.memory_space<vmem>>, vector<16xf32>,
          %mul3A_2073 = arith.constant 16 : i32
          %mul3A_2074 = arith.muli %scan3A_91, %mul3A_2073 : i32
          %swap3A_2075 = arith.constant 2 : i32
          %swap3A_2076 = arith.constant 3 : i32
          %swap3A_2077 = arith.constant 7 : i32
          %swap3A_2078 = arith.index_cast %swap3A_2075 : i32 to index
          %swap3A_2079 = arith.index_cast %swap3A_2076 : i32 to index
          %swap3A_2080 = arith.index_cast %swap3A_2077 : i32 to index
          %swap3A_2081 = arith.index_cast %mul3A_2074 : i32 to index
          %swap3A_2082 = tpu.vector_load %arg9[%swap3A_2078, %swap3A_2079, %swap3A_2080, %swap3A_2081] {strides = array<i32>} : memref<4x4x8x128xf32, #tpu.memory_space<vmem>>, vector<16xf32>,
          tpu.vector_store %arg9[%swap3A_2078, %swap3A_2079, %swap3A_2080, %swap3A_2081], %add3A_1928 {strides = array<i32>} : memref<4x4x8x128xf32, #tpu.memory_space<vmem>>, vector<16xf32>,
          %mul3A_2083 = arith.constant 16 : i32
          %mul3A_2084 = arith.muli %scan3A_91, %mul3A_2083 : i32
          %swap3A_2085 = arith.constant 3 : i32
          %swap3A_2086 = arith.constant 3 : i32
          %swap3A_2087 = arith.constant 7 : i32
          %swap3A_2088 = arith.index_cast %swap3A_2085 : i32 to index
          %swap3A_2089 = arith.index_cast %swap3A_2086 : i32 to index
          %swap3A_2090 = arith.index_cast %swap3A_2087 : i32 to index
          %swap3A_2091 = arith.index_cast %mul3A_2084 : i32 to index
          %swap3A_2092 = tpu.vector_load %arg9[%swap3A_2088, %swap3A_2089, %swap3A_2090, %swap3A_2091] {strides = array<i32>} : memref<4x4x8x128xf32, #tpu.memory_space<vmem>>, vector<16xf32>,
          tpu.vector_store %arg9[%swap3A_2088, %swap3A_2089, %swap3A_2090, %swap3A_2091], %add3A_1932 {strides = array<i32>} : memref<4x4x8x128xf32, #tpu.memory_space<vmem>>, vector<16xf32>,
        }
        %scan3A_53 = arith.constant 8 : i32
        %dma_start3A = arith.constant 0 : i32
        %dma_start3A_54 = arith.constant 0 : i32
        %dma_start3A_55 = arith.constant 0 : i32
        %dma_start3A_56 = tpu.memref_slice %arg5[%add3A_32, %dma_start3A, %add3A_43, %dma_start3A_54, %dma_start3A_55] : memref<4096x4x16x8x128xf32, #tpu.memory_space<hbm>> -> memref<4x4x1x8x128xf32, #tpu.memory_space<hbm>>
        %dma_start3A_57 = tpu.memref_squeeze %dma_start3A_56 : memref<4x4x1x8x128xf32, #tpu.memory_space<hbm>> -> memref<4x4x8x128xf32, #tpu.memory_space<hbm>>
        %dma_start3A_58 = arith.constant 0 : i32
        %dma_start3A_59 = arith.constant 0 : i32
        %dma_start3A_60 = arith.constant 0 : i32
        %dma_start3A_61 = tpu.memref_slice %arg5[%add3A_32, %dma_start3A_58, %add3A_43, %dma_start3A_59, %dma_start3A_60] : memref<4096x4x16x8x128xf32, #tpu.memory_space<hbm>> -> memref<4x4x1x8x128xf32, #tpu.memory_space<hbm>>
        %dma_start3A_62 = tpu.memref_squeeze %dma_start3A_61 : memref<4x4x1x8x128xf32, #tpu.memory_space<hbm>> -> memref<4x4x8x128xf32, #tpu.memory_space<hbm>>
        tpu.enqueue_dma source(%arg9 : memref<4x4x8x128xf32, #tpu.memory_space<vmem>>) target(%dma_start3A_62 : memref<4x4x8x128xf32, #tpu.memory_space<hbm>>) target_semaphore(%arg11 : memref<!tpu.dma_semaphore, #tpu.memory_space<semaphore_mem>>)
        %mul3A_63 = arith.constant 2 : i32
        %mul3A_64 = arith.muli %mul3A_63, %scan3A_39 : i32
        %add3A_65 = arith.constant 1 : i32
        %add3A_66 = arith.addi %mul3A_64, %add3A_65 : i32
        %gt3A_67 = arith.constant 0 : i32
        %gt3A_68 = arith.cmpi sgt, %scan3A_29, %gt3A_67 : i32
        %gt3A_69 = arith.constant 0 : i32
        %gt3A_70 = arith.cmpi sgt, %scan3A_39, %gt3A_69 : i32
        %or3A_71 = arith.ori %gt3A_68, %gt3A_70 : i1
        %convert_element_type3A_72 = arith.extui %or3A_71 : i1 to i32
        %cond3A_73 = arith.constant 0 : i32
        %cond3A_74 = arith.cmpi ne, %convert_element_type3A_72, %cond3A_73 : i32
        scf.if %cond3A_74 {
          %dma_wait3A_91 = arith.constant 0 : i32
          %dma_wait3A_92 = arith.constant 0 : i32
          %dma_wait3A_93 = arith.constant 0 : i32
          %dma_wait3A_94 = tpu.memref_slice %arg5[%add3A_32, %dma_wait3A_91, %add3A_66, %dma_wait3A_92, %dma_wait3A_93] : memref<4096x4x16x8x128xf32, #tpu.memory_space<hbm>> -> memref<4x4x1x8x128xf32, #tpu.memory_space<hbm>>
          %dma_wait3A_95 = tpu.memref_squeeze %dma_wait3A_94 : memref<4x4x1x8x128xf32, #tpu.memory_space<hbm>> -> memref<4x4x8x128xf32, #tpu.memory_space<hbm>>
          %dma_wait3A_96 = arith.constant 0 : i32
          %dma_wait3A_97 = arith.constant 0 : i32
          %dma_wait3A_98 = arith.constant 0 : i32
          %dma_wait3A_99 = tpu.memref_slice %arg5[%add3A_32, %dma_wait3A_96, %add3A_66, %dma_wait3A_97, %dma_wait3A_98] : memref<4096x4x16x8x128xf32, #tpu.memory_space<hbm>> -> memref<4x4x1x8x128xf32, #tpu.memory_space<hbm>>
          %dma_wait3A_100 = tpu.memref_squeeze %dma_wait3A_99 : memref<4x4x1x8x128xf32, #tpu.memory_space<hbm>> -> memref<4x4x8x128xf32, #tpu.memory_space<hbm>>
          tpu.wait_dma2 semaphore(%arg12 : memref<!tpu.dma_semaphore, #tpu.memory_space<semaphore_mem>>) src(%arg10 : memref<4x4x8x128xf32, #tpu.memory_space<vmem>>) dst(%dma_wait3A_100 : memref<4x4x8x128xf32, #tpu.memory_space<hbm>>)
        } else {
        }
        %scan3A_75 = arith.constant 0 : i32
        %scan3A_76 = arith.constant 0 : i32
        %scan3A_77 = arith.constant 8 : i32
        %scan3A_78 = arith.addi %scan3A_76, %scan3A_77 : i32
        %scan3A_79 = arith.constant 1 : i32
        scf.for %scan3A_91 = %scan3A_76 to %scan3A_78 step %scan3A_79  : i32 {
          %mul3A_92 = arith.constant 128 : i32
          %mul3A_93 = arith.muli %add3A_66, %mul3A_92 : i32
          %mul3A_94 = arith.constant 16 : i32
          %mul3A_95 = arith.muli %scan3A_91, %mul3A_94 : i32
          %add3A_96 = arith.addi %mul3A_93, %mul3A_95 : i32
          %get3A = arith.constant 0 : i32
          %get3A_97 = arith.index_cast %get3A : i32 to index
          %get3A_98 = arith.index_cast %add3A_96 : i32 to index
          %get3A_99 = tpu.vector_load %arg6[%get3A_97, %get3A_98] {strides = array<i32>} : memref<4x2048xi32, #tpu.memory_space<vmem>>, vector<16xi32>,
          %get3A_100 = arith.constant 1 : i32
          %get3A_101 = arith.index_cast %get3A_100 : i32 to index
          %get3A_102 = arith.index_cast %add3A_96 : i32 to index
          %get3A_103 = tpu.vector_load %arg6[%get3A_101, %get3A_102] {strides = array<i32>} : memref<4x2048xi32, #tpu.memory_space<vmem>>, vector<16xi32>,
          %get3A_104 = arith.constant 2 : i32
          %get3A_105 = arith.index_cast %get3A_104 : i32 to index
          %get3A_106 = arith.index_cast %add3A_96 : i32 to index
          %get3A_107 = tpu.vector_load %arg6[%get3A_105, %get3A_106] {strides = array<i32>} : memref<4x2048xi32, #tpu.memory_space<vmem>>, vector<16xi32>,
          %get3A_108 = arith.constant 3 : i32
          %get3A_109 = arith.index_cast %get3A_108 : i32 to index
          %get3A_110 = arith.index_cast %add3A_96 : i32 to index
          %get3A_111 = tpu.vector_load %arg6[%get3A_109, %get3A_110] {strides = array<i32>} : memref<4x2048xi32, #tpu.memory_space<vmem>>, vector<16xi32>,
          %get3A_112 = arith.constant 0 : i32
          %get3A_113 = arith.constant 0 : i32
          %get3A_114 = arith.index_cast %get3A_112 : i32 to index
          %get3A_115 = arith.index_cast %get3A_113 : i32 to index
          %get3A_116 = arith.index_cast %add3A_96 : i32 to index
          %get3A_117 = tpu.vector_load %arg8[%get3A_114, %get3A_115, %get3A_116] {strides = array<i32>} : memref<4x8x2048xf32, #tpu.memory_space<vmem>>, vector<16xf32>,
          %broadcast_in_dim3A = arith.constant 0 : i32
          %broadcast_in_dim3A_118 = vector.broadcast %broadcast_in_dim3A : i32 to vector<16xi32>
          %gather3A = tpu.vector_load_idx %arg7[%broadcast_in_dim3A_118, %get3A_99] : memref<32x8xf32, #tpu.memory_space<vmem>>[vector<16xi32>, vector<16xi32>], vector<16xf32>,
          %add3A_119 = arith.addf %gather3A, %get3A_117 : vector<16xf32>
          %broadcast_in_dim3A_120 = arith.constant 0 : i32
          %broadcast_in_dim3A_121 = vector.broadcast %broadcast_in_dim3A_120 : i32 to vector<16xi32>
          %gather3A_122 = tpu.vector_load_idx %arg7[%broadcast_in_dim3A_121, %get3A_103] : memref<32x8xf32, #tpu.memory_space<vmem>>[vector<16xi32>, vector<16xi32>], vector<16xf32>,
          %add3A_123 = arith.addf %gather3A_122, %get3A_117 : vector<16xf32>
          %broadcast_in_dim3A_124 = arith.constant 0 : i32
          %broadcast_in_dim3A_125 = vector.broadcast %broadcast_in_dim3A_124 : i32 to vector<16xi32>
          %gather3A_126 = tpu.vector_load_idx %arg7[%broadcast_in_dim3A_125, %get3A_107] : memref<32x8xf32, #tpu.memory_space<vmem>>[vector<16xi32>, vector<16xi32>], vector<16xf32>,
          %add3A_127 = arith.addf %gather3A_126, %get3A_117 : vector<16xf32>
          %broadcast_in_dim3A_128 = arith.constant 0 : i32
          %broadcast_in_dim3A_129 = vector.broadcast %broadcast_in_dim3A_128 : i32 to vector<16xi32>
          %gather3A_130 = tpu.vector_load_idx %arg7[%broadcast_in_dim3A_129, %get3A_111] : memref<32x8xf32, #tpu.memory_space<vmem>>[vector<16xi32>, vector<16xi32>], vector<16xf32>,
          %add3A_131 = arith.addf %gather3A_130, %get3A_117 : vector<16xf32>
          %get3A_132 = arith.constant 0 : i32
          %get3A_133 = arith.constant 1 : i32
          %get3A_134 = arith.index_cast %get3A_132 : i32 to index
          %get3A_135 = arith.index_cast %get3A_133 : i32 to index
          %get3A_136 = arith.index_cast %add3A_96 : i32 to index
          %get3A_137 = tpu.vector_load %arg8[%get3A_134, %get3A_135, %get3A_136] {strides = array<i32>} : memref<4x8x2048xf32, #tpu.memory_space<vmem>>, vector<16xf32>,
          %broadcast_in_dim3A_138 = arith.constant 1 : i32
          %broadcast_in_dim3A_139 = vector.broadcast %broadcast_in_dim3A_138 : i32 to vector<16xi32>
          %gather3A_140 = tpu.vector_load_idx %arg7[%broadcast_in_dim3A_139, %get3A_99] : memref<32x8xf32, #tpu.memory_space<vmem>>[vector<16xi32>, vector<16xi32>], vector<16xf32>,
          %add3A_141 = arith.addf %gather3A_140, %get3A_137 : vector<16xf32>
          %broadcast_in_dim3A_142 = arith.constant 1 : i32
          %broadcast_in_dim3A_143 = vector.broadcast %broadcast_in_dim3A_142 : i32 to vector<16xi32>
          %gather3A_144 = tpu.vector_load_idx %arg7[%broadcast_in_dim3A_143, %get3A_103] : memref<32x8xf32, #tpu.memory_space<vmem>>[vector<16xi32>, vector<16xi32>], vector<16xf32>,
          %add3A_145 = arith.addf %gather3A_144, %get3A_137 : vector<16xf32>
          %broadcast_in_dim3A_146 = arith.constant 1 : i32
          %broadcast_in_dim3A_147 = vector.broadcast %broadcast_in_dim3A_146 : i32 to vector<16xi32>
          %gather3A_148 = tpu.vector_load_idx %arg7[%broadcast_in_dim3A_147, %get3A_107] : memref<32x8xf32, #tpu.memory_space<vmem>>[vector<16xi32>, vector<16xi32>], vector<16xf32>,
          %add3A_149 = arith.addf %gather3A_148, %get3A_137 : vector<16xf32>
          %broadcast_in_dim3A_150 = arith.constant 1 : i32
          %broadcast_in_dim3A_151 = vector.broadcast %broadcast_in_dim3A_150 : i32 to vector<16xi32>
          %gather3A_152 = tpu.vector_load_idx %arg7[%broadcast_in_dim3A_151, %get3A_111] : memref<32x8xf32, #tpu.memory_space<vmem>>[vector<16xi32>, vector<16xi32>], vector<16xf32>,
          %add3A_153 = arith.addf %gather3A_152, %get3A_137 : vector<16xf32>
          %get3A_154 = arith.constant 0 : i32
          %get3A_155 = arith.constant 2 : i32
          %get3A_156 = arith.index_cast %get3A_154 : i32 to index
          %get3A_157 = arith.index_cast %get3A_155 : i32 to index
          %get3A_158 = arith.index_cast %add3A_96 : i32 to index
          %get3A_159 = tpu.vector_load %arg8[%get3A_156, %get3A_157, %get3A_158] {strides = array<i32>} : memref<4x8x2048xf32, #tpu.memory_space<vmem>>, vector<16xf32>,
          %broadcast_in_dim3A_160 = arith.constant 2 : i32
          %broadcast_in_dim3A_161 = vector.broadcast %broadcast_in_dim3A_160 : i32 to vector<16xi32>
          %gather3A_162 = tpu.vector_load_idx %arg7[%broadcast_in_dim3A_161, %get3A_99] : memref<32x8xf32, #tpu.memory_space<vmem>>[vector<16xi32>, vector<16xi32>], vector<16xf32>,
          %add3A_163 = arith.addf %gather3A_162, %get3A_159 : vector<16xf32>
          %broadcast_in_dim3A_164 = arith.constant 2 : i32
          %broadcast_in_dim3A_165 = vector.broadcast %broadcast_in_dim3A_164 : i32 to vector<16xi32>
          %gather3A_166 = tpu.vector_load_idx %arg7[%broadcast_in_dim3A_165, %get3A_103] : memref<32x8xf32, #tpu.memory_space<vmem>>[vector<16xi32>, vector<16xi32>], vector<16xf32>,
          %add3A_167 = arith.addf %gather3A_166, %get3A_159 : vector<16xf32>
          %broadcast_in_dim3A_168 = arith.constant 2 : i32
          %broadcast_in_dim3A_169 = vector.broadcast %broadcast_in_dim3A_168 : i32 to vector<16xi32>
          %gather3A_170 = tpu.vector_load_idx %arg7[%broadcast_in_dim3A_169, %get3A_107] : memref<32x8xf32, #tpu.memory_space<vmem>>[vector<16xi32>, vector<16xi32>], vector<16xf32>,
          %add3A_171 = arith.addf %gather3A_170, %get3A_159 : vector<16xf32>
          %broadcast_in_dim3A_172 = arith.constant 2 : i32
          %broadcast_in_dim3A_173 = vector.broadcast %broadcast_in_dim3A_172 : i32 to vector<16xi32>
          %gather3A_174 = tpu.vector_load_idx %arg7[%broadcast_in_dim3A_173, %get3A_111] : memref<32x8xf32, #tpu.memory_space<vmem>>[vector<16xi32>, vector<16xi32>], vector<16xf32>,
          %add3A_175 = arith.addf %gather3A_174, %get3A_159 : vector<16xf32>
          %get3A_176 = arith.constant 0 : i32
          %get3A_177 = arith.constant 3 : i32
          %get3A_178 = arith.index_cast %get3A_176 : i32 to index
          %get3A_179 = arith.index_cast %get3A_177 : i32 to index
          %get3A_180 = arith.index_cast %add3A_96 : i32 to index
          %get3A_181 = tpu.vector_load %arg8[%get3A_178, %get3A_179, %get3A_180] {strides = array<i32>} : memref<4x8x2048xf32, #tpu.memory_space<vmem>>, vector<16xf32>,
          %broadcast_in_dim3A_182 = arith.constant 3 : i32
          %broadcast_in_dim3A_183 = vector.broadcast %broadcast_in_dim3A_182 : i32 to vector<16xi32>
          %gather3A_184 = tpu.vector_load_idx %arg7[%broadcast_in_dim3A_183, %get3A_99] : memref<32x8xf32, #tpu.memory_space<vmem>>[vector<16xi32>, vector<16xi32>], vector<16xf32>,
          %add3A_185 = arith.addf %gather3A_184, %get3A_181 : vector<16xf32>
          %broadcast_in_dim3A_186 = arith.constant 3 : i32
          %broadcast_in_dim3A_187 = vector.broadcast %broadcast_in_dim3A_186 : i32 to vector<16xi32>
          %gather3A_188 = tpu.vector_load_idx %arg7[%broadcast_in_dim3A_187, %get3A_103] : memref<32x8xf32, #tpu.memory_space<vmem>>[vector<16xi32>, vector<16xi32>], vector<16xf32>,
          %add3A_189 = arith.addf %gather3A_188, %get3A_181 : vector<16xf32>
          %broadcast_in_dim3A_190 = arith.constant 3 : i32
          %broadcast_in_dim3A_191 = vector.broadcast %broadcast_in_dim3A_190 : i32 to vector<16xi32>
          %gather3A_192 = tpu.vector_load_idx %arg7[%broadcast_in_dim3A_191, %get3A_107] : memref<32x8xf32, #tpu.memory_space<vmem>>[vector<16xi32>, vector<16xi32>], vector<16xf32>,
          %add3A_193 = arith.addf %gather3A_192, %get3A_181 : vector<16xf32>
          %broadcast_in_dim3A_194 = arith.constant 3 : i32
          %broadcast_in_dim3A_195 = vector.broadcast %broadcast_in_dim3A_194 : i32 to vector<16xi32>
          %gather3A_196 = tpu.vector_load_idx %arg7[%broadcast_in_dim3A_195, %get3A_111] : memref<32x8xf32, #tpu.memory_space<vmem>>[vector<16xi32>, vector<16xi32>], vector<16xf32>,
          %add3A_197 = arith.addf %gather3A_196, %get3A_181 : vector<16xf32>
          %mul3A_198 = arith.constant 16 : i32
          %mul3A_199 = arith.muli %scan3A_91, %mul3A_198 : i32
          %swap3A = arith.constant 0 : i32
          %swap3A_200 = arith.constant 0 : i32
          %swap3A_201 = arith.constant 0 : i32
          %swap3A_202 = arith.index_cast %swap3A : i32 to index
          %swap3A_203 = arith.index_cast %swap3A_200 : i32 to index
          %swap3A_204 = arith.index_cast %swap3A_201 : i32 to index
          %swap3A_205 = arith.index_cast %mul3A_199 : i32 to index
          %swap3A_206 = tpu.vector_load %arg10[%swap3A_202, %swap3A_203, %swap3A_204, %swap3A_205] {strides = array<i32>} : memref<4x4x8x128xf32, #tpu.memory_space<vmem>>, vector<16xf32>,
          tpu.vector_store %arg10[%swap3A_202, %swap3A_203, %swap3A_204, %swap3A_205], %add3A_119 {strides = array<i32>} : memref<4x4x8x128xf32, #tpu.memory_space<vmem>>, vector<16xf32>,
          %mul3A_207 = arith.constant 16 : i32
          %mul3A_208 = arith.muli %scan3A_91, %mul3A_207 : i32
          %swap3A_209 = arith.constant 1 : i32
          %swap3A_210 = arith.constant 0 : i32
          %swap3A_211 = arith.constant 0 : i32
          %swap3A_212 = arith.index_cast %swap3A_209 : i32 to index
          %swap3A_213 = arith.index_cast %swap3A_210 : i32 to index
          %swap3A_214 = arith.index_cast %swap3A_211 : i32 to index
          %swap3A_215 = arith.index_cast %mul3A_208 : i32 to index
          %swap3A_216 = tpu.vector_load %arg10[%swap3A_212, %swap3A_213, %swap3A_214, %swap3A_215] {strides = array<i32>} : memref<4x4x8x128xf32, #tpu.memory_space<vmem>>, vector<16xf32>,
          tpu.vector_store %arg10[%swap3A_212, %swap3A_213, %swap3A_214, %swap3A_215], %add3A_123 {strides = array<i32>} : memref<4x4x8x128xf32, #tpu.memory_space<vmem>>, vector<16xf32>,
          %mul3A_217 = arith.constant 16 : i32
          %mul3A_218 = arith.muli %scan3A_91, %mul3A_217 : i32
          %swap3A_219 = arith.constant 2 : i32
          %swap3A_220 = arith.constant 0 : i32
          %swap3A_221 = arith.constant 0 : i32
          %swap3A_222 = arith.index_cast %swap3A_219 : i32 to index
          %swap3A_223 = arith.index_cast %swap3A_220 : i32 to index
          %swap3A_224 = arith.index_cast %swap3A_221 : i32 to index
          %swap3A_225 = arith.index_cast %mul3A_218 : i32 to index
          %swap3A_226 = tpu.vector_load %arg10[%swap3A_222, %swap3A_223, %swap3A_224, %swap3A_225] {strides = array<i32>} : memref<4x4x8x128xf32, #tpu.memory_space<vmem>>, vector<16xf32>,
          tpu.vector_store %arg10[%swap3A_222, %swap3A_223, %swap3A_224, %swap3A_225], %add3A_127 {strides = array<i32>} : memref<4x4x8x128xf32, #tpu.memory_space<vmem>>, vector<16xf32>,
          %mul3A_227 = arith.constant 16 : i32
          %mul3A_228 = arith.muli %scan3A_91, %mul3A_227 : i32
          %swap3A_229 = arith.constant 3 : i32
          %swap3A_230 = arith.constant 0 : i32
          %swap3A_231 = arith.constant 0 : i32
          %swap3A_232 = arith.index_cast %swap3A_229 : i32 to index
          %swap3A_233 = arith.index_cast %swap3A_230 : i32 to index
          %swap3A_234 = arith.index_cast %swap3A_231 : i32 to index
          %swap3A_235 = arith.index_cast %mul3A_228 : i32 to index
          %swap3A_236 = tpu.vector_load %arg10[%swap3A_232, %swap3A_233, %swap3A_234, %swap3A_235] {strides = array<i32>} : memref<4x4x8x128xf32, #tpu.memory_space<vmem>>, vector<16xf32>,
          tpu.vector_store %arg10[%swap3A_232, %swap3A_233, %swap3A_234, %swap3A_235], %add3A_131 {strides = array<i32>} : memref<4x4x8x128xf32, #tpu.memory_space<vmem>>, vector<16xf32>,
          %mul3A_237 = arith.constant 16 : i32
          %mul3A_238 = arith.muli %scan3A_91, %mul3A_237 : i32
          %swap3A_239 = arith.constant 0 : i32
          %swap3A_240 = arith.constant 0 : i32
          %swap3A_241 = arith.constant 1 : i32
          %swap3A_242 = arith.index_cast %swap3A_239 : i32 to index
          %swap3A_243 = arith.index_cast %swap3A_240 : i32 to index
          %swap3A_244 = arith.index_cast %swap3A_241 : i32 to index
          %swap3A_245 = arith.index_cast %mul3A_238 : i32 to index
          %swap3A_246 = tpu.vector_load %arg10[%swap3A_242, %swap3A_243, %swap3A_244, %swap3A_245] {strides = array<i32>} : memref<4x4x8x128xf32, #tpu.memory_space<vmem>>, vector<16xf32>,
          tpu.vector_store %arg10[%swap3A_242, %swap3A_243, %swap3A_244, %swap3A_245], %add3A_141 {strides = array<i32>} : memref<4x4x8x128xf32, #tpu.memory_space<vmem>>, vector<16xf32>,
          %mul3A_247 = arith.constant 16 : i32
          %mul3A_248 = arith.muli %scan3A_91, %mul3A_247 : i32
          %swap3A_249 = arith.constant 1 : i32
          %swap3A_250 = arith.constant 0 : i32
          %swap3A_251 = arith.constant 1 : i32
          %swap3A_252 = arith.index_cast %swap3A_249 : i32 to index
          %swap3A_253 = arith.index_cast %swap3A_250 : i32 to index
          %swap3A_254 = arith.index_cast %swap3A_251 : i32 to index
          %swap3A_255 = arith.index_cast %mul3A_248 : i32 to index
          %swap3A_256 = tpu.vector_load %arg10[%swap3A_252, %swap3A_253, %swap3A_254, %swap3A_255] {strides = array<i32>} : memref<4x4x8x128xf32, #tpu.memory_space<vmem>>, vector<16xf32>,
          tpu.vector_store %arg10[%swap3A_252, %swap3A_253, %swap3A_254, %swap3A_255], %add3A_145 {strides = array<i32>} : memref<4x4x8x128xf32, #tpu.memory_space<vmem>>, vector<16xf32>,
          %mul3A_257 = arith.constant 16 : i32
          %mul3A_258 = arith.muli %scan3A_91, %mul3A_257 : i32
          %swap3A_259 = arith.constant 2 : i32
          %swap3A_260 = arith.constant 0 : i32
          %swap3A_261 = arith.constant 1 : i32
          %swap3A_262 = arith.index_cast %swap3A_259 : i32 to index
          %swap3A_263 = arith.index_cast %swap3A_260 : i32 to index
          %swap3A_264 = arith.index_cast %swap3A_261 : i32 to index
          %swap3A_265 = arith.index_cast %mul3A_258 : i32 to index
          %swap3A_266 = tpu.vector_load %arg10[%swap3A_262, %swap3A_263, %swap3A_264, %swap3A_265] {strides = array<i32>} : memref<4x4x8x128xf32, #tpu.memory_space<vmem>>, vector<16xf32>,
          tpu.vector_store %arg10[%swap3A_262, %swap3A_263, %swap3A_264, %swap3A_265], %add3A_149 {strides = array<i32>} : memref<4x4x8x128xf32, #tpu.memory_space<vmem>>, vector<16xf32>,
          %mul3A_267 = arith.constant 16 : i32
          %mul3A_268 = arith.muli %scan3A_91, %mul3A_267 : i32
          %swap3A_269 = arith.constant 3 : i32
          %swap3A_270 = arith.constant 0 : i32
          %swap3A_271 = arith.constant 1 : i32
          %swap3A_272 = arith.index_cast %swap3A_269 : i32 to index
          %swap3A_273 = arith.index_cast %swap3A_270 : i32 to index
          %swap3A_274 = arith.index_cast %swap3A_271 : i32 to index
          %swap3A_275 = arith.index_cast %mul3A_268 : i32 to index
          %swap3A_276 = tpu.vector_load %arg10[%swap3A_272, %swap3A_273, %swap3A_274, %swap3A_275] {strides = array<i32>} : memref<4x4x8x128xf32, #tpu.memory_space<vmem>>, vector<16xf32>,
          tpu.vector_store %arg10[%swap3A_272, %swap3A_273, %swap3A_274, %swap3A_275], %add3A_153 {strides = array<i32>} : memref<4x4x8x128xf32, #tpu.memory_space<vmem>>, vector<16xf32>,
          %mul3A_277 = arith.constant 16 : i32
          %mul3A_278 = arith.muli %scan3A_91, %mul3A_277 : i32
          %swap3A_279 = arith.constant 0 : i32
          %swap3A_280 = arith.constant 0 : i32
          %swap3A_281 = arith.constant 2 : i32
          %swap3A_282 = arith.index_cast %swap3A_279 : i32 to index
          %swap3A_283 = arith.index_cast %swap3A_280 : i32 to index
          %swap3A_284 = arith.index_cast %swap3A_281 : i32 to index
          %swap3A_285 = arith.index_cast %mul3A_278 : i32 to index
          %swap3A_286 = tpu.vector_load %arg10[%swap3A_282, %swap3A_283, %swap3A_284, %swap3A_285] {strides = array<i32>} : memref<4x4x8x128xf32, #tpu.memory_space<vmem>>, vector<16xf32>,
          tpu.vector_store %arg10[%swap3A_282, %swap3A_283, %swap3A_284, %swap3A_285], %add3A_163 {strides = array<i32>} : memref<4x4x8x128xf32, #tpu.memory_space<vmem>>, vector<16xf32>,
          %mul3A_287 = arith.constant 16 : i32
          %mul3A_288 = arith.muli %scan3A_91, %mul3A_287 : i32
          %swap3A_289 = arith.constant 1 : i32
          %swap3A_290 = arith.constant 0 : i32
          %swap3A_291 = arith.constant 2 : i32
          %swap3A_292 = arith.index_cast %swap3A_289 : i32 to index
          %swap3A_293 = arith.index_cast %swap3A_290 : i32 to index
          %swap3A_294 = arith.index_cast %swap3A_291 : i32 to index
          %swap3A_295 = arith.index_cast %mul3A_288 : i32 to index
          %swap3A_296 = tpu.vector_load %arg10[%swap3A_292, %swap3A_293, %swap3A_294, %swap3A_295] {strides = array<i32>} : memref<4x4x8x128xf32, #tpu.memory_space<vmem>>, vector<16xf32>,
          tpu.vector_store %arg10[%swap3A_292, %swap3A_293, %swap3A_294, %swap3A_295], %add3A_167 {strides = array<i32>} : memref<4x4x8x128xf32, #tpu.memory_space<vmem>>, vector<16xf32>,
          %mul3A_297 = arith.constant 16 : i32
          %mul3A_298 = arith.muli %scan3A_91, %mul3A_297 : i32
          %swap3A_299 = arith.constant 2 : i32
          %swap3A_300 = arith.constant 0 : i32
          %swap3A_301 = arith.constant 2 : i32
          %swap3A_302 = arith.index_cast %swap3A_299 : i32 to index
          %swap3A_303 = arith.index_cast %swap3A_300 : i32 to index
          %swap3A_304 = arith.index_cast %swap3A_301 : i32 to index
          %swap3A_305 = arith.index_cast %mul3A_298 : i32 to index
          %swap3A_306 = tpu.vector_load %arg10[%swap3A_302, %swap3A_303, %swap3A_304, %swap3A_305] {strides = array<i32>} : memref<4x4x8x128xf32, #tpu.memory_space<vmem>>, vector<16xf32>,
          tpu.vector_store %arg10[%swap3A_302, %swap3A_303, %swap3A_304, %swap3A_305], %add3A_171 {strides = array<i32>} : memref<4x4x8x128xf32, #tpu.memory_space<vmem>>, vector<16xf32>,
          %mul3A_307 = arith.constant 16 : i32
          %mul3A_308 = arith.muli %scan3A_91, %mul3A_307 : i32
          %swap3A_309 = arith.constant 3 : i32
          %swap3A_310 = arith.constant 0 : i32
          %swap3A_311 = arith.constant 2 : i32
          %swap3A_312 = arith.index_cast %swap3A_309 : i32 to index
          %swap3A_313 = arith.index_cast %swap3A_310 : i32 to index
          %swap3A_314 = arith.index_cast %swap3A_311 : i32 to index
          %swap3A_315 = arith.index_cast %mul3A_308 : i32 to index
          %swap3A_316 = tpu.vector_load %arg10[%swap3A_312, %swap3A_313, %swap3A_314, %swap3A_315] {strides = array<i32>} : memref<4x4x8x128xf32, #tpu.memory_space<vmem>>, vector<16xf32>,
          tpu.vector_store %arg10[%swap3A_312, %swap3A_313, %swap3A_314, %swap3A_315], %add3A_175 {strides = array<i32>} : memref<4x4x8x128xf32, #tpu.memory_space<vmem>>, vector<16xf32>,
          %mul3A_317 = arith.constant 16 : i32
          %mul3A_318 = arith.muli %scan3A_91, %mul3A_317 : i32
          %swap3A_319 = arith.constant 0 : i32
          %swap3A_320 = arith.constant 0 : i32
          %swap3A_321 = arith.constant 3 : i32
          %swap3A_322 = arith.index_cast %swap3A_319 : i32 to index
          %swap3A_323 = arith.index_cast %swap3A_320 : i32 to index
          %swap3A_324 = arith.index_cast %swap3A_321 : i32 to index
          %swap3A_325 = arith.index_cast %mul3A_318 : i32 to index
          %swap3A_326 = tpu.vector_load %arg10[%swap3A_322, %swap3A_323, %swap3A_324, %swap3A_325] {strides = array<i32>} : memref<4x4x8x128xf32, #tpu.memory_space<vmem>>, vector<16xf32>,
          tpu.vector_store %arg10[%swap3A_322, %swap3A_323, %swap3A_324, %swap3A_325], %add3A_185 {strides = array<i32>} : memref<4x4x8x128xf32, #tpu.memory_space<vmem>>, vector<16xf32>,
          %mul3A_327 = arith.constant 16 : i32
          %mul3A_328 = arith.muli %scan3A_91, %mul3A_327 : i32
          %swap3A_329 = arith.constant 1 : i32
          %swap3A_330 = arith.constant 0 : i32
          %swap3A_331 = arith.constant 3 : i32
          %swap3A_332 = arith.index_cast %swap3A_329 : i32 to index
          %swap3A_333 = arith.index_cast %swap3A_330 : i32 to index
          %swap3A_334 = arith.index_cast %swap3A_331 : i32 to index
          %swap3A_335 = arith.index_cast %mul3A_328 : i32 to index
          %swap3A_336 = tpu.vector_load %arg10[%swap3A_332, %swap3A_333, %swap3A_334, %swap3A_335] {strides = array<i32>} : memref<4x4x8x128xf32, #tpu.memory_space<vmem>>, vector<16xf32>,
          tpu.vector_store %arg10[%swap3A_332, %swap3A_333, %swap3A_334, %swap3A_335], %add3A_189 {strides = array<i32>} : memref<4x4x8x128xf32, #tpu.memory_space<vmem>>, vector<16xf32>,
          %mul3A_337 = arith.constant 16 : i32
          %mul3A_338 = arith.muli %scan3A_91, %mul3A_337 : i32
          %swap3A_339 = arith.constant 2 : i32
          %swap3A_340 = arith.constant 0 : i32
          %swap3A_341 = arith.constant 3 : i32
          %swap3A_342 = arith.index_cast %swap3A_339 : i32 to index
          %swap3A_343 = arith.index_cast %swap3A_340 : i32 to index
          %swap3A_344 = arith.index_cast %swap3A_341 : i32 to index
          %swap3A_345 = arith.index_cast %mul3A_338 : i32 to index
          %swap3A_346 = tpu.vector_load %arg10[%swap3A_342, %swap3A_343, %swap3A_344, %swap3A_345] {strides = array<i32>} : memref<4x4x8x128xf32, #tpu.memory_space<vmem>>, vector<16xf32>,
          tpu.vector_store %arg10[%swap3A_342, %swap3A_343, %swap3A_344, %swap3A_345], %add3A_193 {strides = array<i32>} : memref<4x4x8x128xf32, #tpu.memory_space<vmem>>, vector<16xf32>,
          %mul3A_347 = arith.constant 16 : i32
          %mul3A_348 = arith.muli %scan3A_91, %mul3A_347 : i32
          %swap3A_349 = arith.constant 3 : i32
          %swap3A_350 = arith.constant 0 : i32
          %swap3A_351 = arith.constant 3 : i32
          %swap3A_352 = arith.index_cast %swap3A_349 : i32 to index
          %swap3A_353 = arith.index_cast %swap3A_350 : i32 to index
          %swap3A_354 = arith.index_cast %swap3A_351 : i32 to index
          %swap3A_355 = arith.index_cast %mul3A_348 : i32 to index
          %swap3A_356 = tpu.vector_load %arg10[%swap3A_352, %swap3A_353, %swap3A_354, %swap3A_355] {strides = array<i32>} : memref<4x4x8x128xf32, #tpu.memory_space<vmem>>, vector<16xf32>,
          tpu.vector_store %arg10[%swap3A_352, %swap3A_353, %swap3A_354, %swap3A_355], %add3A_197 {strides = array<i32>} : memref<4x4x8x128xf32, #tpu.memory_space<vmem>>, vector<16xf32>,
          %get3A_357 = arith.constant 0 : i32
          %get3A_358 = arith.constant 4 : i32
          %get3A_359 = arith.index_cast %get3A_357 : i32 to index
          %get3A_360 = arith.index_cast %get3A_358 : i32 to index
          %get3A_361 = arith.index_cast %add3A_96 : i32 to index
          %get3A_362 = tpu.vector_load %arg8[%get3A_359, %get3A_360, %get3A_361] {strides = array<i32>} : memref<4x8x2048xf32, #tpu.memory_space<vmem>>, vector<16xf32>,
          %broadcast_in_dim3A_363 = arith.constant 4 : i32
          %broadcast_in_dim3A_364 = vector.broadcast %broadcast_in_dim3A_363 : i32 to vector<16xi32>
          %gather3A_365 = tpu.vector_load_idx %arg7[%broadcast_in_dim3A_364, %get3A_99] : memref<32x8xf32, #tpu.memory_space<vmem>>[vector<16xi32>, vector<16xi32>], vector<16xf32>,
          %add3A_366 = arith.addf %gather3A_365, %get3A_362 : vector<16xf32>
          %broadcast_in_dim3A_367 = arith.constant 4 : i32
          %broadcast_in_dim3A_368 = vector.broadcast %broadcast_in_dim3A_367 : i32 to vector<16xi32>
          %gather3A_369 = tpu.vector_load_idx %arg7[%broadcast_in_dim3A_368, %get3A_103] : memref<32x8xf32, #tpu.memory_space<vmem>>[vector<16xi32>, vector<16xi32>], vector<16xf32>,
          %add3A_370 = arith.addf %gather3A_369, %get3A_362 : vector<16xf32>
          %broadcast_in_dim3A_371 = arith.constant 4 : i32
          %broadcast_in_dim3A_372 = vector.broadcast %broadcast_in_dim3A_371 : i32 to vector<16xi32>
          %gather3A_373 = tpu.vector_load_idx %arg7[%broadcast_in_dim3A_372, %get3A_107] : memref<32x8xf32, #tpu.memory_space<vmem>>[vector<16xi32>, vector<16xi32>], vector<16xf32>,
          %add3A_374 = arith.addf %gather3A_373, %get3A_362 : vector<16xf32>
          %broadcast_in_dim3A_375 = arith.constant 4 : i32
          %broadcast_in_dim3A_376 = vector.broadcast %broadcast_in_dim3A_375 : i32 to vector<16xi32>
          %gather3A_377 = tpu.vector_load_idx %arg7[%broadcast_in_dim3A_376, %get3A_111] : memref<32x8xf32, #tpu.memory_space<vmem>>[vector<16xi32>, vector<16xi32>], vector<16xf32>,
          %add3A_378 = arith.addf %gather3A_377, %get3A_362 : vector<16xf32>
          %get3A_379 = arith.constant 0 : i32
          %get3A_380 = arith.constant 5 : i32
          %get3A_381 = arith.index_cast %get3A_379 : i32 to index
          %get3A_382 = arith.index_cast %get3A_380 : i32 to index
          %get3A_383 = arith.index_cast %add3A_96 : i32 to index
          %get3A_384 = tpu.vector_load %arg8[%get3A_381, %get3A_382, %get3A_383] {strides = array<i32>} : memref<4x8x2048xf32, #tpu.memory_space<vmem>>, vector<16xf32>,
          %broadcast_in_dim3A_385 = arith.constant 5 : i32
          %broadcast_in_dim3A_386 = vector.broadcast %broadcast_in_dim3A_385 : i32 to vector<16xi32>
          %gather3A_387 = tpu.vector_load_idx %arg7[%broadcast_in_dim3A_386, %get3A_99] : memref<32x8xf32, #tpu.memory_space<vmem>>[vector<16xi32>, vector<16xi32>], vector<16xf32>,
          %add3A_388 = arith.addf %gather3A_387, %get3A_384 : vector<16xf32>
          %broadcast_in_dim3A_389 = arith.constant 5 : i32
          %broadcast_in_dim3A_390 = vector.broadcast %broadcast_in_dim3A_389 : i32 to vector<16xi32>
          %gather3A_391 = tpu.vector_load_idx %arg7[%broadcast_in_dim3A_390, %get3A_103] : memref<32x8xf32, #tpu.memory_space<vmem>>[vector<16xi32>, vector<16xi32>], vector<16xf32>,
          %add3A_392 = arith.addf %gather3A_391, %get3A_384 : vector<16xf32>
          %broadcast_in_dim3A_393 = arith.constant 5 : i32
          %broadcast_in_dim3A_394 = vector.broadcast %broadcast_in_dim3A_393 : i32 to vector<16xi32>
          %gather3A_395 = tpu.vector_load_idx %arg7[%broadcast_in_dim3A_394, %get3A_107] : memref<32x8xf32, #tpu.memory_space<vmem>>[vector<16xi32>, vector<16xi32>], vector<16xf32>,
          %add3A_396 = arith.addf %gather3A_395, %get3A_384 : vector<16xf32>
          %broadcast_in_dim3A_397 = arith.constant 5 : i32
          %broadcast_in_dim3A_398 = vector.broadcast %broadcast_in_dim3A_397 : i32 to vector<16xi32>
          %gather3A_399 = tpu.vector_load_idx %arg7[%broadcast_in_dim3A_398, %get3A_111] : memref<32x8xf32, #tpu.memory_space<vmem>>[vector<16xi32>, vector<16xi32>], vector<16xf32>,
          %add3A_400 = arith.addf %gather3A_399, %get3A_384 : vector<16xf32>
          %get3A_401 = arith.constant 0 : i32
          %get3A_402 = arith.constant 6 : i32
          %get3A_403 = arith.index_cast %get3A_401 : i32 to index
          %get3A_404 = arith.index_cast %get3A_402 : i32 to index
          %get3A_405 = arith.index_cast %add3A_96 : i32 to index
          %get3A_406 = tpu.vector_load %arg8[%get3A_403, %get3A_404, %get3A_405] {strides = array<i32>} : memref<4x8x2048xf32, #tpu.memory_space<vmem>>, vector<16xf32>,
          %broadcast_in_dim3A_407 = arith.constant 6 : i32
          %broadcast_in_dim3A_408 = vector.broadcast %broadcast_in_dim3A_407 : i32 to vector<16xi32>
          %gather3A_409 = tpu.vector_load_idx %arg7[%broadcast_in_dim3A_408, %get3A_99] : memref<32x8xf32, #tpu.memory_space<vmem>>[vector<16xi32>, vector<16xi32>], vector<16xf32>,
          %add3A_410 = arith.addf %gather3A_409, %get3A_406 : vector<16xf32>
          %broadcast_in_dim3A_411 = arith.constant 6 : i32
          %broadcast_in_dim3A_412 = vector.broadcast %broadcast_in_dim3A_411 : i32 to vector<16xi32>
          %gather3A_413 = tpu.vector_load_idx %arg7[%broadcast_in_dim3A_412, %get3A_103] : memref<32x8xf32, #tpu.memory_space<vmem>>[vector<16xi32>, vector<16xi32>], vector<16xf32>,
          %add3A_414 = arith.addf %gather3A_413, %get3A_406 : vector<16xf32>
          %broadcast_in_dim3A_415 = arith.constant 6 : i32
          %broadcast_in_dim3A_416 = vector.broadcast %broadcast_in_dim3A_415 : i32 to vector<16xi32>
          %gather3A_417 = tpu.vector_load_idx %arg7[%broadcast_in_dim3A_416, %get3A_107] : memref<32x8xf32, #tpu.memory_space<vmem>>[vector<16xi32>, vector<16xi32>], vector<16xf32>,
          %add3A_418 = arith.addf %gather3A_417, %get3A_406 : vector<16xf32>
          %broadcast_in_dim3A_419 = arith.constant 6 : i32
          %broadcast_in_dim3A_420 = vector.broadcast %broadcast_in_dim3A_419 : i32 to vector<16xi32>
          %gather3A_421 = tpu.vector_load_idx %arg7[%broadcast_in_dim3A_420, %get3A_111] : memref<32x8xf32, #tpu.memory_space<vmem>>[vector<16xi32>, vector<16xi32>], vector<16xf32>,
          %add3A_422 = arith.addf %gather3A_421, %get3A_406 : vector<16xf32>
          %get3A_423 = arith.constant 0 : i32
          %get3A_424 = arith.constant 7 : i32
          %get3A_425 = arith.index_cast %get3A_423 : i32 to index
          %get3A_426 = arith.index_cast %get3A_424 : i32 to index
          %get3A_427 = arith.index_cast %add3A_96 : i32 to index
          %get3A_428 = tpu.vector_load %arg8[%get3A_425, %get3A_426, %get3A_427] {strides = array<i32>} : memref<4x8x2048xf32, #tpu.memory_space<vmem>>, vector<16xf32>,
          %broadcast_in_dim3A_429 = arith.constant 7 : i32
          %broadcast_in_dim3A_430 = vector.broadcast %broadcast_in_dim3A_429 : i32 to vector<16xi32>
          %gather3A_431 = tpu.vector_load_idx %arg7[%broadcast_in_dim3A_430, %get3A_99] : memref<32x8xf32, #tpu.memory_space<vmem>>[vector<16xi32>, vector<16xi32>], vector<16xf32>,
          %add3A_432 = arith.addf %gather3A_431, %get3A_428 : vector<16xf32>
          %broadcast_in_dim3A_433 = arith.constant 7 : i32
          %broadcast_in_dim3A_434 = vector.broadcast %broadcast_in_dim3A_433 : i32 to vector<16xi32>
          %gather3A_435 = tpu.vector_load_idx %arg7[%broadcast_in_dim3A_434, %get3A_103] : memref<32x8xf32, #tpu.memory_space<vmem>>[vector<16xi32>, vector<16xi32>], vector<16xf32>,
          %add3A_436 = arith.addf %gather3A_435, %get3A_428 : vector<16xf32>
          %broadcast_in_dim3A_437 = arith.constant 7 : i32
          %broadcast_in_dim3A_438 = vector.broadcast %broadcast_in_dim3A_437 : i32 to vector<16xi32>
          %gather3A_439 = tpu.vector_load_idx %arg7[%broadcast_in_dim3A_438, %get3A_107] : memref<32x8xf32, #tpu.memory_space<vmem>>[vector<16xi32>, vector<16xi32>], vector<16xf32>,
          %add3A_440 = arith.addf %gather3A_439, %get3A_428 : vector<16xf32>
          %broadcast_in_dim3A_441 = arith.constant 7 : i32
          %broadcast_in_dim3A_442 = vector.broadcast %broadcast_in_dim3A_441 : i32 to vector<16xi32>
          %gather3A_443 = tpu.vector_load_idx %arg7[%broadcast_in_dim3A_442, %get3A_111] : memref<32x8xf32, #tpu.memory_space<vmem>>[vector<16xi32>, vector<16xi32>], vector<16xf32>,
          %add3A_444 = arith.addf %gather3A_443, %get3A_428 : vector<16xf32>
          %mul3A_445 = arith.constant 16 : i32
          %mul3A_446 = arith.muli %scan3A_91, %mul3A_445 : i32
          %swap3A_447 = arith.constant 0 : i32
          %swap3A_448 = arith.constant 0 : i32
          %swap3A_449 = arith.constant 4 : i32
          %swap3A_450 = arith.index_cast %swap3A_447 : i32 to index
          %swap3A_451 = arith.index_cast %swap3A_448 : i32 to index
          %swap3A_452 = arith.index_cast %swap3A_449 : i32 to index
          %swap3A_453 = arith.index_cast %mul3A_446 : i32 to index
          %swap3A_454 = tpu.vector_load %arg10[%swap3A_450, %swap3A_451, %swap3A_452, %swap3A_453] {strides = array<i32>} : memref<4x4x8x128xf32, #tpu.memory_space<vmem>>, vector<16xf32>,
          tpu.vector_store %arg10[%swap3A_450, %swap3A_451, %swap3A_452, %swap3A_453], %add3A_366 {strides = array<i32>} : memref<4x4x8x128xf32, #tpu.memory_space<vmem>>, vector<16xf32>,
          %mul3A_455 = arith.constant 16 : i32
          %mul3A_456 = arith.muli %scan3A_91, %mul3A_455 : i32
          %swap3A_457 = arith.constant 1 : i32
          %swap3A_458 = arith.constant 0 : i32
          %swap3A_459 = arith.constant 4 : i32
          %swap3A_460 = arith.index_cast %swap3A_457 : i32 to index
          %swap3A_461 = arith.index_cast %swap3A_458 : i32 to index
          %swap3A_462 = arith.index_cast %swap3A_459 : i32 to index
          %swap3A_463 = arith.index_cast %mul3A_456 : i32 to index
          %swap3A_464 = tpu.vector_load %arg10[%swap3A_460, %swap3A_461, %swap3A_462, %swap3A_463] {strides = array<i32>} : memref<4x4x8x128xf32, #tpu.memory_space<vmem>>, vector<16xf32>,
          tpu.vector_store %arg10[%swap3A_460, %swap3A_461, %swap3A_462, %swap3A_463], %add3A_370 {strides = array<i32>} : memref<4x4x8x128xf32, #tpu.memory_space<vmem>>, vector<16xf32>,
          %mul3A_465 = arith.constant 16 : i32
          %mul3A_466 = arith.muli %scan3A_91, %mul3A_465 : i32
          %swap3A_467 = arith.constant 2 : i32
          %swap3A_468 = arith.constant 0 : i32
          %swap3A_469 = arith.constant 4 : i32
          %swap3A_470 = arith.index_cast %swap3A_467 : i32 to index
          %swap3A_471 = arith.index_cast %swap3A_468 : i32 to index
          %swap3A_472 = arith.index_cast %swap3A_469 : i32 to index
          %swap3A_473 = arith.index_cast %mul3A_466 : i32 to index
          %swap3A_474 = tpu.vector_load %arg10[%swap3A_470, %swap3A_471, %swap3A_472, %swap3A_473] {strides = array<i32>} : memref<4x4x8x128xf32, #tpu.memory_space<vmem>>, vector<16xf32>,
          tpu.vector_store %arg10[%swap3A_470, %swap3A_471, %swap3A_472, %swap3A_473], %add3A_374 {strides = array<i32>} : memref<4x4x8x128xf32, #tpu.memory_space<vmem>>, vector<16xf32>,
          %mul3A_475 = arith.constant 16 : i32
          %mul3A_476 = arith.muli %scan3A_91, %mul3A_475 : i32
          %swap3A_477 = arith.constant 3 : i32
          %swap3A_478 = arith.constant 0 : i32
          %swap3A_479 = arith.constant 4 : i32
          %swap3A_480 = arith.index_cast %swap3A_477 : i32 to index
          %swap3A_481 = arith.index_cast %swap3A_478 : i32 to index
          %swap3A_482 = arith.index_cast %swap3A_479 : i32 to index
          %swap3A_483 = arith.index_cast %mul3A_476 : i32 to index
          %swap3A_484 = tpu.vector_load %arg10[%swap3A_480, %swap3A_481, %swap3A_482, %swap3A_483] {strides = array<i32>} : memref<4x4x8x128xf32, #tpu.memory_space<vmem>>, vector<16xf32>,
          tpu.vector_store %arg10[%swap3A_480, %swap3A_481, %swap3A_482, %swap3A_483], %add3A_378 {strides = array<i32>} : memref<4x4x8x128xf32, #tpu.memory_space<vmem>>, vector<16xf32>,
          %mul3A_485 = arith.constant 16 : i32
          %mul3A_486 = arith.muli %scan3A_91, %mul3A_485 : i32
          %swap3A_487 = arith.constant 0 : i32
          %swap3A_488 = arith.constant 0 : i32
          %swap3A_489 = arith.constant 5 : i32
          %swap3A_490 = arith.index_cast %swap3A_487 : i32 to index
          %swap3A_491 = arith.index_cast %swap3A_488 : i32 to index
          %swap3A_492 = arith.index_cast %swap3A_489 : i32 to index
          %swap3A_493 = arith.index_cast %mul3A_486 : i32 to index
          %swap3A_494 = tpu.vector_load %arg10[%swap3A_490, %swap3A_491, %swap3A_492, %swap3A_493] {strides = array<i32>} : memref<4x4x8x128xf32, #tpu.memory_space<vmem>>, vector<16xf32>,
          tpu.vector_store %arg10[%swap3A_490, %swap3A_491, %swap3A_492, %swap3A_493], %add3A_388 {strides = array<i32>} : memref<4x4x8x128xf32, #tpu.memory_space<vmem>>, vector<16xf32>,
          %mul3A_495 = arith.constant 16 : i32
          %mul3A_496 = arith.muli %scan3A_91, %mul3A_495 : i32
          %swap3A_497 = arith.constant 1 : i32
          %swap3A_498 = arith.constant 0 : i32
          %swap3A_499 = arith.constant 5 : i32
          %swap3A_500 = arith.index_cast %swap3A_497 : i32 to index
          %swap3A_501 = arith.index_cast %swap3A_498 : i32 to index
          %swap3A_502 = arith.index_cast %swap3A_499 : i32 to index
          %swap3A_503 = arith.index_cast %mul3A_496 : i32 to index
          %swap3A_504 = tpu.vector_load %arg10[%swap3A_500, %swap3A_501, %swap3A_502, %swap3A_503] {strides = array<i32>} : memref<4x4x8x128xf32, #tpu.memory_space<vmem>>, vector<16xf32>,
          tpu.vector_store %arg10[%swap3A_500, %swap3A_501, %swap3A_502, %swap3A_503], %add3A_392 {strides = array<i32>} : memref<4x4x8x128xf32, #tpu.memory_space<vmem>>, vector<16xf32>,
          %mul3A_505 = arith.constant 16 : i32
          %mul3A_506 = arith.muli %scan3A_91, %mul3A_505 : i32
          %swap3A_507 = arith.constant 2 : i32
          %swap3A_508 = arith.constant 0 : i32
          %swap3A_509 = arith.constant 5 : i32
          %swap3A_510 = arith.index_cast %swap3A_507 : i32 to index
          %swap3A_511 = arith.index_cast %swap3A_508 : i32 to index
          %swap3A_512 = arith.index_cast %swap3A_509 : i32 to index
          %swap3A_513 = arith.index_cast %mul3A_506 : i32 to index
          %swap3A_514 = tpu.vector_load %arg10[%swap3A_510, %swap3A_511, %swap3A_512, %swap3A_513] {strides = array<i32>} : memref<4x4x8x128xf32, #tpu.memory_space<vmem>>, vector<16xf32>,
          tpu.vector_store %arg10[%swap3A_510, %swap3A_511, %swap3A_512, %swap3A_513], %add3A_396 {strides = array<i32>} : memref<4x4x8x128xf32, #tpu.memory_space<vmem>>, vector<16xf32>,
          %mul3A_515 = arith.constant 16 : i32
          %mul3A_516 = arith.muli %scan3A_91, %mul3A_515 : i32
          %swap3A_517 = arith.constant 3 : i32
          %swap3A_518 = arith.constant 0 : i32
          %swap3A_519 = arith.constant 5 : i32
          %swap3A_520 = arith.index_cast %swap3A_517 : i32 to index
          %swap3A_521 = arith.index_cast %swap3A_518 : i32 to index
          %swap3A_522 = arith.index_cast %swap3A_519 : i32 to index
          %swap3A_523 = arith.index_cast %mul3A_516 : i32 to index
          %swap3A_524 = tpu.vector_load %arg10[%swap3A_520, %swap3A_521, %swap3A_522, %swap3A_523] {strides = array<i32>} : memref<4x4x8x128xf32, #tpu.memory_space<vmem>>, vector<16xf32>,
          tpu.vector_store %arg10[%swap3A_520, %swap3A_521, %swap3A_522, %swap3A_523], %add3A_400 {strides = array<i32>} : memref<4x4x8x128xf32, #tpu.memory_space<vmem>>, vector<16xf32>,
          %mul3A_525 = arith.constant 16 : i32
          %mul3A_526 = arith.muli %scan3A_91, %mul3A_525 : i32
          %swap3A_527 = arith.constant 0 : i32
          %swap3A_528 = arith.constant 0 : i32
          %swap3A_529 = arith.constant 6 : i32
          %swap3A_530 = arith.index_cast %swap3A_527 : i32 to index
          %swap3A_531 = arith.index_cast %swap3A_528 : i32 to index
          %swap3A_532 = arith.index_cast %swap3A_529 : i32 to index
          %swap3A_533 = arith.index_cast %mul3A_526 : i32 to index
          %swap3A_534 = tpu.vector_load %arg10[%swap3A_530, %swap3A_531, %swap3A_532, %swap3A_533] {strides = array<i32>} : memref<4x4x8x128xf32, #tpu.memory_space<vmem>>, vector<16xf32>,
          tpu.vector_store %arg10[%swap3A_530, %swap3A_531, %swap3A_532, %swap3A_533], %add3A_410 {strides = array<i32>} : memref<4x4x8x128xf32, #tpu.memory_space<vmem>>, vector<16xf32>,
          %mul3A_535 = arith.constant 16 : i32
          %mul3A_536 = arith.muli %scan3A_91, %mul3A_535 : i32
          %swap3A_537 = arith.constant 1 : i32
          %swap3A_538 = arith.constant 0 : i32
          %swap3A_539 = arith.constant 6 : i32
          %swap3A_540 = arith.index_cast %swap3A_537 : i32 to index
          %swap3A_541 = arith.index_cast %swap3A_538 : i32 to index
          %swap3A_542 = arith.index_cast %swap3A_539 : i32 to index
          %swap3A_543 = arith.index_cast %mul3A_536 : i32 to index
          %swap3A_544 = tpu.vector_load %arg10[%swap3A_540, %swap3A_541, %swap3A_542, %swap3A_543] {strides = array<i32>} : memref<4x4x8x128xf32, #tpu.memory_space<vmem>>, vector<16xf32>,
          tpu.vector_store %arg10[%swap3A_540, %swap3A_541, %swap3A_542, %swap3A_543], %add3A_414 {strides = array<i32>} : memref<4x4x8x128xf32, #tpu.memory_space<vmem>>, vector<16xf32>,
          %mul3A_545 = arith.constant 16 : i32
          %mul3A_546 = arith.muli %scan3A_91, %mul3A_545 : i32
          %swap3A_547 = arith.constant 2 : i32
          %swap3A_548 = arith.constant 0 : i32
          %swap3A_549 = arith.constant 6 : i32
          %swap3A_550 = arith.index_cast %swap3A_547 : i32 to index
          %swap3A_551 = arith.index_cast %swap3A_548 : i32 to index
          %swap3A_552 = arith.index_cast %swap3A_549 : i32 to index
          %swap3A_553 = arith.index_cast %mul3A_546 : i32 to index
          %swap3A_554 = tpu.vector_load %arg10[%swap3A_550, %swap3A_551, %swap3A_552, %swap3A_553] {strides = array<i32>} : memref<4x4x8x128xf32, #tpu.memory_space<vmem>>, vector<16xf32>,
          tpu.vector_store %arg10[%swap3A_550, %swap3A_551, %swap3A_552, %swap3A_553], %add3A_418 {strides = array<i32>} : memref<4x4x8x128xf32, #tpu.memory_space<vmem>>, vector<16xf32>,
          %mul3A_555 = arith.constant 16 : i32
          %mul3A_556 = arith.muli %scan3A_91, %mul3A_555 : i32
          %swap3A_557 = arith.constant 3 : i32
          %swap3A_558 = arith.constant 0 : i32
          %swap3A_559 = arith.constant 6 : i32
          %swap3A_560 = arith.index_cast %swap3A_557 : i32 to index
          %swap3A_561 = arith.index_cast %swap3A_558 : i32 to index
          %swap3A_562 = arith.index_cast %swap3A_559 : i32 to index
          %swap3A_563 = arith.index_cast %mul3A_556 : i32 to index
          %swap3A_564 = tpu.vector_load %arg10[%swap3A_560, %swap3A_561, %swap3A_562, %swap3A_563] {strides = array<i32>} : memref<4x4x8x128xf32, #tpu.memory_space<vmem>>, vector<16xf32>,
          tpu.vector_store %arg10[%swap3A_560, %swap3A_561, %swap3A_562, %swap3A_563], %add3A_422 {strides = array<i32>} : memref<4x4x8x128xf32, #tpu.memory_space<vmem>>, vector<16xf32>,
          %mul3A_565 = arith.constant 16 : i32
          %mul3A_566 = arith.muli %scan3A_91, %mul3A_565 : i32
          %swap3A_567 = arith.constant 0 : i32
          %swap3A_568 = arith.constant 0 : i32
          %swap3A_569 = arith.constant 7 : i32
          %swap3A_570 = arith.index_cast %swap3A_567 : i32 to index
          %swap3A_571 = arith.index_cast %swap3A_568 : i32 to index
          %swap3A_572 = arith.index_cast %swap3A_569 : i32 to index
          %swap3A_573 = arith.index_cast %mul3A_566 : i32 to index
          %swap3A_574 = tpu.vector_load %arg10[%swap3A_570, %swap3A_571, %swap3A_572, %swap3A_573] {strides = array<i32>} : memref<4x4x8x128xf32, #tpu.memory_space<vmem>>, vector<16xf32>,
          tpu.vector_store %arg10[%swap3A_570, %swap3A_571, %swap3A_572, %swap3A_573], %add3A_432 {strides = array<i32>} : memref<4x4x8x128xf32, #tpu.memory_space<vmem>>, vector<16xf32>,
          %mul3A_575 = arith.constant 16 : i32
          %mul3A_576 = arith.muli %scan3A_91, %mul3A_575 : i32
          %swap3A_577 = arith.constant 1 : i32
          %swap3A_578 = arith.constant 0 : i32
          %swap3A_579 = arith.constant 7 : i32
          %swap3A_580 = arith.index_cast %swap3A_577 : i32 to index
          %swap3A_581 = arith.index_cast %swap3A_578 : i32 to index
          %swap3A_582 = arith.index_cast %swap3A_579 : i32 to index
          %swap3A_583 = arith.index_cast %mul3A_576 : i32 to index
          %swap3A_584 = tpu.vector_load %arg10[%swap3A_580, %swap3A_581, %swap3A_582, %swap3A_583] {strides = array<i32>} : memref<4x4x8x128xf32, #tpu.memory_space<vmem>>, vector<16xf32>,
          tpu.vector_store %arg10[%swap3A_580, %swap3A_581, %swap3A_582, %swap3A_583], %add3A_436 {strides = array<i32>} : memref<4x4x8x128xf32, #tpu.memory_space<vmem>>, vector<16xf32>,
          %mul3A_585 = arith.constant 16 : i32
          %mul3A_586 = arith.muli %scan3A_91, %mul3A_585 : i32
          %swap3A_587 = arith.constant 2 : i32
          %swap3A_588 = arith.constant 0 : i32
          %swap3A_589 = arith.constant 7 : i32
          %swap3A_590 = arith.index_cast %swap3A_587 : i32 to index
          %swap3A_591 = arith.index_cast %swap3A_588 : i32 to index
          %swap3A_592 = arith.index_cast %swap3A_589 : i32 to index
          %swap3A_593 = arith.index_cast %mul3A_586 : i32 to index
          %swap3A_594 = tpu.vector_load %arg10[%swap3A_590, %swap3A_591, %swap3A_592, %swap3A_593] {strides = array<i32>} : memref<4x4x8x128xf32, #tpu.memory_space<vmem>>, vector<16xf32>,
          tpu.vector_store %arg10[%swap3A_590, %swap3A_591, %swap3A_592, %swap3A_593], %add3A_440 {strides = array<i32>} : memref<4x4x8x128xf32, #tpu.memory_space<vmem>>, vector<16xf32>,
          %mul3A_595 = arith.constant 16 : i32
          %mul3A_596 = arith.muli %scan3A_91, %mul3A_595 : i32
          %swap3A_597 = arith.constant 3 : i32
          %swap3A_598 = arith.constant 0 : i32
          %swap3A_599 = arith.constant 7 : i32
          %swap3A_600 = arith.index_cast %swap3A_597 : i32 to index
          %swap3A_601 = arith.index_cast %swap3A_598 : i32 to index
          %swap3A_602 = arith.index_cast %swap3A_599 : i32 to index
          %swap3A_603 = arith.index_cast %mul3A_596 : i32 to index
          %swap3A_604 = tpu.vector_load %arg10[%swap3A_600, %swap3A_601, %swap3A_602, %swap3A_603] {strides = array<i32>} : memref<4x4x8x128xf32, #tpu.memory_space<vmem>>, vector<16xf32>,
          tpu.vector_store %arg10[%swap3A_600, %swap3A_601, %swap3A_602, %swap3A_603], %add3A_444 {strides = array<i32>} : memref<4x4x8x128xf32, #tpu.memory_space<vmem>>, vector<16xf32>,
          %get3A_605 = arith.constant 1 : i32
          %get3A_606 = arith.constant 0 : i32
          %get3A_607 = arith.index_cast %get3A_605 : i32 to index
          %get3A_608 = arith.index_cast %get3A_606 : i32 to index
          %get3A_609 = arith.index_cast %add3A_96 : i32 to index
          %get3A_610 = tpu.vector_load %arg8[%get3A_607, %get3A_608, %get3A_609] {strides = array<i32>} : memref<4x8x2048xf32, #tpu.memory_space<vmem>>, vector<16xf32>,
          %broadcast_in_dim3A_611 = arith.constant 8 : i32
          %broadcast_in_dim3A_612 = vector.broadcast %broadcast_in_dim3A_611 : i32 to vector<16xi32>
          %gather3A_613 = tpu.vector_load_idx %arg7[%broadcast_in_dim3A_612, %get3A_99] : memref<32x8xf32, #tpu.memory_space<vmem>>[vector<16xi32>, vector<16xi32>], vector<16xf32>,
          %add3A_614 = arith.addf %gather3A_613, %get3A_610 : vector<16xf32>
          %broadcast_in_dim3A_615 = arith.constant 8 : i32
          %broadcast_in_dim3A_616 = vector.broadcast %broadcast_in_dim3A_615 : i32 to vector<16xi32>
          %gather3A_617 = tpu.vector_load_idx %arg7[%broadcast_in_dim3A_616, %get3A_103] : memref<32x8xf32, #tpu.memory_space<vmem>>[vector<16xi32>, vector<16xi32>], vector<16xf32>,
          %add3A_618 = arith.addf %gather3A_617, %get3A_610 : vector<16xf32>
          %broadcast_in_dim3A_619 = arith.constant 8 : i32
          %broadcast_in_dim3A_620 = vector.broadcast %broadcast_in_dim3A_619 : i32 to vector<16xi32>
          %gather3A_621 = tpu.vector_load_idx %arg7[%broadcast_in_dim3A_620, %get3A_107] : memref<32x8xf32, #tpu.memory_space<vmem>>[vector<16xi32>, vector<16xi32>], vector<16xf32>,
          %add3A_622 = arith.addf %gather3A_621, %get3A_610 : vector<16xf32>
          %broadcast_in_dim3A_623 = arith.constant 8 : i32
          %broadcast_in_dim3A_624 = vector.broadcast %broadcast_in_dim3A_623 : i32 to vector<16xi32>
          %gather3A_625 = tpu.vector_load_idx %arg7[%broadcast_in_dim3A_624, %get3A_111] : memref<32x8xf32, #tpu.memory_space<vmem>>[vector<16xi32>, vector<16xi32>], vector<16xf32>,
          %add3A_626 = arith.addf %gather3A_625, %get3A_610 : vector<16xf32>
          %get3A_627 = arith.constant 1 : i32
          %get3A_628 = arith.constant 1 : i32
          %get3A_629 = arith.index_cast %get3A_627 : i32 to index
          %get3A_630 = arith.index_cast %get3A_628 : i32 to index
          %get3A_631 = arith.index_cast %add3A_96 : i32 to index
          %get3A_632 = tpu.vector_load %arg8[%get3A_629, %get3A_630, %get3A_631] {strides = array<i32>} : memref<4x8x2048xf32, #tpu.memory_space<vmem>>, vector<16xf32>,
          %broadcast_in_dim3A_633 = arith.constant 9 : i32
          %broadcast_in_dim3A_634 = vector.broadcast %broadcast_in_dim3A_633 : i32 to vector<16xi32>
          %gather3A_635 = tpu.vector_load_idx %arg7[%broadcast_in_dim3A_634, %get3A_99] : memref<32x8xf32, #tpu.memory_space<vmem>>[vector<16xi32>, vector<16xi32>], vector<16xf32>,
          %add3A_636 = arith.addf %gather3A_635, %get3A_632 : vector<16xf32>
          %broadcast_in_dim3A_637 = arith.constant 9 : i32
          %broadcast_in_dim3A_638 = vector.broadcast %broadcast_in_dim3A_637 : i32 to vector<16xi32>
          %gather3A_639 = tpu.vector_load_idx %arg7[%broadcast_in_dim3A_638, %get3A_103] : memref<32x8xf32, #tpu.memory_space<vmem>>[vector<16xi32>, vector<16xi32>], vector<16xf32>,
          %add3A_640 = arith.addf %gather3A_639, %get3A_632 : vector<16xf32>
          %broadcast_in_dim3A_641 = arith.constant 9 : i32
          %broadcast_in_dim3A_642 = vector.broadcast %broadcast_in_dim3A_641 : i32 to vector<16xi32>
          %gather3A_643 = tpu.vector_load_idx %arg7[%broadcast_in_dim3A_642, %get3A_107] : memref<32x8xf32, #tpu.memory_space<vmem>>[vector<16xi32>, vector<16xi32>], vector<16xf32>,
          %add3A_644 = arith.addf %gather3A_643, %get3A_632 : vector<16xf32>
          %broadcast_in_dim3A_645 = arith.constant 9 : i32
          %broadcast_in_dim3A_646 = vector.broadcast %broadcast_in_dim3A_645 : i32 to vector<16xi32>
          %gather3A_647 = tpu.vector_load_idx %arg7[%broadcast_in_dim3A_646, %get3A_111] : memref<32x8xf32, #tpu.memory_space<vmem>>[vector<16xi32>, vector<16xi32>], vector<16xf32>,
          %add3A_648 = arith.addf %gather3A_647, %get3A_632 : vector<16xf32>
          %get3A_649 = arith.constant 1 : i32
          %get3A_650 = arith.constant 2 : i32
          %get3A_651 = arith.index_cast %get3A_649 : i32 to index
          %get3A_652 = arith.index_cast %get3A_650 : i32 to index
          %get3A_653 = arith.index_cast %add3A_96 : i32 to index
          %get3A_654 = tpu.vector_load %arg8[%get3A_651, %get3A_652, %get3A_653] {strides = array<i32>} : memref<4x8x2048xf32, #tpu.memory_space<vmem>>, vector<16xf32>,
          %broadcast_in_dim3A_655 = arith.constant 10 : i32
          %broadcast_in_dim3A_656 = vector.broadcast %broadcast_in_dim3A_655 : i32 to vector<16xi32>
          %gather3A_657 = tpu.vector_load_idx %arg7[%broadcast_in_dim3A_656, %get3A_99] : memref<32x8xf32, #tpu.memory_space<vmem>>[vector<16xi32>, vector<16xi32>], vector<16xf32>,
          %add3A_658 = arith.addf %gather3A_657, %get3A_654 : vector<16xf32>
          %broadcast_in_dim3A_659 = arith.constant 10 : i32
          %broadcast_in_dim3A_660 = vector.broadcast %broadcast_in_dim3A_659 : i32 to vector<16xi32>
          %gather3A_661 = tpu.vector_load_idx %arg7[%broadcast_in_dim3A_660, %get3A_103] : memref<32x8xf32, #tpu.memory_space<vmem>>[vector<16xi32>, vector<16xi32>], vector<16xf32>,
          %add3A_662 = arith.addf %gather3A_661, %get3A_654 : vector<16xf32>
          %broadcast_in_dim3A_663 = arith.constant 10 : i32
          %broadcast_in_dim3A_664 = vector.broadcast %broadcast_in_dim3A_663 : i32 to vector<16xi32>
          %gather3A_665 = tpu.vector_load_idx %arg7[%broadcast_in_dim3A_664, %get3A_107] : memref<32x8xf32, #tpu.memory_space<vmem>>[vector<16xi32>, vector<16xi32>], vector<16xf32>,
          %add3A_666 = arith.addf %gather3A_665, %get3A_654 : vector<16xf32>
          %broadcast_in_dim3A_667 = arith.constant 10 : i32
          %broadcast_in_dim3A_668 = vector.broadcast %broadcast_in_dim3A_667 : i32 to vector<16xi32>
          %gather3A_669 = tpu.vector_load_idx %arg7[%broadcast_in_dim3A_668, %get3A_111] : memref<32x8xf32, #tpu.memory_space<vmem>>[vector<16xi32>, vector<16xi32>], vector<16xf32>,
          %add3A_670 = arith.addf %gather3A_669, %get3A_654 : vector<16xf32>
          %get3A_671 = arith.constant 1 : i32
          %get3A_672 = arith.constant 3 : i32
          %get3A_673 = arith.index_cast %get3A_671 : i32 to index
          %get3A_674 = arith.index_cast %get3A_672 : i32 to index
          %get3A_675 = arith.index_cast %add3A_96 : i32 to index
          %get3A_676 = tpu.vector_load %arg8[%get3A_673, %get3A_674, %get3A_675] {strides = array<i32>} : memref<4x8x2048xf32, #tpu.memory_space<vmem>>, vector<16xf32>,
          %broadcast_in_dim3A_677 = arith.constant 11 : i32
          %broadcast_in_dim3A_678 = vector.broadcast %broadcast_in_dim3A_677 : i32 to vector<16xi32>
          %gather3A_679 = tpu.vector_load_idx %arg7[%broadcast_in_dim3A_678, %get3A_99] : memref<32x8xf32, #tpu.memory_space<vmem>>[vector<16xi32>, vector<16xi32>], vector<16xf32>,
          %add3A_680 = arith.addf %gather3A_679, %get3A_676 : vector<16xf32>
          %broadcast_in_dim3A_681 = arith.constant 11 : i32
          %broadcast_in_dim3A_682 = vector.broadcast %broadcast_in_dim3A_681 : i32 to vector<16xi32>
          %gather3A_683 = tpu.vector_load_idx %arg7[%broadcast_in_dim3A_682, %get3A_103] : memref<32x8xf32, #tpu.memory_space<vmem>>[vector<16xi32>, vector<16xi32>], vector<16xf32>,
          %add3A_684 = arith.addf %gather3A_683, %get3A_676 : vector<16xf32>
          %broadcast_in_dim3A_685 = arith.constant 11 : i32
          %broadcast_in_dim3A_686 = vector.broadcast %broadcast_in_dim3A_685 : i32 to vector<16xi32>
          %gather3A_687 = tpu.vector_load_idx %arg7[%broadcast_in_dim3A_686, %get3A_107] : memref<32x8xf32, #tpu.memory_space<vmem>>[vector<16xi32>, vector<16xi32>], vector<16xf32>,
          %add3A_688 = arith.addf %gather3A_687, %get3A_676 : vector<16xf32>
          %broadcast_in_dim3A_689 = arith.constant 11 : i32
          %broadcast_in_dim3A_690 = vector.broadcast %broadcast_in_dim3A_689 : i32 to vector<16xi32>
          %gather3A_691 = tpu.vector_load_idx %arg7[%broadcast_in_dim3A_690, %get3A_111] : memref<32x8xf32, #tpu.memory_space<vmem>>[vector<16xi32>, vector<16xi32>], vector<16xf32>,
          %add3A_692 = arith.addf %gather3A_691, %get3A_676 : vector<16xf32>
          %mul3A_693 = arith.constant 16 : i32
          %mul3A_694 = arith.muli %scan3A_91, %mul3A_693 : i32
          %swap3A_695 = arith.constant 0 : i32
          %swap3A_696 = arith.constant 1 : i32
          %swap3A_697 = arith.constant 0 : i32
          %swap3A_698 = arith.index_cast %swap3A_695 : i32 to index
          %swap3A_699 = arith.index_cast %swap3A_696 : i32 to index
          %swap3A_700 = arith.index_cast %swap3A_697 : i32 to index
          %swap3A_701 = arith.index_cast %mul3A_694 : i32 to index
          %swap3A_702 = tpu.vector_load %arg10[%swap3A_698, %swap3A_699, %swap3A_700, %swap3A_701] {strides = array<i32>} : memref<4x4x8x128xf32, #tpu.memory_space<vmem>>, vector<16xf32>,
          tpu.vector_store %arg10[%swap3A_698, %swap3A_699, %swap3A_700, %swap3A_701], %add3A_614 {strides = array<i32>} : memref<4x4x8x128xf32, #tpu.memory_space<vmem>>, vector<16xf32>,
          %mul3A_703 = arith.constant 16 : i32
          %mul3A_704 = arith.muli %scan3A_91, %mul3A_703 : i32
          %swap3A_705 = arith.constant 1 : i32
          %swap3A_706 = arith.constant 1 : i32
          %swap3A_707 = arith.constant 0 : i32
          %swap3A_708 = arith.index_cast %swap3A_705 : i32 to index
          %swap3A_709 = arith.index_cast %swap3A_706 : i32 to index
          %swap3A_710 = arith.index_cast %swap3A_707 : i32 to index
          %swap3A_711 = arith.index_cast %mul3A_704 : i32 to index
          %swap3A_712 = tpu.vector_load %arg10[%swap3A_708, %swap3A_709, %swap3A_710, %swap3A_711] {strides = array<i32>} : memref<4x4x8x128xf32, #tpu.memory_space<vmem>>, vector<16xf32>,
          tpu.vector_store %arg10[%swap3A_708, %swap3A_709, %swap3A_710, %swap3A_711], %add3A_618 {strides = array<i32>} : memref<4x4x8x128xf32, #tpu.memory_space<vmem>>, vector<16xf32>,
          %mul3A_713 = arith.constant 16 : i32
          %mul3A_714 = arith.muli %scan3A_91, %mul3A_713 : i32
          %swap3A_715 = arith.constant 2 : i32
          %swap3A_716 = arith.constant 1 : i32
          %swap3A_717 = arith.constant 0 : i32
          %swap3A_718 = arith.index_cast %swap3A_715 : i32 to index
          %swap3A_719 = arith.index_cast %swap3A_716 : i32 to index
          %swap3A_720 = arith.index_cast %swap3A_717 : i32 to index
          %swap3A_721 = arith.index_cast %mul3A_714 : i32 to index
          %swap3A_722 = tpu.vector_load %arg10[%swap3A_718, %swap3A_719, %swap3A_720, %swap3A_721] {strides = array<i32>} : memref<4x4x8x128xf32, #tpu.memory_space<vmem>>, vector<16xf32>,
          tpu.vector_store %arg10[%swap3A_718, %swap3A_719, %swap3A_720, %swap3A_721], %add3A_622 {strides = array<i32>} : memref<4x4x8x128xf32, #tpu.memory_space<vmem>>, vector<16xf32>,
          %mul3A_723 = arith.constant 16 : i32
          %mul3A_724 = arith.muli %scan3A_91, %mul3A_723 : i32
          %swap3A_725 = arith.constant 3 : i32
          %swap3A_726 = arith.constant 1 : i32
          %swap3A_727 = arith.constant 0 : i32
          %swap3A_728 = arith.index_cast %swap3A_725 : i32 to index
          %swap3A_729 = arith.index_cast %swap3A_726 : i32 to index
          %swap3A_730 = arith.index_cast %swap3A_727 : i32 to index
          %swap3A_731 = arith.index_cast %mul3A_724 : i32 to index
          %swap3A_732 = tpu.vector_load %arg10[%swap3A_728, %swap3A_729, %swap3A_730, %swap3A_731] {strides = array<i32>} : memref<4x4x8x128xf32, #tpu.memory_space<vmem>>, vector<16xf32>,
          tpu.vector_store %arg10[%swap3A_728, %swap3A_729, %swap3A_730, %swap3A_731], %add3A_626 {strides = array<i32>} : memref<4x4x8x128xf32, #tpu.memory_space<vmem>>, vector<16xf32>,
          %mul3A_733 = arith.constant 16 : i32
          %mul3A_734 = arith.muli %scan3A_91, %mul3A_733 : i32
          %swap3A_735 = arith.constant 0 : i32
          %swap3A_736 = arith.constant 1 : i32
          %swap3A_737 = arith.constant 1 : i32
          %swap3A_738 = arith.index_cast %swap3A_735 : i32 to index
          %swap3A_739 = arith.index_cast %swap3A_736 : i32 to index
          %swap3A_740 = arith.index_cast %swap3A_737 : i32 to index
          %swap3A_741 = arith.index_cast %mul3A_734 : i32 to index
          %swap3A_742 = tpu.vector_load %arg10[%swap3A_738, %swap3A_739, %swap3A_740, %swap3A_741] {strides = array<i32>} : memref<4x4x8x128xf32, #tpu.memory_space<vmem>>, vector<16xf32>,
          tpu.vector_store %arg10[%swap3A_738, %swap3A_739, %swap3A_740, %swap3A_741], %add3A_636 {strides = array<i32>} : memref<4x4x8x128xf32, #tpu.memory_space<vmem>>, vector<16xf32>,
          %mul3A_743 = arith.constant 16 : i32
          %mul3A_744 = arith.muli %scan3A_91, %mul3A_743 : i32
          %swap3A_745 = arith.constant 1 : i32
          %swap3A_746 = arith.constant 1 : i32
          %swap3A_747 = arith.constant 1 : i32
          %swap3A_748 = arith.index_cast %swap3A_745 : i32 to index
          %swap3A_749 = arith.index_cast %swap3A_746 : i32 to index
          %swap3A_750 = arith.index_cast %swap3A_747 : i32 to index
          %swap3A_751 = arith.index_cast %mul3A_744 : i32 to index
          %swap3A_752 = tpu.vector_load %arg10[%swap3A_748, %swap3A_749, %swap3A_750, %swap3A_751] {strides = array<i32>} : memref<4x4x8x128xf32, #tpu.memory_space<vmem>>, vector<16xf32>,
          tpu.vector_store %arg10[%swap3A_748, %swap3A_749, %swap3A_750, %swap3A_751], %add3A_640 {strides = array<i32>} : memref<4x4x8x128xf32, #tpu.memory_space<vmem>>, vector<16xf32>,
          %mul3A_753 = arith.constant 16 : i32
          %mul3A_754 = arith.muli %scan3A_91, %mul3A_753 : i32
          %swap3A_755 = arith.constant 2 : i32
          %swap3A_756 = arith.constant 1 : i32
          %swap3A_757 = arith.constant 1 : i32
          %swap3A_758 = arith.index_cast %swap3A_755 : i32 to index
          %swap3A_759 = arith.index_cast %swap3A_756 : i32 to index
          %swap3A_760 = arith.index_cast %swap3A_757 : i32 to index
          %swap3A_761 = arith.index_cast %mul3A_754 : i32 to index
          %swap3A_762 = tpu.vector_load %arg10[%swap3A_758, %swap3A_759, %swap3A_760, %swap3A_761] {strides = array<i32>} : memref<4x4x8x128xf32, #tpu.memory_space<vmem>>, vector<16xf32>,
          tpu.vector_store %arg10[%swap3A_758, %swap3A_759, %swap3A_760, %swap3A_761], %add3A_644 {strides = array<i32>} : memref<4x4x8x128xf32, #tpu.memory_space<vmem>>, vector<16xf32>,
          %mul3A_763 = arith.constant 16 : i32
          %mul3A_764 = arith.muli %scan3A_91, %mul3A_763 : i32
          %swap3A_765 = arith.constant 3 : i32
          %swap3A_766 = arith.constant 1 : i32
          %swap3A_767 = arith.constant 1 : i32
          %swap3A_768 = arith.index_cast %swap3A_765 : i32 to index
          %swap3A_769 = arith.index_cast %swap3A_766 : i32 to index
          %swap3A_770 = arith.index_cast %swap3A_767 : i32 to index
          %swap3A_771 = arith.index_cast %mul3A_764 : i32 to index
          %swap3A_772 = tpu.vector_load %arg10[%swap3A_768, %swap3A_769, %swap3A_770, %swap3A_771] {strides = array<i32>} : memref<4x4x8x128xf32, #tpu.memory_space<vmem>>, vector<16xf32>,
          tpu.vector_store %arg10[%swap3A_768, %swap3A_769, %swap3A_770, %swap3A_771], %add3A_648 {strides = array<i32>} : memref<4x4x8x128xf32, #tpu.memory_space<vmem>>, vector<16xf32>,
          %mul3A_773 = arith.constant 16 : i32
          %mul3A_774 = arith.muli %scan3A_91, %mul3A_773 : i32
          %swap3A_775 = arith.constant 0 : i32
          %swap3A_776 = arith.constant 1 : i32
          %swap3A_777 = arith.constant 2 : i32
          %swap3A_778 = arith.index_cast %swap3A_775 : i32 to index
          %swap3A_779 = arith.index_cast %swap3A_776 : i32 to index
          %swap3A_780 = arith.index_cast %swap3A_777 : i32 to index
          %swap3A_781 = arith.index_cast %mul3A_774 : i32 to index
          %swap3A_782 = tpu.vector_load %arg10[%swap3A_778, %swap3A_779, %swap3A_780, %swap3A_781] {strides = array<i32>} : memref<4x4x8x128xf32, #tpu.memory_space<vmem>>, vector<16xf32>,
          tpu.vector_store %arg10[%swap3A_778, %swap3A_779, %swap3A_780, %swap3A_781], %add3A_658 {strides = array<i32>} : memref<4x4x8x128xf32, #tpu.memory_space<vmem>>, vector<16xf32>,
          %mul3A_783 = arith.constant 16 : i32
          %mul3A_784 = arith.muli %scan3A_91, %mul3A_783 : i32
          %swap3A_785 = arith.constant 1 : i32
          %swap3A_786 = arith.constant 1 : i32
          %swap3A_787 = arith.constant 2 : i32
          %swap3A_788 = arith.index_cast %swap3A_785 : i32 to index
          %swap3A_789 = arith.index_cast %swap3A_786 : i32 to index
          %swap3A_790 = arith.index_cast %swap3A_787 : i32 to index
          %swap3A_791 = arith.index_cast %mul3A_784 : i32 to index
          %swap3A_792 = tpu.vector_load %arg10[%swap3A_788, %swap3A_789, %swap3A_790, %swap3A_791] {strides = array<i32>} : memref<4x4x8x128xf32, #tpu.memory_space<vmem>>, vector<16xf32>,
          tpu.vector_store %arg10[%swap3A_788, %swap3A_789, %swap3A_790, %swap3A_791], %add3A_662 {strides = array<i32>} : memref<4x4x8x128xf32, #tpu.memory_space<vmem>>, vector<16xf32>,
          %mul3A_793 = arith.constant 16 : i32
          %mul3A_794 = arith.muli %scan3A_91, %mul3A_793 : i32
          %swap3A_795 = arith.constant 2 : i32
          %swap3A_796 = arith.constant 1 : i32
          %swap3A_797 = arith.constant 2 : i32
          %swap3A_798 = arith.index_cast %swap3A_795 : i32 to index
          %swap3A_799 = arith.index_cast %swap3A_796 : i32 to index
          %swap3A_800 = arith.index_cast %swap3A_797 : i32 to index
          %swap3A_801 = arith.index_cast %mul3A_794 : i32 to index
          %swap3A_802 = tpu.vector_load %arg10[%swap3A_798, %swap3A_799, %swap3A_800, %swap3A_801] {strides = array<i32>} : memref<4x4x8x128xf32, #tpu.memory_space<vmem>>, vector<16xf32>,
          tpu.vector_store %arg10[%swap3A_798, %swap3A_799, %swap3A_800, %swap3A_801], %add3A_666 {strides = array<i32>} : memref<4x4x8x128xf32, #tpu.memory_space<vmem>>, vector<16xf32>,
          %mul3A_803 = arith.constant 16 : i32
          %mul3A_804 = arith.muli %scan3A_91, %mul3A_803 : i32
          %swap3A_805 = arith.constant 3 : i32
          %swap3A_806 = arith.constant 1 : i32
          %swap3A_807 = arith.constant 2 : i32
          %swap3A_808 = arith.index_cast %swap3A_805 : i32 to index
          %swap3A_809 = arith.index_cast %swap3A_806 : i32 to index
          %swap3A_810 = arith.index_cast %swap3A_807 : i32 to index
          %swap3A_811 = arith.index_cast %mul3A_804 : i32 to index
          %swap3A_812 = tpu.vector_load %arg10[%swap3A_808, %swap3A_809, %swap3A_810, %swap3A_811] {strides = array<i32>} : memref<4x4x8x128xf32, #tpu.memory_space<vmem>>, vector<16xf32>,
          tpu.vector_store %arg10[%swap3A_808, %swap3A_809, %swap3A_810, %swap3A_811], %add3A_670 {strides = array<i32>} : memref<4x4x8x128xf32, #tpu.memory_space<vmem>>, vector<16xf32>,
          %mul3A_813 = arith.constant 16 : i32
          %mul3A_814 = arith.muli %scan3A_91, %mul3A_813 : i32
          %swap3A_815 = arith.constant 0 : i32
          %swap3A_816 = arith.constant 1 : i32
          %swap3A_817 = arith.constant 3 : i32
          %swap3A_818 = arith.index_cast %swap3A_815 : i32 to index
          %swap3A_819 = arith.index_cast %swap3A_816 : i32 to index
          %swap3A_820 = arith.index_cast %swap3A_817 : i32 to index
          %swap3A_821 = arith.index_cast %mul3A_814 : i32 to index
          %swap3A_822 = tpu.vector_load %arg10[%swap3A_818, %swap3A_819, %swap3A_820, %swap3A_821] {strides = array<i32>} : memref<4x4x8x128xf32, #tpu.memory_space<vmem>>, vector<16xf32>,
          tpu.vector_store %arg10[%swap3A_818, %swap3A_819, %swap3A_820, %swap3A_821], %add3A_680 {strides = array<i32>} : memref<4x4x8x128xf32, #tpu.memory_space<vmem>>, vector<16xf32>,
          %mul3A_823 = arith.constant 16 : i32
          %mul3A_824 = arith.muli %scan3A_91, %mul3A_823 : i32
          %swap3A_825 = arith.constant 1 : i32
          %swap3A_826 = arith.constant 1 : i32
          %swap3A_827 = arith.constant 3 : i32
          %swap3A_828 = arith.index_cast %swap3A_825 : i32 to index
          %swap3A_829 = arith.index_cast %swap3A_826 : i32 to index
          %swap3A_830 = arith.index_cast %swap3A_827 : i32 to index
          %swap3A_831 = arith.index_cast %mul3A_824 : i32 to index
          %swap3A_832 = tpu.vector_load %arg10[%swap3A_828, %swap3A_829, %swap3A_830, %swap3A_831] {strides = array<i32>} : memref<4x4x8x128xf32, #tpu.memory_space<vmem>>, vector<16xf32>,
          tpu.vector_store %arg10[%swap3A_828, %swap3A_829, %swap3A_830, %swap3A_831], %add3A_684 {strides = array<i32>} : memref<4x4x8x128xf32, #tpu.memory_space<vmem>>, vector<16xf32>,
          %mul3A_833 = arith.constant 16 : i32
          %mul3A_834 = arith.muli %scan3A_91, %mul3A_833 : i32
          %swap3A_835 = arith.constant 2 : i32
          %swap3A_836 = arith.constant 1 : i32
          %swap3A_837 = arith.constant 3 : i32
          %swap3A_838 = arith.index_cast %swap3A_835 : i32 to index
          %swap3A_839 = arith.index_cast %swap3A_836 : i32 to index
          %swap3A_840 = arith.index_cast %swap3A_837 : i32 to index
          %swap3A_841 = arith.index_cast %mul3A_834 : i32 to index
          %swap3A_842 = tpu.vector_load %arg10[%swap3A_838, %swap3A_839, %swap3A_840, %swap3A_841] {strides = array<i32>} : memref<4x4x8x128xf32, #tpu.memory_space<vmem>>, vector<16xf32>,
          tpu.vector_store %arg10[%swap3A_838, %swap3A_839, %swap3A_840, %swap3A_841], %add3A_688 {strides = array<i32>} : memref<4x4x8x128xf32, #tpu.memory_space<vmem>>, vector<16xf32>,
          %mul3A_843 = arith.constant 16 : i32
          %mul3A_844 = arith.muli %scan3A_91, %mul3A_843 : i32
          %swap3A_845 = arith.constant 3 : i32
          %swap3A_846 = arith.constant 1 : i32
          %swap3A_847 = arith.constant 3 : i32
          %swap3A_848 = arith.index_cast %swap3A_845 : i32 to index
          %swap3A_849 = arith.index_cast %swap3A_846 : i32 to index
          %swap3A_850 = arith.index_cast %swap3A_847 : i32 to index
          %swap3A_851 = arith.index_cast %mul3A_844 : i32 to index
          %swap3A_852 = tpu.vector_load %arg10[%swap3A_848, %swap3A_849, %swap3A_850, %swap3A_851] {strides = array<i32>} : memref<4x4x8x128xf32, #tpu.memory_space<vmem>>, vector<16xf32>,
          tpu.vector_store %arg10[%swap3A_848, %swap3A_849, %swap3A_850, %swap3A_851], %add3A_692 {strides = array<i32>} : memref<4x4x8x128xf32, #tpu.memory_space<vmem>>, vector<16xf32>,
          %get3A_853 = arith.constant 1 : i32
          %get3A_854 = arith.constant 4 : i32
          %get3A_855 = arith.index_cast %get3A_853 : i32 to index
          %get3A_856 = arith.index_cast %get3A_854 : i32 to index
          %get3A_857 = arith.index_cast %add3A_96 : i32 to index
          %get3A_858 = tpu.vector_load %arg8[%get3A_855, %get3A_856, %get3A_857] {strides = array<i32>} : memref<4x8x2048xf32, #tpu.memory_space<vmem>>, vector<16xf32>,
          %broadcast_in_dim3A_859 = arith.constant 12 : i32
          %broadcast_in_dim3A_860 = vector.broadcast %broadcast_in_dim3A_859 : i32 to vector<16xi32>
          %gather3A_861 = tpu.vector_load_idx %arg7[%broadcast_in_dim3A_860, %get3A_99] : memref<32x8xf32, #tpu.memory_space<vmem>>[vector<16xi32>, vector<16xi32>], vector<16xf32>,
          %add3A_862 = arith.addf %gather3A_861, %get3A_858 : vector<16xf32>
          %broadcast_in_dim3A_863 = arith.constant 12 : i32
          %broadcast_in_dim3A_864 = vector.broadcast %broadcast_in_dim3A_863 : i32 to vector<16xi32>
          %gather3A_865 = tpu.vector_load_idx %arg7[%broadcast_in_dim3A_864, %get3A_103] : memref<32x8xf32, #tpu.memory_space<vmem>>[vector<16xi32>, vector<16xi32>], vector<16xf32>,
          %add3A_866 = arith.addf %gather3A_865, %get3A_858 : vector<16xf32>
          %broadcast_in_dim3A_867 = arith.constant 12 : i32
          %broadcast_in_dim3A_868 = vector.broadcast %broadcast_in_dim3A_867 : i32 to vector<16xi32>
          %gather3A_869 = tpu.vector_load_idx %arg7[%broadcast_in_dim3A_868, %get3A_107] : memref<32x8xf32, #tpu.memory_space<vmem>>[vector<16xi32>, vector<16xi32>], vector<16xf32>,
          %add3A_870 = arith.addf %gather3A_869, %get3A_858 : vector<16xf32>
          %broadcast_in_dim3A_871 = arith.constant 12 : i32
          %broadcast_in_dim3A_872 = vector.broadcast %broadcast_in_dim3A_871 : i32 to vector<16xi32>
          %gather3A_873 = tpu.vector_load_idx %arg7[%broadcast_in_dim3A_872, %get3A_111] : memref<32x8xf32, #tpu.memory_space<vmem>>[vector<16xi32>, vector<16xi32>], vector<16xf32>,
          %add3A_874 = arith.addf %gather3A_873, %get3A_858 : vector<16xf32>
          %get3A_875 = arith.constant 1 : i32
          %get3A_876 = arith.constant 5 : i32
          %get3A_877 = arith.index_cast %get3A_875 : i32 to index
          %get3A_878 = arith.index_cast %get3A_876 : i32 to index
          %get3A_879 = arith.index_cast %add3A_96 : i32 to index
          %get3A_880 = tpu.vector_load %arg8[%get3A_877, %get3A_878, %get3A_879] {strides = array<i32>} : memref<4x8x2048xf32, #tpu.memory_space<vmem>>, vector<16xf32>,
          %broadcast_in_dim3A_881 = arith.constant 13 : i32
          %broadcast_in_dim3A_882 = vector.broadcast %broadcast_in_dim3A_881 : i32 to vector<16xi32>
          %gather3A_883 = tpu.vector_load_idx %arg7[%broadcast_in_dim3A_882, %get3A_99] : memref<32x8xf32, #tpu.memory_space<vmem>>[vector<16xi32>, vector<16xi32>], vector<16xf32>,
          %add3A_884 = arith.addf %gather3A_883, %get3A_880 : vector<16xf32>
          %broadcast_in_dim3A_885 = arith.constant 13 : i32
          %broadcast_in_dim3A_886 = vector.broadcast %broadcast_in_dim3A_885 : i32 to vector<16xi32>
          %gather3A_887 = tpu.vector_load_idx %arg7[%broadcast_in_dim3A_886, %get3A_103] : memref<32x8xf32, #tpu.memory_space<vmem>>[vector<16xi32>, vector<16xi32>], vector<16xf32>,
          %add3A_888 = arith.addf %gather3A_887, %get3A_880 : vector<16xf32>
          %broadcast_in_dim3A_889 = arith.constant 13 : i32
          %broadcast_in_dim3A_890 = vector.broadcast %broadcast_in_dim3A_889 : i32 to vector<16xi32>
          %gather3A_891 = tpu.vector_load_idx %arg7[%broadcast_in_dim3A_890, %get3A_107] : memref<32x8xf32, #tpu.memory_space<vmem>>[vector<16xi32>, vector<16xi32>], vector<16xf32>,
          %add3A_892 = arith.addf %gather3A_891, %get3A_880 : vector<16xf32>
          %broadcast_in_dim3A_893 = arith.constant 13 : i32
          %broadcast_in_dim3A_894 = vector.broadcast %broadcast_in_dim3A_893 : i32 to vector<16xi32>
          %gather3A_895 = tpu.vector_load_idx %arg7[%broadcast_in_dim3A_894, %get3A_111] : memref<32x8xf32, #tpu.memory_space<vmem>>[vector<16xi32>, vector<16xi32>], vector<16xf32>,
          %add3A_896 = arith.addf %gather3A_895, %get3A_880 : vector<16xf32>
          %get3A_897 = arith.constant 1 : i32
          %get3A_898 = arith.constant 6 : i32
          %get3A_899 = arith.index_cast %get3A_897 : i32 to index
          %get3A_900 = arith.index_cast %get3A_898 : i32 to index
          %get3A_901 = arith.index_cast %add3A_96 : i32 to index
          %get3A_902 = tpu.vector_load %arg8[%get3A_899, %get3A_900, %get3A_901] {strides = array<i32>} : memref<4x8x2048xf32, #tpu.memory_space<vmem>>, vector<16xf32>,
          %broadcast_in_dim3A_903 = arith.constant 14 : i32
          %broadcast_in_dim3A_904 = vector.broadcast %broadcast_in_dim3A_903 : i32 to vector<16xi32>
          %gather3A_905 = tpu.vector_load_idx %arg7[%broadcast_in_dim3A_904, %get3A_99] : memref<32x8xf32, #tpu.memory_space<vmem>>[vector<16xi32>, vector<16xi32>], vector<16xf32>,
          %add3A_906 = arith.addf %gather3A_905, %get3A_902 : vector<16xf32>
          %broadcast_in_dim3A_907 = arith.constant 14 : i32
          %broadcast_in_dim3A_908 = vector.broadcast %broadcast_in_dim3A_907 : i32 to vector<16xi32>
          %gather3A_909 = tpu.vector_load_idx %arg7[%broadcast_in_dim3A_908, %get3A_103] : memref<32x8xf32, #tpu.memory_space<vmem>>[vector<16xi32>, vector<16xi32>], vector<16xf32>,
          %add3A_910 = arith.addf %gather3A_909, %get3A_902 : vector<16xf32>
          %broadcast_in_dim3A_911 = arith.constant 14 : i32
          %broadcast_in_dim3A_912 = vector.broadcast %broadcast_in_dim3A_911 : i32 to vector<16xi32>
          %gather3A_913 = tpu.vector_load_idx %arg7[%broadcast_in_dim3A_912, %get3A_107] : memref<32x8xf32, #tpu.memory_space<vmem>>[vector<16xi32>, vector<16xi32>], vector<16xf32>,
          %add3A_914 = arith.addf %gather3A_913, %get3A_902 : vector<16xf32>
          %broadcast_in_dim3A_915 = arith.constant 14 : i32
          %broadcast_in_dim3A_916 = vector.broadcast %broadcast_in_dim3A_915 : i32 to vector<16xi32>
          %gather3A_917 = tpu.vector_load_idx %arg7[%broadcast_in_dim3A_916, %get3A_111] : memref<32x8xf32, #tpu.memory_space<vmem>>[vector<16xi32>, vector<16xi32>], vector<16xf32>,
          %add3A_918 = arith.addf %gather3A_917, %get3A_902 : vector<16xf32>
          %get3A_919 = arith.constant 1 : i32
          %get3A_920 = arith.constant 7 : i32
          %get3A_921 = arith.index_cast %get3A_919 : i32 to index
          %get3A_922 = arith.index_cast %get3A_920 : i32 to index
          %get3A_923 = arith.index_cast %add3A_96 : i32 to index
          %get3A_924 = tpu.vector_load %arg8[%get3A_921, %get3A_922, %get3A_923] {strides = array<i32>} : memref<4x8x2048xf32, #tpu.memory_space<vmem>>, vector<16xf32>,
          %broadcast_in_dim3A_925 = arith.constant 15 : i32
          %broadcast_in_dim3A_926 = vector.broadcast %broadcast_in_dim3A_925 : i32 to vector<16xi32>
          %gather3A_927 = tpu.vector_load_idx %arg7[%broadcast_in_dim3A_926, %get3A_99] : memref<32x8xf32, #tpu.memory_space<vmem>>[vector<16xi32>, vector<16xi32>], vector<16xf32>,
          %add3A_928 = arith.addf %gather3A_927, %get3A_924 : vector<16xf32>
          %broadcast_in_dim3A_929 = arith.constant 15 : i32
          %broadcast_in_dim3A_930 = vector.broadcast %broadcast_in_dim3A_929 : i32 to vector<16xi32>
          %gather3A_931 = tpu.vector_load_idx %arg7[%broadcast_in_dim3A_930, %get3A_103] : memref<32x8xf32, #tpu.memory_space<vmem>>[vector<16xi32>, vector<16xi32>], vector<16xf32>,
          %add3A_932 = arith.addf %gather3A_931, %get3A_924 : vector<16xf32>
          %broadcast_in_dim3A_933 = arith.constant 15 : i32
          %broadcast_in_dim3A_934 = vector.broadcast %broadcast_in_dim3A_933 : i32 to vector<16xi32>
          %gather3A_935 = tpu.vector_load_idx %arg7[%broadcast_in_dim3A_934, %get3A_107] : memref<32x8xf32, #tpu.memory_space<vmem>>[vector<16xi32>, vector<16xi32>], vector<16xf32>,
          %add3A_936 = arith.addf %gather3A_935, %get3A_924 : vector<16xf32>
          %broadcast_in_dim3A_937 = arith.constant 15 : i32
          %broadcast_in_dim3A_938 = vector.broadcast %broadcast_in_dim3A_937 : i32 to vector<16xi32>
          %gather3A_939 = tpu.vector_load_idx %arg7[%broadcast_in_dim3A_938, %get3A_111] : memref<32x8xf32, #tpu.memory_space<vmem>>[vector<16xi32>, vector<16xi32>], vector<16xf32>,
          %add3A_940 = arith.addf %gather3A_939, %get3A_924 : vector<16xf32>
          %mul3A_941 = arith.constant 16 : i32
          %mul3A_942 = arith.muli %scan3A_91, %mul3A_941 : i32
          %swap3A_943 = arith.constant 0 : i32
          %swap3A_944 = arith.constant 1 : i32
          %swap3A_945 = arith.constant 4 : i32
          %swap3A_946 = arith.index_cast %swap3A_943 : i32 to index
          %swap3A_947 = arith.index_cast %swap3A_944 : i32 to index
          %swap3A_948 = arith.index_cast %swap3A_945 : i32 to index
          %swap3A_949 = arith.index_cast %mul3A_942 : i32 to index
          %swap3A_950 = tpu.vector_load %arg10[%swap3A_946, %swap3A_947, %swap3A_948, %swap3A_949] {strides = array<i32>} : memref<4x4x8x128xf32, #tpu.memory_space<vmem>>, vector<16xf32>,
          tpu.vector_store %arg10[%swap3A_946, %swap3A_947, %swap3A_948, %swap3A_949], %add3A_862 {strides = array<i32>} : memref<4x4x8x128xf32, #tpu.memory_space<vmem>>, vector<16xf32>,
          %mul3A_951 = arith.constant 16 : i32
          %mul3A_952 = arith.muli %scan3A_91, %mul3A_951 : i32
          %swap3A_953 = arith.constant 1 : i32
          %swap3A_954 = arith.constant 1 : i32
          %swap3A_955 = arith.constant 4 : i32
          %swap3A_956 = arith.index_cast %swap3A_953 : i32 to index
          %swap3A_957 = arith.index_cast %swap3A_954 : i32 to index
          %swap3A_958 = arith.index_cast %swap3A_955 : i32 to index
          %swap3A_959 = arith.index_cast %mul3A_952 : i32 to index
          %swap3A_960 = tpu.vector_load %arg10[%swap3A_956, %swap3A_957, %swap3A_958, %swap3A_959] {strides = array<i32>} : memref<4x4x8x128xf32, #tpu.memory_space<vmem>>, vector<16xf32>,
          tpu.vector_store %arg10[%swap3A_956, %swap3A_957, %swap3A_958, %swap3A_959], %add3A_866 {strides = array<i32>} : memref<4x4x8x128xf32, #tpu.memory_space<vmem>>, vector<16xf32>,
          %mul3A_961 = arith.constant 16 : i32
          %mul3A_962 = arith.muli %scan3A_91, %mul3A_961 : i32
          %swap3A_963 = arith.constant 2 : i32
          %swap3A_964 = arith.constant 1 : i32
          %swap3A_965 = arith.constant 4 : i32
          %swap3A_966 = arith.index_cast %swap3A_963 : i32 to index
          %swap3A_967 = arith.index_cast %swap3A_964 : i32 to index
          %swap3A_968 = arith.index_cast %swap3A_965 : i32 to index
          %swap3A_969 = arith.index_cast %mul3A_962 : i32 to index
          %swap3A_970 = tpu.vector_load %arg10[%swap3A_966, %swap3A_967, %swap3A_968, %swap3A_969] {strides = array<i32>} : memref<4x4x8x128xf32, #tpu.memory_space<vmem>>, vector<16xf32>,
          tpu.vector_store %arg10[%swap3A_966, %swap3A_967, %swap3A_968, %swap3A_969], %add3A_870 {strides = array<i32>} : memref<4x4x8x128xf32, #tpu.memory_space<vmem>>, vector<16xf32>,
          %mul3A_971 = arith.constant 16 : i32
          %mul3A_972 = arith.muli %scan3A_91, %mul3A_971 : i32
          %swap3A_973 = arith.constant 3 : i32
          %swap3A_974 = arith.constant 1 : i32
          %swap3A_975 = arith.constant 4 : i32
          %swap3A_976 = arith.index_cast %swap3A_973 : i32 to index
          %swap3A_977 = arith.index_cast %swap3A_974 : i32 to index
          %swap3A_978 = arith.index_cast %swap3A_975 : i32 to index
          %swap3A_979 = arith.index_cast %mul3A_972 : i32 to index
          %swap3A_980 = tpu.vector_load %arg10[%swap3A_976, %swap3A_977, %swap3A_978, %swap3A_979] {strides = array<i32>} : memref<4x4x8x128xf32, #tpu.memory_space<vmem>>, vector<16xf32>,
          tpu.vector_store %arg10[%swap3A_976, %swap3A_977, %swap3A_978, %swap3A_979], %add3A_874 {strides = array<i32>} : memref<4x4x8x128xf32, #tpu.memory_space<vmem>>, vector<16xf32>,
          %mul3A_981 = arith.constant 16 : i32
          %mul3A_982 = arith.muli %scan3A_91, %mul3A_981 : i32
          %swap3A_983 = arith.constant 0 : i32
          %swap3A_984 = arith.constant 1 : i32
          %swap3A_985 = arith.constant 5 : i32
          %swap3A_986 = arith.index_cast %swap3A_983 : i32 to index
          %swap3A_987 = arith.index_cast %swap3A_984 : i32 to index
          %swap3A_988 = arith.index_cast %swap3A_985 : i32 to index
          %swap3A_989 = arith.index_cast %mul3A_982 : i32 to index
          %swap3A_990 = tpu.vector_load %arg10[%swap3A_986, %swap3A_987, %swap3A_988, %swap3A_989] {strides = array<i32>} : memref<4x4x8x128xf32, #tpu.memory_space<vmem>>, vector<16xf32>,
          tpu.vector_store %arg10[%swap3A_986, %swap3A_987, %swap3A_988, %swap3A_989], %add3A_884 {strides = array<i32>} : memref<4x4x8x128xf32, #tpu.memory_space<vmem>>, vector<16xf32>,
          %mul3A_991 = arith.constant 16 : i32
          %mul3A_992 = arith.muli %scan3A_91, %mul3A_991 : i32
          %swap3A_993 = arith.constant 1 : i32
          %swap3A_994 = arith.constant 1 : i32
          %swap3A_995 = arith.constant 5 : i32
          %swap3A_996 = arith.index_cast %swap3A_993 : i32 to index
          %swap3A_997 = arith.index_cast %swap3A_994 : i32 to index
          %swap3A_998 = arith.index_cast %swap3A_995 : i32 to index
          %swap3A_999 = arith.index_cast %mul3A_992 : i32 to index
          %swap3A_1000 = tpu.vector_load %arg10[%swap3A_996, %swap3A_997, %swap3A_998, %swap3A_999] {strides = array<i32>} : memref<4x4x8x128xf32, #tpu.memory_space<vmem>>, vector<16xf32>,
          tpu.vector_store %arg10[%swap3A_996, %swap3A_997, %swap3A_998, %swap3A_999], %add3A_888 {strides = array<i32>} : memref<4x4x8x128xf32, #tpu.memory_space<vmem>>, vector<16xf32>,
          %mul3A_1001 = arith.constant 16 : i32
          %mul3A_1002 = arith.muli %scan3A_91, %mul3A_1001 : i32
          %swap3A_1003 = arith.constant 2 : i32
          %swap3A_1004 = arith.constant 1 : i32
          %swap3A_1005 = arith.constant 5 : i32
          %swap3A_1006 = arith.index_cast %swap3A_1003 : i32 to index
          %swap3A_1007 = arith.index_cast %swap3A_1004 : i32 to index
          %swap3A_1008 = arith.index_cast %swap3A_1005 : i32 to index
          %swap3A_1009 = arith.index_cast %mul3A_1002 : i32 to index
          %swap3A_1010 = tpu.vector_load %arg10[%swap3A_1006, %swap3A_1007, %swap3A_1008, %swap3A_1009] {strides = array<i32>} : memref<4x4x8x128xf32, #tpu.memory_space<vmem>>, vector<16xf32>,
          tpu.vector_store %arg10[%swap3A_1006, %swap3A_1007, %swap3A_1008, %swap3A_1009], %add3A_892 {strides = array<i32>} : memref<4x4x8x128xf32, #tpu.memory_space<vmem>>, vector<16xf32>,
          %mul3A_1011 = arith.constant 16 : i32
          %mul3A_1012 = arith.muli %scan3A_91, %mul3A_1011 : i32
          %swap3A_1013 = arith.constant 3 : i32
          %swap3A_1014 = arith.constant 1 : i32
          %swap3A_1015 = arith.constant 5 : i32
          %swap3A_1016 = arith.index_cast %swap3A_1013 : i32 to index
          %swap3A_1017 = arith.index_cast %swap3A_1014 : i32 to index
          %swap3A_1018 = arith.index_cast %swap3A_1015 : i32 to index
          %swap3A_1019 = arith.index_cast %mul3A_1012 : i32 to index
          %swap3A_1020 = tpu.vector_load %arg10[%swap3A_1016, %swap3A_1017, %swap3A_1018, %swap3A_1019] {strides = array<i32>} : memref<4x4x8x128xf32, #tpu.memory_space<vmem>>, vector<16xf32>,
          tpu.vector_store %arg10[%swap3A_1016, %swap3A_1017, %swap3A_1018, %swap3A_1019], %add3A_896 {strides = array<i32>} : memref<4x4x8x128xf32, #tpu.memory_space<vmem>>, vector<16xf32>,
          %mul3A_1021 = arith.constant 16 : i32
          %mul3A_1022 = arith.muli %scan3A_91, %mul3A_1021 : i32
          %swap3A_1023 = arith.constant 0 : i32
          %swap3A_1024 = arith.constant 1 : i32
          %swap3A_1025 = arith.constant 6 : i32
          %swap3A_1026 = arith.index_cast %swap3A_1023 : i32 to index
          %swap3A_1027 = arith.index_cast %swap3A_1024 : i32 to index
          %swap3A_1028 = arith.index_cast %swap3A_1025 : i32 to index
          %swap3A_1029 = arith.index_cast %mul3A_1022 : i32 to index
          %swap3A_1030 = tpu.vector_load %arg10[%swap3A_1026, %swap3A_1027, %swap3A_1028, %swap3A_1029] {strides = array<i32>} : memref<4x4x8x128xf32, #tpu.memory_space<vmem>>, vector<16xf32>,
          tpu.vector_store %arg10[%swap3A_1026, %swap3A_1027, %swap3A_1028, %swap3A_1029], %add3A_906 {strides = array<i32>} : memref<4x4x8x128xf32, #tpu.memory_space<vmem>>, vector<16xf32>,
          %mul3A_1031 = arith.constant 16 : i32
          %mul3A_1032 = arith.muli %scan3A_91, %mul3A_1031 : i32
          %swap3A_1033 = arith.constant 1 : i32
          %swap3A_1034 = arith.constant 1 : i32
          %swap3A_1035 = arith.constant 6 : i32
          %swap3A_1036 = arith.index_cast %swap3A_1033 : i32 to index
          %swap3A_1037 = arith.index_cast %swap3A_1034 : i32 to index
          %swap3A_1038 = arith.index_cast %swap3A_1035 : i32 to index
          %swap3A_1039 = arith.index_cast %mul3A_1032 : i32 to index
          %swap3A_1040 = tpu.vector_load %arg10[%swap3A_1036, %swap3A_1037, %swap3A_1038, %swap3A_1039] {strides = array<i32>} : memref<4x4x8x128xf32, #tpu.memory_space<vmem>>, vector<16xf32>,
          tpu.vector_store %arg10[%swap3A_1036, %swap3A_1037, %swap3A_1038, %swap3A_1039], %add3A_910 {strides = array<i32>} : memref<4x4x8x128xf32, #tpu.memory_space<vmem>>, vector<16xf32>,
          %mul3A_1041 = arith.constant 16 : i32
          %mul3A_1042 = arith.muli %scan3A_91, %mul3A_1041 : i32
          %swap3A_1043 = arith.constant 2 : i32
          %swap3A_1044 = arith.constant 1 : i32
          %swap3A_1045 = arith.constant 6 : i32
          %swap3A_1046 = arith.index_cast %swap3A_1043 : i32 to index
          %swap3A_1047 = arith.index_cast %swap3A_1044 : i32 to index
          %swap3A_1048 = arith.index_cast %swap3A_1045 : i32 to index
          %swap3A_1049 = arith.index_cast %mul3A_1042 : i32 to index
          %swap3A_1050 = tpu.vector_load %arg10[%swap3A_1046, %swap3A_1047, %swap3A_1048, %swap3A_1049] {strides = array<i32>} : memref<4x4x8x128xf32, #tpu.memory_space<vmem>>, vector<16xf32>,
          tpu.vector_store %arg10[%swap3A_1046, %swap3A_1047, %swap3A_1048, %swap3A_1049], %add3A_914 {strides = array<i32>} : memref<4x4x8x128xf32, #tpu.memory_space<vmem>>, vector<16xf32>,
          %mul3A_1051 = arith.constant 16 : i32
          %mul3A_1052 = arith.muli %scan3A_91, %mul3A_1051 : i32
          %swap3A_1053 = arith.constant 3 : i32
          %swap3A_1054 = arith.constant 1 : i32
          %swap3A_1055 = arith.constant 6 : i32
          %swap3A_1056 = arith.index_cast %swap3A_1053 : i32 to index
          %swap3A_1057 = arith.index_cast %swap3A_1054 : i32 to index
          %swap3A_1058 = arith.index_cast %swap3A_1055 : i32 to index
          %swap3A_1059 = arith.index_cast %mul3A_1052 : i32 to index
          %swap3A_1060 = tpu.vector_load %arg10[%swap3A_1056, %swap3A_1057, %swap3A_1058, %swap3A_1059] {strides = array<i32>} : memref<4x4x8x128xf32, #tpu.memory_space<vmem>>, vector<16xf32>,
          tpu.vector_store %arg10[%swap3A_1056, %swap3A_1057, %swap3A_1058, %swap3A_1059], %add3A_918 {strides = array<i32>} : memref<4x4x8x128xf32, #tpu.memory_space<vmem>>, vector<16xf32>,
          %mul3A_1061 = arith.constant 16 : i32
          %mul3A_1062 = arith.muli %scan3A_91, %mul3A_1061 : i32
          %swap3A_1063 = arith.constant 0 : i32
          %swap3A_1064 = arith.constant 1 : i32
          %swap3A_1065 = arith.constant 7 : i32
          %swap3A_1066 = arith.index_cast %swap3A_1063 : i32 to index
          %swap3A_1067 = arith.index_cast %swap3A_1064 : i32 to index
          %swap3A_1068 = arith.index_cast %swap3A_1065 : i32 to index
          %swap3A_1069 = arith.index_cast %mul3A_1062 : i32 to index
          %swap3A_1070 = tpu.vector_load %arg10[%swap3A_1066, %swap3A_1067, %swap3A_1068, %swap3A_1069] {strides = array<i32>} : memref<4x4x8x128xf32, #tpu.memory_space<vmem>>, vector<16xf32>,
          tpu.vector_store %arg10[%swap3A_1066, %swap3A_1067, %swap3A_1068, %swap3A_1069], %add3A_928 {strides = array<i32>} : memref<4x4x8x128xf32, #tpu.memory_space<vmem>>, vector<16xf32>,
          %mul3A_1071 = arith.constant 16 : i32
          %mul3A_1072 = arith.muli %scan3A_91, %mul3A_1071 : i32
          %swap3A_1073 = arith.constant 1 : i32
          %swap3A_1074 = arith.constant 1 : i32
          %swap3A_1075 = arith.constant 7 : i32
          %swap3A_1076 = arith.index_cast %swap3A_1073 : i32 to index
          %swap3A_1077 = arith.index_cast %swap3A_1074 : i32 to index
          %swap3A_1078 = arith.index_cast %swap3A_1075 : i32 to index
          %swap3A_1079 = arith.index_cast %mul3A_1072 : i32 to index
          %swap3A_1080 = tpu.vector_load %arg10[%swap3A_1076, %swap3A_1077, %swap3A_1078, %swap3A_1079] {strides = array<i32>} : memref<4x4x8x128xf32, #tpu.memory_space<vmem>>, vector<16xf32>,
          tpu.vector_store %arg10[%swap3A_1076, %swap3A_1077, %swap3A_1078, %swap3A_1079], %add3A_932 {strides = array<i32>} : memref<4x4x8x128xf32, #tpu.memory_space<vmem>>, vector<16xf32>,
          %mul3A_1081 = arith.constant 16 : i32
          %mul3A_1082 = arith.muli %scan3A_91, %mul3A_1081 : i32
          %swap3A_1083 = arith.constant 2 : i32
          %swap3A_1084 = arith.constant 1 : i32
          %swap3A_1085 = arith.constant 7 : i32
          %swap3A_1086 = arith.index_cast %swap3A_1083 : i32 to index
          %swap3A_1087 = arith.index_cast %swap3A_1084 : i32 to index
          %swap3A_1088 = arith.index_cast %swap3A_1085 : i32 to index
          %swap3A_1089 = arith.index_cast %mul3A_1082 : i32 to index
          %swap3A_1090 = tpu.vector_load %arg10[%swap3A_1086, %swap3A_1087, %swap3A_1088, %swap3A_1089] {strides = array<i32>} : memref<4x4x8x128xf32, #tpu.memory_space<vmem>>, vector<16xf32>,
          tpu.vector_store %arg10[%swap3A_1086, %swap3A_1087, %swap3A_1088, %swap3A_1089], %add3A_936 {strides = array<i32>} : memref<4x4x8x128xf32, #tpu.memory_space<vmem>>, vector<16xf32>,
          %mul3A_1091 = arith.constant 16 : i32
          %mul3A_1092 = arith.muli %scan3A_91, %mul3A_1091 : i32
          %swap3A_1093 = arith.constant 3 : i32
          %swap3A_1094 = arith.constant 1 : i32
          %swap3A_1095 = arith.constant 7 : i32
          %swap3A_1096 = arith.index_cast %swap3A_1093 : i32 to index
          %swap3A_1097 = arith.index_cast %swap3A_1094 : i32 to index
          %swap3A_1098 = arith.index_cast %swap3A_1095 : i32 to index
          %swap3A_1099 = arith.index_cast %mul3A_1092 : i32 to index
          %swap3A_1100 = tpu.vector_load %arg10[%swap3A_1096, %swap3A_1097, %swap3A_1098, %swap3A_1099] {strides = array<i32>} : memref<4x4x8x128xf32, #tpu.memory_space<vmem>>, vector<16xf32>,
          tpu.vector_store %arg10[%swap3A_1096, %swap3A_1097, %swap3A_1098, %swap3A_1099], %add3A_940 {strides = array<i32>} : memref<4x4x8x128xf32, #tpu.memory_space<vmem>>, vector<16xf32>,
          %get3A_1101 = arith.constant 2 : i32
          %get3A_1102 = arith.constant 0 : i32
          %get3A_1103 = arith.index_cast %get3A_1101 : i32 to index
          %get3A_1104 = arith.index_cast %get3A_1102 : i32 to index
          %get3A_1105 = arith.index_cast %add3A_96 : i32 to index
          %get3A_1106 = tpu.vector_load %arg8[%get3A_1103, %get3A_1104, %get3A_1105] {strides = array<i32>} : memref<4x8x2048xf32, #tpu.memory_space<vmem>>, vector<16xf32>,
          %broadcast_in_dim3A_1107 = arith.constant 16 : i32
          %broadcast_in_dim3A_1108 = vector.broadcast %broadcast_in_dim3A_1107 : i32 to vector<16xi32>
          %gather3A_1109 = tpu.vector_load_idx %arg7[%broadcast_in_dim3A_1108, %get3A_99] : memref<32x8xf32, #tpu.memory_space<vmem>>[vector<16xi32>, vector<16xi32>], vector<16xf32>,
          %add3A_1110 = arith.addf %gather3A_1109, %get3A_1106 : vector<16xf32>
          %broadcast_in_dim3A_1111 = arith.constant 16 : i32
          %broadcast_in_dim3A_1112 = vector.broadcast %broadcast_in_dim3A_1111 : i32 to vector<16xi32>
          %gather3A_1113 = tpu.vector_load_idx %arg7[%broadcast_in_dim3A_1112, %get3A_103] : memref<32x8xf32, #tpu.memory_space<vmem>>[vector<16xi32>, vector<16xi32>], vector<16xf32>,
          %add3A_1114 = arith.addf %gather3A_1113, %get3A_1106 : vector<16xf32>
          %broadcast_in_dim3A_1115 = arith.constant 16 : i32
          %broadcast_in_dim3A_1116 = vector.broadcast %broadcast_in_dim3A_1115 : i32 to vector<16xi32>
          %gather3A_1117 = tpu.vector_load_idx %arg7[%broadcast_in_dim3A_1116, %get3A_107] : memref<32x8xf32, #tpu.memory_space<vmem>>[vector<16xi32>, vector<16xi32>], vector<16xf32>,
          %add3A_1118 = arith.addf %gather3A_1117, %get3A_1106 : vector<16xf32>
          %broadcast_in_dim3A_1119 = arith.constant 16 : i32
          %broadcast_in_dim3A_1120 = vector.broadcast %broadcast_in_dim3A_1119 : i32 to vector<16xi32>
          %gather3A_1121 = tpu.vector_load_idx %arg7[%broadcast_in_dim3A_1120, %get3A_111] : memref<32x8xf32, #tpu.memory_space<vmem>>[vector<16xi32>, vector<16xi32>], vector<16xf32>,
          %add3A_1122 = arith.addf %gather3A_1121, %get3A_1106 : vector<16xf32>
          %get3A_1123 = arith.constant 2 : i32
          %get3A_1124 = arith.constant 1 : i32
          %get3A_1125 = arith.index_cast %get3A_1123 : i32 to index
          %get3A_1126 = arith.index_cast %get3A_1124 : i32 to index
          %get3A_1127 = arith.index_cast %add3A_96 : i32 to index
          %get3A_1128 = tpu.vector_load %arg8[%get3A_1125, %get3A_1126, %get3A_1127] {strides = array<i32>} : memref<4x8x2048xf32, #tpu.memory_space<vmem>>, vector<16xf32>,
          %broadcast_in_dim3A_1129 = arith.constant 17 : i32
          %broadcast_in_dim3A_1130 = vector.broadcast %broadcast_in_dim3A_1129 : i32 to vector<16xi32>
          %gather3A_1131 = tpu.vector_load_idx %arg7[%broadcast_in_dim3A_1130, %get3A_99] : memref<32x8xf32, #tpu.memory_space<vmem>>[vector<16xi32>, vector<16xi32>], vector<16xf32>,
          %add3A_1132 = arith.addf %gather3A_1131, %get3A_1128 : vector<16xf32>
          %broadcast_in_dim3A_1133 = arith.constant 17 : i32
          %broadcast_in_dim3A_1134 = vector.broadcast %broadcast_in_dim3A_1133 : i32 to vector<16xi32>
          %gather3A_1135 = tpu.vector_load_idx %arg7[%broadcast_in_dim3A_1134, %get3A_103] : memref<32x8xf32, #tpu.memory_space<vmem>>[vector<16xi32>, vector<16xi32>], vector<16xf32>,
          %add3A_1136 = arith.addf %gather3A_1135, %get3A_1128 : vector<16xf32>
          %broadcast_in_dim3A_1137 = arith.constant 17 : i32
          %broadcast_in_dim3A_1138 = vector.broadcast %broadcast_in_dim3A_1137 : i32 to vector<16xi32>
          %gather3A_1139 = tpu.vector_load_idx %arg7[%broadcast_in_dim3A_1138, %get3A_107] : memref<32x8xf32, #tpu.memory_space<vmem>>[vector<16xi32>, vector<16xi32>], vector<16xf32>,
          %add3A_1140 = arith.addf %gather3A_1139, %get3A_1128 : vector<16xf32>
          %broadcast_in_dim3A_1141 = arith.constant 17 : i32
          %broadcast_in_dim3A_1142 = vector.broadcast %broadcast_in_dim3A_1141 : i32 to vector<16xi32>
          %gather3A_1143 = tpu.vector_load_idx %arg7[%broadcast_in_dim3A_1142, %get3A_111] : memref<32x8xf32, #tpu.memory_space<vmem>>[vector<16xi32>, vector<16xi32>], vector<16xf32>,
          %add3A_1144 = arith.addf %gather3A_1143, %get3A_1128 : vector<16xf32>
          %get3A_1145 = arith.constant 2 : i32
          %get3A_1146 = arith.constant 2 : i32
          %get3A_1147 = arith.index_cast %get3A_1145 : i32 to index
          %get3A_1148 = arith.index_cast %get3A_1146 : i32 to index
          %get3A_1149 = arith.index_cast %add3A_96 : i32 to index
          %get3A_1150 = tpu.vector_load %arg8[%get3A_1147, %get3A_1148, %get3A_1149] {strides = array<i32>} : memref<4x8x2048xf32, #tpu.memory_space<vmem>>, vector<16xf32>,
          %broadcast_in_dim3A_1151 = arith.constant 18 : i32
          %broadcast_in_dim3A_1152 = vector.broadcast %broadcast_in_dim3A_1151 : i32 to vector<16xi32>
          %gather3A_1153 = tpu.vector_load_idx %arg7[%broadcast_in_dim3A_1152, %get3A_99] : memref<32x8xf32, #tpu.memory_space<vmem>>[vector<16xi32>, vector<16xi32>], vector<16xf32>,
          %add3A_1154 = arith.addf %gather3A_1153, %get3A_1150 : vector<16xf32>
          %broadcast_in_dim3A_1155 = arith.constant 18 : i32
          %broadcast_in_dim3A_1156 = vector.broadcast %broadcast_in_dim3A_1155 : i32 to vector<16xi32>
          %gather3A_1157 = tpu.vector_load_idx %arg7[%broadcast_in_dim3A_1156, %get3A_103] : memref<32x8xf32, #tpu.memory_space<vmem>>[vector<16xi32>, vector<16xi32>], vector<16xf32>,
          %add3A_1158 = arith.addf %gather3A_1157, %get3A_1150 : vector<16xf32>
          %broadcast_in_dim3A_1159 = arith.constant 18 : i32
          %broadcast_in_dim3A_1160 = vector.broadcast %broadcast_in_dim3A_1159 : i32 to vector<16xi32>
          %gather3A_1161 = tpu.vector_load_idx %arg7[%broadcast_in_dim3A_1160, %get3A_107] : memref<32x8xf32, #tpu.memory_space<vmem>>[vector<16xi32>, vector<16xi32>], vector<16xf32>,
          %add3A_1162 = arith.addf %gather3A_1161, %get3A_1150 : vector<16xf32>
          %broadcast_in_dim3A_1163 = arith.constant 18 : i32
          %broadcast_in_dim3A_1164 = vector.broadcast %broadcast_in_dim3A_1163 : i32 to vector<16xi32>
          %gather3A_1165 = tpu.vector_load_idx %arg7[%broadcast_in_dim3A_1164, %get3A_111] : memref<32x8xf32, #tpu.memory_space<vmem>>[vector<16xi32>, vector<16xi32>], vector<16xf32>,
          %add3A_1166 = arith.addf %gather3A_1165, %get3A_1150 : vector<16xf32>
          %get3A_1167 = arith.constant 2 : i32
          %get3A_1168 = arith.constant 3 : i32
          %get3A_1169 = arith.index_cast %get3A_1167 : i32 to index
          %get3A_1170 = arith.index_cast %get3A_1168 : i32 to index
          %get3A_1171 = arith.index_cast %add3A_96 : i32 to index
          %get3A_1172 = tpu.vector_load %arg8[%get3A_1169, %get3A_1170, %get3A_1171] {strides = array<i32>} : memref<4x8x2048xf32, #tpu.memory_space<vmem>>, vector<16xf32>,
          %broadcast_in_dim3A_1173 = arith.constant 19 : i32
          %broadcast_in_dim3A_1174 = vector.broadcast %broadcast_in_dim3A_1173 : i32 to vector<16xi32>
          %gather3A_1175 = tpu.vector_load_idx %arg7[%broadcast_in_dim3A_1174, %get3A_99] : memref<32x8xf32, #tpu.memory_space<vmem>>[vector<16xi32>, vector<16xi32>], vector<16xf32>,
          %add3A_1176 = arith.addf %gather3A_1175, %get3A_1172 : vector<16xf32>
          %broadcast_in_dim3A_1177 = arith.constant 19 : i32
          %broadcast_in_dim3A_1178 = vector.broadcast %broadcast_in_dim3A_1177 : i32 to vector<16xi32>
          %gather3A_1179 = tpu.vector_load_idx %arg7[%broadcast_in_dim3A_1178, %get3A_103] : memref<32x8xf32, #tpu.memory_space<vmem>>[vector<16xi32>, vector<16xi32>], vector<16xf32>,
          %add3A_1180 = arith.addf %gather3A_1179, %get3A_1172 : vector<16xf32>
          %broadcast_in_dim3A_1181 = arith.constant 19 : i32
          %broadcast_in_dim3A_1182 = vector.broadcast %broadcast_in_dim3A_1181 : i32 to vector<16xi32>
          %gather3A_1183 = tpu.vector_load_idx %arg7[%broadcast_in_dim3A_1182, %get3A_107] : memref<32x8xf32, #tpu.memory_space<vmem>>[vector<16xi32>, vector<16xi32>], vector<16xf32>,
          %add3A_1184 = arith.addf %gather3A_1183, %get3A_1172 : vector<16xf32>
          %broadcast_in_dim3A_1185 = arith.constant 19 : i32
          %broadcast_in_dim3A_1186 = vector.broadcast %broadcast_in_dim3A_1185 : i32 to vector<16xi32>
          %gather3A_1187 = tpu.vector_load_idx %arg7[%broadcast_in_dim3A_1186, %get3A_111] : memref<32x8xf32, #tpu.memory_space<vmem>>[vector<16xi32>, vector<16xi32>], vector<16xf32>,
          %add3A_1188 = arith.addf %gather3A_1187, %get3A_1172 : vector<16xf32>
          %mul3A_1189 = arith.constant 16 : i32
          %mul3A_1190 = arith.muli %scan3A_91, %mul3A_1189 : i32
          %swap3A_1191 = arith.constant 0 : i32
          %swap3A_1192 = arith.constant 2 : i32
          %swap3A_1193 = arith.constant 0 : i32
          %swap3A_1194 = arith.index_cast %swap3A_1191 : i32 to index
          %swap3A_1195 = arith.index_cast %swap3A_1192 : i32 to index
          %swap3A_1196 = arith.index_cast %swap3A_1193 : i32 to index
          %swap3A_1197 = arith.index_cast %mul3A_1190 : i32 to index
          %swap3A_1198 = tpu.vector_load %arg10[%swap3A_1194, %swap3A_1195, %swap3A_1196, %swap3A_1197] {strides = array<i32>} : memref<4x4x8x128xf32, #tpu.memory_space<vmem>>, vector<16xf32>,
          tpu.vector_store %arg10[%swap3A_1194, %swap3A_1195, %swap3A_1196, %swap3A_1197], %add3A_1110 {strides = array<i32>} : memref<4x4x8x128xf32, #tpu.memory_space<vmem>>, vector<16xf32>,
          %mul3A_1199 = arith.constant 16 : i32
          %mul3A_1200 = arith.muli %scan3A_91, %mul3A_1199 : i32
          %swap3A_1201 = arith.constant 1 : i32
          %swap3A_1202 = arith.constant 2 : i32
          %swap3A_1203 = arith.constant 0 : i32
          %swap3A_1204 = arith.index_cast %swap3A_1201 : i32 to index
          %swap3A_1205 = arith.index_cast %swap3A_1202 : i32 to index
          %swap3A_1206 = arith.index_cast %swap3A_1203 : i32 to index
          %swap3A_1207 = arith.index_cast %mul3A_1200 : i32 to index
          %swap3A_1208 = tpu.vector_load %arg10[%swap3A_1204, %swap3A_1205, %swap3A_1206, %swap3A_1207] {strides = array<i32>} : memref<4x4x8x128xf32, #tpu.memory_space<vmem>>, vector<16xf32>,
          tpu.vector_store %arg10[%swap3A_1204, %swap3A_1205, %swap3A_1206, %swap3A_1207], %add3A_1114 {strides = array<i32>} : memref<4x4x8x128xf32, #tpu.memory_space<vmem>>, vector<16xf32>,
          %mul3A_1209 = arith.constant 16 : i32
          %mul3A_1210 = arith.muli %scan3A_91, %mul3A_1209 : i32
          %swap3A_1211 = arith.constant 2 : i32
          %swap3A_1212 = arith.constant 2 : i32
          %swap3A_1213 = arith.constant 0 : i32
          %swap3A_1214 = arith.index_cast %swap3A_1211 : i32 to index
          %swap3A_1215 = arith.index_cast %swap3A_1212 : i32 to index
          %swap3A_1216 = arith.index_cast %swap3A_1213 : i32 to index
          %swap3A_1217 = arith.index_cast %mul3A_1210 : i32 to index
          %swap3A_1218 = tpu.vector_load %arg10[%swap3A_1214, %swap3A_1215, %swap3A_1216, %swap3A_1217] {strides = array<i32>} : memref<4x4x8x128xf32, #tpu.memory_space<vmem>>, vector<16xf32>,
          tpu.vector_store %arg10[%swap3A_1214, %swap3A_1215, %swap3A_1216, %swap3A_1217], %add3A_1118 {strides = array<i32>} : memref<4x4x8x128xf32, #tpu.memory_space<vmem>>, vector<16xf32>,
          %mul3A_1219 = arith.constant 16 : i32
          %mul3A_1220 = arith.muli %scan3A_91, %mul3A_1219 : i32
          %swap3A_1221 = arith.constant 3 : i32
          %swap3A_1222 = arith.constant 2 : i32
          %swap3A_1223 = arith.constant 0 : i32
          %swap3A_1224 = arith.index_cast %swap3A_1221 : i32 to index
          %swap3A_1225 = arith.index_cast %swap3A_1222 : i32 to index
          %swap3A_1226 = arith.index_cast %swap3A_1223 : i32 to index
          %swap3A_1227 = arith.index_cast %mul3A_1220 : i32 to index
          %swap3A_1228 = tpu.vector_load %arg10[%swap3A_1224, %swap3A_1225, %swap3A_1226, %swap3A_1227] {strides = array<i32>} : memref<4x4x8x128xf32, #tpu.memory_space<vmem>>, vector<16xf32>,
          tpu.vector_store %arg10[%swap3A_1224, %swap3A_1225, %swap3A_1226, %swap3A_1227], %add3A_1122 {strides = array<i32>} : memref<4x4x8x128xf32, #tpu.memory_space<vmem>>, vector<16xf32>,
          %mul3A_1229 = arith.constant 16 : i32
          %mul3A_1230 = arith.muli %scan3A_91, %mul3A_1229 : i32
          %swap3A_1231 = arith.constant 0 : i32
          %swap3A_1232 = arith.constant 2 : i32
          %swap3A_1233 = arith.constant 1 : i32
          %swap3A_1234 = arith.index_cast %swap3A_1231 : i32 to index
          %swap3A_1235 = arith.index_cast %swap3A_1232 : i32 to index
          %swap3A_1236 = arith.index_cast %swap3A_1233 : i32 to index
          %swap3A_1237 = arith.index_cast %mul3A_1230 : i32 to index
          %swap3A_1238 = tpu.vector_load %arg10[%swap3A_1234, %swap3A_1235, %swap3A_1236, %swap3A_1237] {strides = array<i32>} : memref<4x4x8x128xf32, #tpu.memory_space<vmem>>, vector<16xf32>,
          tpu.vector_store %arg10[%swap3A_1234, %swap3A_1235, %swap3A_1236, %swap3A_1237], %add3A_1132 {strides = array<i32>} : memref<4x4x8x128xf32, #tpu.memory_space<vmem>>, vector<16xf32>,
          %mul3A_1239 = arith.constant 16 : i32
          %mul3A_1240 = arith.muli %scan3A_91, %mul3A_1239 : i32
          %swap3A_1241 = arith.constant 1 : i32
          %swap3A_1242 = arith.constant 2 : i32
          %swap3A_1243 = arith.constant 1 : i32
          %swap3A_1244 = arith.index_cast %swap3A_1241 : i32 to index
          %swap3A_1245 = arith.index_cast %swap3A_1242 : i32 to index
          %swap3A_1246 = arith.index_cast %swap3A_1243 : i32 to index
          %swap3A_1247 = arith.index_cast %mul3A_1240 : i32 to index
          %swap3A_1248 = tpu.vector_load %arg10[%swap3A_1244, %swap3A_1245, %swap3A_1246, %swap3A_1247] {strides = array<i32>} : memref<4x4x8x128xf32, #tpu.memory_space<vmem>>, vector<16xf32>,
          tpu.vector_store %arg10[%swap3A_1244, %swap3A_1245, %swap3A_1246, %swap3A_1247], %add3A_1136 {strides = array<i32>} : memref<4x4x8x128xf32, #tpu.memory_space<vmem>>, vector<16xf32>,
          %mul3A_1249 = arith.constant 16 : i32
          %mul3A_1250 = arith.muli %scan3A_91, %mul3A_1249 : i32
          %swap3A_1251 = arith.constant 2 : i32
          %swap3A_1252 = arith.constant 2 : i32
          %swap3A_1253 = arith.constant 1 : i32
          %swap3A_1254 = arith.index_cast %swap3A_1251 : i32 to index
          %swap3A_1255 = arith.index_cast %swap3A_1252 : i32 to index
          %swap3A_1256 = arith.index_cast %swap3A_1253 : i32 to index
          %swap3A_1257 = arith.index_cast %mul3A_1250 : i32 to index
          %swap3A_1258 = tpu.vector_load %arg10[%swap3A_1254, %swap3A_1255, %swap3A_1256, %swap3A_1257] {strides = array<i32>} : memref<4x4x8x128xf32, #tpu.memory_space<vmem>>, vector<16xf32>,
          tpu.vector_store %arg10[%swap3A_1254, %swap3A_1255, %swap3A_1256, %swap3A_1257], %add3A_1140 {strides = array<i32>} : memref<4x4x8x128xf32, #tpu.memory_space<vmem>>, vector<16xf32>,
          %mul3A_1259 = arith.constant 16 : i32
          %mul3A_1260 = arith.muli %scan3A_91, %mul3A_1259 : i32
          %swap3A_1261 = arith.constant 3 : i32
          %swap3A_1262 = arith.constant 2 : i32
          %swap3A_1263 = arith.constant 1 : i32
          %swap3A_1264 = arith.index_cast %swap3A_1261 : i32 to index
          %swap3A_1265 = arith.index_cast %swap3A_1262 : i32 to index
          %swap3A_1266 = arith.index_cast %swap3A_1263 : i32 to index
          %swap3A_1267 = arith.index_cast %mul3A_1260 : i32 to index
          %swap3A_1268 = tpu.vector_load %arg10[%swap3A_1264, %swap3A_1265, %swap3A_1266, %swap3A_1267] {strides = array<i32>} : memref<4x4x8x128xf32, #tpu.memory_space<vmem>>, vector<16xf32>,
          tpu.vector_store %arg10[%swap3A_1264, %swap3A_1265, %swap3A_1266, %swap3A_1267], %add3A_1144 {strides = array<i32>} : memref<4x4x8x128xf32, #tpu.memory_space<vmem>>, vector<16xf32>,
          %mul3A_1269 = arith.constant 16 : i32
          %mul3A_1270 = arith.muli %scan3A_91, %mul3A_1269 : i32
          %swap3A_1271 = arith.constant 0 : i32
          %swap3A_1272 = arith.constant 2 : i32
          %swap3A_1273 = arith.constant 2 : i32
          %swap3A_1274 = arith.index_cast %swap3A_1271 : i32 to index
          %swap3A_1275 = arith.index_cast %swap3A_1272 : i32 to index
          %swap3A_1276 = arith.index_cast %swap3A_1273 : i32 to index
          %swap3A_1277 = arith.index_cast %mul3A_1270 : i32 to index
          %swap3A_1278 = tpu.vector_load %arg10[%swap3A_1274, %swap3A_1275, %swap3A_1276, %swap3A_1277] {strides = array<i32>} : memref<4x4x8x128xf32, #tpu.memory_space<vmem>>, vector<16xf32>,
          tpu.vector_store %arg10[%swap3A_1274, %swap3A_1275, %swap3A_1276, %swap3A_1277], %add3A_1154 {strides = array<i32>} : memref<4x4x8x128xf32, #tpu.memory_space<vmem>>, vector<16xf32>,
          %mul3A_1279 = arith.constant 16 : i32
          %mul3A_1280 = arith.muli %scan3A_91, %mul3A_1279 : i32
          %swap3A_1281 = arith.constant 1 : i32
          %swap3A_1282 = arith.constant 2 : i32
          %swap3A_1283 = arith.constant 2 : i32
          %swap3A_1284 = arith.index_cast %swap3A_1281 : i32 to index
          %swap3A_1285 = arith.index_cast %swap3A_1282 : i32 to index
          %swap3A_1286 = arith.index_cast %swap3A_1283 : i32 to index
          %swap3A_1287 = arith.index_cast %mul3A_1280 : i32 to index
          %swap3A_1288 = tpu.vector_load %arg10[%swap3A_1284, %swap3A_1285, %swap3A_1286, %swap3A_1287] {strides = array<i32>} : memref<4x4x8x128xf32, #tpu.memory_space<vmem>>, vector<16xf32>,
          tpu.vector_store %arg10[%swap3A_1284, %swap3A_1285, %swap3A_1286, %swap3A_1287], %add3A_1158 {strides = array<i32>} : memref<4x4x8x128xf32, #tpu.memory_space<vmem>>, vector<16xf32>,
          %mul3A_1289 = arith.constant 16 : i32
          %mul3A_1290 = arith.muli %scan3A_91, %mul3A_1289 : i32
          %swap3A_1291 = arith.constant 2 : i32
          %swap3A_1292 = arith.constant 2 : i32
          %swap3A_1293 = arith.constant 2 : i32
          %swap3A_1294 = arith.index_cast %swap3A_1291 : i32 to index
          %swap3A_1295 = arith.index_cast %swap3A_1292 : i32 to index
          %swap3A_1296 = arith.index_cast %swap3A_1293 : i32 to index
          %swap3A_1297 = arith.index_cast %mul3A_1290 : i32 to index
          %swap3A_1298 = tpu.vector_load %arg10[%swap3A_1294, %swap3A_1295, %swap3A_1296, %swap3A_1297] {strides = array<i32>} : memref<4x4x8x128xf32, #tpu.memory_space<vmem>>, vector<16xf32>,
          tpu.vector_store %arg10[%swap3A_1294, %swap3A_1295, %swap3A_1296, %swap3A_1297], %add3A_1162 {strides = array<i32>} : memref<4x4x8x128xf32, #tpu.memory_space<vmem>>, vector<16xf32>,
          %mul3A_1299 = arith.constant 16 : i32
          %mul3A_1300 = arith.muli %scan3A_91, %mul3A_1299 : i32
          %swap3A_1301 = arith.constant 3 : i32
          %swap3A_1302 = arith.constant 2 : i32
          %swap3A_1303 = arith.constant 2 : i32
          %swap3A_1304 = arith.index_cast %swap3A_1301 : i32 to index
          %swap3A_1305 = arith.index_cast %swap3A_1302 : i32 to index
          %swap3A_1306 = arith.index_cast %swap3A_1303 : i32 to index
          %swap3A_1307 = arith.index_cast %mul3A_1300 : i32 to index
          %swap3A_1308 = tpu.vector_load %arg10[%swap3A_1304, %swap3A_1305, %swap3A_1306, %swap3A_1307] {strides = array<i32>} : memref<4x4x8x128xf32, #tpu.memory_space<vmem>>, vector<16xf32>,
          tpu.vector_store %arg10[%swap3A_1304, %swap3A_1305, %swap3A_1306, %swap3A_1307], %add3A_1166 {strides = array<i32>} : memref<4x4x8x128xf32, #tpu.memory_space<vmem>>, vector<16xf32>,
          %mul3A_1309 = arith.constant 16 : i32
          %mul3A_1310 = arith.muli %scan3A_91, %mul3A_1309 : i32
          %swap3A_1311 = arith.constant 0 : i32
          %swap3A_1312 = arith.constant 2 : i32
          %swap3A_1313 = arith.constant 3 : i32
          %swap3A_1314 = arith.index_cast %swap3A_1311 : i32 to index
          %swap3A_1315 = arith.index_cast %swap3A_1312 : i32 to index
          %swap3A_1316 = arith.index_cast %swap3A_1313 : i32 to index
          %swap3A_1317 = arith.index_cast %mul3A_1310 : i32 to index
          %swap3A_1318 = tpu.vector_load %arg10[%swap3A_1314, %swap3A_1315, %swap3A_1316, %swap3A_1317] {strides = array<i32>} : memref<4x4x8x128xf32, #tpu.memory_space<vmem>>, vector<16xf32>,
          tpu.vector_store %arg10[%swap3A_1314, %swap3A_1315, %swap3A_1316, %swap3A_1317], %add3A_1176 {strides = array<i32>} : memref<4x4x8x128xf32, #tpu.memory_space<vmem>>, vector<16xf32>,
          %mul3A_1319 = arith.constant 16 : i32
          %mul3A_1320 = arith.muli %scan3A_91, %mul3A_1319 : i32
          %swap3A_1321 = arith.constant 1 : i32
          %swap3A_1322 = arith.constant 2 : i32
          %swap3A_1323 = arith.constant 3 : i32
          %swap3A_1324 = arith.index_cast %swap3A_1321 : i32 to index
          %swap3A_1325 = arith.index_cast %swap3A_1322 : i32 to index
          %swap3A_1326 = arith.index_cast %swap3A_1323 : i32 to index
          %swap3A_1327 = arith.index_cast %mul3A_1320 : i32 to index
          %swap3A_1328 = tpu.vector_load %arg10[%swap3A_1324, %swap3A_1325, %swap3A_1326, %swap3A_1327] {strides = array<i32>} : memref<4x4x8x128xf32, #tpu.memory_space<vmem>>, vector<16xf32>,
          tpu.vector_store %arg10[%swap3A_1324, %swap3A_1325, %swap3A_1326, %swap3A_1327], %add3A_1180 {strides = array<i32>} : memref<4x4x8x128xf32, #tpu.memory_space<vmem>>, vector<16xf32>,
          %mul3A_1329 = arith.constant 16 : i32
          %mul3A_1330 = arith.muli %scan3A_91, %mul3A_1329 : i32
          %swap3A_1331 = arith.constant 2 : i32
          %swap3A_1332 = arith.constant 2 : i32
          %swap3A_1333 = arith.constant 3 : i32
          %swap3A_1334 = arith.index_cast %swap3A_1331 : i32 to index
          %swap3A_1335 = arith.index_cast %swap3A_1332 : i32 to index
          %swap3A_1336 = arith.index_cast %swap3A_1333 : i32 to index
          %swap3A_1337 = arith.index_cast %mul3A_1330 : i32 to index
          %swap3A_1338 = tpu.vector_load %arg10[%swap3A_1334, %swap3A_1335, %swap3A_1336, %swap3A_1337] {strides = array<i32>} : memref<4x4x8x128xf32, #tpu.memory_space<vmem>>, vector<16xf32>,
          tpu.vector_store %arg10[%swap3A_1334, %swap3A_1335, %swap3A_1336, %swap3A_1337], %add3A_1184 {strides = array<i32>} : memref<4x4x8x128xf32, #tpu.memory_space<vmem>>, vector<16xf32>,
          %mul3A_1339 = arith.constant 16 : i32
          %mul3A_1340 = arith.muli %scan3A_91, %mul3A_1339 : i32
          %swap3A_1341 = arith.constant 3 : i32
          %swap3A_1342 = arith.constant 2 : i32
          %swap3A_1343 = arith.constant 3 : i32
          %swap3A_1344 = arith.index_cast %swap3A_1341 : i32 to index
          %swap3A_1345 = arith.index_cast %swap3A_1342 : i32 to index
          %swap3A_1346 = arith.index_cast %swap3A_1343 : i32 to index
          %swap3A_1347 = arith.index_cast %mul3A_1340 : i32 to index
          %swap3A_1348 = tpu.vector_load %arg10[%swap3A_1344, %swap3A_1345, %swap3A_1346, %swap3A_1347] {strides = array<i32>} : memref<4x4x8x128xf32, #tpu.memory_space<vmem>>, vector<16xf32>,
          tpu.vector_store %arg10[%swap3A_1344, %swap3A_1345, %swap3A_1346, %swap3A_1347], %add3A_1188 {strides = array<i32>} : memref<4x4x8x128xf32, #tpu.memory_space<vmem>>, vector<16xf32>,
          %get3A_1349 = arith.constant 2 : i32
          %get3A_1350 = arith.constant 4 : i32
          %get3A_1351 = arith.index_cast %get3A_1349 : i32 to index
          %get3A_1352 = arith.index_cast %get3A_1350 : i32 to index
          %get3A_1353 = arith.index_cast %add3A_96 : i32 to index
          %get3A_1354 = tpu.vector_load %arg8[%get3A_1351, %get3A_1352, %get3A_1353] {strides = array<i32>} : memref<4x8x2048xf32, #tpu.memory_space<vmem>>, vector<16xf32>,
          %broadcast_in_dim3A_1355 = arith.constant 20 : i32
          %broadcast_in_dim3A_1356 = vector.broadcast %broadcast_in_dim3A_1355 : i32 to vector<16xi32>
          %gather3A_1357 = tpu.vector_load_idx %arg7[%broadcast_in_dim3A_1356, %get3A_99] : memref<32x8xf32, #tpu.memory_space<vmem>>[vector<16xi32>, vector<16xi32>], vector<16xf32>,
          %add3A_1358 = arith.addf %gather3A_1357, %get3A_1354 : vector<16xf32>
          %broadcast_in_dim3A_1359 = arith.constant 20 : i32
          %broadcast_in_dim3A_1360 = vector.broadcast %broadcast_in_dim3A_1359 : i32 to vector<16xi32>
          %gather3A_1361 = tpu.vector_load_idx %arg7[%broadcast_in_dim3A_1360, %get3A_103] : memref<32x8xf32, #tpu.memory_space<vmem>>[vector<16xi32>, vector<16xi32>], vector<16xf32>,
          %add3A_1362 = arith.addf %gather3A_1361, %get3A_1354 : vector<16xf32>
          %broadcast_in_dim3A_1363 = arith.constant 20 : i32
          %broadcast_in_dim3A_1364 = vector.broadcast %broadcast_in_dim3A_1363 : i32 to vector<16xi32>
          %gather3A_1365 = tpu.vector_load_idx %arg7[%broadcast_in_dim3A_1364, %get3A_107] : memref<32x8xf32, #tpu.memory_space<vmem>>[vector<16xi32>, vector<16xi32>], vector<16xf32>,
          %add3A_1366 = arith.addf %gather3A_1365, %get3A_1354 : vector<16xf32>
          %broadcast_in_dim3A_1367 = arith.constant 20 : i32
          %broadcast_in_dim3A_1368 = vector.broadcast %broadcast_in_dim3A_1367 : i32 to vector<16xi32>
          %gather3A_1369 = tpu.vector_load_idx %arg7[%broadcast_in_dim3A_1368, %get3A_111] : memref<32x8xf32, #tpu.memory_space<vmem>>[vector<16xi32>, vector<16xi32>], vector<16xf32>,
          %add3A_1370 = arith.addf %gather3A_1369, %get3A_1354 : vector<16xf32>
          %get3A_1371 = arith.constant 2 : i32
          %get3A_1372 = arith.constant 5 : i32
          %get3A_1373 = arith.index_cast %get3A_1371 : i32 to index
          %get3A_1374 = arith.index_cast %get3A_1372 : i32 to index
          %get3A_1375 = arith.index_cast %add3A_96 : i32 to index
          %get3A_1376 = tpu.vector_load %arg8[%get3A_1373, %get3A_1374, %get3A_1375] {strides = array<i32>} : memref<4x8x2048xf32, #tpu.memory_space<vmem>>, vector<16xf32>,
          %broadcast_in_dim3A_1377 = arith.constant 21 : i32
          %broadcast_in_dim3A_1378 = vector.broadcast %broadcast_in_dim3A_1377 : i32 to vector<16xi32>
          %gather3A_1379 = tpu.vector_load_idx %arg7[%broadcast_in_dim3A_1378, %get3A_99] : memref<32x8xf32, #tpu.memory_space<vmem>>[vector<16xi32>, vector<16xi32>], vector<16xf32>,
          %add3A_1380 = arith.addf %gather3A_1379, %get3A_1376 : vector<16xf32>
          %broadcast_in_dim3A_1381 = arith.constant 21 : i32
          %broadcast_in_dim3A_1382 = vector.broadcast %broadcast_in_dim3A_1381 : i32 to vector<16xi32>
          %gather3A_1383 = tpu.vector_load_idx %arg7[%broadcast_in_dim3A_1382, %get3A_103] : memref<32x8xf32, #tpu.memory_space<vmem>>[vector<16xi32>, vector<16xi32>], vector<16xf32>,
          %add3A_1384 = arith.addf %gather3A_1383, %get3A_1376 : vector<16xf32>
          %broadcast_in_dim3A_1385 = arith.constant 21 : i32
          %broadcast_in_dim3A_1386 = vector.broadcast %broadcast_in_dim3A_1385 : i32 to vector<16xi32>
          %gather3A_1387 = tpu.vector_load_idx %arg7[%broadcast_in_dim3A_1386, %get3A_107] : memref<32x8xf32, #tpu.memory_space<vmem>>[vector<16xi32>, vector<16xi32>], vector<16xf32>,
          %add3A_1388 = arith.addf %gather3A_1387, %get3A_1376 : vector<16xf32>
          %broadcast_in_dim3A_1389 = arith.constant 21 : i32
          %broadcast_in_dim3A_1390 = vector.broadcast %broadcast_in_dim3A_1389 : i32 to vector<16xi32>
          %gather3A_1391 = tpu.vector_load_idx %arg7[%broadcast_in_dim3A_1390, %get3A_111] : memref<32x8xf32, #tpu.memory_space<vmem>>[vector<16xi32>, vector<16xi32>], vector<16xf32>,
          %add3A_1392 = arith.addf %gather3A_1391, %get3A_1376 : vector<16xf32>
          %get3A_1393 = arith.constant 2 : i32
          %get3A_1394 = arith.constant 6 : i32
          %get3A_1395 = arith.index_cast %get3A_1393 : i32 to index
          %get3A_1396 = arith.index_cast %get3A_1394 : i32 to index
          %get3A_1397 = arith.index_cast %add3A_96 : i32 to index
          %get3A_1398 = tpu.vector_load %arg8[%get3A_1395, %get3A_1396, %get3A_1397] {strides = array<i32>} : memref<4x8x2048xf32, #tpu.memory_space<vmem>>, vector<16xf32>,
          %broadcast_in_dim3A_1399 = arith.constant 22 : i32
          %broadcast_in_dim3A_1400 = vector.broadcast %broadcast_in_dim3A_1399 : i32 to vector<16xi32>
          %gather3A_1401 = tpu.vector_load_idx %arg7[%broadcast_in_dim3A_1400, %get3A_99] : memref<32x8xf32, #tpu.memory_space<vmem>>[vector<16xi32>, vector<16xi32>], vector<16xf32>,
          %add3A_1402 = arith.addf %gather3A_1401, %get3A_1398 : vector<16xf32>
          %broadcast_in_dim3A_1403 = arith.constant 22 : i32
          %broadcast_in_dim3A_1404 = vector.broadcast %broadcast_in_dim3A_1403 : i32 to vector<16xi32>
          %gather3A_1405 = tpu.vector_load_idx %arg7[%broadcast_in_dim3A_1404, %get3A_103] : memref<32x8xf32, #tpu.memory_space<vmem>>[vector<16xi32>, vector<16xi32>], vector<16xf32>,
          %add3A_1406 = arith.addf %gather3A_1405, %get3A_1398 : vector<16xf32>
          %broadcast_in_dim3A_1407 = arith.constant 22 : i32
          %broadcast_in_dim3A_1408 = vector.broadcast %broadcast_in_dim3A_1407 : i32 to vector<16xi32>
          %gather3A_1409 = tpu.vector_load_idx %arg7[%broadcast_in_dim3A_1408, %get3A_107] : memref<32x8xf32, #tpu.memory_space<vmem>>[vector<16xi32>, vector<16xi32>], vector<16xf32>,
          %add3A_1410 = arith.addf %gather3A_1409, %get3A_1398 : vector<16xf32>
          %broadcast_in_dim3A_1411 = arith.constant 22 : i32
          %broadcast_in_dim3A_1412 = vector.broadcast %broadcast_in_dim3A_1411 : i32 to vector<16xi32>
          %gather3A_1413 = tpu.vector_load_idx %arg7[%broadcast_in_dim3A_1412, %get3A_111] : memref<32x8xf32, #tpu.memory_space<vmem>>[vector<16xi32>, vector<16xi32>], vector<16xf32>,
          %add3A_1414 = arith.addf %gather3A_1413, %get3A_1398 : vector<16xf32>
          %get3A_1415 = arith.constant 2 : i32
          %get3A_1416 = arith.constant 7 : i32
          %get3A_1417 = arith.index_cast %get3A_1415 : i32 to index
          %get3A_1418 = arith.index_cast %get3A_1416 : i32 to index
          %get3A_1419 = arith.index_cast %add3A_96 : i32 to index
          %get3A_1420 = tpu.vector_load %arg8[%get3A_1417, %get3A_1418, %get3A_1419] {strides = array<i32>} : memref<4x8x2048xf32, #tpu.memory_space<vmem>>, vector<16xf32>,
          %broadcast_in_dim3A_1421 = arith.constant 23 : i32
          %broadcast_in_dim3A_1422 = vector.broadcast %broadcast_in_dim3A_1421 : i32 to vector<16xi32>
          %gather3A_1423 = tpu.vector_load_idx %arg7[%broadcast_in_dim3A_1422, %get3A_99] : memref<32x8xf32, #tpu.memory_space<vmem>>[vector<16xi32>, vector<16xi32>], vector<16xf32>,
          %add3A_1424 = arith.addf %gather3A_1423, %get3A_1420 : vector<16xf32>
          %broadcast_in_dim3A_1425 = arith.constant 23 : i32
          %broadcast_in_dim3A_1426 = vector.broadcast %broadcast_in_dim3A_1425 : i32 to vector<16xi32>
          %gather3A_1427 = tpu.vector_load_idx %arg7[%broadcast_in_dim3A_1426, %get3A_103] : memref<32x8xf32, #tpu.memory_space<vmem>>[vector<16xi32>, vector<16xi32>], vector<16xf32>,
          %add3A_1428 = arith.addf %gather3A_1427, %get3A_1420 : vector<16xf32>
          %broadcast_in_dim3A_1429 = arith.constant 23 : i32
          %broadcast_in_dim3A_1430 = vector.broadcast %broadcast_in_dim3A_1429 : i32 to vector<16xi32>
          %gather3A_1431 = tpu.vector_load_idx %arg7[%broadcast_in_dim3A_1430, %get3A_107] : memref<32x8xf32, #tpu.memory_space<vmem>>[vector<16xi32>, vector<16xi32>], vector<16xf32>,
          %add3A_1432 = arith.addf %gather3A_1431, %get3A_1420 : vector<16xf32>
          %broadcast_in_dim3A_1433 = arith.constant 23 : i32
          %broadcast_in_dim3A_1434 = vector.broadcast %broadcast_in_dim3A_1433 : i32 to vector<16xi32>
          %gather3A_1435 = tpu.vector_load_idx %arg7[%broadcast_in_dim3A_1434, %get3A_111] : memref<32x8xf32, #tpu.memory_space<vmem>>[vector<16xi32>, vector<16xi32>], vector<16xf32>,
          %add3A_1436 = arith.addf %gather3A_1435, %get3A_1420 : vector<16xf32>
          %mul3A_1437 = arith.constant 16 : i32
          %mul3A_1438 = arith.muli %scan3A_91, %mul3A_1437 : i32
          %swap3A_1439 = arith.constant 0 : i32
          %swap3A_1440 = arith.constant 2 : i32
          %swap3A_1441 = arith.constant 4 : i32
          %swap3A_1442 = arith.index_cast %swap3A_1439 : i32 to index
          %swap3A_1443 = arith.index_cast %swap3A_1440 : i32 to index
          %swap3A_1444 = arith.index_cast %swap3A_1441 : i32 to index
          %swap3A_1445 = arith.index_cast %mul3A_1438 : i32 to index
          %swap3A_1446 = tpu.vector_load %arg10[%swap3A_1442, %swap3A_1443, %swap3A_1444, %swap3A_1445] {strides = array<i32>} : memref<4x4x8x128xf32, #tpu.memory_space<vmem>>, vector<16xf32>,
          tpu.vector_store %arg10[%swap3A_1442, %swap3A_1443, %swap3A_1444, %swap3A_1445], %add3A_1358 {strides = array<i32>} : memref<4x4x8x128xf32, #tpu.memory_space<vmem>>, vector<16xf32>,
          %mul3A_1447 = arith.constant 16 : i32
          %mul3A_1448 = arith.muli %scan3A_91, %mul3A_1447 : i32
          %swap3A_1449 = arith.constant 1 : i32
          %swap3A_1450 = arith.constant 2 : i32
          %swap3A_1451 = arith.constant 4 : i32
          %swap3A_1452 = arith.index_cast %swap3A_1449 : i32 to index
          %swap3A_1453 = arith.index_cast %swap3A_1450 : i32 to index
          %swap3A_1454 = arith.index_cast %swap3A_1451 : i32 to index
          %swap3A_1455 = arith.index_cast %mul3A_1448 : i32 to index
          %swap3A_1456 = tpu.vector_load %arg10[%swap3A_1452, %swap3A_1453, %swap3A_1454, %swap3A_1455] {strides = array<i32>} : memref<4x4x8x128xf32, #tpu.memory_space<vmem>>, vector<16xf32>,
          tpu.vector_store %arg10[%swap3A_1452, %swap3A_1453, %swap3A_1454, %swap3A_1455], %add3A_1362 {strides = array<i32>} : memref<4x4x8x128xf32, #tpu.memory_space<vmem>>, vector<16xf32>,
          %mul3A_1457 = arith.constant 16 : i32
          %mul3A_1458 = arith.muli %scan3A_91, %mul3A_1457 : i32
          %swap3A_1459 = arith.constant 2 : i32
          %swap3A_1460 = arith.constant 2 : i32
          %swap3A_1461 = arith.constant 4 : i32
          %swap3A_1462 = arith.index_cast %swap3A_1459 : i32 to index
          %swap3A_1463 = arith.index_cast %swap3A_1460 : i32 to index
          %swap3A_1464 = arith.index_cast %swap3A_1461 : i32 to index
          %swap3A_1465 = arith.index_cast %mul3A_1458 : i32 to index
          %swap3A_1466 = tpu.vector_load %arg10[%swap3A_1462, %swap3A_1463, %swap3A_1464, %swap3A_1465] {strides = array<i32>} : memref<4x4x8x128xf32, #tpu.memory_space<vmem>>, vector<16xf32>,
          tpu.vector_store %arg10[%swap3A_1462, %swap3A_1463, %swap3A_1464, %swap3A_1465], %add3A_1366 {strides = array<i32>} : memref<4x4x8x128xf32, #tpu.memory_space<vmem>>, vector<16xf32>,
          %mul3A_1467 = arith.constant 16 : i32
          %mul3A_1468 = arith.muli %scan3A_91, %mul3A_1467 : i32
          %swap3A_1469 = arith.constant 3 : i32
          %swap3A_1470 = arith.constant 2 : i32
          %swap3A_1471 = arith.constant 4 : i32
          %swap3A_1472 = arith.index_cast %swap3A_1469 : i32 to index
          %swap3A_1473 = arith.index_cast %swap3A_1470 : i32 to index
          %swap3A_1474 = arith.index_cast %swap3A_1471 : i32 to index
          %swap3A_1475 = arith.index_cast %mul3A_1468 : i32 to index
          %swap3A_1476 = tpu.vector_load %arg10[%swap3A_1472, %swap3A_1473, %swap3A_1474, %swap3A_1475] {strides = array<i32>} : memref<4x4x8x128xf32, #tpu.memory_space<vmem>>, vector<16xf32>,
          tpu.vector_store %arg10[%swap3A_1472, %swap3A_1473, %swap3A_1474, %swap3A_1475], %add3A_1370 {strides = array<i32>} : memref<4x4x8x128xf32, #tpu.memory_space<vmem>>, vector<16xf32>,
          %mul3A_1477 = arith.constant 16 : i32
          %mul3A_1478 = arith.muli %scan3A_91, %mul3A_1477 : i32
          %swap3A_1479 = arith.constant 0 : i32
          %swap3A_1480 = arith.constant 2 : i32
          %swap3A_1481 = arith.constant 5 : i32
          %swap3A_1482 = arith.index_cast %swap3A_1479 : i32 to index
          %swap3A_1483 = arith.index_cast %swap3A_1480 : i32 to index
          %swap3A_1484 = arith.index_cast %swap3A_1481 : i32 to index
          %swap3A_1485 = arith.index_cast %mul3A_1478 : i32 to index
          %swap3A_1486 = tpu.vector_load %arg10[%swap3A_1482, %swap3A_1483, %swap3A_1484, %swap3A_1485] {strides = array<i32>} : memref<4x4x8x128xf32, #tpu.memory_space<vmem>>, vector<16xf32>,
          tpu.vector_store %arg10[%swap3A_1482, %swap3A_1483, %swap3A_1484, %swap3A_1485], %add3A_1380 {strides = array<i32>} : memref<4x4x8x128xf32, #tpu.memory_space<vmem>>, vector<16xf32>,
          %mul3A_1487 = arith.constant 16 : i32
          %mul3A_1488 = arith.muli %scan3A_91, %mul3A_1487 : i32
          %swap3A_1489 = arith.constant 1 : i32
          %swap3A_1490 = arith.constant 2 : i32
          %swap3A_1491 = arith.constant 5 : i32
          %swap3A_1492 = arith.index_cast %swap3A_1489 : i32 to index
          %swap3A_1493 = arith.index_cast %swap3A_1490 : i32 to index
          %swap3A_1494 = arith.index_cast %swap3A_1491 : i32 to index
          %swap3A_1495 = arith.index_cast %mul3A_1488 : i32 to index
          %swap3A_1496 = tpu.vector_load %arg10[%swap3A_1492, %swap3A_1493, %swap3A_1494, %swap3A_1495] {strides = array<i32>} : memref<4x4x8x128xf32, #tpu.memory_space<vmem>>, vector<16xf32>,
          tpu.vector_store %arg10[%swap3A_1492, %swap3A_1493, %swap3A_1494, %swap3A_1495], %add3A_1384 {strides = array<i32>} : memref<4x4x8x128xf32, #tpu.memory_space<vmem>>, vector<16xf32>,
          %mul3A_1497 = arith.constant 16 : i32
          %mul3A_1498 = arith.muli %scan3A_91, %mul3A_1497 : i32
          %swap3A_1499 = arith.constant 2 : i32
          %swap3A_1500 = arith.constant 2 : i32
          %swap3A_1501 = arith.constant 5 : i32
          %swap3A_1502 = arith.index_cast %swap3A_1499 : i32 to index
          %swap3A_1503 = arith.index_cast %swap3A_1500 : i32 to index
          %swap3A_1504 = arith.index_cast %swap3A_1501 : i32 to index
          %swap3A_1505 = arith.index_cast %mul3A_1498 : i32 to index
          %swap3A_1506 = tpu.vector_load %arg10[%swap3A_1502, %swap3A_1503, %swap3A_1504, %swap3A_1505] {strides = array<i32>} : memref<4x4x8x128xf32, #tpu.memory_space<vmem>>, vector<16xf32>,
          tpu.vector_store %arg10[%swap3A_1502, %swap3A_1503, %swap3A_1504, %swap3A_1505], %add3A_1388 {strides = array<i32>} : memref<4x4x8x128xf32, #tpu.memory_space<vmem>>, vector<16xf32>,
          %mul3A_1507 = arith.constant 16 : i32
          %mul3A_1508 = arith.muli %scan3A_91, %mul3A_1507 : i32
          %swap3A_1509 = arith.constant 3 : i32
          %swap3A_1510 = arith.constant 2 : i32
          %swap3A_1511 = arith.constant 5 : i32
          %swap3A_1512 = arith.index_cast %swap3A_1509 : i32 to index
          %swap3A_1513 = arith.index_cast %swap3A_1510 : i32 to index
          %swap3A_1514 = arith.index_cast %swap3A_1511 : i32 to index
          %swap3A_1515 = arith.index_cast %mul3A_1508 : i32 to index
          %swap3A_1516 = tpu.vector_load %arg10[%swap3A_1512, %swap3A_1513, %swap3A_1514, %swap3A_1515] {strides = array<i32>} : memref<4x4x8x128xf32, #tpu.memory_space<vmem>>, vector<16xf32>,
          tpu.vector_store %arg10[%swap3A_1512, %swap3A_1513, %swap3A_1514, %swap3A_1515], %add3A_1392 {strides = array<i32>} : memref<4x4x8x128xf32, #tpu.memory_space<vmem>>, vector<16xf32>,
          %mul3A_1517 = arith.constant 16 : i32
          %mul3A_1518 = arith.muli %scan3A_91, %mul3A_1517 : i32
          %swap3A_1519 = arith.constant 0 : i32
          %swap3A_1520 = arith.constant 2 : i32
          %swap3A_1521 = arith.constant 6 : i32
          %swap3A_1522 = arith.index_cast %swap3A_1519 : i32 to index
          %swap3A_1523 = arith.index_cast %swap3A_1520 : i32 to index
          %swap3A_1524 = arith.index_cast %swap3A_1521 : i32 to index
          %swap3A_1525 = arith.index_cast %mul3A_1518 : i32 to index
          %swap3A_1526 = tpu.vector_load %arg10[%swap3A_1522, %swap3A_1523, %swap3A_1524, %swap3A_1525] {strides = array<i32>} : memref<4x4x8x128xf32, #tpu.memory_space<vmem>>, vector<16xf32>,
          tpu.vector_store %arg10[%swap3A_1522, %swap3A_1523, %swap3A_1524, %swap3A_1525], %add3A_1402 {strides = array<i32>} : memref<4x4x8x128xf32, #tpu.memory_space<vmem>>, vector<16xf32>,
          %mul3A_1527 = arith.constant 16 : i32
          %mul3A_1528 = arith.muli %scan3A_91, %mul3A_1527 : i32
          %swap3A_1529 = arith.constant 1 : i32
          %swap3A_1530 = arith.constant 2 : i32
          %swap3A_1531 = arith.constant 6 : i32
          %swap3A_1532 = arith.index_cast %swap3A_1529 : i32 to index
          %swap3A_1533 = arith.index_cast %swap3A_1530 : i32 to index
          %swap3A_1534 = arith.index_cast %swap3A_1531 : i32 to index
          %swap3A_1535 = arith.index_cast %mul3A_1528 : i32 to index
          %swap3A_1536 = tpu.vector_load %arg10[%swap3A_1532, %swap3A_1533, %swap3A_1534, %swap3A_1535] {strides = array<i32>} : memref<4x4x8x128xf32, #tpu.memory_space<vmem>>, vector<16xf32>,
          tpu.vector_store %arg10[%swap3A_1532, %swap3A_1533, %swap3A_1534, %swap3A_1535], %add3A_1406 {strides = array<i32>} : memref<4x4x8x128xf32, #tpu.memory_space<vmem>>, vector<16xf32>,
          %mul3A_1537 = arith.constant 16 : i32
          %mul3A_1538 = arith.muli %scan3A_91, %mul3A_1537 : i32
          %swap3A_1539 = arith.constant 2 : i32
          %swap3A_1540 = arith.constant 2 : i32
          %swap3A_1541 = arith.constant 6 : i32
          %swap3A_1542 = arith.index_cast %swap3A_1539 : i32 to index
          %swap3A_1543 = arith.index_cast %swap3A_1540 : i32 to index
          %swap3A_1544 = arith.index_cast %swap3A_1541 : i32 to index
          %swap3A_1545 = arith.index_cast %mul3A_1538 : i32 to index
          %swap3A_1546 = tpu.vector_load %arg10[%swap3A_1542, %swap3A_1543, %swap3A_1544, %swap3A_1545] {strides = array<i32>} : memref<4x4x8x128xf32, #tpu.memory_space<vmem>>, vector<16xf32>,
          tpu.vector_store %arg10[%swap3A_1542, %swap3A_1543, %swap3A_1544, %swap3A_1545], %add3A_1410 {strides = array<i32>} : memref<4x4x8x128xf32, #tpu.memory_space<vmem>>, vector<16xf32>,
          %mul3A_1547 = arith.constant 16 : i32
          %mul3A_1548 = arith.muli %scan3A_91, %mul3A_1547 : i32
          %swap3A_1549 = arith.constant 3 : i32
          %swap3A_1550 = arith.constant 2 : i32
          %swap3A_1551 = arith.constant 6 : i32
          %swap3A_1552 = arith.index_cast %swap3A_1549 : i32 to index
          %swap3A_1553 = arith.index_cast %swap3A_1550 : i32 to index
          %swap3A_1554 = arith.index_cast %swap3A_1551 : i32 to index
          %swap3A_1555 = arith.index_cast %mul3A_1548 : i32 to index
          %swap3A_1556 = tpu.vector_load %arg10[%swap3A_1552, %swap3A_1553, %swap3A_1554, %swap3A_1555] {strides = array<i32>} : memref<4x4x8x128xf32, #tpu.memory_space<vmem>>, vector<16xf32>,
          tpu.vector_store %arg10[%swap3A_1552, %swap3A_1553, %swap3A_1554, %swap3A_1555], %add3A_1414 {strides = array<i32>} : memref<4x4x8x128xf32, #tpu.memory_space<vmem>>, vector<16xf32>,
          %mul3A_1557 = arith.constant 16 : i32
          %mul3A_1558 = arith.muli %scan3A_91, %mul3A_1557 : i32
          %swap3A_1559 = arith.constant 0 : i32
          %swap3A_1560 = arith.constant 2 : i32
          %swap3A_1561 = arith.constant 7 : i32
          %swap3A_1562 = arith.index_cast %swap3A_1559 : i32 to index
          %swap3A_1563 = arith.index_cast %swap3A_1560 : i32 to index
          %swap3A_1564 = arith.index_cast %swap3A_1561 : i32 to index
          %swap3A_1565 = arith.index_cast %mul3A_1558 : i32 to index
          %swap3A_1566 = tpu.vector_load %arg10[%swap3A_1562, %swap3A_1563, %swap3A_1564, %swap3A_1565] {strides = array<i32>} : memref<4x4x8x128xf32, #tpu.memory_space<vmem>>, vector<16xf32>,
          tpu.vector_store %arg10[%swap3A_1562, %swap3A_1563, %swap3A_1564, %swap3A_1565], %add3A_1424 {strides = array<i32>} : memref<4x4x8x128xf32, #tpu.memory_space<vmem>>, vector<16xf32>,
          %mul3A_1567 = arith.constant 16 : i32
          %mul3A_1568 = arith.muli %scan3A_91, %mul3A_1567 : i32
          %swap3A_1569 = arith.constant 1 : i32
          %swap3A_1570 = arith.constant 2 : i32
          %swap3A_1571 = arith.constant 7 : i32
          %swap3A_1572 = arith.index_cast %swap3A_1569 : i32 to index
          %swap3A_1573 = arith.index_cast %swap3A_1570 : i32 to index
          %swap3A_1574 = arith.index_cast %swap3A_1571 : i32 to index
          %swap3A_1575 = arith.index_cast %mul3A_1568 : i32 to index
          %swap3A_1576 = tpu.vector_load %arg10[%swap3A_1572, %swap3A_1573, %swap3A_1574, %swap3A_1575] {strides = array<i32>} : memref<4x4x8x128xf32, #tpu.memory_space<vmem>>, vector<16xf32>,
          tpu.vector_store %arg10[%swap3A_1572, %swap3A_1573, %swap3A_1574, %swap3A_1575], %add3A_1428 {strides = array<i32>} : memref<4x4x8x128xf32, #tpu.memory_space<vmem>>, vector<16xf32>,
          %mul3A_1577 = arith.constant 16 : i32
          %mul3A_1578 = arith.muli %scan3A_91, %mul3A_1577 : i32
          %swap3A_1579 = arith.constant 2 : i32
          %swap3A_1580 = arith.constant 2 : i32
          %swap3A_1581 = arith.constant 7 : i32
          %swap3A_1582 = arith.index_cast %swap3A_1579 : i32 to index
          %swap3A_1583 = arith.index_cast %swap3A_1580 : i32 to index
          %swap3A_1584 = arith.index_cast %swap3A_1581 : i32 to index
          %swap3A_1585 = arith.index_cast %mul3A_1578 : i32 to index
          %swap3A_1586 = tpu.vector_load %arg10[%swap3A_1582, %swap3A_1583, %swap3A_1584, %swap3A_1585] {strides = array<i32>} : memref<4x4x8x128xf32, #tpu.memory_space<vmem>>, vector<16xf32>,
          tpu.vector_store %arg10[%swap3A_1582, %swap3A_1583, %swap3A_1584, %swap3A_1585], %add3A_1432 {strides = array<i32>} : memref<4x4x8x128xf32, #tpu.memory_space<vmem>>, vector<16xf32>,
          %mul3A_1587 = arith.constant 16 : i32
          %mul3A_1588 = arith.muli %scan3A_91, %mul3A_1587 : i32
          %swap3A_1589 = arith.constant 3 : i32
          %swap3A_1590 = arith.constant 2 : i32
          %swap3A_1591 = arith.constant 7 : i32
          %swap3A_1592 = arith.index_cast %swap3A_1589 : i32 to index
          %swap3A_1593 = arith.index_cast %swap3A_1590 : i32 to index
          %swap3A_1594 = arith.index_cast %swap3A_1591 : i32 to index
          %swap3A_1595 = arith.index_cast %mul3A_1588 : i32 to index
          %swap3A_1596 = tpu.vector_load %arg10[%swap3A_1592, %swap3A_1593, %swap3A_1594, %swap3A_1595] {strides = array<i32>} : memref<4x4x8x128xf32, #tpu.memory_space<vmem>>, vector<16xf32>,
          tpu.vector_store %arg10[%swap3A_1592, %swap3A_1593, %swap3A_1594, %swap3A_1595], %add3A_1436 {strides = array<i32>} : memref<4x4x8x128xf32, #tpu.memory_space<vmem>>, vector<16xf32>,
          %get3A_1597 = arith.constant 3 : i32
          %get3A_1598 = arith.constant 0 : i32
          %get3A_1599 = arith.index_cast %get3A_1597 : i32 to index
          %get3A_1600 = arith.index_cast %get3A_1598 : i32 to index
          %get3A_1601 = arith.index_cast %add3A_96 : i32 to index
          %get3A_1602 = tpu.vector_load %arg8[%get3A_1599, %get3A_1600, %get3A_1601] {strides = array<i32>} : memref<4x8x2048xf32, #tpu.memory_space<vmem>>, vector<16xf32>,
          %broadcast_in_dim3A_1603 = arith.constant 24 : i32
          %broadcast_in_dim3A_1604 = vector.broadcast %broadcast_in_dim3A_1603 : i32 to vector<16xi32>
          %gather3A_1605 = tpu.vector_load_idx %arg7[%broadcast_in_dim3A_1604, %get3A_99] : memref<32x8xf32, #tpu.memory_space<vmem>>[vector<16xi32>, vector<16xi32>], vector<16xf32>,
          %add3A_1606 = arith.addf %gather3A_1605, %get3A_1602 : vector<16xf32>
          %broadcast_in_dim3A_1607 = arith.constant 24 : i32
          %broadcast_in_dim3A_1608 = vector.broadcast %broadcast_in_dim3A_1607 : i32 to vector<16xi32>
          %gather3A_1609 = tpu.vector_load_idx %arg7[%broadcast_in_dim3A_1608, %get3A_103] : memref<32x8xf32, #tpu.memory_space<vmem>>[vector<16xi32>, vector<16xi32>], vector<16xf32>,
          %add3A_1610 = arith.addf %gather3A_1609, %get3A_1602 : vector<16xf32>
          %broadcast_in_dim3A_1611 = arith.constant 24 : i32
          %broadcast_in_dim3A_1612 = vector.broadcast %broadcast_in_dim3A_1611 : i32 to vector<16xi32>
          %gather3A_1613 = tpu.vector_load_idx %arg7[%broadcast_in_dim3A_1612, %get3A_107] : memref<32x8xf32, #tpu.memory_space<vmem>>[vector<16xi32>, vector<16xi32>], vector<16xf32>,
          %add3A_1614 = arith.addf %gather3A_1613, %get3A_1602 : vector<16xf32>
          %broadcast_in_dim3A_1615 = arith.constant 24 : i32
          %broadcast_in_dim3A_1616 = vector.broadcast %broadcast_in_dim3A_1615 : i32 to vector<16xi32>
          %gather3A_1617 = tpu.vector_load_idx %arg7[%broadcast_in_dim3A_1616, %get3A_111] : memref<32x8xf32, #tpu.memory_space<vmem>>[vector<16xi32>, vector<16xi32>], vector<16xf32>,
          %add3A_1618 = arith.addf %gather3A_1617, %get3A_1602 : vector<16xf32>
          %get3A_1619 = arith.constant 3 : i32
          %get3A_1620 = arith.constant 1 : i32
          %get3A_1621 = arith.index_cast %get3A_1619 : i32 to index
          %get3A_1622 = arith.index_cast %get3A_1620 : i32 to index
          %get3A_1623 = arith.index_cast %add3A_96 : i32 to index
          %get3A_1624 = tpu.vector_load %arg8[%get3A_1621, %get3A_1622, %get3A_1623] {strides = array<i32>} : memref<4x8x2048xf32, #tpu.memory_space<vmem>>, vector<16xf32>,
          %broadcast_in_dim3A_1625 = arith.constant 25 : i32
          %broadcast_in_dim3A_1626 = vector.broadcast %broadcast_in_dim3A_1625 : i32 to vector<16xi32>
          %gather3A_1627 = tpu.vector_load_idx %arg7[%broadcast_in_dim3A_1626, %get3A_99] : memref<32x8xf32, #tpu.memory_space<vmem>>[vector<16xi32>, vector<16xi32>], vector<16xf32>,
          %add3A_1628 = arith.addf %gather3A_1627, %get3A_1624 : vector<16xf32>
          %broadcast_in_dim3A_1629 = arith.constant 25 : i32
          %broadcast_in_dim3A_1630 = vector.broadcast %broadcast_in_dim3A_1629 : i32 to vector<16xi32>
          %gather3A_1631 = tpu.vector_load_idx %arg7[%broadcast_in_dim3A_1630, %get3A_103] : memref<32x8xf32, #tpu.memory_space<vmem>>[vector<16xi32>, vector<16xi32>], vector<16xf32>,
          %add3A_1632 = arith.addf %gather3A_1631, %get3A_1624 : vector<16xf32>
          %broadcast_in_dim3A_1633 = arith.constant 25 : i32
          %broadcast_in_dim3A_1634 = vector.broadcast %broadcast_in_dim3A_1633 : i32 to vector<16xi32>
          %gather3A_1635 = tpu.vector_load_idx %arg7[%broadcast_in_dim3A_1634, %get3A_107] : memref<32x8xf32, #tpu.memory_space<vmem>>[vector<16xi32>, vector<16xi32>], vector<16xf32>,
          %add3A_1636 = arith.addf %gather3A_1635, %get3A_1624 : vector<16xf32>
          %broadcast_in_dim3A_1637 = arith.constant 25 : i32
          %broadcast_in_dim3A_1638 = vector.broadcast %broadcast_in_dim3A_1637 : i32 to vector<16xi32>
          %gather3A_1639 = tpu.vector_load_idx %arg7[%broadcast_in_dim3A_1638, %get3A_111] : memref<32x8xf32, #tpu.memory_space<vmem>>[vector<16xi32>, vector<16xi32>], vector<16xf32>,
          %add3A_1640 = arith.addf %gather3A_1639, %get3A_1624 : vector<16xf32>
          %get3A_1641 = arith.constant 3 : i32
          %get3A_1642 = arith.constant 2 : i32
          %get3A_1643 = arith.index_cast %get3A_1641 : i32 to index
          %get3A_1644 = arith.index_cast %get3A_1642 : i32 to index
          %get3A_1645 = arith.index_cast %add3A_96 : i32 to index
          %get3A_1646 = tpu.vector_load %arg8[%get3A_1643, %get3A_1644, %get3A_1645] {strides = array<i32>} : memref<4x8x2048xf32, #tpu.memory_space<vmem>>, vector<16xf32>,
          %broadcast_in_dim3A_1647 = arith.constant 26 : i32
          %broadcast_in_dim3A_1648 = vector.broadcast %broadcast_in_dim3A_1647 : i32 to vector<16xi32>
          %gather3A_1649 = tpu.vector_load_idx %arg7[%broadcast_in_dim3A_1648, %get3A_99] : memref<32x8xf32, #tpu.memory_space<vmem>>[vector<16xi32>, vector<16xi32>], vector<16xf32>,
          %add3A_1650 = arith.addf %gather3A_1649, %get3A_1646 : vector<16xf32>
          %broadcast_in_dim3A_1651 = arith.constant 26 : i32
          %broadcast_in_dim3A_1652 = vector.broadcast %broadcast_in_dim3A_1651 : i32 to vector<16xi32>
          %gather3A_1653 = tpu.vector_load_idx %arg7[%broadcast_in_dim3A_1652, %get3A_103] : memref<32x8xf32, #tpu.memory_space<vmem>>[vector<16xi32>, vector<16xi32>], vector<16xf32>,
          %add3A_1654 = arith.addf %gather3A_1653, %get3A_1646 : vector<16xf32>
          %broadcast_in_dim3A_1655 = arith.constant 26 : i32
          %broadcast_in_dim3A_1656 = vector.broadcast %broadcast_in_dim3A_1655 : i32 to vector<16xi32>
          %gather3A_1657 = tpu.vector_load_idx %arg7[%broadcast_in_dim3A_1656, %get3A_107] : memref<32x8xf32, #tpu.memory_space<vmem>>[vector<16xi32>, vector<16xi32>], vector<16xf32>,
          %add3A_1658 = arith.addf %gather3A_1657, %get3A_1646 : vector<16xf32>
          %broadcast_in_dim3A_1659 = arith.constant 26 : i32
          %broadcast_in_dim3A_1660 = vector.broadcast %broadcast_in_dim3A_1659 : i32 to vector<16xi32>
          %gather3A_1661 = tpu.vector_load_idx %arg7[%broadcast_in_dim3A_1660, %get3A_111] : memref<32x8xf32, #tpu.memory_space<vmem>>[vector<16xi32>, vector<16xi32>], vector<16xf32>,
          %add3A_1662 = arith.addf %gather3A_1661, %get3A_1646 : vector<16xf32>
          %get3A_1663 = arith.constant 3 : i32
          %get3A_1664 = arith.constant 3 : i32
          %get3A_1665 = arith.index_cast %get3A_1663 : i32 to index
          %get3A_1666 = arith.index_cast %get3A_1664 : i32 to index
          %get3A_1667 = arith.index_cast %add3A_96 : i32 to index
          %get3A_1668 = tpu.vector_load %arg8[%get3A_1665, %get3A_1666, %get3A_1667] {strides = array<i32>} : memref<4x8x2048xf32, #tpu.memory_space<vmem>>, vector<16xf32>,
          %broadcast_in_dim3A_1669 = arith.constant 27 : i32
          %broadcast_in_dim3A_1670 = vector.broadcast %broadcast_in_dim3A_1669 : i32 to vector<16xi32>
          %gather3A_1671 = tpu.vector_load_idx %arg7[%broadcast_in_dim3A_1670, %get3A_99] : memref<32x8xf32, #tpu.memory_space<vmem>>[vector<16xi32>, vector<16xi32>], vector<16xf32>,
          %add3A_1672 = arith.addf %gather3A_1671, %get3A_1668 : vector<16xf32>
          %broadcast_in_dim3A_1673 = arith.constant 27 : i32
          %broadcast_in_dim3A_1674 = vector.broadcast %broadcast_in_dim3A_1673 : i32 to vector<16xi32>
          %gather3A_1675 = tpu.vector_load_idx %arg7[%broadcast_in_dim3A_1674, %get3A_103] : memref<32x8xf32, #tpu.memory_space<vmem>>[vector<16xi32>, vector<16xi32>], vector<16xf32>,
          %add3A_1676 = arith.addf %gather3A_1675, %get3A_1668 : vector<16xf32>
          %broadcast_in_dim3A_1677 = arith.constant 27 : i32
          %broadcast_in_dim3A_1678 = vector.broadcast %broadcast_in_dim3A_1677 : i32 to vector<16xi32>
          %gather3A_1679 = tpu.vector_load_idx %arg7[%broadcast_in_dim3A_1678, %get3A_107] : memref<32x8xf32, #tpu.memory_space<vmem>>[vector<16xi32>, vector<16xi32>], vector<16xf32>,
          %add3A_1680 = arith.addf %gather3A_1679, %get3A_1668 : vector<16xf32>
          %broadcast_in_dim3A_1681 = arith.constant 27 : i32
          %broadcast_in_dim3A_1682 = vector.broadcast %broadcast_in_dim3A_1681 : i32 to vector<16xi32>
          %gather3A_1683 = tpu.vector_load_idx %arg7[%broadcast_in_dim3A_1682, %get3A_111] : memref<32x8xf32, #tpu.memory_space<vmem>>[vector<16xi32>, vector<16xi32>], vector<16xf32>,
          %add3A_1684 = arith.addf %gather3A_1683, %get3A_1668 : vector<16xf32>
          %mul3A_1685 = arith.constant 16 : i32
          %mul3A_1686 = arith.muli %scan3A_91, %mul3A_1685 : i32
          %swap3A_1687 = arith.constant 0 : i32
          %swap3A_1688 = arith.constant 3 : i32
          %swap3A_1689 = arith.constant 0 : i32
          %swap3A_1690 = arith.index_cast %swap3A_1687 : i32 to index
          %swap3A_1691 = arith.index_cast %swap3A_1688 : i32 to index
          %swap3A_1692 = arith.index_cast %swap3A_1689 : i32 to index
          %swap3A_1693 = arith.index_cast %mul3A_1686 : i32 to index
          %swap3A_1694 = tpu.vector_load %arg10[%swap3A_1690, %swap3A_1691, %swap3A_1692, %swap3A_1693] {strides = array<i32>} : memref<4x4x8x128xf32, #tpu.memory_space<vmem>>, vector<16xf32>,
          tpu.vector_store %arg10[%swap3A_1690, %swap3A_1691, %swap3A_1692, %swap3A_1693], %add3A_1606 {strides = array<i32>} : memref<4x4x8x128xf32, #tpu.memory_space<vmem>>, vector<16xf32>,
          %mul3A_1695 = arith.constant 16 : i32
          %mul3A_1696 = arith.muli %scan3A_91, %mul3A_1695 : i32
          %swap3A_1697 = arith.constant 1 : i32
          %swap3A_1698 = arith.constant 3 : i32
          %swap3A_1699 = arith.constant 0 : i32
          %swap3A_1700 = arith.index_cast %swap3A_1697 : i32 to index
          %swap3A_1701 = arith.index_cast %swap3A_1698 : i32 to index
          %swap3A_1702 = arith.index_cast %swap3A_1699 : i32 to index
          %swap3A_1703 = arith.index_cast %mul3A_1696 : i32 to index
          %swap3A_1704 = tpu.vector_load %arg10[%swap3A_1700, %swap3A_1701, %swap3A_1702, %swap3A_1703] {strides = array<i32>} : memref<4x4x8x128xf32, #tpu.memory_space<vmem>>, vector<16xf32>,
          tpu.vector_store %arg10[%swap3A_1700, %swap3A_1701, %swap3A_1702, %swap3A_1703], %add3A_1610 {strides = array<i32>} : memref<4x4x8x128xf32, #tpu.memory_space<vmem>>, vector<16xf32>,
          %mul3A_1705 = arith.constant 16 : i32
          %mul3A_1706 = arith.muli %scan3A_91, %mul3A_1705 : i32
          %swap3A_1707 = arith.constant 2 : i32
          %swap3A_1708 = arith.constant 3 : i32
          %swap3A_1709 = arith.constant 0 : i32
          %swap3A_1710 = arith.index_cast %swap3A_1707 : i32 to index
          %swap3A_1711 = arith.index_cast %swap3A_1708 : i32 to index
          %swap3A_1712 = arith.index_cast %swap3A_1709 : i32 to index
          %swap3A_1713 = arith.index_cast %mul3A_1706 : i32 to index
          %swap3A_1714 = tpu.vector_load %arg10[%swap3A_1710, %swap3A_1711, %swap3A_1712, %swap3A_1713] {strides = array<i32>} : memref<4x4x8x128xf32, #tpu.memory_space<vmem>>, vector<16xf32>,
          tpu.vector_store %arg10[%swap3A_1710, %swap3A_1711, %swap3A_1712, %swap3A_1713], %add3A_1614 {strides = array<i32>} : memref<4x4x8x128xf32, #tpu.memory_space<vmem>>, vector<16xf32>,
          %mul3A_1715 = arith.constant 16 : i32
          %mul3A_1716 = arith.muli %scan3A_91, %mul3A_1715 : i32
          %swap3A_1717 = arith.constant 3 : i32
          %swap3A_1718 = arith.constant 3 : i32
          %swap3A_1719 = arith.constant 0 : i32
          %swap3A_1720 = arith.index_cast %swap3A_1717 : i32 to index
          %swap3A_1721 = arith.index_cast %swap3A_1718 : i32 to index
          %swap3A_1722 = arith.index_cast %swap3A_1719 : i32 to index
          %swap3A_1723 = arith.index_cast %mul3A_1716 : i32 to index
          %swap3A_1724 = tpu.vector_load %arg10[%swap3A_1720, %swap3A_1721, %swap3A_1722, %swap3A_1723] {strides = array<i32>} : memref<4x4x8x128xf32, #tpu.memory_space<vmem>>, vector<16xf32>,
          tpu.vector_store %arg10[%swap3A_1720, %swap3A_1721, %swap3A_1722, %swap3A_1723], %add3A_1618 {strides = array<i32>} : memref<4x4x8x128xf32, #tpu.memory_space<vmem>>, vector<16xf32>,
          %mul3A_1725 = arith.constant 16 : i32
          %mul3A_1726 = arith.muli %scan3A_91, %mul3A_1725 : i32
          %swap3A_1727 = arith.constant 0 : i32
          %swap3A_1728 = arith.constant 3 : i32
          %swap3A_1729 = arith.constant 1 : i32
          %swap3A_1730 = arith.index_cast %swap3A_1727 : i32 to index
          %swap3A_1731 = arith.index_cast %swap3A_1728 : i32 to index
          %swap3A_1732 = arith.index_cast %swap3A_1729 : i32 to index
          %swap3A_1733 = arith.index_cast %mul3A_1726 : i32 to index
          %swap3A_1734 = tpu.vector_load %arg10[%swap3A_1730, %swap3A_1731, %swap3A_1732, %swap3A_1733] {strides = array<i32>} : memref<4x4x8x128xf32, #tpu.memory_space<vmem>>, vector<16xf32>,
          tpu.vector_store %arg10[%swap3A_1730, %swap3A_1731, %swap3A_1732, %swap3A_1733], %add3A_1628 {strides = array<i32>} : memref<4x4x8x128xf32, #tpu.memory_space<vmem>>, vector<16xf32>,
          %mul3A_1735 = arith.constant 16 : i32
          %mul3A_1736 = arith.muli %scan3A_91, %mul3A_1735 : i32
          %swap3A_1737 = arith.constant 1 : i32
          %swap3A_1738 = arith.constant 3 : i32
          %swap3A_1739 = arith.constant 1 : i32
          %swap3A_1740 = arith.index_cast %swap3A_1737 : i32 to index
          %swap3A_1741 = arith.index_cast %swap3A_1738 : i32 to index
          %swap3A_1742 = arith.index_cast %swap3A_1739 : i32 to index
          %swap3A_1743 = arith.index_cast %mul3A_1736 : i32 to index
          %swap3A_1744 = tpu.vector_load %arg10[%swap3A_1740, %swap3A_1741, %swap3A_1742, %swap3A_1743] {strides = array<i32>} : memref<4x4x8x128xf32, #tpu.memory_space<vmem>>, vector<16xf32>,
          tpu.vector_store %arg10[%swap3A_1740, %swap3A_1741, %swap3A_1742, %swap3A_1743], %add3A_1632 {strides = array<i32>} : memref<4x4x8x128xf32, #tpu.memory_space<vmem>>, vector<16xf32>,
          %mul3A_1745 = arith.constant 16 : i32
          %mul3A_1746 = arith.muli %scan3A_91, %mul3A_1745 : i32
          %swap3A_1747 = arith.constant 2 : i32
          %swap3A_1748 = arith.constant 3 : i32
          %swap3A_1749 = arith.constant 1 : i32
          %swap3A_1750 = arith.index_cast %swap3A_1747 : i32 to index
          %swap3A_1751 = arith.index_cast %swap3A_1748 : i32 to index
          %swap3A_1752 = arith.index_cast %swap3A_1749 : i32 to index
          %swap3A_1753 = arith.index_cast %mul3A_1746 : i32 to index
          %swap3A_1754 = tpu.vector_load %arg10[%swap3A_1750, %swap3A_1751, %swap3A_1752, %swap3A_1753] {strides = array<i32>} : memref<4x4x8x128xf32, #tpu.memory_space<vmem>>, vector<16xf32>,
          tpu.vector_store %arg10[%swap3A_1750, %swap3A_1751, %swap3A_1752, %swap3A_1753], %add3A_1636 {strides = array<i32>} : memref<4x4x8x128xf32, #tpu.memory_space<vmem>>, vector<16xf32>,
          %mul3A_1755 = arith.constant 16 : i32
          %mul3A_1756 = arith.muli %scan3A_91, %mul3A_1755 : i32
          %swap3A_1757 = arith.constant 3 : i32
          %swap3A_1758 = arith.constant 3 : i32
          %swap3A_1759 = arith.constant 1 : i32
          %swap3A_1760 = arith.index_cast %swap3A_1757 : i32 to index
          %swap3A_1761 = arith.index_cast %swap3A_1758 : i32 to index
          %swap3A_1762 = arith.index_cast %swap3A_1759 : i32 to index
          %swap3A_1763 = arith.index_cast %mul3A_1756 : i32 to index
          %swap3A_1764 = tpu.vector_load %arg10[%swap3A_1760, %swap3A_1761, %swap3A_1762, %swap3A_1763] {strides = array<i32>} : memref<4x4x8x128xf32, #tpu.memory_space<vmem>>, vector<16xf32>,
          tpu.vector_store %arg10[%swap3A_1760, %swap3A_1761, %swap3A_1762, %swap3A_1763], %add3A_1640 {strides = array<i32>} : memref<4x4x8x128xf32, #tpu.memory_space<vmem>>, vector<16xf32>,
          %mul3A_1765 = arith.constant 16 : i32
          %mul3A_1766 = arith.muli %scan3A_91, %mul3A_1765 : i32
          %swap3A_1767 = arith.constant 0 : i32
          %swap3A_1768 = arith.constant 3 : i32
          %swap3A_1769 = arith.constant 2 : i32
          %swap3A_1770 = arith.index_cast %swap3A_1767 : i32 to index
          %swap3A_1771 = arith.index_cast %swap3A_1768 : i32 to index
          %swap3A_1772 = arith.index_cast %swap3A_1769 : i32 to index
          %swap3A_1773 = arith.index_cast %mul3A_1766 : i32 to index
          %swap3A_1774 = tpu.vector_load %arg10[%swap3A_1770, %swap3A_1771, %swap3A_1772, %swap3A_1773] {strides = array<i32>} : memref<4x4x8x128xf32, #tpu.memory_space<vmem>>, vector<16xf32>,
          tpu.vector_store %arg10[%swap3A_1770, %swap3A_1771, %swap3A_1772, %swap3A_1773], %add3A_1650 {strides = array<i32>} : memref<4x4x8x128xf32, #tpu.memory_space<vmem>>, vector<16xf32>,
          %mul3A_1775 = arith.constant 16 : i32
          %mul3A_1776 = arith.muli %scan3A_91, %mul3A_1775 : i32
          %swap3A_1777 = arith.constant 1 : i32
          %swap3A_1778 = arith.constant 3 : i32
          %swap3A_1779 = arith.constant 2 : i32
          %swap3A_1780 = arith.index_cast %swap3A_1777 : i32 to index
          %swap3A_1781 = arith.index_cast %swap3A_1778 : i32 to index
          %swap3A_1782 = arith.index_cast %swap3A_1779 : i32 to index
          %swap3A_1783 = arith.index_cast %mul3A_1776 : i32 to index
          %swap3A_1784 = tpu.vector_load %arg10[%swap3A_1780, %swap3A_1781, %swap3A_1782, %swap3A_1783] {strides = array<i32>} : memref<4x4x8x128xf32, #tpu.memory_space<vmem>>, vector<16xf32>,
          tpu.vector_store %arg10[%swap3A_1780, %swap3A_1781, %swap3A_1782, %swap3A_1783], %add3A_1654 {strides = array<i32>} : memref<4x4x8x128xf32, #tpu.memory_space<vmem>>, vector<16xf32>,
          %mul3A_1785 = arith.constant 16 : i32
          %mul3A_1786 = arith.muli %scan3A_91, %mul3A_1785 : i32
          %swap3A_1787 = arith.constant 2 : i32
          %swap3A_1788 = arith.constant 3 : i32
          %swap3A_1789 = arith.constant 2 : i32
          %swap3A_1790 = arith.index_cast %swap3A_1787 : i32 to index
          %swap3A_1791 = arith.index_cast %swap3A_1788 : i32 to index
          %swap3A_1792 = arith.index_cast %swap3A_1789 : i32 to index
          %swap3A_1793 = arith.index_cast %mul3A_1786 : i32 to index
          %swap3A_1794 = tpu.vector_load %arg10[%swap3A_1790, %swap3A_1791, %swap3A_1792, %swap3A_1793] {strides = array<i32>} : memref<4x4x8x128xf32, #tpu.memory_space<vmem>>, vector<16xf32>,
          tpu.vector_store %arg10[%swap3A_1790, %swap3A_1791, %swap3A_1792, %swap3A_1793], %add3A_1658 {strides = array<i32>} : memref<4x4x8x128xf32, #tpu.memory_space<vmem>>, vector<16xf32>,
          %mul3A_1795 = arith.constant 16 : i32
          %mul3A_1796 = arith.muli %scan3A_91, %mul3A_1795 : i32
          %swap3A_1797 = arith.constant 3 : i32
          %swap3A_1798 = arith.constant 3 : i32
          %swap3A_1799 = arith.constant 2 : i32
          %swap3A_1800 = arith.index_cast %swap3A_1797 : i32 to index
          %swap3A_1801 = arith.index_cast %swap3A_1798 : i32 to index
          %swap3A_1802 = arith.index_cast %swap3A_1799 : i32 to index
          %swap3A_1803 = arith.index_cast %mul3A_1796 : i32 to index
          %swap3A_1804 = tpu.vector_load %arg10[%swap3A_1800, %swap3A_1801, %swap3A_1802, %swap3A_1803] {strides = array<i32>} : memref<4x4x8x128xf32, #tpu.memory_space<vmem>>, vector<16xf32>,
          tpu.vector_store %arg10[%swap3A_1800, %swap3A_1801, %swap3A_1802, %swap3A_1803], %add3A_1662 {strides = array<i32>} : memref<4x4x8x128xf32, #tpu.memory_space<vmem>>, vector<16xf32>,
          %mul3A_1805 = arith.constant 16 : i32
          %mul3A_1806 = arith.muli %scan3A_91, %mul3A_1805 : i32
          %swap3A_1807 = arith.constant 0 : i32
          %swap3A_1808 = arith.constant 3 : i32
          %swap3A_1809 = arith.constant 3 : i32
          %swap3A_1810 = arith.index_cast %swap3A_1807 : i32 to index
          %swap3A_1811 = arith.index_cast %swap3A_1808 : i32 to index
          %swap3A_1812 = arith.index_cast %swap3A_1809 : i32 to index
          %swap3A_1813 = arith.index_cast %mul3A_1806 : i32 to index
          %swap3A_1814 = tpu.vector_load %arg10[%swap3A_1810, %swap3A_1811, %swap3A_1812, %swap3A_1813] {strides = array<i32>} : memref<4x4x8x128xf32, #tpu.memory_space<vmem>>, vector<16xf32>,
          tpu.vector_store %arg10[%swap3A_1810, %swap3A_1811, %swap3A_1812, %swap3A_1813], %add3A_1672 {strides = array<i32>} : memref<4x4x8x128xf32, #tpu.memory_space<vmem>>, vector<16xf32>,
          %mul3A_1815 = arith.constant 16 : i32
          %mul3A_1816 = arith.muli %scan3A_91, %mul3A_1815 : i32
          %swap3A_1817 = arith.constant 1 : i32
          %swap3A_1818 = arith.constant 3 : i32
          %swap3A_1819 = arith.constant 3 : i32
          %swap3A_1820 = arith.index_cast %swap3A_1817 : i32 to index
          %swap3A_1821 = arith.index_cast %swap3A_1818 : i32 to index
          %swap3A_1822 = arith.index_cast %swap3A_1819 : i32 to index
          %swap3A_1823 = arith.index_cast %mul3A_1816 : i32 to index
          %swap3A_1824 = tpu.vector_load %arg10[%swap3A_1820, %swap3A_1821, %swap3A_1822, %swap3A_1823] {strides = array<i32>} : memref<4x4x8x128xf32, #tpu.memory_space<vmem>>, vector<16xf32>,
          tpu.vector_store %arg10[%swap3A_1820, %swap3A_1821, %swap3A_1822, %swap3A_1823], %add3A_1676 {strides = array<i32>} : memref<4x4x8x128xf32, #tpu.memory_space<vmem>>, vector<16xf32>,
          %mul3A_1825 = arith.constant 16 : i32
          %mul3A_1826 = arith.muli %scan3A_91, %mul3A_1825 : i32
          %swap3A_1827 = arith.constant 2 : i32
          %swap3A_1828 = arith.constant 3 : i32
          %swap3A_1829 = arith.constant 3 : i32
          %swap3A_1830 = arith.index_cast %swap3A_1827 : i32 to index
          %swap3A_1831 = arith.index_cast %swap3A_1828 : i32 to index
          %swap3A_1832 = arith.index_cast %swap3A_1829 : i32 to index
          %swap3A_1833 = arith.index_cast %mul3A_1826 : i32 to index
          %swap3A_1834 = tpu.vector_load %arg10[%swap3A_1830, %swap3A_1831, %swap3A_1832, %swap3A_1833] {strides = array<i32>} : memref<4x4x8x128xf32, #tpu.memory_space<vmem>>, vector<16xf32>,
          tpu.vector_store %arg10[%swap3A_1830, %swap3A_1831, %swap3A_1832, %swap3A_1833], %add3A_1680 {strides = array<i32>} : memref<4x4x8x128xf32, #tpu.memory_space<vmem>>, vector<16xf32>,
          %mul3A_1835 = arith.constant 16 : i32
          %mul3A_1836 = arith.muli %scan3A_91, %mul3A_1835 : i32
          %swap3A_1837 = arith.constant 3 : i32
          %swap3A_1838 = arith.constant 3 : i32
          %swap3A_1839 = arith.constant 3 : i32
          %swap3A_1840 = arith.index_cast %swap3A_1837 : i32 to index
          %swap3A_1841 = arith.index_cast %swap3A_1838 : i32 to index
          %swap3A_1842 = arith.index_cast %swap3A_1839 : i32 to index
          %swap3A_1843 = arith.index_cast %mul3A_1836 : i32 to index
          %swap3A_1844 = tpu.vector_load %arg10[%swap3A_1840, %swap3A_1841, %swap3A_1842, %swap3A_1843] {strides = array<i32>} : memref<4x4x8x128xf32, #tpu.memory_space<vmem>>, vector<16xf32>,
          tpu.vector_store %arg10[%swap3A_1840, %swap3A_1841, %swap3A_1842, %swap3A_1843], %add3A_1684 {strides = array<i32>} : memref<4x4x8x128xf32, #tpu.memory_space<vmem>>, vector<16xf32>,
          %get3A_1845 = arith.constant 3 : i32
          %get3A_1846 = arith.constant 4 : i32
          %get3A_1847 = arith.index_cast %get3A_1845 : i32 to index
          %get3A_1848 = arith.index_cast %get3A_1846 : i32 to index
          %get3A_1849 = arith.index_cast %add3A_96 : i32 to index
          %get3A_1850 = tpu.vector_load %arg8[%get3A_1847, %get3A_1848, %get3A_1849] {strides = array<i32>} : memref<4x8x2048xf32, #tpu.memory_space<vmem>>, vector<16xf32>,
          %broadcast_in_dim3A_1851 = arith.constant 28 : i32
          %broadcast_in_dim3A_1852 = vector.broadcast %broadcast_in_dim3A_1851 : i32 to vector<16xi32>
          %gather3A_1853 = tpu.vector_load_idx %arg7[%broadcast_in_dim3A_1852, %get3A_99] : memref<32x8xf32, #tpu.memory_space<vmem>>[vector<16xi32>, vector<16xi32>], vector<16xf32>,
          %add3A_1854 = arith.addf %gather3A_1853, %get3A_1850 : vector<16xf32>
          %broadcast_in_dim3A_1855 = arith.constant 28 : i32
          %broadcast_in_dim3A_1856 = vector.broadcast %broadcast_in_dim3A_1855 : i32 to vector<16xi32>
          %gather3A_1857 = tpu.vector_load_idx %arg7[%broadcast_in_dim3A_1856, %get3A_103] : memref<32x8xf32, #tpu.memory_space<vmem>>[vector<16xi32>, vector<16xi32>], vector<16xf32>,
          %add3A_1858 = arith.addf %gather3A_1857, %get3A_1850 : vector<16xf32>
          %broadcast_in_dim3A_1859 = arith.constant 28 : i32
          %broadcast_in_dim3A_1860 = vector.broadcast %broadcast_in_dim3A_1859 : i32 to vector<16xi32>
          %gather3A_1861 = tpu.vector_load_idx %arg7[%broadcast_in_dim3A_1860, %get3A_107] : memref<32x8xf32, #tpu.memory_space<vmem>>[vector<16xi32>, vector<16xi32>], vector<16xf32>,
          %add3A_1862 = arith.addf %gather3A_1861, %get3A_1850 : vector<16xf32>
          %broadcast_in_dim3A_1863 = arith.constant 28 : i32
          %broadcast_in_dim3A_1864 = vector.broadcast %broadcast_in_dim3A_1863 : i32 to vector<16xi32>
          %gather3A_1865 = tpu.vector_load_idx %arg7[%broadcast_in_dim3A_1864, %get3A_111] : memref<32x8xf32, #tpu.memory_space<vmem>>[vector<16xi32>, vector<16xi32>], vector<16xf32>,
          %add3A_1866 = arith.addf %gather3A_1865, %get3A_1850 : vector<16xf32>
          %get3A_1867 = arith.constant 3 : i32
          %get3A_1868 = arith.constant 5 : i32
          %get3A_1869 = arith.index_cast %get3A_1867 : i32 to index
          %get3A_1870 = arith.index_cast %get3A_1868 : i32 to index
          %get3A_1871 = arith.index_cast %add3A_96 : i32 to index
          %get3A_1872 = tpu.vector_load %arg8[%get3A_1869, %get3A_1870, %get3A_1871] {strides = array<i32>} : memref<4x8x2048xf32, #tpu.memory_space<vmem>>, vector<16xf32>,
          %broadcast_in_dim3A_1873 = arith.constant 29 : i32
          %broadcast_in_dim3A_1874 = vector.broadcast %broadcast_in_dim3A_1873 : i32 to vector<16xi32>
          %gather3A_1875 = tpu.vector_load_idx %arg7[%broadcast_in_dim3A_1874, %get3A_99] : memref<32x8xf32, #tpu.memory_space<vmem>>[vector<16xi32>, vector<16xi32>], vector<16xf32>,
          %add3A_1876 = arith.addf %gather3A_1875, %get3A_1872 : vector<16xf32>
          %broadcast_in_dim3A_1877 = arith.constant 29 : i32
          %broadcast_in_dim3A_1878 = vector.broadcast %broadcast_in_dim3A_1877 : i32 to vector<16xi32>
          %gather3A_1879 = tpu.vector_load_idx %arg7[%broadcast_in_dim3A_1878, %get3A_103] : memref<32x8xf32, #tpu.memory_space<vmem>>[vector<16xi32>, vector<16xi32>], vector<16xf32>,
          %add3A_1880 = arith.addf %gather3A_1879, %get3A_1872 : vector<16xf32>
          %broadcast_in_dim3A_1881 = arith.constant 29 : i32
          %broadcast_in_dim3A_1882 = vector.broadcast %broadcast_in_dim3A_1881 : i32 to vector<16xi32>
          %gather3A_1883 = tpu.vector_load_idx %arg7[%broadcast_in_dim3A_1882, %get3A_107] : memref<32x8xf32, #tpu.memory_space<vmem>>[vector<16xi32>, vector<16xi32>], vector<16xf32>,
          %add3A_1884 = arith.addf %gather3A_1883, %get3A_1872 : vector<16xf32>
          %broadcast_in_dim3A_1885 = arith.constant 29 : i32
          %broadcast_in_dim3A_1886 = vector.broadcast %broadcast_in_dim3A_1885 : i32 to vector<16xi32>
          %gather3A_1887 = tpu.vector_load_idx %arg7[%broadcast_in_dim3A_1886, %get3A_111] : memref<32x8xf32, #tpu.memory_space<vmem>>[vector<16xi32>, vector<16xi32>], vector<16xf32>,
          %add3A_1888 = arith.addf %gather3A_1887, %get3A_1872 : vector<16xf32>
          %get3A_1889 = arith.constant 3 : i32
          %get3A_1890 = arith.constant 6 : i32
          %get3A_1891 = arith.index_cast %get3A_1889 : i32 to index
          %get3A_1892 = arith.index_cast %get3A_1890 : i32 to index
          %get3A_1893 = arith.index_cast %add3A_96 : i32 to index
          %get3A_1894 = tpu.vector_load %arg8[%get3A_1891, %get3A_1892, %get3A_1893] {strides = array<i32>} : memref<4x8x2048xf32, #tpu.memory_space<vmem>>, vector<16xf32>,
          %broadcast_in_dim3A_1895 = arith.constant 30 : i32
          %broadcast_in_dim3A_1896 = vector.broadcast %broadcast_in_dim3A_1895 : i32 to vector<16xi32>
          %gather3A_1897 = tpu.vector_load_idx %arg7[%broadcast_in_dim3A_1896, %get3A_99] : memref<32x8xf32, #tpu.memory_space<vmem>>[vector<16xi32>, vector<16xi32>], vector<16xf32>,
          %add3A_1898 = arith.addf %gather3A_1897, %get3A_1894 : vector<16xf32>
          %broadcast_in_dim3A_1899 = arith.constant 30 : i32
          %broadcast_in_dim3A_1900 = vector.broadcast %broadcast_in_dim3A_1899 : i32 to vector<16xi32>
          %gather3A_1901 = tpu.vector_load_idx %arg7[%broadcast_in_dim3A_1900, %get3A_103] : memref<32x8xf32, #tpu.memory_space<vmem>>[vector<16xi32>, vector<16xi32>], vector<16xf32>,
          %add3A_1902 = arith.addf %gather3A_1901, %get3A_1894 : vector<16xf32>
          %broadcast_in_dim3A_1903 = arith.constant 30 : i32
          %broadcast_in_dim3A_1904 = vector.broadcast %broadcast_in_dim3A_1903 : i32 to vector<16xi32>
          %gather3A_1905 = tpu.vector_load_idx %arg7[%broadcast_in_dim3A_1904, %get3A_107] : memref<32x8xf32, #tpu.memory_space<vmem>>[vector<16xi32>, vector<16xi32>], vector<16xf32>,
          %add3A_1906 = arith.addf %gather3A_1905, %get3A_1894 : vector<16xf32>
          %broadcast_in_dim3A_1907 = arith.constant 30 : i32
          %broadcast_in_dim3A_1908 = vector.broadcast %broadcast_in_dim3A_1907 : i32 to vector<16xi32>
          %gather3A_1909 = tpu.vector_load_idx %arg7[%broadcast_in_dim3A_1908, %get3A_111] : memref<32x8xf32, #tpu.memory_space<vmem>>[vector<16xi32>, vector<16xi32>], vector<16xf32>,
          %add3A_1910 = arith.addf %gather3A_1909, %get3A_1894 : vector<16xf32>
          %get3A_1911 = arith.constant 3 : i32
          %get3A_1912 = arith.constant 7 : i32
          %get3A_1913 = arith.index_cast %get3A_1911 : i32 to index
          %get3A_1914 = arith.index_cast %get3A_1912 : i32 to index
          %get3A_1915 = arith.index_cast %add3A_96 : i32 to index
          %get3A_1916 = tpu.vector_load %arg8[%get3A_1913, %get3A_1914, %get3A_1915] {strides = array<i32>} : memref<4x8x2048xf32, #tpu.memory_space<vmem>>, vector<16xf32>,
          %broadcast_in_dim3A_1917 = arith.constant 31 : i32
          %broadcast_in_dim3A_1918 = vector.broadcast %broadcast_in_dim3A_1917 : i32 to vector<16xi32>
          %gather3A_1919 = tpu.vector_load_idx %arg7[%broadcast_in_dim3A_1918, %get3A_99] : memref<32x8xf32, #tpu.memory_space<vmem>>[vector<16xi32>, vector<16xi32>], vector<16xf32>,
          %add3A_1920 = arith.addf %gather3A_1919, %get3A_1916 : vector<16xf32>
          %broadcast_in_dim3A_1921 = arith.constant 31 : i32
          %broadcast_in_dim3A_1922 = vector.broadcast %broadcast_in_dim3A_1921 : i32 to vector<16xi32>
          %gather3A_1923 = tpu.vector_load_idx %arg7[%broadcast_in_dim3A_1922, %get3A_103] : memref<32x8xf32, #tpu.memory_space<vmem>>[vector<16xi32>, vector<16xi32>], vector<16xf32>,
          %add3A_1924 = arith.addf %gather3A_1923, %get3A_1916 : vector<16xf32>
          %broadcast_in_dim3A_1925 = arith.constant 31 : i32
          %broadcast_in_dim3A_1926 = vector.broadcast %broadcast_in_dim3A_1925 : i32 to vector<16xi32>
          %gather3A_1927 = tpu.vector_load_idx %arg7[%broadcast_in_dim3A_1926, %get3A_107] : memref<32x8xf32, #tpu.memory_space<vmem>>[vector<16xi32>, vector<16xi32>], vector<16xf32>,
          %add3A_1928 = arith.addf %gather3A_1927, %get3A_1916 : vector<16xf32>
          %broadcast_in_dim3A_1929 = arith.constant 31 : i32
          %broadcast_in_dim3A_1930 = vector.broadcast %broadcast_in_dim3A_1929 : i32 to vector<16xi32>
          %gather3A_1931 = tpu.vector_load_idx %arg7[%broadcast_in_dim3A_1930, %get3A_111] : memref<32x8xf32, #tpu.memory_space<vmem>>[vector<16xi32>, vector<16xi32>], vector<16xf32>,
          %add3A_1932 = arith.addf %gather3A_1931, %get3A_1916 : vector<16xf32>
          %mul3A_1933 = arith.constant 16 : i32
          %mul3A_1934 = arith.muli %scan3A_91, %mul3A_1933 : i32
          %swap3A_1935 = arith.constant 0 : i32
          %swap3A_1936 = arith.constant 3 : i32
          %swap3A_1937 = arith.constant 4 : i32
          %swap3A_1938 = arith.index_cast %swap3A_1935 : i32 to index
          %swap3A_1939 = arith.index_cast %swap3A_1936 : i32 to index
          %swap3A_1940 = arith.index_cast %swap3A_1937 : i32 to index
          %swap3A_1941 = arith.index_cast %mul3A_1934 : i32 to index
          %swap3A_1942 = tpu.vector_load %arg10[%swap3A_1938, %swap3A_1939, %swap3A_1940, %swap3A_1941] {strides = array<i32>} : memref<4x4x8x128xf32, #tpu.memory_space<vmem>>, vector<16xf32>,
          tpu.vector_store %arg10[%swap3A_1938, %swap3A_1939, %swap3A_1940, %swap3A_1941], %add3A_1854 {strides = array<i32>} : memref<4x4x8x128xf32, #tpu.memory_space<vmem>>, vector<16xf32>,
          %mul3A_1943 = arith.constant 16 : i32
          %mul3A_1944 = arith.muli %scan3A_91, %mul3A_1943 : i32
          %swap3A_1945 = arith.constant 1 : i32
          %swap3A_1946 = arith.constant 3 : i32
          %swap3A_1947 = arith.constant 4 : i32
          %swap3A_1948 = arith.index_cast %swap3A_1945 : i32 to index
          %swap3A_1949 = arith.index_cast %swap3A_1946 : i32 to index
          %swap3A_1950 = arith.index_cast %swap3A_1947 : i32 to index
          %swap3A_1951 = arith.index_cast %mul3A_1944 : i32 to index
          %swap3A_1952 = tpu.vector_load %arg10[%swap3A_1948, %swap3A_1949, %swap3A_1950, %swap3A_1951] {strides = array<i32>} : memref<4x4x8x128xf32, #tpu.memory_space<vmem>>, vector<16xf32>,
          tpu.vector_store %arg10[%swap3A_1948, %swap3A_1949, %swap3A_1950, %swap3A_1951], %add3A_1858 {strides = array<i32>} : memref<4x4x8x128xf32, #tpu.memory_space<vmem>>, vector<16xf32>,
          %mul3A_1953 = arith.constant 16 : i32
          %mul3A_1954 = arith.muli %scan3A_91, %mul3A_1953 : i32
          %swap3A_1955 = arith.constant 2 : i32
          %swap3A_1956 = arith.constant 3 : i32
          %swap3A_1957 = arith.constant 4 : i32
          %swap3A_1958 = arith.index_cast %swap3A_1955 : i32 to index
          %swap3A_1959 = arith.index_cast %swap3A_1956 : i32 to index
          %swap3A_1960 = arith.index_cast %swap3A_1957 : i32 to index
          %swap3A_1961 = arith.index_cast %mul3A_1954 : i32 to index
          %swap3A_1962 = tpu.vector_load %arg10[%swap3A_1958, %swap3A_1959, %swap3A_1960, %swap3A_1961] {strides = array<i32>} : memref<4x4x8x128xf32, #tpu.memory_space<vmem>>, vector<16xf32>,
          tpu.vector_store %arg10[%swap3A_1958, %swap3A_1959, %swap3A_1960, %swap3A_1961], %add3A_1862 {strides = array<i32>} : memref<4x4x8x128xf32, #tpu.memory_space<vmem>>, vector<16xf32>,
          %mul3A_1963 = arith.constant 16 : i32
          %mul3A_1964 = arith.muli %scan3A_91, %mul3A_1963 : i32
          %swap3A_1965 = arith.constant 3 : i32
          %swap3A_1966 = arith.constant 3 : i32
          %swap3A_1967 = arith.constant 4 : i32
          %swap3A_1968 = arith.index_cast %swap3A_1965 : i32 to index
          %swap3A_1969 = arith.index_cast %swap3A_1966 : i32 to index
          %swap3A_1970 = arith.index_cast %swap3A_1967 : i32 to index
          %swap3A_1971 = arith.index_cast %mul3A_1964 : i32 to index
          %swap3A_1972 = tpu.vector_load %arg10[%swap3A_1968, %swap3A_1969, %swap3A_1970, %swap3A_1971] {strides = array<i32>} : memref<4x4x8x128xf32, #tpu.memory_space<vmem>>, vector<16xf32>,
          tpu.vector_store %arg10[%swap3A_1968, %swap3A_1969, %swap3A_1970, %swap3A_1971], %add3A_1866 {strides = array<i32>} : memref<4x4x8x128xf32, #tpu.memory_space<vmem>>, vector<16xf32>,
          %mul3A_1973 = arith.constant 16 : i32
          %mul3A_1974 = arith.muli %scan3A_91, %mul3A_1973 : i32
          %swap3A_1975 = arith.constant 0 : i32
          %swap3A_1976 = arith.constant 3 : i32
          %swap3A_1977 = arith.constant 5 : i32
          %swap3A_1978 = arith.index_cast %swap3A_1975 : i32 to index
          %swap3A_1979 = arith.index_cast %swap3A_1976 : i32 to index
          %swap3A_1980 = arith.index_cast %swap3A_1977 : i32 to index
          %swap3A_1981 = arith.index_cast %mul3A_1974 : i32 to index
          %swap3A_1982 = tpu.vector_load %arg10[%swap3A_1978, %swap3A_1979, %swap3A_1980, %swap3A_1981] {strides = array<i32>} : memref<4x4x8x128xf32, #tpu.memory_space<vmem>>, vector<16xf32>,
          tpu.vector_store %arg10[%swap3A_1978, %swap3A_1979, %swap3A_1980, %swap3A_1981], %add3A_1876 {strides = array<i32>} : memref<4x4x8x128xf32, #tpu.memory_space<vmem>>, vector<16xf32>,
          %mul3A_1983 = arith.constant 16 : i32
          %mul3A_1984 = arith.muli %scan3A_91, %mul3A_1983 : i32
          %swap3A_1985 = arith.constant 1 : i32
          %swap3A_1986 = arith.constant 3 : i32
          %swap3A_1987 = arith.constant 5 : i32
          %swap3A_1988 = arith.index_cast %swap3A_1985 : i32 to index
          %swap3A_1989 = arith.index_cast %swap3A_1986 : i32 to index
          %swap3A_1990 = arith.index_cast %swap3A_1987 : i32 to index
          %swap3A_1991 = arith.index_cast %mul3A_1984 : i32 to index
          %swap3A_1992 = tpu.vector_load %arg10[%swap3A_1988, %swap3A_1989, %swap3A_1990, %swap3A_1991] {strides = array<i32>} : memref<4x4x8x128xf32, #tpu.memory_space<vmem>>, vector<16xf32>,
          tpu.vector_store %arg10[%swap3A_1988, %swap3A_1989, %swap3A_1990, %swap3A_1991], %add3A_1880 {strides = array<i32>} : memref<4x4x8x128xf32, #tpu.memory_space<vmem>>, vector<16xf32>,
          %mul3A_1993 = arith.constant 16 : i32
          %mul3A_1994 = arith.muli %scan3A_91, %mul3A_1993 : i32
          %swap3A_1995 = arith.constant 2 : i32
          %swap3A_1996 = arith.constant 3 : i32
          %swap3A_1997 = arith.constant 5 : i32
          %swap3A_1998 = arith.index_cast %swap3A_1995 : i32 to index
          %swap3A_1999 = arith.index_cast %swap3A_1996 : i32 to index
          %swap3A_2000 = arith.index_cast %swap3A_1997 : i32 to index
          %swap3A_2001 = arith.index_cast %mul3A_1994 : i32 to index
          %swap3A_2002 = tpu.vector_load %arg10[%swap3A_1998, %swap3A_1999, %swap3A_2000, %swap3A_2001] {strides = array<i32>} : memref<4x4x8x128xf32, #tpu.memory_space<vmem>>, vector<16xf32>,
          tpu.vector_store %arg10[%swap3A_1998, %swap3A_1999, %swap3A_2000, %swap3A_2001], %add3A_1884 {strides = array<i32>} : memref<4x4x8x128xf32, #tpu.memory_space<vmem>>, vector<16xf32>,
          %mul3A_2003 = arith.constant 16 : i32
          %mul3A_2004 = arith.muli %scan3A_91, %mul3A_2003 : i32
          %swap3A_2005 = arith.constant 3 : i32
          %swap3A_2006 = arith.constant 3 : i32
          %swap3A_2007 = arith.constant 5 : i32
          %swap3A_2008 = arith.index_cast %swap3A_2005 : i32 to index
          %swap3A_2009 = arith.index_cast %swap3A_2006 : i32 to index
          %swap3A_2010 = arith.index_cast %swap3A_2007 : i32 to index
          %swap3A_2011 = arith.index_cast %mul3A_2004 : i32 to index
          %swap3A_2012 = tpu.vector_load %arg10[%swap3A_2008, %swap3A_2009, %swap3A_2010, %swap3A_2011] {strides = array<i32>} : memref<4x4x8x128xf32, #tpu.memory_space<vmem>>, vector<16xf32>,
          tpu.vector_store %arg10[%swap3A_2008, %swap3A_2009, %swap3A_2010, %swap3A_2011], %add3A_1888 {strides = array<i32>} : memref<4x4x8x128xf32, #tpu.memory_space<vmem>>, vector<16xf32>,
          %mul3A_2013 = arith.constant 16 : i32
          %mul3A_2014 = arith.muli %scan3A_91, %mul3A_2013 : i32
          %swap3A_2015 = arith.constant 0 : i32
          %swap3A_2016 = arith.constant 3 : i32
          %swap3A_2017 = arith.constant 6 : i32
          %swap3A_2018 = arith.index_cast %swap3A_2015 : i32 to index
          %swap3A_2019 = arith.index_cast %swap3A_2016 : i32 to index
          %swap3A_2020 = arith.index_cast %swap3A_2017 : i32 to index
          %swap3A_2021 = arith.index_cast %mul3A_2014 : i32 to index
          %swap3A_2022 = tpu.vector_load %arg10[%swap3A_2018, %swap3A_2019, %swap3A_2020, %swap3A_2021] {strides = array<i32>} : memref<4x4x8x128xf32, #tpu.memory_space<vmem>>, vector<16xf32>,
          tpu.vector_store %arg10[%swap3A_2018, %swap3A_2019, %swap3A_2020, %swap3A_2021], %add3A_1898 {strides = array<i32>} : memref<4x4x8x128xf32, #tpu.memory_space<vmem>>, vector<16xf32>,
          %mul3A_2023 = arith.constant 16 : i32
          %mul3A_2024 = arith.muli %scan3A_91, %mul3A_2023 : i32
          %swap3A_2025 = arith.constant 1 : i32
          %swap3A_2026 = arith.constant 3 : i32
          %swap3A_2027 = arith.constant 6 : i32
          %swap3A_2028 = arith.index_cast %swap3A_2025 : i32 to index
          %swap3A_2029 = arith.index_cast %swap3A_2026 : i32 to index
          %swap3A_2030 = arith.index_cast %swap3A_2027 : i32 to index
          %swap3A_2031 = arith.index_cast %mul3A_2024 : i32 to index
          %swap3A_2032 = tpu.vector_load %arg10[%swap3A_2028, %swap3A_2029, %swap3A_2030, %swap3A_2031] {strides = array<i32>} : memref<4x4x8x128xf32, #tpu.memory_space<vmem>>, vector<16xf32>,
          tpu.vector_store %arg10[%swap3A_2028, %swap3A_2029, %swap3A_2030, %swap3A_2031], %add3A_1902 {strides = array<i32>} : memref<4x4x8x128xf32, #tpu.memory_space<vmem>>, vector<16xf32>,
          %mul3A_2033 = arith.constant 16 : i32
          %mul3A_2034 = arith.muli %scan3A_91, %mul3A_2033 : i32
          %swap3A_2035 = arith.constant 2 : i32
          %swap3A_2036 = arith.constant 3 : i32
          %swap3A_2037 = arith.constant 6 : i32
          %swap3A_2038 = arith.index_cast %swap3A_2035 : i32 to index
          %swap3A_2039 = arith.index_cast %swap3A_2036 : i32 to index
          %swap3A_2040 = arith.index_cast %swap3A_2037 : i32 to index
          %swap3A_2041 = arith.index_cast %mul3A_2034 : i32 to index
          %swap3A_2042 = tpu.vector_load %arg10[%swap3A_2038, %swap3A_2039, %swap3A_2040, %swap3A_2041] {strides = array<i32>} : memref<4x4x8x128xf32, #tpu.memory_space<vmem>>, vector<16xf32>,
          tpu.vector_store %arg10[%swap3A_2038, %swap3A_2039, %swap3A_2040, %swap3A_2041], %add3A_1906 {strides = array<i32>} : memref<4x4x8x128xf32, #tpu.memory_space<vmem>>, vector<16xf32>,
          %mul3A_2043 = arith.constant 16 : i32
          %mul3A_2044 = arith.muli %scan3A_91, %mul3A_2043 : i32
          %swap3A_2045 = arith.constant 3 : i32
          %swap3A_2046 = arith.constant 3 : i32
          %swap3A_2047 = arith.constant 6 : i32
          %swap3A_2048 = arith.index_cast %swap3A_2045 : i32 to index
          %swap3A_2049 = arith.index_cast %swap3A_2046 : i32 to index
          %swap3A_2050 = arith.index_cast %swap3A_2047 : i32 to index
          %swap3A_2051 = arith.index_cast %mul3A_2044 : i32 to index
          %swap3A_2052 = tpu.vector_load %arg10[%swap3A_2048, %swap3A_2049, %swap3A_2050, %swap3A_2051] {strides = array<i32>} : memref<4x4x8x128xf32, #tpu.memory_space<vmem>>, vector<16xf32>,
          tpu.vector_store %arg10[%swap3A_2048, %swap3A_2049, %swap3A_2050, %swap3A_2051], %add3A_1910 {strides = array<i32>} : memref<4x4x8x128xf32, #tpu.memory_space<vmem>>, vector<16xf32>,
          %mul3A_2053 = arith.constant 16 : i32
          %mul3A_2054 = arith.muli %scan3A_91, %mul3A_2053 : i32
          %swap3A_2055 = arith.constant 0 : i32
          %swap3A_2056 = arith.constant 3 : i32
          %swap3A_2057 = arith.constant 7 : i32
          %swap3A_2058 = arith.index_cast %swap3A_2055 : i32 to index
          %swap3A_2059 = arith.index_cast %swap3A_2056 : i32 to index
          %swap3A_2060 = arith.index_cast %swap3A_2057 : i32 to index
          %swap3A_2061 = arith.index_cast %mul3A_2054 : i32 to index
          %swap3A_2062 = tpu.vector_load %arg10[%swap3A_2058, %swap3A_2059, %swap3A_2060, %swap3A_2061] {strides = array<i32>} : memref<4x4x8x128xf32, #tpu.memory_space<vmem>>, vector<16xf32>,
          tpu.vector_store %arg10[%swap3A_2058, %swap3A_2059, %swap3A_2060, %swap3A_2061], %add3A_1920 {strides = array<i32>} : memref<4x4x8x128xf32, #tpu.memory_space<vmem>>, vector<16xf32>,
          %mul3A_2063 = arith.constant 16 : i32
          %mul3A_2064 = arith.muli %scan3A_91, %mul3A_2063 : i32
          %swap3A_2065 = arith.constant 1 : i32
          %swap3A_2066 = arith.constant 3 : i32
          %swap3A_2067 = arith.constant 7 : i32
          %swap3A_2068 = arith.index_cast %swap3A_2065 : i32 to index
          %swap3A_2069 = arith.index_cast %swap3A_2066 : i32 to index
          %swap3A_2070 = arith.index_cast %swap3A_2067 : i32 to index
          %swap3A_2071 = arith.index_cast %mul3A_2064 : i32 to index
          %swap3A_2072 = tpu.vector_load %arg10[%swap3A_2068, %swap3A_2069, %swap3A_2070, %swap3A_2071] {strides = array<i32>} : memref<4x4x8x128xf32, #tpu.memory_space<vmem>>, vector<16xf32>,
          tpu.vector_store %arg10[%swap3A_2068, %swap3A_2069, %swap3A_2070, %swap3A_2071], %add3A_1924 {strides = array<i32>} : memref<4x4x8x128xf32, #tpu.memory_space<vmem>>, vector<16xf32>,
          %mul3A_2073 = arith.constant 16 : i32
          %mul3A_2074 = arith.muli %scan3A_91, %mul3A_2073 : i32
          %swap3A_2075 = arith.constant 2 : i32
          %swap3A_2076 = arith.constant 3 : i32
          %swap3A_2077 = arith.constant 7 : i32
          %swap3A_2078 = arith.index_cast %swap3A_2075 : i32 to index
          %swap3A_2079 = arith.index_cast %swap3A_2076 : i32 to index
          %swap3A_2080 = arith.index_cast %swap3A_2077 : i32 to index
          %swap3A_2081 = arith.index_cast %mul3A_2074 : i32 to index
          %swap3A_2082 = tpu.vector_load %arg10[%swap3A_2078, %swap3A_2079, %swap3A_2080, %swap3A_2081] {strides = array<i32>} : memref<4x4x8x128xf32, #tpu.memory_space<vmem>>, vector<16xf32>,
          tpu.vector_store %arg10[%swap3A_2078, %swap3A_2079, %swap3A_2080, %swap3A_2081], %add3A_1928 {strides = array<i32>} : memref<4x4x8x128xf32, #tpu.memory_space<vmem>>, vector<16xf32>,
          %mul3A_2083 = arith.constant 16 : i32
          %mul3A_2084 = arith.muli %scan3A_91, %mul3A_2083 : i32
          %swap3A_2085 = arith.constant 3 : i32
          %swap3A_2086 = arith.constant 3 : i32
          %swap3A_2087 = arith.constant 7 : i32
          %swap3A_2088 = arith.index_cast %swap3A_2085 : i32 to index
          %swap3A_2089 = arith.index_cast %swap3A_2086 : i32 to index
          %swap3A_2090 = arith.index_cast %swap3A_2087 : i32 to index
          %swap3A_2091 = arith.index_cast %mul3A_2084 : i32 to index
          %swap3A_2092 = tpu.vector_load %arg10[%swap3A_2088, %swap3A_2089, %swap3A_2090, %swap3A_2091] {strides = array<i32>} : memref<4x4x8x128xf32, #tpu.memory_space<vmem>>, vector<16xf32>,
          tpu.vector_store %arg10[%swap3A_2088, %swap3A_2089, %swap3A_2090, %swap3A_2091], %add3A_1932 {strides = array<i32>} : memref<4x4x8x128xf32, #tpu.memory_space<vmem>>, vector<16xf32>,
        }
        %scan3A_80 = arith.constant 8 : i32
        %dma_start3A_81 = arith.constant 0 : i32
        %dma_start3A_82 = arith.constant 0 : i32
        %dma_start3A_83 = arith.constant 0 : i32
        %dma_start3A_84 = tpu.memref_slice %arg5[%add3A_32, %dma_start3A_81, %add3A_66, %dma_start3A_82, %dma_start3A_83] : memref<4096x4x16x8x128xf32, #tpu.memory_space<hbm>> -> memref<4x4x1x8x128xf32, #tpu.memory_space<hbm>>
        %dma_start3A_85 = tpu.memref_squeeze %dma_start3A_84 : memref<4x4x1x8x128xf32, #tpu.memory_space<hbm>> -> memref<4x4x8x128xf32, #tpu.memory_space<hbm>>
        %dma_start3A_86 = arith.constant 0 : i32
        %dma_start3A_87 = arith.constant 0 : i32
        %dma_start3A_88 = arith.constant 0 : i32
        %dma_start3A_89 = tpu.memref_slice %arg5[%add3A_32, %dma_start3A_86, %add3A_66, %dma_start3A_87, %dma_start3A_88] : memref<4096x4x16x8x128xf32, #tpu.memory_space<hbm>> -> memref<4x4x1x8x128xf32, #tpu.memory_space<hbm>>
        %dma_start3A_90 = tpu.memref_squeeze %dma_start3A_89 : memref<4x4x1x8x128xf32, #tpu.memory_space<hbm>> -> memref<4x4x8x128xf32, #tpu.memory_space<hbm>>
        tpu.enqueue_dma source(%arg10 : memref<4x4x8x128xf32, #tpu.memory_space<vmem>>) target(%dma_start3A_90 : memref<4x4x8x128xf32, #tpu.memory_space<hbm>>) target_semaphore(%arg12 : memref<!tpu.dma_semaphore, #tpu.memory_space<semaphore_mem>>)
      }
      %scan3A_38 = arith.constant 8 : i32
    }
    %scan3A_7 = arith.constant 32 : i32
    %dma_wait3A = arith.constant 0 : i32
    %dma_wait3A_8 = arith.constant 0 : i32
    %dma_wait3A_9 = arith.constant 0 : i32
    %dma_wait3A_10 = arith.constant 0 : i32
    %dma_wait3A_11 = tpu.memref_slice %arg5[%mul3A_2, %dma_wait3A_8, %dma_wait3A, %dma_wait3A_9, %dma_wait3A_10] : memref<4096x4x16x8x128xf32, #tpu.memory_space<hbm>> -> memref<4x4x1x8x128xf32, #tpu.memory_space<hbm>>
    %dma_wait3A_12 = tpu.memref_squeeze %dma_wait3A_11 : memref<4x4x1x8x128xf32, #tpu.memory_space<hbm>> -> memref<4x4x8x128xf32, #tpu.memory_space<hbm>>
    %dma_wait3A_13 = arith.constant 0 : i32
    %dma_wait3A_14 = arith.constant 0 : i32
    %dma_wait3A_15 = arith.constant 0 : i32
    %dma_wait3A_16 = tpu.memref_slice %arg5[%mul3A_2, %dma_wait3A_13, %dma_wait3A, %dma_wait3A_14, %dma_wait3A_15] : memref<4096x4x16x8x128xf32, #tpu.memory_space<hbm>> -> memref<4x4x1x8x128xf32, #tpu.memory_space<hbm>>
    %dma_wait3A_17 = tpu.memref_squeeze %dma_wait3A_16 : memref<4x4x1x8x128xf32, #tpu.memory_space<hbm>> -> memref<4x4x8x128xf32, #tpu.memory_space<hbm>>
    tpu.wait_dma2 semaphore(%arg11 : memref<!tpu.dma_semaphore, #tpu.memory_space<semaphore_mem>>) src(%arg9 : memref<4x4x8x128xf32, #tpu.memory_space<vmem>>) dst(%dma_wait3A_17 : memref<4x4x8x128xf32, #tpu.memory_space<hbm>>)
    %dma_wait3A_18 = arith.constant 1 : i32
    %dma_wait3A_19 = arith.constant 0 : i32
    %dma_wait3A_20 = arith.constant 0 : i32
    %dma_wait3A_21 = arith.constant 0 : i32
    %dma_wait3A_22 = tpu.memref_slice %arg5[%mul3A_2, %dma_wait3A_19, %dma_wait3A_18, %dma_wait3A_20, %dma_wait3A_21] : memref<4096x4x16x8x128xf32, #tpu.memory_space<hbm>> -> memref<4x4x1x8x128xf32, #tpu.memory_space<hbm>>
    %dma_wait3A_23 = tpu.memref_squeeze %dma_wait3A_22 : memref<4x4x1x8x128xf32, #tpu.memory_space<hbm>> -> memref<4x4x8x128xf32, #tpu.memory_space<hbm>>
    %dma_wait3A_24 = arith.constant 0 : i32
    %dma_wait3A_25 = arith.constant 0 : i32
    %dma_wait3A_26 = arith.constant 0 : i32
    %dma_wait3A_27 = tpu.memref_slice %arg5[%mul3A_2, %dma_wait3A_24, %dma_wait3A_18, %dma_wait3A_25, %dma_wait3A_26] : memref<4096x4x16x8x128xf32, #tpu.memory_space<hbm>> -> memref<4x4x1x8x128xf32, #tpu.memory_space<hbm>>
    %dma_wait3A_28 = tpu.memref_squeeze %dma_wait3A_27 : memref<4x4x1x8x128xf32, #tpu.memory_space<hbm>> -> memref<4x4x8x128xf32, #tpu.memory_space<hbm>>
    tpu.wait_dma2 semaphore(%arg12 : memref<!tpu.dma_semaphore, #tpu.memory_space<semaphore_mem>>) src(%arg10 : memref<4x4x8x128xf32, #tpu.memory_space<vmem>>) dst(%dma_wait3A_28 : memref<4x4x8x128xf32, #tpu.memory_space<hbm>>)
    return
  }
}

</mosaic_0001>

<sc_bundles>
// kernel: kernel.3.cloned.1.call-start
scs
__scs_entry_jumppad:
0x0: {  	(pc) =	sbr.rel $0x88, $3  }
0x1: {  	(tag) =	ssettag $0x0;
	lr =	simm.s32 $0x1  }
0x2: {  	[smem:$0x3F9E] =	sst lr;
	_ =	strace $0xD0000000  }
0x3: {  	_ = 	snop  }
0x4: {  	_ = 	snop  }
0x5: {  	_ = 	snop  }
0x6: {  	_ = 	snop  }
0x7: {  	_ = 	snop  }
__scs_overlays_trampoline_lowered:
0x8: {  	[smem:$0x3FAD] =	sst s0  }
0x9: {  	[smem:$0x3FAE] =	sst s1  }
0xa: {  	[smem:$0x3FAF] =	sst s2  }
0xb: {  	[smem:$0x3FB0] =	sst s3  }
0xc: {  	[smem:$0x3FB1] =	sst s4  }
0xd: {  	[smem:$0x3FB2] =	sst s5  }
0xe: {  	[smem:$0x3FB3] =	sst s6  }
0xf: {  	[smem:$0x3FB4] =	sst s7  }
0x10: {  	[smem:$0x3FB5] =	sst s8  }
0x11: {  	[smem:$0x3FB6] =	sst s9;
	s0 =	simm.s32 @!p0 $0x0  }
0x12: {  	s1 =	sld [smem:$0x3F9C];
	s0 =	simm.s32 @p0 $0x1  }
0x13: {  	[smem:$0x3FB7] =	sst s0;
	s0 =	simm.s32 @!p1 $0x0  }
0x14: {  	s2 =	sld [smem:$0x3F9B];
	s0 =	simm.s32 @p1 $0x1  }
0x15: {  	[smem:$0x3FB8] =	sst s0;
	s0 =	simm.s32 @!p2 $0x0  }
0x16: {  	s3 =	sld [smem:$0x3FDB];
	s0 =	simm.s32 @p2 $0x1  }
0x17: {  	s4 =	simm.s32 $0x1BF5;
	[smem:$0x3FBA] =	sst s0  }
0x18: {  	s0 =	sld [smem:$0x3F9D];
	_ =	swait.ge [sflag:s4], $0x0  }
0x19: {  	s7 =	sld [smem:$0x3F9E]  }
0x1a: {  	s8 =	sadd.s32 $0xFFFFE003, lr  }
0x1b: {  	s9 =	sadd.s32 $0xFFFFFEF7, lr;
	s5 =	simm.s32 $0xFFFFFFFF;
	p2 =	slt.u32 s8, $0xFFFFF086  }
0x1c: {  	p1 =	slt.u32 s9, $0xF7A;
	s5 =	simm.s32 @!p2 $0x0  }
0x1d: {  	s5 =	simm.s32 @p1 $0x1;
	p0 =	seq.s32 s7, s2  }
0x1e: {  	s7 =	smul.u32 @!p0 $0xF7A, s2;
	p2 =	seq.s32 @!p0 s5, $0x0  }
0x1f: {  	s9 =	smul.u32 $0xF7A, s1;
	s8 =	simm.s32 @!p0 $0x1BF5;
	p2 =	por !p2, p0  }
0x20: {  	[sflag:s8] =	ssyncset.s32 @!p0 $0xFFFFF086;
	s6 =	sadd.s32 @!p0 s3, s7;
	s7 =	simm.s32 @!p0 $0x108  }
0x21: {  	s3 =	sadd.s32 s3, s9;
	s6 =	sadd.s32 @!p0 $0x88, s6;
	s7 =	simm.s32 @p2 $0x1082  }
0x22: {  	[simem:s7], [sflag:s8] =	dma.local @!p0 [hbm:s6], $0xF7A  }
0x23: {  	s9 =	sor.u32 $0xD0000000, s2;
	s6 =	simm.s32 $0x108;
	_ =	swait.ge @!p0 [sflag:s8], $0x0  }
0x24: {  	s3 =	sadd.s32 $0x88, s3;
	s6 =	simm.s32 @!p1 $0x1082;
	[sflag:s4] =	ssyncset.s32 $0xFFFFF086  }
0x25: {  	[simem:s6], [sflag:s4] =	dma.local [hbm:s3], $0xF7A  }
0x26: {  	[smem:$0x3F9E] =	sst s1;
	(tag) =	ssettag s2;
	_ =	strace s9  }
0x27: {  	s1 =	sld [smem:$0x3FAE]  }
0x28: {  	s2 =	sld [smem:$0x3FAF]  }
0x29: {  	s4 =	sld [smem:$0x3FB1]  }
0x2a: {  	p0 =	seq.s32 s5, $0x0;
	s5 =	sld [smem:$0x3FB2]  }
0x2b: {  	s6 =	sld [smem:$0x3FB3]  }
0x2c: {  	s7 =	sld [smem:$0x3FB4]  }
0x2d: {  	s3 =	simm.s32 $0x108;
	s8 =	sld [smem:$0x3FB5]  }
0x2e: {  	s3 =	simm.s32 @!p0 $0x1082;
	s9 =	sld [smem:$0x3FB6]  }
0x2f: {  	lr =	sadd.s32 s0, s3;
	s0 =	sld [smem:$0x3FAD]  }
0x30: {  	s3 =	sld [smem:$0x3FB0]  }
0x31: {  	[smem:$0x3FB9] =	sst s10  }
0x32: {  	s10 =	sld [smem:$0x3FB7];
	_ =	sdelay $0x3  }
0x33: {  	p0 =	seq.s32 s10, $0x1;
	s10 =	sld [smem:$0x3FB9];
	_ =	sdelay $0x3  }
0x34: {  	[smem:$0x3FB9] =	sst s10  }
0x35: {  	s10 =	sld [smem:$0x3FB8];
	_ =	sdelay $0x3  }
0x36: {  	p1 =	seq.s32 s10, $0x1;
	s10 =	sld [smem:$0x3FB9];
	_ =	sdelay $0x3  }
0x37: {  	[smem:$0x3FB9] =	sst s10  }
0x38: {  	s10 =	sld [smem:$0x3FBA]  }
0x39: {  	_ = 	snop;
	(pc) =	sbr.ind lr, $3  }
0x3a: {  	_ = 	snop  }
0x3b: {  	_ = 	snop  }
0x3c: {  	p2 =	seq.s32 s10, $0x1;
	s10 =	sld [smem:$0x3FB9]  }
0x3d: {  	_ =	shalt  }
0x3e: {  	_ =	shalt  }
0x3f: {  	_ =	shalt  }
0x40: {  	_ =	shalt  }
0x41: {  	_ =	shalt  }
0x42: {  	_ =	shalt  }
0x43: {  	_ =	shalt  }
0x44: {  	_ =	shalt  }
0x45: {  	_ =	shalt  }
0x46: {  	_ =	shalt  }
0x47: {  	_ =	shalt  }
0x48: {  	_ =	shalt  }
0x49: {  	_ =	shalt  }
0x4a: {  	_ =	shalt  }
0x4b: {  	_ =	shalt  }
0x4c: {  	_ =	shalt  }
0x4d: {  	_ =	shalt  }
0x4e: {  	_ =	shalt  }
0x4f: {  	_ =	shalt  }
0x50: {  	_ =	shalt  }
0x51: {  	_ =	shalt  }
0x52: {  	_ =	shalt  }
0x53: {  	_ =	shalt  }
0x54: {  	_ =	shalt  }
0x55: {  	_ =	shalt  }
0x56: {  	_ =	shalt  }
0x57: {  	_ =	shalt  }
0x58: {  	_ =	shalt  }
0x59: {  	_ =	shalt  }
0x5a: {  	_ =	shalt  }
0x5b: {  	_ =	shalt  }
0x5c: {  	_ =	shalt  }
0x5d: {  	_ =	shalt  }
0x5e: {  	_ =	shalt  }
0x5f: {  	_ =	shalt  }
0x60: {  	_ =	shalt  }
0x61: {  	_ =	shalt  }
0x62: {  	_ =	shalt  }
0x63: {  	_ =	shalt  }
0x64: {  	_ =	shalt  }
0x65: {  	_ =	shalt  }
0x66: {  	_ =	shalt  }
0x67: {  	_ =	shalt  }
0x68: {  	_ =	shalt  }
0x69: {  	_ =	shalt  }
0x6a: {  	_ =	shalt  }
0x6b: {  	_ =	shalt  }
0x6c: {  	_ =	shalt  }
0x6d: {  	_ =	shalt  }
0x6e: {  	_ =	shalt  }
0x6f: {  	_ =	shalt  }
0x70: {  	_ =	shalt  }
0x71: {  	_ =	shalt  }
0x72: {  	_ =	shalt  }
0x73: {  	_ =	shalt  }
0x74: {  	_ =	shalt  }
0x75: {  	_ =	shalt  }
0x76: {  	_ =	shalt  }
0x77: {  	_ =	shalt  }
0x78: {  	_ =	shalt  }
0x79: {  	_ =	shalt  }
0x7a: {  	_ =	shalt  }
0x7b: {  	_ =	shalt  }
0x7c: {  	_ =	shalt  }
0x7d: {  	_ =	shalt  }
0x7e: {  	_ =	shalt  }
0x7f: {  	_ =	shalt  }
0x80: {  	_ =	shalt  }
0x81: {  	_ =	shalt  }
0x82: {  	_ =	shalt  }
0x83: {  	_ =	shalt  }
0x84: {  	_ =	shalt  }
0x85: {  	_ =	shalt  }
0x86: {  	_ =	shalt  }
0x87: {  	_ =	shalt  }
.Lfunc_end0:
.L_simem_size_0:
called_computation.1_lowered:
.L_overlay_start_0:
0x88: {  	s2 =	sld [smem:$0x3FD9]  }
0x89: {  	s3 =	sld [smem:$0x3FFE];
	_ =	sdelay $0x1  }
0x8a: {  	s1 =	srdreg.scid  }
0x8b: {  	s0 =	sand.u32 $0x1, s1  }
0x8c: {  	s17 =	sshll.u32 s0, $0xA;
	s2 =	sadd.s32 s3, s2  }
0x8d: {  	s2 =	sadd.s32 s2, s17  }
0x8e: {  	[smem:$0x3FC5] =	sst s2  }
0x8f: {  	_ = 	snop  }
0x90: {  	s2 =	sld [smem:$0x3FD0];
	(tm) =	ssettm $0x1  }
0x91: {  	s18 =	sld [smem:$0x3FFB];
	_ =	sdelay $0x3  }
0x92: {  	_ =	strace s18  }
0x93: {  	s3 =	sld [smem:$0x3FFC];
	_ =	sdelay $0x3  }
0x94: {  	_ =	strace s3  }
0x95: {  	s3 =	sld [smem:$0x3FFD];
	_ =	sdelay $0x3  }
0x96: {  	_ =	strace s3  }
0x97: {  	_ =	strace $0x8FFFFFFF  }
0x98: {  	s19 =	sld [smem:$0x3FDB];
	_ =	sdelay $0x1  }
0x99: {  	s4 =	simm.s32 $_scs_section_size  }
0x9a: {  	s5 =	simm.s32 $_size__tile_overlayer_lowered;
	s6 =	simm.s32 $_tile_overlayer_lowered  }
0x9b: {  	s22 =	simm.s32 $0x1BFF;
	s21 =	sshll.u32 s6, $0x1;
	s3 =	sadd.s32 s4, s19  }
0x9c: {  	s7 =	simm.s32 $0x0;
	s20 =	sshll.u32 s5, $0x1;
	s5 =	sadd.s32 s21, s3  }
0x9d: {  	[timem:s7], [sflag:s22] =	dma.local [hbm:s5], s20  }
0x9e: {  	_ =	swait.ge [sflag:s22], s20  }
0x9f: {  	s4 =	ssub.s32 $0x0, s20;
	[sflag:s22] =	ssyncset.done $0x0  }
0xa0: {  	[sflag:s22] =	ssyncadd.s32 s4;
	_ =	sdelay $0x1  }
0xa1: {  	s23 =	simm.s32 $0x1B8B  }
0xa2: {  	_ =	swait.ge [sflag:s23], $0x1  }
0xa3: {  	[sflag:s23] =	ssyncset.done $0x0  }
0xa4: {  	s25 =	simm.s32 $0x1B8E;
	s24 =	sld [smem:$0x3FFE];
	[sflag:s23] =	ssyncadd.s32 $0xFFFFFFFF  }
0xa5: {  	s26 =	simm.s32 $execute0_lowered;
	[smem:$0x3FD2] =	sst s25  }
0xa6: {  	s5 =	sshll.u32 s26, $0x1;
	_ =	strace $0x80000049;
	[dreg:$0x1] =	wrdreg $0xFFFFFFFF  }
0xa7: {  	s28 =	simm.s32 $_size_execute0_lowered;
	s3 =	sadd.s32 s3, s5;
	[dreg:$0x0] =	wrdreg $0x0  }
0xa8: {  	s5 =	sshll.u32 s28, $0x1;
	[dreg:$0x2] =	wrdreg s3  }
0xa9: {  	[dreg:$0x3] =	wrdreg s5  }
0xaa: {  	[dreg:$0x4] =	wrdreg $0xC0  }
0xab: {  	_ =	task [dreg:s7], $0x5FFFF  }
0xac: {  	[dreg:$0x1] =	wrdreg $0xFFFFFFFF  }
0xad: {  	[dreg:$0x0] =	wrdreg $0x60  }
0xae: {  	[dreg:$0x2] =	wrdreg s24  }
0xaf: {  	[dreg:$0x3] =	wrdreg s2  }
0xb0: {  	[dreg:$0x4] =	wrdreg $0x9  }
0xb1: {  	_ =	task.clear_ibuf [dreg:s7], $0x5FFFF;
	_ =	strace $0x90000049  }
0xb2: {  	s29 =	simm.s32 $0x9;
	_ =	strace $0x8000004B  }
0xb3: {  	_ =	swait.ge [sflag:s29], $0x1  }
0xb4: {  	[sflag:s29] =	ssyncadd.s32 $0xFFFFFFFF  }
0xb5: {  	_ =	strace $0x9000004B  }
0xb6: {  	_ =	sfence  }
0xb7: {  	s30 =	sld [smem:$0x0];
	_ =	sdelay $0x2  }
0xb8: {  	s31 =	sshll.u32 s1, $0xD;
	s1 =	sshrl.u32 s1, $0x2  }
0xb9: {  	s3 =	sand.u32 $0x4000, s31;
	s1 =	sadd.s32 s1, s30  }
0xba: {  	s0 =	sor.u32 s3, s0;
	s1 =	sshll.u32 s1, $0x11  }
0xbb: {  	s0 =	sor.u32 s1, s0  }
0xbc: {  	s0 =	sadd.s32 $0x8F2B, s0  }
0xbd: {  	[sflag:s0] =	ssyncadd.remote.s32 $0x1  }
0xbe: {  	_ =	sfence.sel $0xFFFF  }
0xbf: {  	[dreg:$0x0] =	wrdreg $0xFFFFFFFF;
	(pc) =	sbr.abs _section_cstart, $3  }
0xc0: {  	[dreg:$0x1] =	wrdreg $0xFFFFFFFF  }
0xc1: {  	_ =	task.clear_ibuf [dreg:s7], $0x2FFFF;
	_ =	strace $0x9FFFFFFF  }
0xc2: {  	(tm) =	ssettm $0x7FFFFFFF  }
0xc3: {  	_ =	shalt  }
tec
execute0_lowered:
.L_overlay_start_1:
0x0: {  	(tag) =	ssettag $0x1  }
0x1: {  	s3 =	rddreg [dreg:$0x0]  }
0x2: {  	s1 =	rddreg [dreg:$0x1]  }
0x3: {  	s0 =	rddreg [dreg:$0x2];
	s2 =	simm.s32 $0x0;
	s4 =	srdreg.scid  }
0x4: {  	s10 =	simm.s32 $0x3;
	s11 =	simm.s32 $0x2100;
	s12 =	simm.s32 $0x400  }
0x5: {  	s13 =	simm.s32 $0x4000;
	s14 =	simm.s32 $0x12100;
	s15 =	simm.s32 $0x16100  }
0x6: {  	s16 =	simm.s32 $0x1;
	s17 =	simm.s32 $0x2;
	s18 =	simm.s32 $0x0  }
0x7: {  	[smem:$0x7FF] =	sst s2;
	s7 =	sand.u32 $0x1, s4;
	s4 =	sadd.s32 $0x100C00, s3  }
0x8: {  	s5 =	sadd.s32 $0x100E00, s3;
	s6 =	sadd.s32 $0xC00, s3;
	s8 =	ssub.s32 $0x2, s7  }
0x9: {  	s3 =	stileid.u32;
	_ =	strace $0x8000004A;
	s9 =	sshrl.u32 s8, $0x1  }
0xa: {  	s31 =	sshll.u32 s3, $0x8;
	s7 =	sshll.u32 s7, $0x7;
	s8 =	ssub.s32 s8, s9  }
0xb: {  	s7 =	sor.u32 s7, s31;
	s9 =	simm.s32 $0x2000;
	s8 =	smax.u32 s8, $0x1  }
.LBB2_1:
0xc: {  	[tilespmem:s9], [sflag:$0x3] =	stream.linear.gather [hbm4b:s4+s2], $0x100, $0x38;
	[tilespmem:$0x1A100] =	vst v63  }
0xd: {  	_ =	swait.ge [sflag:s10], $0x100  }
0xe: {  	[sflag:s10] =	ssyncset.done $0x0  }
0xf: {  	[sflag:s10] =	ssyncadd.s32 $0xFFFFFF00  }
0x10: {  	[tilespmem:s11], [sflag:$0x3] =	stream.linear.gather [hbm4b:s5+s2], $0x10000, $0x38;
	[tilespmem:$0x1A100] =	vst v63  }
0x11: {  	_ =	swait.ge [sflag:s10], $0x10000  }
0x12: {  	[sflag:s10] =	ssyncset.done $0x0  }
0x13: {  	s19 =	simm.s32 $0x0;
	[sflag:s10] =	ssyncadd.s32 $0xFFFF0000  }
.LBB2_2:
0x14: {  	s20 =	sshll.u32 s19, $0x2  }
0x15: {  	s21 =	sadd.s32 s7, s20  }
0x16: {  	s20 =	sshll.u32 s21, $0x8  }
0x17: {  	s22 =	sadd.s32 s6, s20;
	s20 =	simm.s32 $0x0  }
0x18: {  	[tilespmem:s20], [sflag:$0x3] =	stream.linear.gather [hbm4b:s22+s20], $0x2000, $0x38;
	[tilespmem:$0x1A100] =	vst v63  }
0x19: {  	_ =	swait.ge [sflag:s10], $0x2000  }
0x1a: {  	s23 =	simm.s32 $0x1000;
	s24 =	simm.s32 $0x1080;
	[sflag:s10] =	ssyncset.done $0x0  }
0x1b: {  	s21 =	sshll.u32 s21, $0x10;
	s22 =	simm.s32 $0x2100;
	[sflag:s10] =	ssyncadd.s32 $0xFFFFE000  }
.LBB2_3:
0x1c: {  	s25 =	sor.u32 s19, s20  }
0x1d: {  	p0 =	seq.s32 s25, $0x0  }
0x1e: {  	v1 =	vmov s23;
	s26 =	simm.s32 @!p0 $0x1  }
0x1f: {  	_ =	swait.ge @!p0 [sflag:s26], $0x4000  }
0x20: {  	[sflag:s26] =	ssyncset.done @!p0 $0x0  }
0x21: {  	v0 =	vmov s22;
	s25 =	sshll.u32 s20, $0x1;
	[sflag:s26] =	ssyncadd.s32 @!p0 $0xFFFFC000;
	s26 =	simm.s32 $0x0  }
.LBB2_4:
0x22: {  	s28 =	sshra.s32 s26, $0x2  }
0x23: {  	v5 =	vld.idx.msk [tilespmem:v1+s28+$0xFFFFF000 ss:$0x1], $0xffff  }
0x24: {  	v4 =	vld.idx.msk [tilespmem:v1+s28+$0xFFFFF800 ss:$0x1], $0xffff  }
0x25: {  	v3 =	vld.idx.msk [tilespmem:v1+s28+$0x0 ss:$0x1], $0xffff  }
0x26: {  	v2 =	vld.idx.msk [tilespmem:v1+s28+$0x800 ss:$0x1], $0xffff  }
0x27: {  	v6 =	vld.idx.msk [tilespmem:v0+s28+$0x0 ss:$0x1], $0xffff  }
0x28: {  	v15 =	vld.idx.msk [tilespmem:v0+s28+$0x800 ss:$0x1], $0xffff  }
0x29: {  	v20 =	vld.idx.msk [tilespmem:v0+s28+$0x1000 ss:$0x1], $0xffff  }
0x2a: {  	v25 =	vld.idx.msk [tilespmem:v0+s28+$0x1800 ss:$0x1], $0xffff;
	v8 =	vadd.s32 $0x8, v5  }
0x2b: {  	v10 =	vadd.s32 $0x8, v4;
	v7 =	vld.idx.msk [tilespmem:v5+s9+$0x0], $0xffff  }
0x2c: {  	v12 =	vadd.s32 $0x8, v3;
	v9 =	vld.idx.msk [tilespmem:v4+s9+$0x0], $0xffff  }
0x2d: {  	v14 =	vadd.s32 $0x8, v2;
	v11 =	vld.idx.msk [tilespmem:v3+s9+$0x0], $0xffff  }
0x2e: {  	v16 =	vadd.s32 $0x10, v5;
	v13 =	vld.idx.msk [tilespmem:v2+s9+$0x0], $0xffff  }
0x2f: {  	v17 =	vadd.s32 $0x10, v4;
	v8 =	vld.idx.msk [tilespmem:v8+s9+$0x0], $0xffff  }
0x30: {  	v18 =	vadd.s32 $0x10, v3;
	v10 =	vld.idx.msk [tilespmem:v10+s9+$0x0], $0xffff  }
0x31: {  	v19 =	vadd.s32 $0x10, v2;
	v12 =	vld.idx.msk [tilespmem:v12+s9+$0x0], $0xffff  }
0x32: {  	v21 =	vadd.s32 $0x18, v5;
	v14 =	vld.idx.msk [tilespmem:v14+s9+$0x0], $0xffff  }
0x33: {  	v22 =	vadd.s32 $0x18, v4;
	v16 =	vld.idx.msk [tilespmem:v16+s9+$0x0], $0xffff  }
0x34: {  	v23 =	vadd.s32 $0x18, v3;
	v17 =	vld.idx.msk [tilespmem:v17+s9+$0x0], $0xffff  }
0x35: {  	v24 =	vadd.s32 $0x18, v2;
	v18 =	vld.idx.msk [tilespmem:v18+s9+$0x0], $0xffff  }
0x36: {  	v19 =	vld.idx.msk [tilespmem:v19+s9+$0x0], $0xffff  }
0x37: {  	v21 =	vld.idx.msk [tilespmem:v21+s9+$0x0], $0xffff  }
0x38: {  	v22 =	vld.idx.msk [tilespmem:v22+s9+$0x0], $0xffff;
	v7 =	vadd.f32 v7, v6  }
0x39: {  	v23 =	vld.idx.msk [tilespmem:v23+s9+$0x0], $0xffff;
	v9 =	vadd.f32 v9, v6  }
0x3a: {  	v24 =	vld.idx.msk [tilespmem:v24+s9+$0x0], $0xffff;
	v11 =	vadd.f32 v11, v6;
	[tilespmem:s28+$0x12100] =	vst v7  }
0x3b: {  	v6 =	vadd.f32 v13, v6;
	[tilespmem:s28+$0x13100] =	vst v9  }
0x3c: {  	v62 =	vadd.f32 v8, v15;
	[tilespmem:s28+$0x14100] =	vst v11  }
0x3d: {  	v63 =	vadd.f32 v10, v15;
	[tilespmem:s28+$0x15100] =	vst v6  }
0x3e: {  	v13 =	vadd.f32 v12, v15;
	[tilespmem:s28+$0x12180] =	vst v62  }
0x3f: {  	v15 =	vadd.f32 v14, v15;
	[tilespmem:s28+$0x13180] =	vst v63  }
0x40: {  	v16 =	vadd.f32 v16, v20;
	[tilespmem:s28+$0x14180] =	vst v13  }
0x41: {  	v17 =	vadd.f32 v17, v20;
	[tilespmem:s28+$0x15180] =	vst v15  }
0x42: {  	v18 =	vadd.f32 v18, v20;
	[tilespmem:s28+$0x12200] =	vst v16  }
0x43: {  	v19 =	vadd.f32 v19, v20;
	[tilespmem:s28+$0x13200] =	vst v17  }
0x44: {  	v20 =	vadd.f32 v21, v25;
	[tilespmem:s28+$0x14200] =	vst v18  }
0x45: {  	v21 =	vadd.f32 v22, v25;
	[tilespmem:s28+$0x15200] =	vst v19  }
0x46: {  	v27 =	vadd.s32 $0x20, v4;
	v22 =	vadd.f32 v23, v25;
	[tilespmem:s28+$0x12280] =	vst v20  }
0x47: {  	v28 =	vadd.s32 $0x20, v3;
	v26 =	vadd.f32 v24, v25;
	[tilespmem:s28+$0x13280] =	vst v21  }
0x48: {  	v29 =	vadd.s32 $0x20, v2;
	[tilespmem:s28+$0x14280] =	vst v22  }
0x49: {  	[tilespmem:s28+$0x15280] =	vst v26  }
0x4a: {  	v31 =	vadd.s32 $0x28, v5;
	v30 =	vld.idx.msk [tilespmem:v0+s28+$0x2000 ss:$0x1], $0xffff  }
0x4b: {  	v32 =	vadd.s32 $0x28, v4;
	v7 =	vld.idx.msk [tilespmem:v27+s9+$0x0], $0xffff  }
0x4c: {  	v33 =	vadd.s32 $0x28, v3;
	v8 =	vld.idx.msk [tilespmem:v28+s9+$0x0], $0xffff  }
0x4d: {  	v34 =	vadd.s32 $0x28, v2;
	v9 =	vld.idx.msk [tilespmem:v29+s9+$0x0], $0xffff  }
0x4e: {  	v35 =	vld.idx.msk [tilespmem:v0+s28+$0x2800 ss:$0x1], $0xffff  }
0x4f: {  	v36 =	vadd.s32 $0x30, v5;
	v11 =	vld.idx.msk [tilespmem:v31+s9+$0x0], $0xffff  }
0x50: {  	v37 =	vadd.s32 $0x30, v4;
	v12 =	vld.idx.msk [tilespmem:v32+s9+$0x0], $0xffff  }
0x51: {  	v38 =	vadd.s32 $0x30, v3;
	v13 =	vld.idx.msk [tilespmem:v33+s9+$0x0], $0xffff  }
0x52: {  	v39 =	vadd.s32 $0x30, v2;
	v14 =	vld.idx.msk [tilespmem:v34+s9+$0x0], $0xffff  }
0x53: {  	v40 =	vld.idx.msk [tilespmem:v0+s28+$0x3000 ss:$0x1], $0xffff  }
0x54: {  	v41 =	vadd.s32 $0x38, v5;
	v16 =	vld.idx.msk [tilespmem:v36+s9+$0x0], $0xffff  }
0x55: {  	v42 =	vadd.s32 $0x38, v4;
	v17 =	vld.idx.msk [tilespmem:v37+s9+$0x0], $0xffff  }
0x56: {  	v44 =	vadd.s32 $0x38, v2;
	v18 =	vld.idx.msk [tilespmem:v38+s9+$0x0], $0xffff  }
0x57: {  	v23 =	vadd.s32 $0x20, v5;
	v19 =	vld.idx.msk [tilespmem:v39+s9+$0x0], $0xffff  }
0x58: {  	v43 =	vadd.s32 $0x38, v3;
	v45 =	vld.idx.msk [tilespmem:v0+s28+$0x3800 ss:$0x1], $0xffff  }
0x59: {  	v21 =	vld.idx.msk [tilespmem:v41+s9+$0x0], $0xffff  }
0x5a: {  	v22 =	vld.idx.msk [tilespmem:v42+s9+$0x0], $0xffff  }
0x5b: {  	v24 =	vld.idx.msk [tilespmem:v44+s9+$0x0], $0xffff;
	v7 =	vadd.f32 v7, v30  }
0x5c: {  	v6 =	vld.idx.msk [tilespmem:v23+s9+$0x0], $0xffff;
	v8 =	vadd.f32 v8, v30  }
0x5d: {  	v23 =	vld.idx.msk [tilespmem:v43+s9+$0x0], $0xffff;
	v46 =	vadd.f32 v9, v30;
	[tilespmem:s28+$0x13300] =	vst v7  }
0x5e: {  	v47 =	vadd.f32 v11, v35;
	[tilespmem:s28+$0x14300] =	vst v8  }
0x5f: {  	v48 =	vadd.f32 v12, v35;
	[tilespmem:s28+$0x15300] =	vst v46  }
0x60: {  	v49 =	vadd.f32 v13, v35;
	[tilespmem:s28+$0x12380] =	vst v47  }
0x61: {  	v50 =	vadd.f32 v14, v35;
	[tilespmem:s28+$0x13380] =	vst v48  }
0x62: {  	v51 =	vadd.f32 v16, v40;
	[tilespmem:s28+$0x14380] =	vst v49  }
0x63: {  	v52 =	vadd.f32 v17, v40;
	[tilespmem:s28+$0x15380] =	vst v50  }
0x64: {  	v53 =	vadd.f32 v18, v40;
	[tilespmem:s28+$0x12400] =	vst v51  }
0x65: {  	v54 =	vadd.f32 v19, v40;
	[tilespmem:s28+$0x13400] =	vst v52  }
0x66: {  	v55 =	vadd.f32 v21, v45;
	[tilespmem:s28+$0x14400] =	vst v53  }
0x67: {  	v56 =	vadd.f32 v22, v45;
	[tilespmem:s28+$0x15400] =	vst v54  }
0x68: {  	v59 =	vadd.f32 v24, v45;
	[tilespmem:s28+$0x12480] =	vst v55  }
0x69: {  	v58 =	vadd.s32 $0x40, v5;
	v6 =	vadd.f32 v6, v30;
	[tilespmem:s28+$0x13480] =	vst v56  }
0x6a: {  	v60 =	vadd.s32 $0x40, v4;
	v57 =	vadd.f32 v23, v45;
	[tilespmem:s28+$0x15480] =	vst v59  }
0x6b: {  	v61 =	vadd.s32 $0x40, v3;
	[tilespmem:s28+$0x12300] =	vst v6  }
0x6c: {  	v62 =	vadd.s32 $0x40, v2;
	[tilespmem:s28+$0x14480] =	vst v57  }
0x6d: {  	v63 =	vld.idx.msk [tilespmem:v0+s28+$0x4000 ss:$0x1], $0xffff  }
0x6e: {  	v26 =	vadd.s32 $0x48, v5;
	v6 =	vld.idx.msk [tilespmem:v58+s9+$0x0], $0xffff  }
0x6f: {  	v27 =	vadd.s32 $0x48, v4;
	v7 =	vld.idx.msk [tilespmem:v60+s9+$0x0], $0xffff  }
0x70: {  	v28 =	vadd.s32 $0x48, v3;
	v8 =	vld.idx.msk [tilespmem:v61+s9+$0x0], $0xffff  }
0x71: {  	v29 =	vadd.s32 $0x48, v2;
	v9 =	vld.idx.msk [tilespmem:v62+s9+$0x0], $0xffff  }
0x72: {  	v30 =	vld.idx.msk [tilespmem:v0+s28+$0x4800 ss:$0x1], $0xffff  }
0x73: {  	v31 =	vadd.s32 $0x50, v5;
	v11 =	vld.idx.msk [tilespmem:v26+s9+$0x0], $0xffff  }
0x74: {  	v32 =	vadd.s32 $0x50, v4;
	v12 =	vld.idx.msk [tilespmem:v27+s9+$0x0], $0xffff  }
0x75: {  	v33 =	vadd.s32 $0x50, v3;
	v13 =	vld.idx.msk [tilespmem:v28+s9+$0x0], $0xffff  }
0x76: {  	v34 =	vadd.s32 $0x50, v2;
	v14 =	vld.idx.msk [tilespmem:v29+s9+$0x0], $0xffff  }
0x77: {  	v35 =	vld.idx.msk [tilespmem:v0+s28+$0x5000 ss:$0x1], $0xffff  }
0x78: {  	v36 =	vadd.s32 $0x58, v5;
	v16 =	vld.idx.msk [tilespmem:v31+s9+$0x0], $0xffff  }
0x79: {  	v37 =	vadd.s32 $0x58, v4;
	v17 =	vld.idx.msk [tilespmem:v32+s9+$0x0], $0xffff  }
0x7a: {  	v38 =	vadd.s32 $0x58, v3;
	v18 =	vld.idx.msk [tilespmem:v33+s9+$0x0], $0xffff  }
0x7b: {  	v39 =	vadd.s32 $0x58, v2;
	v19 =	vld.idx.msk [tilespmem:v34+s9+$0x0], $0xffff  }
0x7c: {  	v40 =	vld.idx.msk [tilespmem:v0+s28+$0x5800 ss:$0x1], $0xffff  }
0x7d: {  	v21 =	vld.idx.msk [tilespmem:v36+s9+$0x0], $0xffff  }
0x7e: {  	v22 =	vld.idx.msk [tilespmem:v37+s9+$0x0], $0xffff;
	v6 =	vadd.f32 v6, v63  }
0x7f: {  	v23 =	vld.idx.msk [tilespmem:v38+s9+$0x0], $0xffff;
	v7 =	vadd.f32 v7, v63  }
0x80: {  	v24 =	vld.idx.msk [tilespmem:v39+s9+$0x0], $0xffff;
	v8 =	vadd.f32 v8, v63;
	[tilespmem:s28+$0x12500] =	vst v6  }
0x81: {  	v41 =	vadd.f32 v9, v63;
	[tilespmem:s28+$0x13500] =	vst v7  }
0x82: {  	v42 =	vadd.f32 v11, v30;
	[tilespmem:s28+$0x14500] =	vst v8  }
0x83: {  	v43 =	vadd.f32 v12, v30;
	[tilespmem:s28+$0x15500] =	vst v41  }
0x84: {  	v44 =	vadd.f32 v13, v30;
	[tilespmem:s28+$0x12580] =	vst v42  }
0x85: {  	v45 =	vadd.f32 v14, v30;
	[tilespmem:s28+$0x13580] =	vst v43  }
0x86: {  	v46 =	vadd.f32 v16, v35;
	[tilespmem:s28+$0x14580] =	vst v44  }
0x87: {  	v47 =	vadd.f32 v17, v35;
	[tilespmem:s28+$0x15580] =	vst v45  }
0x88: {  	v48 =	vadd.f32 v18, v35;
	[tilespmem:s28+$0x12600] =	vst v46  }
0x89: {  	v49 =	vadd.f32 v19, v35;
	[tilespmem:s28+$0x13600] =	vst v47  }
0x8a: {  	v50 =	vadd.f32 v21, v40;
	[tilespmem:s28+$0x14600] =	vst v48  }
0x8b: {  	v51 =	vadd.f32 v22, v40;
	[tilespmem:s28+$0x15600] =	vst v49  }
0x8c: {  	v53 =	vadd.s32 $0x60, v5;
	v52 =	vadd.f32 v23, v40;
	[tilespmem:s28+$0x12680] =	vst v50  }
0x8d: {  	v55 =	vadd.s32 $0x60, v4;
	v54 =	vadd.f32 v24, v40;
	[tilespmem:s28+$0x13680] =	vst v51  }
0x8e: {  	v56 =	vadd.s32 $0x60, v3;
	[tilespmem:s28+$0x14680] =	vst v52  }
0x8f: {  	v57 =	vadd.s32 $0x60, v2;
	[tilespmem:s28+$0x15680] =	vst v54  }
0x90: {  	v58 =	vld.idx.msk [tilespmem:v0+s28+$0x6000 ss:$0x1], $0xffff  }
0x91: {  	v59 =	vadd.s32 $0x68, v5;
	v6 =	vld.idx.msk [tilespmem:v53+s9+$0x0], $0xffff  }
0x92: {  	v60 =	vadd.s32 $0x68, v4;
	v7 =	vld.idx.msk [tilespmem:v55+s9+$0x0], $0xffff  }
0x93: {  	v61 =	vadd.s32 $0x68, v3;
	v8 =	vld.idx.msk [tilespmem:v56+s9+$0x0], $0xffff  }
0x94: {  	v62 =	vadd.s32 $0x68, v2;
	v9 =	vld.idx.msk [tilespmem:v57+s9+$0x0], $0xffff  }
0x95: {  	v63 =	vld.idx.msk [tilespmem:v0+s28+$0x6800 ss:$0x1], $0xffff  }
0x96: {  	v26 =	vadd.s32 $0x70, v5;
	v11 =	vld.idx.msk [tilespmem:v59+s9+$0x0], $0xffff  }
0x97: {  	v27 =	vadd.s32 $0x70, v4;
	v12 =	vld.idx.msk [tilespmem:v60+s9+$0x0], $0xffff  }
0x98: {  	v28 =	vadd.s32 $0x70, v3;
	v13 =	vld.idx.msk [tilespmem:v61+s9+$0x0], $0xffff  }
0x99: {  	v29 =	vadd.s32 $0x70, v2;
	v14 =	vld.idx.msk [tilespmem:v62+s9+$0x0], $0xffff  }
0x9a: {  	v30 =	vld.idx.msk [tilespmem:v0+s28+$0x7000 ss:$0x1], $0xffff  }
0x9b: {  	v31 =	vadd.s32 $0x78, v5;
	v16 =	vld.idx.msk [tilespmem:v26+s9+$0x0], $0xffff  }
0x9c: {  	v32 =	vadd.s32 $0x78, v4;
	v17 =	vld.idx.msk [tilespmem:v27+s9+$0x0], $0xffff  }
0x9d: {  	v33 =	vadd.s32 $0x78, v3;
	v18 =	vld.idx.msk [tilespmem:v28+s9+$0x0], $0xffff  }
0x9e: {  	v34 =	vadd.s32 $0x78, v2;
	v19 =	vld.idx.msk [tilespmem:v29+s9+$0x0], $0xffff  }
0x9f: {  	v35 =	vld.idx.msk [tilespmem:v0+s28+$0x7800 ss:$0x1], $0xffff  }
0xa0: {  	v21 =	vld.idx.msk [tilespmem:v31+s9+$0x0], $0xffff  }
0xa1: {  	v22 =	vld.idx.msk [tilespmem:v32+s9+$0x0], $0xffff;
	v6 =	vadd.f32 v6, v58  }
0xa2: {  	v23 =	vld.idx.msk [tilespmem:v33+s9+$0x0], $0xffff;
	v7 =	vadd.f32 v7, v58  }
0xa3: {  	v24 =	vld.idx.msk [tilespmem:v34+s9+$0x0], $0xffff;
	v8 =	vadd.f32 v8, v58;
	[tilespmem:s28+$0x12700] =	vst v6  }
0xa4: {  	v36 =	vadd.f32 v9, v58;
	[tilespmem:s28+$0x13700] =	vst v7  }
0xa5: {  	v37 =	vadd.f32 v11, v63;
	[tilespmem:s28+$0x14700] =	vst v8  }
0xa6: {  	v38 =	vadd.f32 v12, v63;
	[tilespmem:s28+$0x15700] =	vst v36  }
0xa7: {  	v39 =	vadd.f32 v13, v63;
	[tilespmem:s28+$0x12780] =	vst v37  }
0xa8: {  	v40 =	vadd.f32 v14, v63;
	[tilespmem:s28+$0x13780] =	vst v38  }
0xa9: {  	v41 =	vadd.f32 v16, v30;
	[tilespmem:s28+$0x14780] =	vst v39  }
0xaa: {  	v42 =	vadd.f32 v17, v30;
	[tilespmem:s28+$0x15780] =	vst v40  }
0xab: {  	v43 =	vadd.f32 v18, v30;
	[tilespmem:s28+$0x12800] =	vst v41  }
0xac: {  	v44 =	vadd.f32 v19, v30;
	[tilespmem:s28+$0x13800] =	vst v42  }
0xad: {  	v45 =	vadd.f32 v21, v35;
	[tilespmem:s28+$0x14800] =	vst v43  }
0xae: {  	v46 =	vadd.f32 v22, v35;
	[tilespmem:s28+$0x15800] =	vst v44  }
0xaf: {  	v48 =	vadd.s32 $0x80, v5;
	v47 =	vadd.f32 v23, v35;
	[tilespmem:s28+$0x12880] =	vst v45  }
0xb0: {  	v50 =	vadd.s32 $0x80, v4;
	v49 =	vadd.f32 v24, v35;
	[tilespmem:s28+$0x13880] =	vst v46  }
0xb1: {  	v51 =	vadd.s32 $0x80, v3;
	[tilespmem:s28+$0x14880] =	vst v47  }
0xb2: {  	v52 =	vadd.s32 $0x80, v2;
	[tilespmem:s28+$0x15880] =	vst v49  }
0xb3: {  	v53 =	vld.idx.msk [tilespmem:v0+s28+$0x8000 ss:$0x1], $0xffff  }
0xb4: {  	v54 =	vadd.s32 $0x88, v5;
	v6 =	vld.idx.msk [tilespmem:v48+s9+$0x0], $0xffff  }
0xb5: {  	v55 =	vadd.s32 $0x88, v4;
	v7 =	vld.idx.msk [tilespmem:v50+s9+$0x0], $0xffff  }
0xb6: {  	v56 =	vadd.s32 $0x88, v3;
	v8 =	vld.idx.msk [tilespmem:v51+s9+$0x0], $0xffff  }
0xb7: {  	v57 =	vadd.s32 $0x88, v2;
	v9 =	vld.idx.msk [tilespmem:v52+s9+$0x0], $0xffff  }
0xb8: {  	v58 =	vld.idx.msk [tilespmem:v0+s28+$0x8800 ss:$0x1], $0xffff  }
0xb9: {  	v59 =	vadd.s32 $0x90, v5;
	v11 =	vld.idx.msk [tilespmem:v54+s9+$0x0], $0xffff  }
0xba: {  	v60 =	vadd.s32 $0x90, v4;
	v12 =	vld.idx.msk [tilespmem:v55+s9+$0x0], $0xffff  }
0xbb: {  	v61 =	vadd.s32 $0x90, v3;
	v13 =	vld.idx.msk [tilespmem:v56+s9+$0x0], $0xffff  }
0xbc: {  	v62 =	vadd.s32 $0x90, v2;
	v14 =	vld.idx.msk [tilespmem:v57+s9+$0x0], $0xffff  }
0xbd: {  	v63 =	vld.idx.msk [tilespmem:v0+s28+$0x9000 ss:$0x1], $0xffff  }
0xbe: {  	v28 =	vadd.s32 $0x98, v5;
	v16 =	vld.idx.msk [tilespmem:v59+s9+$0x0], $0xffff  }
0xbf: {  	v29 =	vadd.s32 $0x98, v4;
	v17 =	vld.idx.msk [tilespmem:v60+s9+$0x0], $0xffff  }
0xc0: {  	v31 =	vadd.s32 $0x98, v2;
	v18 =	vld.idx.msk [tilespmem:v61+s9+$0x0], $0xffff  }
0xc1: {  	v30 =	vadd.s32 $0x98, v3;
	v19 =	vld.idx.msk [tilespmem:v62+s9+$0x0], $0xffff  }
0xc2: {  	v32 =	vld.idx.msk [tilespmem:v0+s28+$0x9800 ss:$0x1], $0xffff  }
0xc3: {  	v21 =	vld.idx.msk [tilespmem:v28+s9+$0x0], $0xffff  }
0xc4: {  	v22 =	vld.idx.msk [tilespmem:v29+s9+$0x0], $0xffff;
	v6 =	vadd.f32 v6, v53  }
0xc5: {  	v24 =	vld.idx.msk [tilespmem:v31+s9+$0x0], $0xffff;
	v7 =	vadd.f32 v7, v53  }
0xc6: {  	v23 =	vld.idx.msk [tilespmem:v30+s9+$0x0], $0xffff;
	v8 =	vadd.f32 v8, v53;
	[tilespmem:s28+$0x12900] =	vst v6  }
0xc7: {  	v33 =	vadd.f32 v9, v53;
	[tilespmem:s28+$0x13900] =	vst v7  }
0xc8: {  	v34 =	vadd.f32 v11, v58;
	[tilespmem:s28+$0x14900] =	vst v8  }
0xc9: {  	v35 =	vadd.f32 v12, v58;
	[tilespmem:s28+$0x15900] =	vst v33  }
0xca: {  	v36 =	vadd.f32 v13, v58;
	[tilespmem:s28+$0x12980] =	vst v34  }
0xcb: {  	v37 =	vadd.f32 v14, v58;
	[tilespmem:s28+$0x13980] =	vst v35  }
0xcc: {  	v38 =	vadd.f32 v16, v63;
	[tilespmem:s28+$0x14980] =	vst v36  }
0xcd: {  	v39 =	vadd.f32 v17, v63;
	[tilespmem:s28+$0x15980] =	vst v37  }
0xce: {  	v40 =	vadd.f32 v18, v63;
	[tilespmem:s28+$0x12A00] =	vst v38  }
0xcf: {  	v41 =	vadd.f32 v19, v63;
	[tilespmem:s28+$0x13A00] =	vst v39  }
0xd0: {  	v42 =	vadd.f32 v21, v32;
	[tilespmem:s28+$0x14A00] =	vst v40  }
0xd1: {  	v43 =	vadd.f32 v22, v32;
	[tilespmem:s28+$0x15A00] =	vst v41  }
0xd2: {  	v45 =	vadd.s32 $0xA0, v5;
	v46 =	vadd.f32 v24, v32;
	[tilespmem:s28+$0x12A80] =	vst v42  }
0xd3: {  	v47 =	vadd.s32 $0xA0, v4;
	v44 =	vadd.f32 v23, v32;
	[tilespmem:s28+$0x13A80] =	vst v43  }
0xd4: {  	v48 =	vadd.s32 $0xA0, v3;
	[tilespmem:s28+$0x15A80] =	vst v46  }
0xd5: {  	v49 =	vadd.s32 $0xA0, v2;
	[tilespmem:s28+$0x14A80] =	vst v44  }
0xd6: {  	v50 =	vld.idx.msk [tilespmem:v0+s28+$0xA000 ss:$0x1], $0xffff  }
0xd7: {  	v51 =	vadd.s32 $0xA8, v5;
	v6 =	vld.idx.msk [tilespmem:v45+s9+$0x0], $0xffff  }
0xd8: {  	v52 =	vadd.s32 $0xA8, v4;
	v7 =	vld.idx.msk [tilespmem:v47+s9+$0x0], $0xffff  }
0xd9: {  	v53 =	vadd.s32 $0xA8, v3;
	v8 =	vld.idx.msk [tilespmem:v48+s9+$0x0], $0xffff  }
0xda: {  	v54 =	vadd.s32 $0xA8, v2;
	v9 =	vld.idx.msk [tilespmem:v49+s9+$0x0], $0xffff  }
0xdb: {  	v55 =	vld.idx.msk [tilespmem:v0+s28+$0xA800 ss:$0x1], $0xffff  }
0xdc: {  	v56 =	vadd.s32 $0xB0, v5;
	v11 =	vld.idx.msk [tilespmem:v51+s9+$0x0], $0xffff  }
0xdd: {  	v57 =	vadd.s32 $0xB0, v4;
	v12 =	vld.idx.msk [tilespmem:v52+s9+$0x0], $0xffff  }
0xde: {  	v58 =	vadd.s32 $0xB0, v3;
	v13 =	vld.idx.msk [tilespmem:v53+s9+$0x0], $0xffff  }
0xdf: {  	v59 =	vadd.s32 $0xB0, v2;
	v14 =	vld.idx.msk [tilespmem:v54+s9+$0x0], $0xffff  }
0xe0: {  	v60 =	vld.idx.msk [tilespmem:v0+s28+$0xB000 ss:$0x1], $0xffff  }
0xe1: {  	v61 =	vadd.s32 $0xB8, v5;
	v16 =	vld.idx.msk [tilespmem:v56+s9+$0x0], $0xffff  }
0xe2: {  	v62 =	vadd.s32 $0xB8, v4;
	v17 =	vld.idx.msk [tilespmem:v57+s9+$0x0], $0xffff  }
0xe3: {  	v63 =	vadd.s32 $0xB8, v3;
	v18 =	vld.idx.msk [tilespmem:v58+s9+$0x0], $0xffff  }
0xe4: {  	v28 =	vadd.s32 $0xB8, v2;
	v19 =	vld.idx.msk [tilespmem:v59+s9+$0x0], $0xffff  }
0xe5: {  	v29 =	vld.idx.msk [tilespmem:v0+s28+$0xB800 ss:$0x1], $0xffff  }
0xe6: {  	v21 =	vld.idx.msk [tilespmem:v61+s9+$0x0], $0xffff  }
0xe7: {  	v22 =	vld.idx.msk [tilespmem:v62+s9+$0x0], $0xffff;
	v6 =	vadd.f32 v6, v50  }
0xe8: {  	v23 =	vld.idx.msk [tilespmem:v63+s9+$0x0], $0xffff;
	v7 =	vadd.f32 v7, v50  }
0xe9: {  	v24 =	vld.idx.msk [tilespmem:v28+s9+$0x0], $0xffff;
	v8 =	vadd.f32 v8, v50;
	[tilespmem:s28+$0x12B00] =	vst v6  }
0xea: {  	v30 =	vadd.f32 v9, v50;
	[tilespmem:s28+$0x13B00] =	vst v7  }
0xeb: {  	v31 =	vadd.f32 v11, v55;
	[tilespmem:s28+$0x14B00] =	vst v8  }
0xec: {  	v32 =	vadd.f32 v12, v55;
	[tilespmem:s28+$0x15B00] =	vst v30  }
0xed: {  	v33 =	vadd.f32 v13, v55;
	[tilespmem:s28+$0x12B80] =	vst v31  }
0xee: {  	v34 =	vadd.f32 v14, v55;
	[tilespmem:s28+$0x13B80] =	vst v32  }
0xef: {  	v35 =	vadd.f32 v16, v60;
	[tilespmem:s28+$0x14B80] =	vst v33  }
0xf0: {  	v36 =	vadd.f32 v17, v60;
	[tilespmem:s28+$0x15B80] =	vst v34  }
0xf1: {  	v37 =	vadd.f32 v18, v60;
	[tilespmem:s28+$0x12C00] =	vst v35  }
0xf2: {  	v38 =	vadd.f32 v19, v60;
	[tilespmem:s28+$0x13C00] =	vst v36  }
0xf3: {  	v39 =	vadd.f32 v21, v29;
	[tilespmem:s28+$0x14C00] =	vst v37  }
0xf4: {  	v40 =	vadd.f32 v22, v29;
	[tilespmem:s28+$0x15C00] =	vst v38  }
0xf5: {  	v42 =	vadd.s32 $0xC0, v5;
	v41 =	vadd.f32 v23, v29;
	[tilespmem:s28+$0x12C80] =	vst v39  }
0xf6: {  	v44 =	vadd.s32 $0xC0, v4;
	v43 =	vadd.f32 v24, v29;
	[tilespmem:s28+$0x13C80] =	vst v40  }
0xf7: {  	v45 =	vadd.s32 $0xC0, v3;
	[tilespmem:s28+$0x14C80] =	vst v41  }
0xf8: {  	v46 =	vadd.s32 $0xC0, v2;
	[tilespmem:s28+$0x15C80] =	vst v43  }
0xf9: {  	v47 =	vld.idx.msk [tilespmem:v0+s28+$0xC000 ss:$0x1], $0xffff  }
0xfa: {  	v48 =	vadd.s32 $0xC8, v5;
	v6 =	vld.idx.msk [tilespmem:v42+s9+$0x0], $0xffff  }
0xfb: {  	v49 =	vadd.s32 $0xC8, v4;
	v7 =	vld.idx.msk [tilespmem:v44+s9+$0x0], $0xffff  }
0xfc: {  	v51 =	vadd.s32 $0xC8, v2;
	v8 =	vld.idx.msk [tilespmem:v45+s9+$0x0], $0xffff  }
0xfd: {  	v9 =	vld.idx.msk [tilespmem:v46+s9+$0x0], $0xffff  }
0xfe: {  	v53 =	vadd.s32 $0xD0, v5;
	v52 =	vld.idx.msk [tilespmem:v0+s28+$0xC800 ss:$0x1], $0xffff  }
0xff: {  	v54 =	vadd.s32 $0xD0, v4;
	v11 =	vld.idx.msk [tilespmem:v48+s9+$0x0], $0xffff  }
0x100: {  	v56 =	vadd.s32 $0xD0, v2;
	v12 =	vld.idx.msk [tilespmem:v49+s9+$0x0], $0xffff  }
0x101: {  	v14 =	vld.idx.msk [tilespmem:v51+s9+$0x0], $0xffff  }
0x102: {  	v58 =	vadd.s32 $0xD8, v5;
	v57 =	vld.idx.msk [tilespmem:v0+s28+$0xD000 ss:$0x1], $0xffff  }
0x103: {  	v59 =	vadd.s32 $0xD8, v4;
	v16 =	vld.idx.msk [tilespmem:v53+s9+$0x0], $0xffff  }
0x104: {  	v61 =	vadd.s32 $0xD8, v2;
	v17 =	vld.idx.msk [tilespmem:v54+s9+$0x0], $0xffff  }
0x105: {  	v50 =	vadd.s32 $0xC8, v3;
	v19 =	vld.idx.msk [tilespmem:v56+s9+$0x0], $0xffff  }
0x106: {  	v55 =	vadd.s32 $0xD0, v3;
	v62 =	vld.idx.msk [tilespmem:v0+s28+$0xD800 ss:$0x1], $0xffff  }
0x107: {  	v60 =	vadd.s32 $0xD8, v3;
	v21 =	vld.idx.msk [tilespmem:v58+s9+$0x0], $0xffff  }
0x108: {  	v22 =	vld.idx.msk [tilespmem:v59+s9+$0x0], $0xffff  }
0x109: {  	v24 =	vld.idx.msk [tilespmem:v61+s9+$0x0], $0xffff  }
0x10a: {  	v13 =	vld.idx.msk [tilespmem:v50+s9+$0x0], $0xffff;
	v6 =	vadd.f32 v6, v47  }
0x10b: {  	v18 =	vld.idx.msk [tilespmem:v55+s9+$0x0], $0xffff;
	v7 =	vadd.f32 v7, v47  }
0x10c: {  	v23 =	vld.idx.msk [tilespmem:v60+s9+$0x0], $0xffff;
	v63 =	vadd.f32 v8, v47;
	[tilespmem:s28+$0x12D00] =	vst v6  }
0x10d: {  	v26 =	vadd.f32 v9, v47;
	[tilespmem:s28+$0x13D00] =	vst v7  }
0x10e: {  	v27 =	vadd.f32 v11, v52;
	[tilespmem:s28+$0x14D00] =	vst v63  }
0x10f: {  	v28 =	vadd.f32 v12, v52;
	[tilespmem:s28+$0x15D00] =	vst v26  }
0x110: {  	v30 =	vadd.f32 v14, v52;
	[tilespmem:s28+$0x12D80] =	vst v27  }
0x111: {  	v31 =	vadd.f32 v16, v57;
	[tilespmem:s28+$0x13D80] =	vst v28  }
0x112: {  	v32 =	vadd.f32 v17, v57;
	[tilespmem:s28+$0x15D80] =	vst v30  }
0x113: {  	v34 =	vadd.f32 v19, v57;
	[tilespmem:s28+$0x12E00] =	vst v31  }
0x114: {  	v35 =	vadd.f32 v21, v62;
	[tilespmem:s28+$0x13E00] =	vst v32  }
0x115: {  	v36 =	vadd.f32 v22, v62;
	[tilespmem:s28+$0x15E00] =	vst v34  }
0x116: {  	v39 =	vadd.f32 v24, v62;
	[tilespmem:s28+$0x12E80] =	vst v35  }
0x117: {  	v29 =	vadd.f32 v13, v52;
	[tilespmem:s28+$0x13E80] =	vst v36  }
0x118: {  	v38 =	vadd.s32 $0xE0, v5;
	v33 =	vadd.f32 v18, v57;
	[tilespmem:s28+$0x15E80] =	vst v39  }
0x119: {  	v40 =	vadd.s32 $0xE0, v4;
	v37 =	vadd.f32 v23, v62;
	[tilespmem:s28+$0x14D80] =	vst v29  }
0x11a: {  	v41 =	vadd.s32 $0xE0, v3;
	[tilespmem:s28+$0x14E00] =	vst v33  }
0x11b: {  	v42 =	vadd.s32 $0xE0, v2;
	[tilespmem:s28+$0x14E80] =	vst v37  }
0x11c: {  	v43 =	vld.idx.msk [tilespmem:v0+s28+$0xE000 ss:$0x1], $0xffff  }
0x11d: {  	v44 =	vadd.s32 $0xE8, v5;
	v8 =	vld.idx.msk [tilespmem:v38+s9+$0x0], $0xffff  }
0x11e: {  	v45 =	vadd.s32 $0xE8, v4;
	v7 =	vld.idx.msk [tilespmem:v40+s9+$0x0], $0xffff  }
0x11f: {  	v46 =	vadd.s32 $0xE8, v3;
	v6 =	vld.idx.msk [tilespmem:v41+s9+$0x0], $0xffff  }
0x120: {  	v47 =	vadd.s32 $0xE8, v2;
	v9 =	vld.idx.msk [tilespmem:v42+s9+$0x0], $0xffff  }
0x121: {  	v48 =	vld.idx.msk [tilespmem:v0+s28+$0xE800 ss:$0x1], $0xffff  }
0x122: {  	v49 =	vadd.s32 $0xF0, v5;
	v11 =	vld.idx.msk [tilespmem:v44+s9+$0x0], $0xffff  }
0x123: {  	v50 =	vadd.s32 $0xF0, v4;
	v12 =	vld.idx.msk [tilespmem:v45+s9+$0x0], $0xffff  }
0x124: {  	v51 =	vadd.s32 $0xF0, v3;
	v13 =	vld.idx.msk [tilespmem:v46+s9+$0x0], $0xffff  }
0x125: {  	v14 =	vld.idx.msk [tilespmem:v47+s9+$0x0], $0xffff  }
0x126: {  	v5 =	vadd.s32 $0xF8, v5;
	v53 =	vld.idx.msk [tilespmem:v0+s28+$0xF000 ss:$0x1], $0xffff  }
0x127: {  	v4 =	vadd.s32 $0xF8, v4;
	v16 =	vld.idx.msk [tilespmem:v49+s9+$0x0], $0xffff  }
0x128: {  	v3 =	vadd.s32 $0xF8, v3;
	v17 =	vld.idx.msk [tilespmem:v50+s9+$0x0], $0xffff  }
0x129: {  	v52 =	vadd.s32 $0xF0, v2;
	v18 =	vld.idx.msk [tilespmem:v51+s9+$0x0], $0xffff  }
0x12a: {  	v2 =	vadd.s32 $0xF8, v2;
	v54 =	vld.idx.msk [tilespmem:v0+s28+$0xF800 ss:$0x1], $0xffff  }
0x12b: {  	v5 =	vld.idx.msk [tilespmem:v5+s9+$0x0], $0xffff  }
0x12c: {  	v4 =	vld.idx.msk [tilespmem:v4+s9+$0x0], $0xffff  }
0x12d: {  	v3 =	vld.idx.msk [tilespmem:v3+s9+$0x0], $0xffff;
	v8 =	vadd.f32 v8, v43  }
0x12e: {  	v19 =	vld.idx.msk [tilespmem:v52+s9+$0x0], $0xffff;
	v7 =	vadd.f32 v7, v43  }
0x12f: {  	v2 =	vld.idx.msk [tilespmem:v2+s9+$0x0], $0xffff;
	v6 =	vadd.f32 v6, v43;
	[tilespmem:s28+$0x12F00] =	vst v8  }
0x130: {  	v55 =	vadd.f32 v9, v43;
	[tilespmem:s28+$0x13F00] =	vst v7  }
0x131: {  	v56 =	vadd.f32 v11, v48;
	[tilespmem:s28+$0x14F00] =	vst v6  }
0x132: {  	v57 =	vadd.f32 v12, v48;
	[tilespmem:s28+$0x15F00] =	vst v55  }
0x133: {  	v58 =	vadd.f32 v13, v48;
	[tilespmem:s28+$0x12F80] =	vst v56  }
0x134: {  	v59 =	vadd.f32 v14, v48;
	[tilespmem:s28+$0x13F80] =	vst v57  }
0x135: {  	v60 =	vadd.f32 v16, v53;
	[tilespmem:s28+$0x14F80] =	vst v58  }
0x136: {  	v61 =	vadd.f32 v17, v53;
	[tilespmem:s28+$0x15F80] =	vst v59  }
0x137: {  	v62 =	vadd.f32 v18, v53;
	[tilespmem:s28+$0x13000] =	vst v60  }
0x138: {  	v5 =	vadd.f32 v5, v54;
	[tilespmem:s28+$0x14000] =	vst v61  }
0x139: {  	p1 =	sne.s32 s26, $0x1C0;
	v4 =	vadd.f32 v4, v54;
	[tilespmem:s28+$0x15000] =	vst v62  }
.Ltmp0:
0x13a: {  	v3 =	vadd.f32 v3, v54;
	[tilespmem:s28+$0x13080] =	vst v5;
	(pc) =	sbr.rel @p1 .LBB2_4-.Ltmp0, $4  }
0x13b: {  	v63 =	vadd.f32 v19, v53;
	[tilespmem:s28+$0x14080] =	vst v4  }
0x13c: {  	v2 =	vadd.f32 v2, v54;
	[tilespmem:s28+$0x15080] =	vst v3  }
0x13d: {  	[tilespmem:s28+$0x16000] =	vst v63  }
0x13e: {  	s26 =	sadd.s32 $0x40, s26;
	[tilespmem:s28+$0x16080] =	vst v2  }
0x13f: {  	s26 =	sshll.u32 s20, $0xB  }
0x140: {  	s26 =	sadd.s32 s21, s26  }
0x141: {  	s26 =	sshrl.u32 s26, $0x3  }
0x142: {  	s26 =	sadd.s32 s1, s26  }
0x143: {  	[hbm4b:s26+s12] =	stream.strided.scatter [tilespmem:s14], [sflag:$0x1], $0x4000, s13, s12, $0x38;
	[tilespmem:$0x1A100] =	vst v63  }
0x144: {  	v1 =	vmov s24;
	s26 =	simm.s32 @!p0 $0x2  }
0x145: {  	_ =	swait.ge @!p0 [sflag:s26], $0x4000  }
0x146: {  	[sflag:s26] =	ssyncset.done @!p0 $0x0  }
0x147: {  	s25 =	sor.u32 $0x1, s25;
	[sflag:s26] =	ssyncadd.s32 @!p0 $0xFFFFC000;
	s26 =	simm.s32 $0x0  }
.LBB2_6:
0x148: {  	s28 =	sshra.s32 s26, $0x2  }
0x149: {  	v5 =	vld.idx.msk [tilespmem:v1+s28+$0xFFFFF000 ss:$0x1], $0xffff  }
0x14a: {  	v4 =	vld.idx.msk [tilespmem:v1+s28+$0xFFFFF800 ss:$0x1], $0xffff  }
0x14b: {  	v3 =	vld.idx.msk [tilespmem:v1+s28+$0x0 ss:$0x1], $0xffff  }
0x14c: {  	v2 =	vld.idx.msk [tilespmem:v1+s28+$0x800 ss:$0x1], $0xffff  }
0x14d: {  	v6 =	vld.idx.msk [tilespmem:v0+s28+$0x80 ss:$0x1], $0xffff  }
0x14e: {  	v15 =	vld.idx.msk [tilespmem:v0+s28+$0x880 ss:$0x1], $0xffff  }
0x14f: {  	v20 =	vld.idx.msk [tilespmem:v0+s28+$0x1080 ss:$0x1], $0xffff  }
0x150: {  	v25 =	vld.idx.msk [tilespmem:v0+s28+$0x1880 ss:$0x1], $0xffff;
	v8 =	vadd.s32 $0x8, v5  }
0x151: {  	v10 =	vadd.s32 $0x8, v4;
	v7 =	vld.idx.msk [tilespmem:v5+s9+$0x0], $0xffff  }
0x152: {  	v12 =	vadd.s32 $0x8, v3;
	v9 =	vld.idx.msk [tilespmem:v4+s9+$0x0], $0xffff  }
0x153: {  	v14 =	vadd.s32 $0x8, v2;
	v11 =	vld.idx.msk [tilespmem:v3+s9+$0x0], $0xffff  }
0x154: {  	v16 =	vadd.s32 $0x10, v5;
	v13 =	vld.idx.msk [tilespmem:v2+s9+$0x0], $0xffff  }
0x155: {  	v17 =	vadd.s32 $0x10, v4;
	v8 =	vld.idx.msk [tilespmem:v8+s9+$0x0], $0xffff  }
0x156: {  	v18 =	vadd.s32 $0x10, v3;
	v10 =	vld.idx.msk [tilespmem:v10+s9+$0x0], $0xffff  }
0x157: {  	v19 =	vadd.s32 $0x10, v2;
	v12 =	vld.idx.msk [tilespmem:v12+s9+$0x0], $0xffff  }
0x158: {  	v21 =	vadd.s32 $0x18, v5;
	v14 =	vld.idx.msk [tilespmem:v14+s9+$0x0], $0xffff  }
0x159: {  	v22 =	vadd.s32 $0x18, v4;
	v16 =	vld.idx.msk [tilespmem:v16+s9+$0x0], $0xffff  }
0x15a: {  	v23 =	vadd.s32 $0x18, v3;
	v17 =	vld.idx.msk [tilespmem:v17+s9+$0x0], $0xffff  }
0x15b: {  	v24 =	vadd.s32 $0x18, v2;
	v18 =	vld.idx.msk [tilespmem:v18+s9+$0x0], $0xffff  }
0x15c: {  	v19 =	vld.idx.msk [tilespmem:v19+s9+$0x0], $0xffff  }
0x15d: {  	v21 =	vld.idx.msk [tilespmem:v21+s9+$0x0], $0xffff  }
0x15e: {  	v22 =	vld.idx.msk [tilespmem:v22+s9+$0x0], $0xffff;
	v7 =	vadd.f32 v7, v6  }
0x15f: {  	v23 =	vld.idx.msk [tilespmem:v23+s9+$0x0], $0xffff;
	v9 =	vadd.f32 v9, v6  }
0x160: {  	v24 =	vld.idx.msk [tilespmem:v24+s9+$0x0], $0xffff;
	v11 =	vadd.f32 v11, v6;
	[tilespmem:s28+$0x16100] =	vst v7  }
0x161: {  	v6 =	vadd.f32 v13, v6;
	[tilespmem:s28+$0x17100] =	vst v9  }
0x162: {  	v62 =	vadd.f32 v8, v15;
	[tilespmem:s28+$0x18100] =	vst v11  }
0x163: {  	v63 =	vadd.f32 v10, v15;
	[tilespmem:s28+$0x19100] =	vst v6  }
0x164: {  	v13 =	vadd.f32 v12, v15;
	[tilespmem:s28+$0x16180] =	vst v62  }
0x165: {  	v15 =	vadd.f32 v14, v15;
	[tilespmem:s28+$0x17180] =	vst v63  }
0x166: {  	v16 =	vadd.f32 v16, v20;
	[tilespmem:s28+$0x18180] =	vst v13  }
0x167: {  	v17 =	vadd.f32 v17, v20;
	[tilespmem:s28+$0x19180] =	vst v15  }
0x168: {  	v18 =	vadd.f32 v18, v20;
	[tilespmem:s28+$0x16200] =	vst v16  }
0x169: {  	v19 =	vadd.f32 v19, v20;
	[tilespmem:s28+$0x17200] =	vst v17  }
0x16a: {  	v20 =	vadd.f32 v21, v25;
	[tilespmem:s28+$0x18200] =	vst v18  }
0x16b: {  	v21 =	vadd.f32 v22, v25;
	[tilespmem:s28+$0x19200] =	vst v19  }
0x16c: {  	v27 =	vadd.s32 $0x20, v4;
	v22 =	vadd.f32 v23, v25;
	[tilespmem:s28+$0x16280] =	vst v20  }
0x16d: {  	v28 =	vadd.s32 $0x20, v3;
	v26 =	vadd.f32 v24, v25;
	[tilespmem:s28+$0x17280] =	vst v21  }
0x16e: {  	v29 =	vadd.s32 $0x20, v2;
	[tilespmem:s28+$0x18280] =	vst v22  }
0x16f: {  	[tilespmem:s28+$0x19280] =	vst v26  }
0x170: {  	v31 =	vadd.s32 $0x28, v5;
	v30 =	vld.idx.msk [tilespmem:v0+s28+$0x2080 ss:$0x1], $0xffff  }
0x171: {  	v32 =	vadd.s32 $0x28, v4;
	v7 =	vld.idx.msk [tilespmem:v27+s9+$0x0], $0xffff  }
0x172: {  	v33 =	vadd.s32 $0x28, v3;
	v8 =	vld.idx.msk [tilespmem:v28+s9+$0x0], $0xffff  }
0x173: {  	v34 =	vadd.s32 $0x28, v2;
	v9 =	vld.idx.msk [tilespmem:v29+s9+$0x0], $0xffff  }
0x174: {  	v35 =	vld.idx.msk [tilespmem:v0+s28+$0x2880 ss:$0x1], $0xffff  }
0x175: {  	v36 =	vadd.s32 $0x30, v5;
	v11 =	vld.idx.msk [tilespmem:v31+s9+$0x0], $0xffff  }
0x176: {  	v37 =	vadd.s32 $0x30, v4;
	v12 =	vld.idx.msk [tilespmem:v32+s9+$0x0], $0xffff  }
0x177: {  	v38 =	vadd.s32 $0x30, v3;
	v13 =	vld.idx.msk [tilespmem:v33+s9+$0x0], $0xffff  }
0x178: {  	v39 =	vadd.s32 $0x30, v2;
	v14 =	vld.idx.msk [tilespmem:v34+s9+$0x0], $0xffff  }
0x179: {  	v40 =	vld.idx.msk [tilespmem:v0+s28+$0x3080 ss:$0x1], $0xffff  }
0x17a: {  	v41 =	vadd.s32 $0x38, v5;
	v16 =	vld.idx.msk [tilespmem:v36+s9+$0x0], $0xffff  }
0x17b: {  	v42 =	vadd.s32 $0x38, v4;
	v17 =	vld.idx.msk [tilespmem:v37+s9+$0x0], $0xffff  }
0x17c: {  	v44 =	vadd.s32 $0x38, v2;
	v18 =	vld.idx.msk [tilespmem:v38+s9+$0x0], $0xffff  }
0x17d: {  	v23 =	vadd.s32 $0x20, v5;
	v19 =	vld.idx.msk [tilespmem:v39+s9+$0x0], $0xffff  }
0x17e: {  	v43 =	vadd.s32 $0x38, v3;
	v45 =	vld.idx.msk [tilespmem:v0+s28+$0x3880 ss:$0x1], $0xffff  }
0x17f: {  	v21 =	vld.idx.msk [tilespmem:v41+s9+$0x0], $0xffff  }
0x180: {  	v22 =	vld.idx.msk [tilespmem:v42+s9+$0x0], $0xffff  }
0x181: {  	v24 =	vld.idx.msk [tilespmem:v44+s9+$0x0], $0xffff;
	v7 =	vadd.f32 v7, v30  }
0x182: {  	v6 =	vld.idx.msk [tilespmem:v23+s9+$0x0], $0xffff;
	v8 =	vadd.f32 v8, v30  }
0x183: {  	v23 =	vld.idx.msk [tilespmem:v43+s9+$0x0], $0xffff;
	v46 =	vadd.f32 v9, v30;
	[tilespmem:s28+$0x17300] =	vst v7  }
0x184: {  	v47 =	vadd.f32 v11, v35;
	[tilespmem:s28+$0x18300] =	vst v8  }
0x185: {  	v48 =	vadd.f32 v12, v35;
	[tilespmem:s28+$0x19300] =	vst v46  }
0x186: {  	v49 =	vadd.f32 v13, v35;
	[tilespmem:s28+$0x16380] =	vst v47  }
0x187: {  	v50 =	vadd.f32 v14, v35;
	[tilespmem:s28+$0x17380] =	vst v48  }
0x188: {  	v51 =	vadd.f32 v16, v40;
	[tilespmem:s28+$0x18380] =	vst v49  }
0x189: {  	v52 =	vadd.f32 v17, v40;
	[tilespmem:s28+$0x19380] =	vst v50  }
0x18a: {  	v53 =	vadd.f32 v18, v40;
	[tilespmem:s28+$0x16400] =	vst v51  }
0x18b: {  	v54 =	vadd.f32 v19, v40;
	[tilespmem:s28+$0x17400] =	vst v52  }
0x18c: {  	v55 =	vadd.f32 v21, v45;
	[tilespmem:s28+$0x18400] =	vst v53  }
0x18d: {  	v56 =	vadd.f32 v22, v45;
	[tilespmem:s28+$0x19400] =	vst v54  }
0x18e: {  	v59 =	vadd.f32 v24, v45;
	[tilespmem:s28+$0x16480] =	vst v55  }
0x18f: {  	v58 =	vadd.s32 $0x40, v5;
	v6 =	vadd.f32 v6, v30;
	[tilespmem:s28+$0x17480] =	vst v56  }
0x190: {  	v60 =	vadd.s32 $0x40, v4;
	v57 =	vadd.f32 v23, v45;
	[tilespmem:s28+$0x19480] =	vst v59  }
0x191: {  	v61 =	vadd.s32 $0x40, v3;
	[tilespmem:s28+$0x16300] =	vst v6  }
0x192: {  	v62 =	vadd.s32 $0x40, v2;
	[tilespmem:s28+$0x18480] =	vst v57  }
0x193: {  	v63 =	vld.idx.msk [tilespmem:v0+s28+$0x4080 ss:$0x1], $0xffff  }
0x194: {  	v26 =	vadd.s32 $0x48, v5;
	v6 =	vld.idx.msk [tilespmem:v58+s9+$0x0], $0xffff  }
0x195: {  	v27 =	vadd.s32 $0x48, v4;
	v7 =	vld.idx.msk [tilespmem:v60+s9+$0x0], $0xffff  }
0x196: {  	v28 =	vadd.s32 $0x48, v3;
	v8 =	vld.idx.msk [tilespmem:v61+s9+$0x0], $0xffff  }
0x197: {  	v29 =	vadd.s32 $0x48, v2;
	v9 =	vld.idx.msk [tilespmem:v62+s9+$0x0], $0xffff  }
0x198: {  	v30 =	vld.idx.msk [tilespmem:v0+s28+$0x4880 ss:$0x1], $0xffff  }
0x199: {  	v31 =	vadd.s32 $0x50, v5;
	v11 =	vld.idx.msk [tilespmem:v26+s9+$0x0], $0xffff  }
0x19a: {  	v32 =	vadd.s32 $0x50, v4;
	v12 =	vld.idx.msk [tilespmem:v27+s9+$0x0], $0xffff  }
0x19b: {  	v33 =	vadd.s32 $0x50, v3;
	v13 =	vld.idx.msk [tilespmem:v28+s9+$0x0], $0xffff  }
0x19c: {  	v34 =	vadd.s32 $0x50, v2;
	v14 =	vld.idx.msk [tilespmem:v29+s9+$0x0], $0xffff  }
0x19d: {  	v35 =	vld.idx.msk [tilespmem:v0+s28+$0x5080 ss:$0x1], $0xffff  }
0x19e: {  	v36 =	vadd.s32 $0x58, v5;
	v16 =	vld.idx.msk [tilespmem:v31+s9+$0x0], $0xffff  }
0x19f: {  	v37 =	vadd.s32 $0x58, v4;
	v17 =	vld.idx.msk [tilespmem:v32+s9+$0x0], $0xffff  }
0x1a0: {  	v38 =	vadd.s32 $0x58, v3;
	v18 =	vld.idx.msk [tilespmem:v33+s9+$0x0], $0xffff  }
0x1a1: {  	v39 =	vadd.s32 $0x58, v2;
	v19 =	vld.idx.msk [tilespmem:v34+s9+$0x0], $0xffff  }
0x1a2: {  	v40 =	vld.idx.msk [tilespmem:v0+s28+$0x5880 ss:$0x1], $0xffff  }
0x1a3: {  	v21 =	vld.idx.msk [tilespmem:v36+s9+$0x0], $0xffff  }
0x1a4: {  	v22 =	vld.idx.msk [tilespmem:v37+s9+$0x0], $0xffff;
	v6 =	vadd.f32 v6, v63  }
0x1a5: {  	v23 =	vld.idx.msk [tilespmem:v38+s9+$0x0], $0xffff;
	v7 =	vadd.f32 v7, v63  }
0x1a6: {  	v24 =	vld.idx.msk [tilespmem:v39+s9+$0x0], $0xffff;
	v8 =	vadd.f32 v8, v63;
	[tilespmem:s28+$0x16500] =	vst v6  }
0x1a7: {  	v41 =	vadd.f32 v9, v63;
	[tilespmem:s28+$0x17500] =	vst v7  }
0x1a8: {  	v42 =	vadd.f32 v11, v30;
	[tilespmem:s28+$0x18500] =	vst v8  }
0x1a9: {  	v43 =	vadd.f32 v12, v30;
	[tilespmem:s28+$0x19500] =	vst v41  }
0x1aa: {  	v44 =	vadd.f32 v13, v30;
	[tilespmem:s28+$0x16580] =	vst v42  }
0x1ab: {  	v45 =	vadd.f32 v14, v30;
	[tilespmem:s28+$0x17580] =	vst v43  }
0x1ac: {  	v46 =	vadd.f32 v16, v35;
	[tilespmem:s28+$0x18580] =	vst v44  }
0x1ad: {  	v47 =	vadd.f32 v17, v35;
	[tilespmem:s28+$0x19580] =	vst v45  }
0x1ae: {  	v48 =	vadd.f32 v18, v35;
	[tilespmem:s28+$0x16600] =	vst v46  }
0x1af: {  	v49 =	vadd.f32 v19, v35;
	[tilespmem:s28+$0x17600] =	vst v47  }
0x1b0: {  	v50 =	vadd.f32 v21, v40;
	[tilespmem:s28+$0x18600] =	vst v48  }
0x1b1: {  	v51 =	vadd.f32 v22, v40;
	[tilespmem:s28+$0x19600] =	vst v49  }
0x1b2: {  	v53 =	vadd.s32 $0x60, v5;
	v52 =	vadd.f32 v23, v40;
	[tilespmem:s28+$0x16680] =	vst v50  }
0x1b3: {  	v55 =	vadd.s32 $0x60, v4;
	v54 =	vadd.f32 v24, v40;
	[tilespmem:s28+$0x17680] =	vst v51  }
0x1b4: {  	v56 =	vadd.s32 $0x60, v3;
	[tilespmem:s28+$0x18680] =	vst v52  }
0x1b5: {  	v57 =	vadd.s32 $0x60, v2;
	[tilespmem:s28+$0x19680] =	vst v54  }
0x1b6: {  	v58 =	vld.idx.msk [tilespmem:v0+s28+$0x6080 ss:$0x1], $0xffff  }
0x1b7: {  	v59 =	vadd.s32 $0x68, v5;
	v6 =	vld.idx.msk [tilespmem:v53+s9+$0x0], $0xffff  }
0x1b8: {  	v60 =	vadd.s32 $0x68, v4;
	v7 =	vld.idx.msk [tilespmem:v55+s9+$0x0], $0xffff  }
0x1b9: {  	v61 =	vadd.s32 $0x68, v3;
	v8 =	vld.idx.msk [tilespmem:v56+s9+$0x0], $0xffff  }
0x1ba: {  	v62 =	vadd.s32 $0x68, v2;
	v9 =	vld.idx.msk [tilespmem:v57+s9+$0x0], $0xffff  }
0x1bb: {  	v63 =	vld.idx.msk [tilespmem:v0+s28+$0x6880 ss:$0x1], $0xffff  }
0x1bc: {  	v26 =	vadd.s32 $0x70, v5;
	v11 =	vld.idx.msk [tilespmem:v59+s9+$0x0], $0xffff  }
0x1bd: {  	v27 =	vadd.s32 $0x70, v4;
	v12 =	vld.idx.msk [tilespmem:v60+s9+$0x0], $0xffff  }
0x1be: {  	v28 =	vadd.s32 $0x70, v3;
	v13 =	vld.idx.msk [tilespmem:v61+s9+$0x0], $0xffff  }
0x1bf: {  	v29 =	vadd.s32 $0x70, v2;
	v14 =	vld.idx.msk [tilespmem:v62+s9+$0x0], $0xffff  }
0x1c0: {  	v30 =	vld.idx.msk [tilespmem:v0+s28+$0x7080 ss:$0x1], $0xffff  }
0x1c1: {  	v31 =	vadd.s32 $0x78, v5;
	v16 =	vld.idx.msk [tilespmem:v26+s9+$0x0], $0xffff  }
0x1c2: {  	v32 =	vadd.s32 $0x78, v4;
	v17 =	vld.idx.msk [tilespmem:v27+s9+$0x0], $0xffff  }
0x1c3: {  	v33 =	vadd.s32 $0x78, v3;
	v18 =	vld.idx.msk [tilespmem:v28+s9+$0x0], $0xffff  }
0x1c4: {  	v34 =	vadd.s32 $0x78, v2;
	v19 =	vld.idx.msk [tilespmem:v29+s9+$0x0], $0xffff  }
0x1c5: {  	v35 =	vld.idx.msk [tilespmem:v0+s28+$0x7880 ss:$0x1], $0xffff  }
0x1c6: {  	v21 =	vld.idx.msk [tilespmem:v31+s9+$0x0], $0xffff  }
0x1c7: {  	v22 =	vld.idx.msk [tilespmem:v32+s9+$0x0], $0xffff;
	v6 =	vadd.f32 v6, v58  }
0x1c8: {  	v23 =	vld.idx.msk [tilespmem:v33+s9+$0x0], $0xffff;
	v7 =	vadd.f32 v7, v58  }
0x1c9: {  	v24 =	vld.idx.msk [tilespmem:v34+s9+$0x0], $0xffff;
	v8 =	vadd.f32 v8, v58;
	[tilespmem:s28+$0x16700] =	vst v6  }
0x1ca: {  	v36 =	vadd.f32 v9, v58;
	[tilespmem:s28+$0x17700] =	vst v7  }
0x1cb: {  	v37 =	vadd.f32 v11, v63;
	[tilespmem:s28+$0x18700] =	vst v8  }
0x1cc: {  	v38 =	vadd.f32 v12, v63;
	[tilespmem:s28+$0x19700] =	vst v36  }
0x1cd: {  	v39 =	vadd.f32 v13, v63;
	[tilespmem:s28+$0x16780] =	vst v37  }
0x1ce: {  	v40 =	vadd.f32 v14, v63;
	[tilespmem:s28+$0x17780] =	vst v38  }
0x1cf: {  	v41 =	vadd.f32 v16, v30;
	[tilespmem:s28+$0x18780] =	vst v39  }
0x1d0: {  	v42 =	vadd.f32 v17, v30;
	[tilespmem:s28+$0x19780] =	vst v40  }
0x1d1: {  	v43 =	vadd.f32 v18, v30;
	[tilespmem:s28+$0x16800] =	vst v41  }
0x1d2: {  	v44 =	vadd.f32 v19, v30;
	[tilespmem:s28+$0x17800] =	vst v42  }
0x1d3: {  	v45 =	vadd.f32 v21, v35;
	[tilespmem:s28+$0x18800] =	vst v43  }
0x1d4: {  	v46 =	vadd.f32 v22, v35;
	[tilespmem:s28+$0x19800] =	vst v44  }
0x1d5: {  	v48 =	vadd.s32 $0x80, v5;
	v47 =	vadd.f32 v23, v35;
	[tilespmem:s28+$0x16880] =	vst v45  }
0x1d6: {  	v50 =	vadd.s32 $0x80, v4;
	v49 =	vadd.f32 v24, v35;
	[tilespmem:s28+$0x17880] =	vst v46  }
0x1d7: {  	v51 =	vadd.s32 $0x80, v3;
	[tilespmem:s28+$0x18880] =	vst v47  }
0x1d8: {  	v52 =	vadd.s32 $0x80, v2;
	[tilespmem:s28+$0x19880] =	vst v49  }
0x1d9: {  	v53 =	vld.idx.msk [tilespmem:v0+s28+$0x8080 ss:$0x1], $0xffff  }
0x1da: {  	v54 =	vadd.s32 $0x88, v5;
	v6 =	vld.idx.msk [tilespmem:v48+s9+$0x0], $0xffff  }
0x1db: {  	v55 =	vadd.s32 $0x88, v4;
	v7 =	vld.idx.msk [tilespmem:v50+s9+$0x0], $0xffff  }
0x1dc: {  	v56 =	vadd.s32 $0x88, v3;
	v8 =	vld.idx.msk [tilespmem:v51+s9+$0x0], $0xffff  }
0x1dd: {  	v57 =	vadd.s32 $0x88, v2;
	v9 =	vld.idx.msk [tilespmem:v52+s9+$0x0], $0xffff  }
0x1de: {  	v58 =	vld.idx.msk [tilespmem:v0+s28+$0x8880 ss:$0x1], $0xffff  }
0x1df: {  	v59 =	vadd.s32 $0x90, v5;
	v11 =	vld.idx.msk [tilespmem:v54+s9+$0x0], $0xffff  }
0x1e0: {  	v60 =	vadd.s32 $0x90, v4;
	v12 =	vld.idx.msk [tilespmem:v55+s9+$0x0], $0xffff  }
0x1e1: {  	v61 =	vadd.s32 $0x90, v3;
	v13 =	vld.idx.msk [tilespmem:v56+s9+$0x0], $0xffff  }
0x1e2: {  	v62 =	vadd.s32 $0x90, v2;
	v14 =	vld.idx.msk [tilespmem:v57+s9+$0x0], $0xffff  }
0x1e3: {  	v63 =	vld.idx.msk [tilespmem:v0+s28+$0x9080 ss:$0x1], $0xffff  }
0x1e4: {  	v28 =	vadd.s32 $0x98, v5;
	v16 =	vld.idx.msk [tilespmem:v59+s9+$0x0], $0xffff  }
0x1e5: {  	v29 =	vadd.s32 $0x98, v4;
	v17 =	vld.idx.msk [tilespmem:v60+s9+$0x0], $0xffff  }
0x1e6: {  	v31 =	vadd.s32 $0x98, v2;
	v18 =	vld.idx.msk [tilespmem:v61+s9+$0x0], $0xffff  }
0x1e7: {  	v30 =	vadd.s32 $0x98, v3;
	v19 =	vld.idx.msk [tilespmem:v62+s9+$0x0], $0xffff  }
0x1e8: {  	v32 =	vld.idx.msk [tilespmem:v0+s28+$0x9880 ss:$0x1], $0xffff  }
0x1e9: {  	v21 =	vld.idx.msk [tilespmem:v28+s9+$0x0], $0xffff  }
0x1ea: {  	v22 =	vld.idx.msk [tilespmem:v29+s9+$0x0], $0xffff;
	v6 =	vadd.f32 v6, v53  }
0x1eb: {  	v24 =	vld.idx.msk [tilespmem:v31+s9+$0x0], $0xffff;
	v7 =	vadd.f32 v7, v53  }
0x1ec: {  	v23 =	vld.idx.msk [tilespmem:v30+s9+$0x0], $0xffff;
	v8 =	vadd.f32 v8, v53;
	[tilespmem:s28+$0x16900] =	vst v6  }
0x1ed: {  	v33 =	vadd.f32 v9, v53;
	[tilespmem:s28+$0x17900] =	vst v7  }
0x1ee: {  	v34 =	vadd.f32 v11, v58;
	[tilespmem:s28+$0x18900] =	vst v8  }
0x1ef: {  	v35 =	vadd.f32 v12, v58;
	[tilespmem:s28+$0x19900] =	vst v33  }
0x1f0: {  	v36 =	vadd.f32 v13, v58;
	[tilespmem:s28+$0x16980] =	vst v34  }
0x1f1: {  	v37 =	vadd.f32 v14, v58;
	[tilespmem:s28+$0x17980] =	vst v35  }
0x1f2: {  	v38 =	vadd.f32 v16, v63;
	[tilespmem:s28+$0x18980] =	vst v36  }
0x1f3: {  	v39 =	vadd.f32 v17, v63;
	[tilespmem:s28+$0x19980] =	vst v37  }
0x1f4: {  	v40 =	vadd.f32 v18, v63;
	[tilespmem:s28+$0x16A00] =	vst v38  }
0x1f5: {  	v41 =	vadd.f32 v19, v63;
	[tilespmem:s28+$0x17A00] =	vst v39  }
0x1f6: {  	v42 =	vadd.f32 v21, v32;
	[tilespmem:s28+$0x18A00] =	vst v40  }
0x1f7: {  	v43 =	vadd.f32 v22, v32;
	[tilespmem:s28+$0x19A00] =	vst v41  }
0x1f8: {  	v45 =	vadd.s32 $0xA0, v5;
	v46 =	vadd.f32 v24, v32;
	[tilespmem:s28+$0x16A80] =	vst v42  }
0x1f9: {  	v47 =	vadd.s32 $0xA0, v4;
	v44 =	vadd.f32 v23, v32;
	[tilespmem:s28+$0x17A80] =	vst v43  }
0x1fa: {  	v48 =	vadd.s32 $0xA0, v3;
	[tilespmem:s28+$0x19A80] =	vst v46  }
0x1fb: {  	v49 =	vadd.s32 $0xA0, v2;
	[tilespmem:s28+$0x18A80] =	vst v44  }
0x1fc: {  	v50 =	vld.idx.msk [tilespmem:v0+s28+$0xA080 ss:$0x1], $0xffff  }
0x1fd: {  	v51 =	vadd.s32 $0xA8, v5;
	v6 =	vld.idx.msk [tilespmem:v45+s9+$0x0], $0xffff  }
0x1fe: {  	v52 =	vadd.s32 $0xA8, v4;
	v7 =	vld.idx.msk [tilespmem:v47+s9+$0x0], $0xffff  }
0x1ff: {  	v53 =	vadd.s32 $0xA8, v3;
	v8 =	vld.idx.msk [tilespmem:v48+s9+$0x0], $0xffff  }
0x200: {  	v54 =	vadd.s32 $0xA8, v2;
	v9 =	vld.idx.msk [tilespmem:v49+s9+$0x0], $0xffff  }
0x201: {  	v55 =	vld.idx.msk [tilespmem:v0+s28+$0xA880 ss:$0x1], $0xffff  }
0x202: {  	v56 =	vadd.s32 $0xB0, v5;
	v11 =	vld.idx.msk [tilespmem:v51+s9+$0x0], $0xffff  }
0x203: {  	v57 =	vadd.s32 $0xB0, v4;
	v12 =	vld.idx.msk [tilespmem:v52+s9+$0x0], $0xffff  }
0x204: {  	v58 =	vadd.s32 $0xB0, v3;
	v13 =	vld.idx.msk [tilespmem:v53+s9+$0x0], $0xffff  }
0x205: {  	v59 =	vadd.s32 $0xB0, v2;
	v14 =	vld.idx.msk [tilespmem:v54+s9+$0x0], $0xffff  }
0x206: {  	v60 =	vld.idx.msk [tilespmem:v0+s28+$0xB080 ss:$0x1], $0xffff  }
0x207: {  	v61 =	vadd.s32 $0xB8, v5;
	v16 =	vld.idx.msk [tilespmem:v56+s9+$0x0], $0xffff  }
0x208: {  	v62 =	vadd.s32 $0xB8, v4;
	v17 =	vld.idx.msk [tilespmem:v57+s9+$0x0], $0xffff  }
0x209: {  	v63 =	vadd.s32 $0xB8, v3;
	v18 =	vld.idx.msk [tilespmem:v58+s9+$0x0], $0xffff  }
0x20a: {  	v28 =	vadd.s32 $0xB8, v2;
	v19 =	vld.idx.msk [tilespmem:v59+s9+$0x0], $0xffff  }
0x20b: {  	v29 =	vld.idx.msk [tilespmem:v0+s28+$0xB880 ss:$0x1], $0xffff  }
0x20c: {  	v21 =	vld.idx.msk [tilespmem:v61+s9+$0x0], $0xffff  }
0x20d: {  	v22 =	vld.idx.msk [tilespmem:v62+s9+$0x0], $0xffff;
	v6 =	vadd.f32 v6, v50  }
0x20e: {  	v23 =	vld.idx.msk [tilespmem:v63+s9+$0x0], $0xffff;
	v7 =	vadd.f32 v7, v50  }
0x20f: {  	v24 =	vld.idx.msk [tilespmem:v28+s9+$0x0], $0xffff;
	v8 =	vadd.f32 v8, v50;
	[tilespmem:s28+$0x16B00] =	vst v6  }
0x210: {  	v30 =	vadd.f32 v9, v50;
	[tilespmem:s28+$0x17B00] =	vst v7  }
0x211: {  	v31 =	vadd.f32 v11, v55;
	[tilespmem:s28+$0x18B00] =	vst v8  }
0x212: {  	v32 =	vadd.f32 v12, v55;
	[tilespmem:s28+$0x19B00] =	vst v30  }
0x213: {  	v33 =	vadd.f32 v13, v55;
	[tilespmem:s28+$0x16B80] =	vst v31  }
0x214: {  	v34 =	vadd.f32 v14, v55;
	[tilespmem:s28+$0x17B80] =	vst v32  }
0x215: {  	v35 =	vadd.f32 v16, v60;
	[tilespmem:s28+$0x18B80] =	vst v33  }
0x216: {  	v36 =	vadd.f32 v17, v60;
	[tilespmem:s28+$0x19B80] =	vst v34  }
0x217: {  	v37 =	vadd.f32 v18, v60;
	[tilespmem:s28+$0x16C00] =	vst v35  }
0x218: {  	v38 =	vadd.f32 v19, v60;
	[tilespmem:s28+$0x17C00] =	vst v36  }
0x219: {  	v39 =	vadd.f32 v21, v29;
	[tilespmem:s28+$0x18C00] =	vst v37  }
0x21a: {  	v40 =	vadd.f32 v22, v29;
	[tilespmem:s28+$0x19C00] =	vst v38  }
0x21b: {  	v42 =	vadd.s32 $0xC0, v5;
	v41 =	vadd.f32 v23, v29;
	[tilespmem:s28+$0x16C80] =	vst v39  }
0x21c: {  	v44 =	vadd.s32 $0xC0, v4;
	v43 =	vadd.f32 v24, v29;
	[tilespmem:s28+$0x17C80] =	vst v40  }
0x21d: {  	v45 =	vadd.s32 $0xC0, v3;
	[tilespmem:s28+$0x18C80] =	vst v41  }
0x21e: {  	v46 =	vadd.s32 $0xC0, v2;
	[tilespmem:s28+$0x19C80] =	vst v43  }
0x21f: {  	v47 =	vld.idx.msk [tilespmem:v0+s28+$0xC080 ss:$0x1], $0xffff  }
0x220: {  	v48 =	vadd.s32 $0xC8, v5;
	v6 =	vld.idx.msk [tilespmem:v42+s9+$0x0], $0xffff  }
0x221: {  	v49 =	vadd.s32 $0xC8, v4;
	v7 =	vld.idx.msk [tilespmem:v44+s9+$0x0], $0xffff  }
0x222: {  	v51 =	vadd.s32 $0xC8, v2;
	v8 =	vld.idx.msk [tilespmem:v45+s9+$0x0], $0xffff  }
0x223: {  	v9 =	vld.idx.msk [tilespmem:v46+s9+$0x0], $0xffff  }
0x224: {  	v53 =	vadd.s32 $0xD0, v5;
	v52 =	vld.idx.msk [tilespmem:v0+s28+$0xC880 ss:$0x1], $0xffff  }
0x225: {  	v54 =	vadd.s32 $0xD0, v4;
	v11 =	vld.idx.msk [tilespmem:v48+s9+$0x0], $0xffff  }
0x226: {  	v56 =	vadd.s32 $0xD0, v2;
	v12 =	vld.idx.msk [tilespmem:v49+s9+$0x0], $0xffff  }
0x227: {  	v14 =	vld.idx.msk [tilespmem:v51+s9+$0x0], $0xffff  }
0x228: {  	v58 =	vadd.s32 $0xD8, v5;
	v57 =	vld.idx.msk [tilespmem:v0+s28+$0xD080 ss:$0x1], $0xffff  }
0x229: {  	v59 =	vadd.s32 $0xD8, v4;
	v16 =	vld.idx.msk [tilespmem:v53+s9+$0x0], $0xffff  }
0x22a: {  	v61 =	vadd.s32 $0xD8, v2;
	v17 =	vld.idx.msk [tilespmem:v54+s9+$0x0], $0xffff  }
0x22b: {  	v50 =	vadd.s32 $0xC8, v3;
	v19 =	vld.idx.msk [tilespmem:v56+s9+$0x0], $0xffff  }
0x22c: {  	v55 =	vadd.s32 $0xD0, v3;
	v62 =	vld.idx.msk [tilespmem:v0+s28+$0xD880 ss:$0x1], $0xffff  }
0x22d: {  	v60 =	vadd.s32 $0xD8, v3;
	v21 =	vld.idx.msk [tilespmem:v58+s9+$0x0], $0xffff  }
0x22e: {  	v22 =	vld.idx.msk [tilespmem:v59+s9+$0x0], $0xffff  }
0x22f: {  	v24 =	vld.idx.msk [tilespmem:v61+s9+$0x0], $0xffff  }
0x230: {  	v13 =	vld.idx.msk [tilespmem:v50+s9+$0x0], $0xffff;
	v6 =	vadd.f32 v6, v47  }
0x231: {  	v18 =	vld.idx.msk [tilespmem:v55+s9+$0x0], $0xffff;
	v7 =	vadd.f32 v7, v47  }
0x232: {  	v23 =	vld.idx.msk [tilespmem:v60+s9+$0x0], $0xffff;
	v63 =	vadd.f32 v8, v47;
	[tilespmem:s28+$0x16D00] =	vst v6  }
0x233: {  	v26 =	vadd.f32 v9, v47;
	[tilespmem:s28+$0x17D00] =	vst v7  }
0x234: {  	v27 =	vadd.f32 v11, v52;
	[tilespmem:s28+$0x18D00] =	vst v63  }
0x235: {  	v28 =	vadd.f32 v12, v52;
	[tilespmem:s28+$0x19D00] =	vst v26  }
0x236: {  	v30 =	vadd.f32 v14, v52;
	[tilespmem:s28+$0x16D80] =	vst v27  }
0x237: {  	v31 =	vadd.f32 v16, v57;
	[tilespmem:s28+$0x17D80] =	vst v28  }
0x238: {  	v32 =	vadd.f32 v17, v57;
	[tilespmem:s28+$0x19D80] =	vst v30  }
0x239: {  	v34 =	vadd.f32 v19, v57;
	[tilespmem:s28+$0x16E00] =	vst v31  }
0x23a: {  	v35 =	vadd.f32 v21, v62;
	[tilespmem:s28+$0x17E00] =	vst v32  }
0x23b: {  	v36 =	vadd.f32 v22, v62;
	[tilespmem:s28+$0x19E00] =	vst v34  }
0x23c: {  	v39 =	vadd.f32 v24, v62;
	[tilespmem:s28+$0x16E80] =	vst v35  }
0x23d: {  	v29 =	vadd.f32 v13, v52;
	[tilespmem:s28+$0x17E80] =	vst v36  }
0x23e: {  	v38 =	vadd.s32 $0xE0, v5;
	v33 =	vadd.f32 v18, v57;
	[tilespmem:s28+$0x19E80] =	vst v39  }
0x23f: {  	v40 =	vadd.s32 $0xE0, v4;
	v37 =	vadd.f32 v23, v62;
	[tilespmem:s28+$0x18D80] =	vst v29  }
0x240: {  	v41 =	vadd.s32 $0xE0, v3;
	[tilespmem:s28+$0x18E00] =	vst v33  }
0x241: {  	v42 =	vadd.s32 $0xE0, v2;
	[tilespmem:s28+$0x18E80] =	vst v37  }
0x242: {  	v43 =	vld.idx.msk [tilespmem:v0+s28+$0xE080 ss:$0x1], $0xffff  }
0x243: {  	v44 =	vadd.s32 $0xE8, v5;
	v8 =	vld.idx.msk [tilespmem:v38+s9+$0x0], $0xffff  }
0x244: {  	v45 =	vadd.s32 $0xE8, v4;
	v7 =	vld.idx.msk [tilespmem:v40+s9+$0x0], $0xffff  }
0x245: {  	v46 =	vadd.s32 $0xE8, v3;
	v6 =	vld.idx.msk [tilespmem:v41+s9+$0x0], $0xffff  }
0x246: {  	v47 =	vadd.s32 $0xE8, v2;
	v9 =	vld.idx.msk [tilespmem:v42+s9+$0x0], $0xffff  }
0x247: {  	v48 =	vld.idx.msk [tilespmem:v0+s28+$0xE880 ss:$0x1], $0xffff  }
0x248: {  	v49 =	vadd.s32 $0xF0, v5;
	v11 =	vld.idx.msk [tilespmem:v44+s9+$0x0], $0xffff  }
0x249: {  	v50 =	vadd.s32 $0xF0, v4;
	v12 =	vld.idx.msk [tilespmem:v45+s9+$0x0], $0xffff  }
0x24a: {  	v51 =	vadd.s32 $0xF0, v3;
	v13 =	vld.idx.msk [tilespmem:v46+s9+$0x0], $0xffff  }
0x24b: {  	v14 =	vld.idx.msk [tilespmem:v47+s9+$0x0], $0xffff  }
0x24c: {  	v5 =	vadd.s32 $0xF8, v5;
	v53 =	vld.idx.msk [tilespmem:v0+s28+$0xF080 ss:$0x1], $0xffff  }
0x24d: {  	v4 =	vadd.s32 $0xF8, v4;
	v16 =	vld.idx.msk [tilespmem:v49+s9+$0x0], $0xffff  }
0x24e: {  	v3 =	vadd.s32 $0xF8, v3;
	v17 =	vld.idx.msk [tilespmem:v50+s9+$0x0], $0xffff  }
0x24f: {  	v52 =	vadd.s32 $0xF0, v2;
	v18 =	vld.idx.msk [tilespmem:v51+s9+$0x0], $0xffff  }
0x250: {  	v2 =	vadd.s32 $0xF8, v2;
	v54 =	vld.idx.msk [tilespmem:v0+s28+$0xF880 ss:$0x1], $0xffff  }
0x251: {  	v5 =	vld.idx.msk [tilespmem:v5+s9+$0x0], $0xffff  }
0x252: {  	v4 =	vld.idx.msk [tilespmem:v4+s9+$0x0], $0xffff  }
0x253: {  	v3 =	vld.idx.msk [tilespmem:v3+s9+$0x0], $0xffff;
	v8 =	vadd.f32 v8, v43  }
0x254: {  	v19 =	vld.idx.msk [tilespmem:v52+s9+$0x0], $0xffff;
	v7 =	vadd.f32 v7, v43  }
0x255: {  	v2 =	vld.idx.msk [tilespmem:v2+s9+$0x0], $0xffff;
	v6 =	vadd.f32 v6, v43;
	[tilespmem:s28+$0x16F00] =	vst v8  }
0x256: {  	v55 =	vadd.f32 v9, v43;
	[tilespmem:s28+$0x17F00] =	vst v7  }
0x257: {  	v56 =	vadd.f32 v11, v48;
	[tilespmem:s28+$0x18F00] =	vst v6  }
0x258: {  	v57 =	vadd.f32 v12, v48;
	[tilespmem:s28+$0x19F00] =	vst v55  }
0x259: {  	v58 =	vadd.f32 v13, v48;
	[tilespmem:s28+$0x16F80] =	vst v56  }
0x25a: {  	v59 =	vadd.f32 v14, v48;
	[tilespmem:s28+$0x17F80] =	vst v57  }
0x25b: {  	v60 =	vadd.f32 v16, v53;
	[tilespmem:s28+$0x18F80] =	vst v58  }
0x25c: {  	v61 =	vadd.f32 v17, v53;
	[tilespmem:s28+$0x19F80] =	vst v59  }
0x25d: {  	v62 =	vadd.f32 v18, v53;
	[tilespmem:s28+$0x17000] =	vst v60  }
0x25e: {  	v5 =	vadd.f32 v5, v54;
	[tilespmem:s28+$0x18000] =	vst v61  }
0x25f: {  	p0 =	sne.s32 s26, $0x1C0;
	v4 =	vadd.f32 v4, v54;
	[tilespmem:s28+$0x19000] =	vst v62  }
.Ltmp1:
0x260: {  	v3 =	vadd.f32 v3, v54;
	[tilespmem:s28+$0x17080] =	vst v5;
	(pc) =	sbr.rel @p0 .LBB2_6-.Ltmp1, $4  }
0x261: {  	v63 =	vadd.f32 v19, v53;
	[tilespmem:s28+$0x18080] =	vst v4  }
0x262: {  	v2 =	vadd.f32 v2, v54;
	[tilespmem:s28+$0x19080] =	vst v3  }
0x263: {  	[tilespmem:s28+$0x1A000] =	vst v63  }
0x264: {  	s26 =	sadd.s32 $0x40, s26;
	[tilespmem:s28+$0x1A080] =	vst v2  }
0x265: {  	s20 =	sadd.s32 $0x1, s20  }
0x266: {  	p0 =	sne.s32 s20, $0x8  }
.Ltmp2:
0x267: {  	s25 =	sshll.u32 s25, $0xA;
	(pc) =	sbr.rel @p0 .LBB2_3-.Ltmp2, $4  }
0x268: {  	s25 =	sadd.s32 s21, s25  }
0x269: {  	s22 =	sadd.s32 $0x100, s22;
	s25 =	sshrl.u32 s25, $0x3  }
0x26a: {  	s23 =	sadd.s32 $0x100, s23;
	s24 =	sadd.s32 $0x100, s24;
	s25 =	sadd.s32 s1, s25  }
0x26b: {  	[hbm4b:s25+s12] =	stream.strided.scatter [tilespmem:s15], [sflag:$0x2], $0x4000, s13, s12, $0x38;
	[tilespmem:$0x1A100] =	vst v63  }
0x26c: {  	s19 =	sadd.s32 $0x1, s19  }
0x26d: {  	p0 =	sne.s32 s19, $0x20  }
.Ltmp3:
0x26e: {  	_ = 	snop;
	(pc) =	sbr.rel @p0 .LBB2_2-.Ltmp3, $1  }
0x26f: {  	_ =	sdelay $0x3  }
0x270: {  	s18 =	sadd.s32 $0x1, s18  }
0x271: {  	_ =	swait.ge [sflag:s16], $0x4000;
	p0 =	sne.s32 s18, s8  }
.Ltmp4:
0x272: {  	[sflag:s16] =	ssyncset.done $0x0;
	(pc) =	sbr.rel @p0 .LBB2_1-.Ltmp4, $4  }
0x273: {  	[sflag:s16] =	ssyncadd.s32 $0xFFFFC000  }
0x274: {  	_ =	swait.ge [sflag:s17], $0x4000  }
0x275: {  	[sflag:s17] =	ssyncset.done $0x0  }
0x276: {  	[sflag:s17] =	ssyncadd.s32 $0xFFFFC000  }
0x277: {  	_ =	sfence.sel $0x180000  }
0x278: {  	[bflag:$0x0] =	sbarrier.arrive $0xFFFF  }
0x279: {  	p0 =	sne.s32 s3, $0x0;
	_ =	strace $0x9000004A  }
0x27a: {  	s0 =	sadd.s32 @!p0 $0x100000, s0;
	[bflag:$0x2] =	sbarrier.arrive $0xFFFF  }
0x27b: {  	[sflag:s0] =	ssyncadd.tile.s32 @!p0 $0x1;
	_ =	shalt  }
.Lfunc_end2:
_tile_overlayer_lowered:
.L_overlay_start_2:
0x27c: {  	(tag) =	ssettag $0x2  }
0x27d: {  	s0 =	rddreg [dreg:$0x0];
	s2 =	stileid.u32  }
0x27e: {  	s1 =	rddreg [dreg:$0x1];
	p0 =	sne.s32 s2, $0x0  }
0x27f: {  	s3 =	rddreg [dreg:$0x2];
	[bflag:$0x3] =	sbarrier.arrive $0xFFFF;
	s2 =	simm.s32 @!p0 $0x1C03  }
0x280: {  	[timem:s3], [sflag:s2] =	dma.local @!p0 [hbm:s0], s1  }
0x281: {  	s0 =	simm.s32 @!p0 $0x3  }
0x282: {  	_ =	swait.ge @!p0 [sflag:s0], s1  }
0x283: {  	s1 =	ssub.s32 @!p0 $0x0, s1;
	[sflag:s0] =	ssyncset.done @!p0 $0x0  }
0x284: {  	[sflag:s0] =	ssyncadd.s32 @!p0 s1  }
0x285: {  	[bflag:$0x3] =	sbarrier.arrive $0xFFFF  }
0x286: {  	_ =	shalt  }

// kernel: sparse-core-data-format-call.cloned.1.call-start
scs
called_computation_lowered:
.L_overlay_start_0:
0x0: {  	s2 =	sld [smem:$0x3FD9]  }
0x1: {  	s3 =	sld [smem:$0x3FFE];
	_ =	sdelay $0x1  }
0x2: {  	s1 =	srdreg.scid  }
0x3: {  	s0 =	sand.u32 $0x1, s1  }
0x4: {  	s18 =	sshll.u32 s0, $0xA;
	s2 =	sadd.s32 s3, s2  }
0x5: {  	s2 =	sadd.s32 s2, s18  }
0x6: {  	[smem:$0x3FC5] =	sst s2  }
0x7: {  	_ = 	snop  }
0x8: {  	s2 =	sld [smem:$0x3FC9];
	(tm) =	ssettm $0x1  }
0x9: {  	s19 =	sld [smem:$0x3FFB];
	_ =	sdelay $0x3  }
0xa: {  	_ =	strace s19  }
0xb: {  	s3 =	sld [smem:$0x3FFC];
	_ =	sdelay $0x3  }
0xc: {  	_ =	strace s3  }
0xd: {  	s3 =	sld [smem:$0x3FFD];
	_ =	sdelay $0x3  }
0xe: {  	_ =	strace s3  }
0xf: {  	_ =	strace $0x8FFFFFFF  }
0x10: {  	s20 =	sld [smem:$0x3FDB];
	_ =	sdelay $0x1  }
0x11: {  	s4 =	simm.s32 $_scs_section_size  }
0x12: {  	s5 =	simm.s32 $_size__tile_overlayer_lowered;
	s6 =	simm.s32 $_tile_overlayer_lowered  }
0x13: {  	s23 =	simm.s32 $0x1BFF;
	s22 =	sshll.u32 s6, $0x1;
	s3 =	sadd.s32 s4, s20  }
0x14: {  	s7 =	simm.s32 $0x0;
	s21 =	sshll.u32 s5, $0x1;
	s5 =	sadd.s32 s22, s3  }
0x15: {  	[timem:s7], [sflag:s23] =	dma.local [hbm:s5], s21  }
0x16: {  	_ =	swait.ge [sflag:s23], s21  }
0x17: {  	s4 =	ssub.s32 $0x0, s21;
	[sflag:s23] =	ssyncset.done $0x0  }
0x18: {  	[sflag:s23] =	ssyncadd.s32 s4;
	_ =	sdelay $0x1  }
0x19: {  	s24 =	simm.s32 $0x1B8B  }
0x1a: {  	_ =	swait.ge [sflag:s24], $0x1  }
0x1b: {  	[sflag:s24] =	ssyncset.done $0x0  }
0x1c: {  	s26 =	simm.s32 $0x1B8E;
	s25 =	sld [smem:$0x3FFE];
	[sflag:s24] =	ssyncadd.s32 $0xFFFFFFFF  }
0x1d: {  	s27 =	simm.s32 $execute0_lowered;
	[smem:$0x3FD2] =	sst s26  }
0x1e: {  	s5 =	sshll.u32 s27, $0x1;
	_ =	strace $0x80000046;
	[dreg:$0x1] =	wrdreg $0xFFFFFFFF  }
0x1f: {  	s28 =	simm.s32 $_size_execute0_lowered;
	s3 =	sadd.s32 s3, s5;
	[dreg:$0x0] =	wrdreg $0x0  }
0x20: {  	s5 =	sshll.u32 s28, $0x1;
	[dreg:$0x2] =	wrdreg s3  }
0x21: {  	[dreg:$0x3] =	wrdreg s5  }
0x22: {  	[dreg:$0x4] =	wrdreg $0xC0  }
0x23: {  	_ =	task [dreg:s7], $0x5FFFF  }
0x24: {  	[dreg:$0x1] =	wrdreg $0xFFFFFFFF  }
0x25: {  	[dreg:$0x0] =	wrdreg $0x60  }
0x26: {  	[dreg:$0x2] =	wrdreg s2  }
0x27: {  	[dreg:$0x3] =	wrdreg s25  }
0x28: {  	[dreg:$0x4] =	wrdreg $0x9  }
0x29: {  	_ =	task.clear_ibuf [dreg:s7], $0x5FFFF;
	_ =	strace $0x90000046  }
0x2a: {  	s29 =	simm.s32 $0x9;
	_ =	strace $0x80000048  }
0x2b: {  	_ =	swait.ge [sflag:s29], $0x1  }
0x2c: {  	[sflag:s29] =	ssyncadd.s32 $0xFFFFFFFF  }
0x2d: {  	_ =	strace $0x90000048  }
0x2e: {  	_ =	sfence  }
0x2f: {  	s30 =	sld [smem:$0x0];
	_ =	sdelay $0x2  }
0x30: {  	s31 =	sshll.u32 s1, $0xD;
	s1 =	sshrl.u32 s1, $0x2  }
0x31: {  	s3 =	sand.u32 $0x4000, s31;
	s1 =	sadd.s32 s1, s30  }
0x32: {  	s0 =	sor.u32 s3, s0;
	s1 =	sshll.u32 s1, $0x11  }
0x33: {  	s0 =	sor.u32 s1, s0  }
0x34: {  	s0 =	sadd.s32 $0x8F2B, s0  }
0x35: {  	[sflag:s0] =	ssyncadd.remote.s32 $0x1  }
0x36: {  	_ =	sfence.sel $0xFFFF  }
0x37: {  	[dreg:$0x0] =	wrdreg $0xFFFFFFFF;
	(pc) =	sbr.abs _section_cstart, $3  }
0x38: {  	[dreg:$0x1] =	wrdreg $0xFFFFFFFF  }
0x39: {  	_ =	task.clear_ibuf [dreg:s7], $0x2FFFF;
	_ =	strace $0x9FFFFFFF  }
0x3a: {  	(tm) =	ssettm $0x7FFFFFFF  }
0x3b: {  	_ =	shalt  }
tec
execute0_lowered:
.L_overlay_start_1:
0x0: {  	(tag) =	ssettag $0x1  }
0x1: {  	s2 =	rddreg [dreg:$0x0]  }
0x2: {  	s1 =	rddreg [dreg:$0x1]  }
0x3: {  	s0 =	rddreg [dreg:$0x2];
	_ =	strace $0x80000047;
	s4 =	srdreg.scid  }
.Ltmp0:
0x4: {  	s6 =	simm.s32 $0x2;
	p0 =	por $0x0, $0x0;
	(pc) =	sbr.rel .LBB1_1-.Ltmp0, $4  }
0x5: {  	s9 =	simm.s32 $0x0;
	s3 =	sadd.s32 $0xC00, s1;
	s5 =	sshll.u32 s4, $0x4  }
0x6: {  	s1 =	stileid.u32;
	s4 =	simm.s32 $0x1;
	s5 =	sand.u32 $0x10, s5  }
0x7: {  	s7 =	simm.s32 $0x0;
	[sflag:s4] =	ssyncpa.u1 $0x0;
	s5 =	sor.u32 s1, s5  }
0x8: {  	[sflag:s6] =	ssyncpa.u1 $0x0;
	s6 =	simm.s32 $0x0;
	s8 =	smov.u32 s5  }
.LBB1_7:
0x9: {  	s11 =	sadd.s32 $0x20, s8  }
0xa: {  	p1 =	slt.u32 s7, $0x2;
	s7 =	sadd.s32 $0x1, s7;
	p2 =	sgt.s32 s11, $0x1FF  }
0xb: {  	s11 =	smov.u32 @p2 s5;
	p2 =	sne.s32 s7, $0x12  }
.Ltmp1:
0xc: {  	_ = 	snop;
	(pc) =	sbr.rel @!p2 .LBB1_8-.Ltmp1, $4  }
0xd: {  	s10 =	simm.s32 @!p1 $0x2  }
0xe: {  	_ =	swait.ge @!p1 [sflag:s10], $0x4000  }
0xf: {  	s9 =	smov.u32 s8;
	[sflag:s10] =	ssyncset.done @!p1 $0x0  }
0x10: {  	p0 =	por !p0, !p0;
	s8 =	smov.u32 s11;
	[sflag:s10] =	ssyncadd.s32 @!p1 $0xFFFFC000  }
.LBB1_1:
0x11: {  	p1 =	sgt.u32 s7, $0xF  }
0x12: {  	s10 =	sxor.u32 @!p1 $0xFFFFFFFF, s7  }
0x13: {  	s11 =	sshll.u32 @!p1 s8, $0xB;
	s10 =	sshll.u32 @!p1 s10, $0xE  }
0x14: {  	s12 =	simm.s32 @!p1 $0x0;
	s11 =	sadd.s32 @!p1 s2, s11;
	s10 =	sand.u32 @!p1 $0x4000, s10  }
0x15: {  	[tilespmem:s10], [sflag:$0x1] =	stream.linear.gather @!p1 [hbm4b:s11+s12], $0x4000, $0x38;
	[tilespmem:$0x10000] =	vst v63  }
0x16: {  	p1 =	seq.s32 s7, $0x0  }
0x17: {  	p2 =	seq.s32 @!p1 s7, $0x11  }
0x18: {  	p1 =	por p1, p2  }
.Ltmp2:
0x19: {  	_ = 	snop;
	(pc) =	sbr.rel @p1 .LBB1_7-.Ltmp2, $1  }
0x1a: {  	_ =	sdelay $0x3  }
0x1b: {  	s10 =	simm.s32 $0x1;
	_ =	swait.ge [sflag:s4], $0x4000;
	s12 =	sshll.u32 s7, $0xE  }
0x1c: {  	s13 =	simm.s32 $0x0;
	s10 =	simm.s32 @!p0 $0x0;
	[sflag:s4] =	ssyncset.done $0x0  }
0x1d: {  	s12 =	sand.u32 $0x4000, s12;
	s11 =	sshll.u32 s10, $0xE;
	[sflag:s4] =	ssyncadd.s32 $0xFFFFC000  }
0x1e: {  	s12 =	sor.u32 $0x8000, s12;
	s10 =	sor.u32 $0x8040, s11;
	s11 =	sor.u32 $0x40, s11  }
.LBB1_3:
0x1f: {  	v0 =	vmov s11;
	_ =	sdelay $0x3  }
0x20: {  	s15 =	simm.s32 $0x0  }
0x21: {  	v6 =	vld.idx.msk [tilespmem:v0+s15+$0x30 ss:$0x1], $0xffff  }
0x22: {  	v7 =	vld.idx.msk [tilespmem:v0+s15+$0xFFFFFFC0 ss:$0x1], $0xffff  }
0x23: {  	v5 =	vld.idx.msk [tilespmem:v0+s15+$0xFFFFFFD0 ss:$0x1], $0xffff  }
0x24: {  	v4 =	vld.idx.msk [tilespmem:v0+s15+$0xFFFFFFE0 ss:$0x1], $0xffff  }
0x25: {  	v3 =	vld.idx.msk [tilespmem:v0+s15+$0xFFFFFFF0 ss:$0x1], $0xffff  }
0x26: {  	v1 =	vld.idx.msk [tilespmem:v0+s15+$0x0 ss:$0x1], $0xffff  }
0x27: {  	v2 =	vld.idx.msk [tilespmem:v0+s15+$0x10 ss:$0x1], $0xffff;
	[tilespmem:s10+$0x30] =	vst v6  }
0x28: {  	s14 =	simm.s32 $0x80;
	s16 =	simm.s32 $0x400;
	[tilespmem:s10+$0xFFFFFFC0] =	vst v7;
	v6 =	vld.idx.msk [tilespmem:v0+s15+$0x20 ss:$0x1], $0xffff;
	s15 =	smov.u32 s10  }
.LBB1_4:
0x29: {  	p1 =	sne.s32 s16, $0xE00;
	v7 =	vld.idx.msk [tilespmem:v0+s14+$0x30 ss:$0x1], $0xffff;
	[tilespmem:s15+$0xFFFFFFD0] =	vst v5  }
0x2a: {  	v8 =	vld.idx.msk [tilespmem:v0+s14+$0xFFFFFFC0 ss:$0x1], $0xffff;
	[tilespmem:s15+$0xFFFFFFE0] =	vst v4  }
0x2b: {  	v5 =	vld.idx.msk [tilespmem:v0+s14+$0xFFFFFFD0 ss:$0x1], $0xffff;
	[tilespmem:s15+$0xFFFFFFF0] =	vst v3  }
.Ltmp3:
0x2c: {  	v4 =	vld.idx.msk [tilespmem:v0+s14+$0xFFFFFFE0 ss:$0x1], $0xffff;
	[tilespmem:s15+$0x0] =	vst v1;
	(pc) =	sbr.rel @p1 .LBB1_4-.Ltmp3, $4  }
0x2d: {  	v3 =	vld.idx.msk [tilespmem:v0+s14+$0xFFFFFFF0 ss:$0x1], $0xffff;
	[tilespmem:s15+$0x10] =	vst v2  }
0x2e: {  	v1 =	vld.idx.msk [tilespmem:v0+s14+$0x0 ss:$0x1], $0xffff;
	[tilespmem:s15+$0x20] =	vst v6;
	s15 =	sadd.s32 $0x800, s15  }
0x2f: {  	v2 =	vld.idx.msk [tilespmem:v0+s14+$0x10 ss:$0x1], $0xffff;
	[tilespmem:s15+$0x30] =	vst v7  }
0x30: {  	[tilespmem:s15+$0xFFFFFFC0] =	vst v8;
	v6 =	vld.idx.msk [tilespmem:v0+s14+$0x20 ss:$0x1], $0xffff;
	s14 =	sshra.s32 s16, $0x2;
	s16 =	sadd.s32 $0x200, s16  }
0x31: {  	_ =	sdelay $0x2  }
0x32: {  	[tilespmem:s15+$0xFFFFFFD0] =	vst v5  }
0x33: {  	v56 =	vld.idx.msk [tilespmem:v0+s14+$0x30 ss:$0x1], $0xffff;
	[tilespmem:s15+$0xFFFFFFE0] =	vst v4  }
0x34: {  	v57 =	vld.idx.msk [tilespmem:v0+s14+$0xFFFFFFC0 ss:$0x1], $0xffff;
	[tilespmem:s15+$0xFFFFFFF0] =	vst v3  }
0x35: {  	v58 =	vld.idx.msk [tilespmem:v0+s14+$0xFFFFFFD0 ss:$0x1], $0xffff;
	[tilespmem:s15+$0x0] =	vst v1  }
0x36: {  	v59 =	vld.idx.msk [tilespmem:v0+s14+$0xFFFFFFE0 ss:$0x1], $0xffff;
	[tilespmem:s15+$0x10] =	vst v2  }
0x37: {  	v60 =	vld.idx.msk [tilespmem:v0+s14+$0xFFFFFFF0 ss:$0x1], $0xffff;
	s31 =	sadd.s32 $0x800, s15;
	[tilespmem:s15+$0x20] =	vst v6  }
0x38: {  	v61 =	vld.idx.msk [tilespmem:v0+s14+$0x0 ss:$0x1], $0xffff;
	[tilespmem:s31+$0x30] =	vst v56  }
0x39: {  	v62 =	vld.idx.msk [tilespmem:v0+s14+$0x10 ss:$0x1], $0xffff;
	s13 =	sadd.s32 $0x1, s13;
	[tilespmem:s31+$0xFFFFFFC0] =	vst v57  }
0x3a: {  	v63 =	vld.idx.msk [tilespmem:v0+s14+$0x20 ss:$0x1], $0xffff;
	p1 =	sne.s32 s13, $0x10;
	[tilespmem:s31+$0xFFFFFFD0] =	vst v58  }
.Ltmp4:
0x3b: {  	[tilespmem:s31+$0xFFFFFFE0] =	vst v59;
	(pc) =	sbr.rel @p1 .LBB1_3-.Ltmp4, $4  }
0x3c: {  	[tilespmem:s31+$0xFFFFFFF0] =	vst v60  }
0x3d: {  	[tilespmem:s31+$0x0] =	vst v61  }
0x3e: {  	[tilespmem:s31+$0x10] =	vst v62  }
0x3f: {  	s10 =	sadd.s32 $0x80, s10;
	s11 =	sadd.s32 $0x400, s11;
	[tilespmem:s31+$0x20] =	vst v63  }
.Ltmp5:
0x40: {  	(pc) =	sbr.rel .LBB1_7-.Ltmp5, $4  }
0x41: {  	_ = 	snop  }
0x42: {  	s9 =	sshll.u32 s9, $0xB  }
0x43: {  	s9 =	sadd.s32 s3, s9  }
0x44: {  	[hbm4b:s9+s6] =	stream.linear.scatter [tilespmem:s12], [sflag:$0x2], $0x4000, $0x38;
	[tilespmem:$0x10000] =	vst v63  }
.LBB1_8:
0x45: {  	_ =	sfence.sel $0x180000  }
0x46: {  	s2 =	simm.s32 $0x1;
	[bflag:$0x0] =	sbarrier.arrive $0xFFFF  }
0x47: {  	s31 =	simm.s32 $0x2;
	[sflag:s2] =	ssyncpa.u1 $0x1  }
0x48: {  	[sflag:s31] =	ssyncpa.u1 $0x1  }
0x49: {  	p0 =	sne.s32 s1, $0x0;
	_ =	strace $0x90000047  }
0x4a: {  	s0 =	sadd.s32 @!p0 $0x100000, s0;
	[bflag:$0x2] =	sbarrier.arrive $0xFFFF  }
0x4b: {  	[sflag:s0] =	ssyncadd.tile.s32 @!p0 $0x1;
	_ =	shalt  }
.Lfunc_end1:
_tile_overlayer_lowered:
.L_overlay_start_2:
0x4c: {  	(tag) =	ssettag $0x2  }
0x4d: {  	s0 =	rddreg [dreg:$0x0];
	s2 =	stileid.u32  }
0x4e: {  	s1 =	rddreg [dreg:$0x1];
	p0 =	sne.s32 s2, $0x0  }
0x4f: {  	s3 =	rddreg [dreg:$0x2];
	[bflag:$0x3] =	sbarrier.arrive $0xFFFF;
	s2 =	simm.s32 @!p0 $0x1C01  }
0x50: {  	[timem:s3], [sflag:s2] =	dma.local @!p0 [hbm:s0], s1  }
0x51: {  	s0 =	simm.s32 @!p0 $0x1  }
0x52: {  	_ =	swait.ge @!p0 [sflag:s0], s1  }
0x53: {  	s1 =	ssub.s32 @!p0 $0x0, s1;
	[sflag:s0] =	ssyncset.done @!p0 $0x0  }
0x54: {  	[sflag:s0] =	ssyncadd.s32 @!p0 s1  }
0x55: {  	[bflag:$0x3] =	sbarrier.arrive $0xFFFF  }
0x56: {  	_ =	shalt  }

</sc_bundles>
